<compile_context>
chip_gen: v7x
topology: tpu7x:2x2x1
jax: 0.10.2.dev20260603
libtpu: 0.0.44.dev20260713+nightly
codegen_flags: <defaults>
</compile_context>

<pallas_src>
import jax
import jax.numpy as jnp
from jax import lax
from jax.scipy.linalg import block_diag
from jax.experimental import pallas as pl
from jax.experimental.pallas import tpu as pltpu
from jax.experimental.pallas import tpu_sc as plsc

N = 10000
E = 320000
DIN, DH, DOUT = 128, 32, 40
NC, NS = 2, 16
NW = NC * NS
CH = 128
K = 80
EPW = CH * K
E_PAD = NW * EPW
N_PAD = 10240
RPT = N_PAD // NS
NPK = N_PAD // 4

_mesh = plsc.VectorSubcoreMesh(
    core_axis_name="c", subcore_axis_name="s", num_cores=NC, num_subcores=NS
)
_sc_params = pltpu.CompilerParams(use_tc_tiling_on_sc=False)


def _deg_body(dst_hbm, ones_hbm, zeros_hbm, out_hbm, dstv, onesv, stage, acc):
    c = lax.axis_index("c")
    s = lax.axis_index("s")
    w = s * NC + c
    pltpu.sync_copy(zeros_hbm.at[pl.ds(s * RPT, RPT)], stage)
    pltpu.sync_copy(stage, acc.at[pl.ds(s * RPT, RPT)])
    pltpu.sync_copy(dst_hbm.at[pl.ds(w * K, K)], dstv)
    pltpu.sync_copy(ones_hbm, onesv)
    plsc.subcore_barrier()

    @pl.loop(0, K)
    def _(j):
        pltpu.sync_copy(onesv, acc.at[dstv.at[j]], add=True)

    plsc.subcore_barrier()
    pltpu.sync_copy(acc.at[pl.ds(s * RPT, RPT)], stage)
    pltpu.sync_copy(stage, out_hbm.at[c, pl.ds(s * RPT, RPT)])


_deg_call = pl.kernel(
    _deg_body,
    out_type=jax.ShapeDtypeStruct((NC, N_PAD, DH), jnp.float32),
    mesh=_mesh,
    compiler_params=_sc_params,
    scratch_types=[
        pltpu.VMEM((K, CH), jnp.int32),
        pltpu.VMEM((CH, DH), jnp.float32),
        pltpu.VMEM((RPT, DH), jnp.float32),
        pltpu.VMEM_SHARED((N_PAD, DH), jnp.float32),
    ],
)


B = 4
NSETS = 2
ROUNDS = K // (NSETS * B)


def _msg_body(g_hbm, src_hbm, dst_hbm, zeros_hbm, out_hbm, srcv, dstv, bufs, stage,
              acc, gsh, gsem, ssem):
    c = lax.axis_index("c")
    s = lax.axis_index("s")
    w = s * NC + c
    pltpu.sync_copy(zeros_hbm.at[pl.ds(s * RPT, RPT)], stage)
    pltpu.sync_copy(stage, acc.at[pl.ds(s * RPT, RPT)])
    pltpu.sync_copy(g_hbm.at[pl.ds(s * RPT, RPT)], stage)
    pltpu.sync_copy(stage, gsh.at[pl.ds(s * RPT, RPT)])
    pltpu.sync_copy(src_hbm.at[pl.ds(w * K, K)], srcv)
    pltpu.sync_copy(dst_hbm.at[pl.ds(w * K, K)], dstv)
    plsc.subcore_barrier()

    def _drain_scatters():
        for b in range(B):
            pltpu.make_async_copy(
                zeros_hbm.at[pl.ds(0, CH)], bufs.at[0], ssem
            ).wait()

    @pl.loop(0, ROUNDS)
    def _(r):
        base0 = r * (NSETS * B)

        def _half_round(half):
            base = base0 + half * B
            descs = []
            for b in range(B):
                i = half * B + b
                descs.append(
                    pltpu.async_copy(gsh.at[srcv.at[base + b]], bufs.at[i], gsem)
                )
            if half == 0:
                @pl.when(r > 0)
                def _():
                    _drain_scatters()
            else:
                _drain_scatters()
            for d in descs:
                d.wait()
            for b in range(B):
                i = half * B + b
                pltpu.async_copy(bufs.at[i], acc.at[dstv.at[base + b]], ssem, add=True)

        for half in range(NSETS):
            _half_round(half)

    _drain_scatters()
    plsc.subcore_barrier()
    pltpu.sync_copy(acc.at[pl.ds(s * RPT, RPT)], stage)
    pltpu.sync_copy(stage, out_hbm.at[c, pl.ds(s * RPT, RPT)])


_msg_call = pl.kernel(
    _msg_body,
    out_type=jax.ShapeDtypeStruct((NC, N_PAD, DH), jnp.float32),
    mesh=_mesh,
    compiler_params=_sc_params,
    scratch_types=[
        pltpu.VMEM((K, CH), jnp.int32),
        pltpu.VMEM((K, CH), jnp.int32),
        pltpu.VMEM((NSETS * B, CH, DH), jnp.float32),
        pltpu.VMEM((RPT, DH), jnp.float32),
        pltpu.VMEM_SHARED((N_PAD, DH), jnp.float32),
        pltpu.VMEM_SHARED((N_PAD, DH), jnp.float32),
        pltpu.SemaphoreType.DMA,
        pltpu.SemaphoreType.DMA,
    ],
)


def _mm_body(x_ref, w_ref, o_ref):
    o_ref[...] = jnp.dot(x_ref[...], w_ref[...], preferred_element_type=jnp.float32)


_mm_call = pl.pallas_call(
    _mm_body, out_shape=jax.ShapeDtypeStruct((NPK, 128), jnp.float32)
)


def _dinv_g_body(dp_ref, h_ref, dinv_ref, g_ref):
    dinv = lax.rsqrt(dp_ref[0] + dp_ref[1] + 1.0)
    dinv_ref[...] = dinv
    g_ref[...] = h_ref[...] * dinv


_dinv_g_call = pl.pallas_call(
    _dinv_g_body,
    out_shape=[
        jax.ShapeDtypeStruct((NPK, 128), jnp.float32),
        jax.ShapeDtypeStruct((NPK, 128), jnp.float32),
    ],
)


def _mid_body(p_ref, g_ref, dinv_ref, b_ref, lng_ref, lnb_ref, w_ref, mavg_ref, o_ref):
    dinv = dinv_ref[...]
    conv = dinv * (p_ref[0] + p_ref[1] + g_ref[...]) + b_ref[...]
    h = jnp.maximum(conv, 0.0)
    mavg = mavg_ref[...]
    mean = jnp.dot(h, mavg, preferred_element_type=jnp.float32)
    msq = jnp.dot(h * h, mavg, preferred_element_type=jnp.float32)
    var = jnp.maximum(msq - mean * mean, 0.0)
    hn = (h - mean) * lax.rsqrt(var + 1e-5) * lng_ref[...] + lnb_ref[...]
    o_ref[...] = (
        jnp.dot(hn, w_ref[...], preferred_element_type=jnp.float32) * dinv
    )


_mid_call = pl.pallas_call(
    _mid_body, out_shape=jax.ShapeDtypeStruct((NPK, 128), jnp.float32)
)


def _final_body(p_ref, g_ref, dinv_ref, b_ref, w0_ref, b0_ref, w1_ref, b1_ref, o_ref):
    conv = dinv_ref[...] * (p_ref[0] + p_ref[1] + g_ref[...]) + b_ref[...]
    h = jnp.maximum(conv, 0.0)
    y = jnp.maximum(
        jnp.dot(h, w0_ref[...], preferred_element_type=jnp.float32) + b0_ref[...], 0.0
    )
    y = jnp.dot(y, w1_ref[...], preferred_element_type=jnp.float32) + b1_ref[...]
    m = jnp.concatenate(
        [
            jnp.broadcast_to(
                jnp.max(y[:, g * DOUT : (g + 1) * DOUT], axis=-1, keepdims=True),
                (NPK, DOUT),
            )
            for g in range(4)
        ],
        axis=-1,
    )
    z = y - m
    ez = jnp.exp(z)
    lse = jnp.concatenate(
        [
            jnp.broadcast_to(
                jnp.log(
                    jnp.sum(ez[:, g * DOUT : (g + 1) * DOUT], axis=-1, keepdims=True)
                ),
                (NPK, DOUT),
            )
            for g in range(4)
        ],
        axis=-1,
    )
    o_ref[...] = z - lse


_final_call = pl.pallas_call(
    _final_body, out_shape=jax.ShapeDtypeStruct((NPK, 4 * DOUT), jnp.float32)
)


def _bd4(w):
    return block_diag(w, w, w, w)


def _tile4(v):
    return jnp.tile(v, 4).reshape(1, -1)


@jax.jit
def kernel(
    x,
    edge_index,
    conv_W0,
    conv_b0,
    conv_W1,
    conv_b1,
    conv_W2,
    conv_b2,
    ln_g0,
    ln_b0,
    ln_g1,
    ln_b1,
    mlp_W0,
    mlp_b0,
    mlp_W1,
    mlp_b1,
):
    f32 = jnp.float32
    xp = jnp.concatenate([x.astype(f32), jnp.zeros((N_PAD - N, DIN), f32)], axis=0)
    xpk = xp.reshape(NPK, 4 * DIN)
    src = edge_index[0].astype(jnp.int32)
    dst = edge_index[1].astype(jnp.int32)
    pad = jnp.full((E_PAD - E,), N, jnp.int32)
    src2 = jnp.concatenate([src, pad]).reshape(NW * K, CH)
    dst2 = jnp.concatenate([dst, pad]).reshape(NW * K, CH)

    zeros_dh = jnp.zeros((N_PAD, DH), f32)
    ones_dh = jnp.ones((CH, DH), f32)
    mavg = _bd4(jnp.full((DH, DH), 1.0 / DH, f32))

    degp = _deg_call(dst2, ones_dh, zeros_dh)
    h0 = _mm_call(xpk, _bd4(conv_W0))
    dinv, g0 = _dinv_g_call(degp.reshape(NC, NPK, 128), h0)

    p = _msg_call(g0.reshape(N_PAD, DH), src2, dst2, zeros_dh)
    g1 = _mid_call(
        p.reshape(NC, NPK, 128), g0, dinv, _tile4(conv_b0), _tile4(ln_g0),
        _tile4(ln_b0), _bd4(conv_W1), mavg,
    )
    p = _msg_call(g1.reshape(N_PAD, DH), src2, dst2, zeros_dh)
    g2 = _mid_call(
        p.reshape(NC, NPK, 128), g1, dinv, _tile4(conv_b1), _tile4(ln_g1),
        _tile4(ln_b1), _bd4(conv_W2), mavg,
    )
    p = _msg_call(g2.reshape(N_PAD, DH), src2, dst2, zeros_dh)
    out = _final_call(
        p.reshape(NC, NPK, 128),
        g2,
        dinv,
        _tile4(conv_b2),
        _bd4(mlp_W0),
        _tile4(mlp_b0),
        _bd4(mlp_W1),
        _tile4(mlp_b1),
    )
    return out[: N // 4].reshape(N, DOUT)

# --- scband reference (transcript-rebuilt; emitter-appended) ---
"""Pipeline reference for scband-gnnmodel-23733989278407 (READ-ONLY COPY).

The authoritative reference and input builder live on the scoring server;
editing this copy changes nothing except your own understanding.
"""

import jax, jax.numpy as jnp
import numpy as np

N_NODES = 10000
N_EDGES = 320000
D_IN = 128
D_HID = 32
D_OUT = 40


def setup_inputs(seed: int = 0) -> dict:
    key = jax.random.key(seed)
    ks = jax.random.split(key, 20)
    inp = {}
    inp['x'] = jax.random.normal(ks[0], (N_NODES, D_IN), dtype=jnp.float32)
    inp['edge_index'] = jax.random.randint(ks[1], (2, N_EDGES), 0, N_NODES, dtype=jnp.int64)
    # GCNConv weights (stored as [in, out] for x @ W)
    inp['conv_W0'] = jax.random.normal(ks[2], (D_IN, D_HID), dtype=jnp.float32) / np.sqrt(D_IN)
    inp['conv_b0'] = jnp.zeros((D_HID,), dtype=jnp.float32)
    inp['conv_W1'] = jax.random.normal(ks[3], (D_HID, D_HID), dtype=jnp.float32) / np.sqrt(D_HID)
    inp['conv_b1'] = jnp.zeros((D_HID,), dtype=jnp.float32)
    inp['conv_W2'] = jax.random.normal(ks[4], (D_HID, D_HID), dtype=jnp.float32) / np.sqrt(D_HID)
    inp['conv_b2'] = jnp.zeros((D_HID,), dtype=jnp.float32)
    # LayerNorms (num_layers-1 = 2)
    inp['ln_g0'] = jnp.ones((D_HID,), dtype=jnp.float32)
    inp['ln_b0'] = jnp.zeros((D_HID,), dtype=jnp.float32)
    inp['ln_g1'] = jnp.ones((D_HID,), dtype=jnp.float32)
    inp['ln_b1'] = jnp.zeros((D_HID,), dtype=jnp.float32)
    # post_mp: Linear(32,16), Dropout, ReLU, Linear(16,40)
    inp['mlp_W0'] = jax.random.normal(ks[5], (D_HID, D_HID // 2), dtype=jnp.float32) / np.sqrt(D_HID)
    inp['mlp_b0'] = jnp.zeros((D_HID // 2,), dtype=jnp.float32)
    inp['mlp_W1'] = jax.random.normal(ks[6], (D_HID // 2, D_OUT), dtype=jnp.float32) / np.sqrt(D_HID // 2)
    inp['mlp_b1'] = jnp.zeros((D_OUT,), dtype=jnp.float32)
    return inp


def gcn_conv(x, edge_index, W, b, num_nodes):
    # x' = D^{-1/2} (A + I) D^{-1/2} (x W) + b, matching pyg_nn.GCNConv defaults
    h = x @ W
    src = edge_index[0]
    dst = edge_index[1]
    loop = jnp.arange(num_nodes, dtype=src.dtype)
    src = jnp.concatenate([src, loop])
    dst = jnp.concatenate([dst, loop])
    ew = jnp.ones(src.shape[0], dtype=h.dtype)
    deg = jnp.zeros((num_nodes,), dtype=h.dtype).at[dst].add(ew)
    deg_inv_sqrt = jnp.where(deg > 0, 1.0 / jnp.sqrt(deg), 0.0)
    norm = deg_inv_sqrt[src] * ew * deg_inv_sqrt[dst]
    msg = h[src] * norm[:, None]
    out = jnp.zeros((num_nodes, h.shape[1]), dtype=h.dtype).at[dst].add(msg)
    return out + b


def layer_norm(x, g, b, eps=1e-5):
    mean = jnp.mean(x, axis=-1, keepdims=True)
    var = jnp.mean((x - mean) ** 2, axis=-1, keepdims=True)
    return (x - mean) / jnp.sqrt(var + eps) * g + b


def reference(x, edge_index, conv_W0, conv_b0, conv_W1, conv_b1, conv_W2, conv_b2, ln_g0, ln_b0, ln_g1, ln_b1, mlp_W0, mlp_b0, mlp_W1, mlp_b1):
    n = x.shape[0]
    # layer 0
    h = gcn_conv(x, edge_index, conv_W0, conv_b0, n)
    h = jax.nn.relu(h)
    # dropout is identity in eval mode
    h = layer_norm(h, ln_g0, ln_b0)
    # layer 1
    h = gcn_conv(h, edge_index, conv_W1, conv_b1, n)
    h = jax.nn.relu(h)
    h = layer_norm(h, ln_g1, ln_b1)
    # layer 2 (last: no LayerNorm)
    h = gcn_conv(h, edge_index, conv_W2, conv_b2, n)
    h = jax.nn.relu(h)
    # post_mp: Linear -> Dropout(eval=identity) -> ReLU -> Linear
    h = h @ mlp_W0 + mlp_b0
    h = jax.nn.relu(h)
    h = h @ mlp_W1 + mlp_b1
    return jax.nn.log_softmax(h, axis=1)

if __name__ == "__main__":
    import jax
    _d = setup_inputs()
    print(jax.jit(kernel)(*tuple(_d.values())))

</pallas_src>

<mosaic_0001>
#map = affine_map<(d0, d1) -> (0, 0)>
#map1 = affine_map<(d0, d1) -> (0, 0, 0)>
module attributes {stable_mosaic.version = 14 : i64} {
  func.func @_msg_body(%arg0: i32, %arg1: i32, %arg2: memref<10240x32xf32, #tpu.memory_space<hbm>>, %arg3: memref<2560x128xi32, #tpu.memory_space<hbm>>, %arg4: memref<2560x128xi32, #tpu.memory_space<hbm>>, %arg5: memref<10240x32xf32, #tpu.memory_space<hbm>>, %arg6: memref<2x10240x32xf32, #tpu.memory_space<hbm>>, %arg7: memref<80x128xi32, #tpu.memory_space<vmem>>, %arg8: memref<80x128xi32, #tpu.memory_space<vmem>>, %arg9: memref<8x128x32xf32, #tpu.memory_space<vmem>>, %arg10: memref<640x32xf32, #tpu.memory_space<vmem>>, %arg11: memref<10240x32xf32, #tpu.memory_space<vmem_shared>>, %arg12: memref<10240x32xf32, #tpu.memory_space<vmem_shared>>, %arg13: memref<!tpu.dma_semaphore, #tpu.memory_space<semaphore_mem>>, %arg14: memref<!tpu.dma_semaphore, #tpu.memory_space<semaphore_mem>>) attributes {dimension_semantics = [#tpu.dimension_semantics<core_parallel>, #tpu.dimension_semantics<subcore_parallel>], iteration_bounds = array<i64: 2, 16>, scalar_prefetch = 0 : i64, scratch_operands = 8 : i64, tpu.core_type = #tpu.core_type<sc_vector_subcore>, window_params = [{transform_indices = #map}, {transform_indices = #map}, {transform_indices = #map}, {transform_indices = #map}, {transform_indices = #map1}]} {
    %mul3A = arith.constant 2 : i32
    %mul3A_0 = arith.muli %arg1, %mul3A : i32
    %add3A = arith.addi %mul3A_0, %arg0 : i32
    %mul3A_1 = arith.constant 640 : i32
    %mul3A_2 = arith.muli %arg1, %mul3A_1 : i32
    "tpu.region"() ({
      %run_scoped3A = tpu.sem_alloc : memref<!tpu.dma_semaphore, #tpu.memory_space<semaphore_mem>>
      %dma_start3A = arith.constant 0 : i32
      %dma_start3A_81 = tpu.memref_slice %arg5[%mul3A_2, %dma_start3A] : memref<10240x32xf32, #tpu.memory_space<hbm>> -> memref<640x32xf32, #tpu.memory_space<hbm>>
      %dma_start3A_82 = arith.constant 0 : i32
      %dma_start3A_83 = tpu.memref_slice %arg5[%mul3A_2, %dma_start3A_82] : memref<10240x32xf32, #tpu.memory_space<hbm>> -> memref<640x32xf32, #tpu.memory_space<hbm>>
      tpu.enqueue_dma source(%dma_start3A_83 : memref<640x32xf32, #tpu.memory_space<hbm>>) target(%arg10 : memref<640x32xf32, #tpu.memory_space<vmem>>) target_semaphore(%run_scoped3A : memref<!tpu.dma_semaphore, #tpu.memory_space<semaphore_mem>>)
      %dma_wait3A_84 = arith.constant 0 : i32
      %dma_wait3A_85 = tpu.memref_slice %arg5[%mul3A_2, %dma_wait3A_84] : memref<10240x32xf32, #tpu.memory_space<hbm>> -> memref<640x32xf32, #tpu.memory_space<hbm>>
      %dma_wait3A_86 = arith.constant 0 : i32
      %dma_wait3A_87 = tpu.memref_slice %arg5[%mul3A_2, %dma_wait3A_86] : memref<10240x32xf32, #tpu.memory_space<hbm>> -> memref<640x32xf32, #tpu.memory_space<hbm>>
      tpu.wait_dma2 semaphore(%run_scoped3A : memref<!tpu.dma_semaphore, #tpu.memory_space<semaphore_mem>>) src(%dma_wait3A_87 : memref<640x32xf32, #tpu.memory_space<hbm>>) dst(%arg10 : memref<640x32xf32, #tpu.memory_space<vmem>>)
      tpu.yield
    }) : () -> ()
    %mul3A_3 = arith.constant 640 : i32
    %mul3A_4 = arith.muli %arg1, %mul3A_3 : i32
    "tpu.region"() ({
      %run_scoped3A = tpu.sem_alloc : memref<!tpu.dma_semaphore, #tpu.memory_space<semaphore_mem>>
      %dma_start3A = arith.constant 0 : i32
      %dma_start3A_81 = tpu.memref_slice %arg11[%mul3A_4, %dma_start3A] : memref<10240x32xf32, #tpu.memory_space<vmem_shared>> -> memref<640x32xf32, #tpu.memory_space<vmem_shared>>
      %dma_start3A_82 = arith.constant 0 : i32
      %dma_start3A_83 = tpu.memref_slice %arg11[%mul3A_4, %dma_start3A_82] : memref<10240x32xf32, #tpu.memory_space<vmem_shared>> -> memref<640x32xf32, #tpu.memory_space<vmem_shared>>
      tpu.enqueue_dma source(%arg10 : memref<640x32xf32, #tpu.memory_space<vmem>>) target(%dma_start3A_83 : memref<640x32xf32, #tpu.memory_space<vmem_shared>>) target_semaphore(%run_scoped3A : memref<!tpu.dma_semaphore, #tpu.memory_space<semaphore_mem>>)
      %dma_wait3A_84 = arith.constant 0 : i32
      %dma_wait3A_85 = tpu.memref_slice %arg11[%mul3A_4, %dma_wait3A_84] : memref<10240x32xf32, #tpu.memory_space<vmem_shared>> -> memref<640x32xf32, #tpu.memory_space<vmem_shared>>
      %dma_wait3A_86 = arith.constant 0 : i32
      %dma_wait3A_87 = tpu.memref_slice %arg11[%mul3A_4, %dma_wait3A_86] : memref<10240x32xf32, #tpu.memory_space<vmem_shared>> -> memref<640x32xf32, #tpu.memory_space<vmem_shared>>
      tpu.wait_dma2 semaphore(%run_scoped3A : memref<!tpu.dma_semaphore, #tpu.memory_space<semaphore_mem>>) src(%arg10 : memref<640x32xf32, #tpu.memory_space<vmem>>) dst(%dma_wait3A_87 : memref<640x32xf32, #tpu.memory_space<vmem_shared>>)
      tpu.yield
    }) : () -> ()
    %mul3A_5 = arith.constant 640 : i32
    %mul3A_6 = arith.muli %arg1, %mul3A_5 : i32
    "tpu.region"() ({
      %run_scoped3A = tpu.sem_alloc : memref<!tpu.dma_semaphore, #tpu.memory_space<semaphore_mem>>
      %dma_start3A = arith.constant 0 : i32
      %dma_start3A_81 = tpu.memref_slice %arg2[%mul3A_6, %dma_start3A] : memref<10240x32xf32, #tpu.memory_space<hbm>> -> memref<640x32xf32, #tpu.memory_space<hbm>>
      %dma_start3A_82 = arith.constant 0 : i32
      %dma_start3A_83 = tpu.memref_slice %arg2[%mul3A_6, %dma_start3A_82] : memref<10240x32xf32, #tpu.memory_space<hbm>> -> memref<640x32xf32, #tpu.memory_space<hbm>>
      tpu.enqueue_dma source(%dma_start3A_83 : memref<640x32xf32, #tpu.memory_space<hbm>>) target(%arg10 : memref<640x32xf32, #tpu.memory_space<vmem>>) target_semaphore(%run_scoped3A : memref<!tpu.dma_semaphore, #tpu.memory_space<semaphore_mem>>)
      %dma_wait3A_84 = arith.constant 0 : i32
      %dma_wait3A_85 = tpu.memref_slice %arg2[%mul3A_6, %dma_wait3A_84] : memref<10240x32xf32, #tpu.memory_space<hbm>> -> memref<640x32xf32, #tpu.memory_space<hbm>>
      %dma_wait3A_86 = arith.constant 0 : i32
      %dma_wait3A_87 = tpu.memref_slice %arg2[%mul3A_6, %dma_wait3A_86] : memref<10240x32xf32, #tpu.memory_space<hbm>> -> memref<640x32xf32, #tpu.memory_space<hbm>>
      tpu.wait_dma2 semaphore(%run_scoped3A : memref<!tpu.dma_semaphore, #tpu.memory_space<semaphore_mem>>) src(%dma_wait3A_87 : memref<640x32xf32, #tpu.memory_space<hbm>>) dst(%arg10 : memref<640x32xf32, #tpu.memory_space<vmem>>)
      tpu.yield
    }) : () -> ()
    %mul3A_7 = arith.constant 640 : i32
    %mul3A_8 = arith.muli %arg1, %mul3A_7 : i32
    "tpu.region"() ({
      %run_scoped3A = tpu.sem_alloc : memref<!tpu.dma_semaphore, #tpu.memory_space<semaphore_mem>>
      %dma_start3A = arith.constant 0 : i32
      %dma_start3A_81 = tpu.memref_slice %arg12[%mul3A_8, %dma_start3A] : memref<10240x32xf32, #tpu.memory_space<vmem_shared>> -> memref<640x32xf32, #tpu.memory_space<vmem_shared>>
      %dma_start3A_82 = arith.constant 0 : i32
      %dma_start3A_83 = tpu.memref_slice %arg12[%mul3A_8, %dma_start3A_82] : memref<10240x32xf32, #tpu.memory_space<vmem_shared>> -> memref<640x32xf32, #tpu.memory_space<vmem_shared>>
      tpu.enqueue_dma source(%arg10 : memref<640x32xf32, #tpu.memory_space<vmem>>) target(%dma_start3A_83 : memref<640x32xf32, #tpu.memory_space<vmem_shared>>) target_semaphore(%run_scoped3A : memref<!tpu.dma_semaphore, #tpu.memory_space<semaphore_mem>>)
      %dma_wait3A_84 = arith.constant 0 : i32
      %dma_wait3A_85 = tpu.memref_slice %arg12[%mul3A_8, %dma_wait3A_84] : memref<10240x32xf32, #tpu.memory_space<vmem_shared>> -> memref<640x32xf32, #tpu.memory_space<vmem_shared>>
      %dma_wait3A_86 = arith.constant 0 : i32
      %dma_wait3A_87 = tpu.memref_slice %arg12[%mul3A_8, %dma_wait3A_86] : memref<10240x32xf32, #tpu.memory_space<vmem_shared>> -> memref<640x32xf32, #tpu.memory_space<vmem_shared>>
      tpu.wait_dma2 semaphore(%run_scoped3A : memref<!tpu.dma_semaphore, #tpu.memory_space<semaphore_mem>>) src(%arg10 : memref<640x32xf32, #tpu.memory_space<vmem>>) dst(%dma_wait3A_87 : memref<640x32xf32, #tpu.memory_space<vmem_shared>>)
      tpu.yield
    }) : () -> ()
    %mul3A_9 = arith.constant 80 : i32
    %mul3A_10 = arith.muli %add3A, %mul3A_9 : i32
    "tpu.region"() ({
      %run_scoped3A = tpu.sem_alloc : memref<!tpu.dma_semaphore, #tpu.memory_space<semaphore_mem>>
      %dma_start3A = arith.constant 0 : i32
      %dma_start3A_81 = tpu.memref_slice %arg3[%mul3A_10, %dma_start3A] : memref<2560x128xi32, #tpu.memory_space<hbm>> -> memref<80x128xi32, #tpu.memory_space<hbm>>
      %dma_start3A_82 = arith.constant 0 : i32
      %dma_start3A_83 = tpu.memref_slice %arg3[%mul3A_10, %dma_start3A_82] : memref<2560x128xi32, #tpu.memory_space<hbm>> -> memref<80x128xi32, #tpu.memory_space<hbm>>
      tpu.enqueue_dma source(%dma_start3A_83 : memref<80x128xi32, #tpu.memory_space<hbm>>) target(%arg7 : memref<80x128xi32, #tpu.memory_space<vmem>>) target_semaphore(%run_scoped3A : memref<!tpu.dma_semaphore, #tpu.memory_space<semaphore_mem>>)
      %dma_wait3A_84 = arith.constant 0 : i32
      %dma_wait3A_85 = tpu.memref_slice %arg3[%mul3A_10, %dma_wait3A_84] : memref<2560x128xi32, #tpu.memory_space<hbm>> -> memref<80x128xi32, #tpu.memory_space<hbm>>
      %dma_wait3A_86 = arith.constant 0 : i32
      %dma_wait3A_87 = tpu.memref_slice %arg3[%mul3A_10, %dma_wait3A_86] : memref<2560x128xi32, #tpu.memory_space<hbm>> -> memref<80x128xi32, #tpu.memory_space<hbm>>
      tpu.wait_dma2 semaphore(%run_scoped3A : memref<!tpu.dma_semaphore, #tpu.memory_space<semaphore_mem>>) src(%dma_wait3A_87 : memref<80x128xi32, #tpu.memory_space<hbm>>) dst(%arg7 : memref<80x128xi32, #tpu.memory_space<vmem>>)
      tpu.yield
    }) : () -> ()
    %mul3A_11 = arith.constant 80 : i32
    %mul3A_12 = arith.muli %add3A, %mul3A_11 : i32
    "tpu.region"() ({
      %run_scoped3A = tpu.sem_alloc : memref<!tpu.dma_semaphore, #tpu.memory_space<semaphore_mem>>
      %dma_start3A = arith.constant 0 : i32
      %dma_start3A_81 = tpu.memref_slice %arg4[%mul3A_12, %dma_start3A] : memref<2560x128xi32, #tpu.memory_space<hbm>> -> memref<80x128xi32, #tpu.memory_space<hbm>>
      %dma_start3A_82 = arith.constant 0 : i32
      %dma_start3A_83 = tpu.memref_slice %arg4[%mul3A_12, %dma_start3A_82] : memref<2560x128xi32, #tpu.memory_space<hbm>> -> memref<80x128xi32, #tpu.memory_space<hbm>>
      tpu.enqueue_dma source(%dma_start3A_83 : memref<80x128xi32, #tpu.memory_space<hbm>>) target(%arg8 : memref<80x128xi32, #tpu.memory_space<vmem>>) target_semaphore(%run_scoped3A : memref<!tpu.dma_semaphore, #tpu.memory_space<semaphore_mem>>)
      %dma_wait3A_84 = arith.constant 0 : i32
      %dma_wait3A_85 = tpu.memref_slice %arg4[%mul3A_12, %dma_wait3A_84] : memref<2560x128xi32, #tpu.memory_space<hbm>> -> memref<80x128xi32, #tpu.memory_space<hbm>>
      %dma_wait3A_86 = arith.constant 0 : i32
      %dma_wait3A_87 = tpu.memref_slice %arg4[%mul3A_12, %dma_wait3A_86] : memref<2560x128xi32, #tpu.memory_space<hbm>> -> memref<80x128xi32, #tpu.memory_space<hbm>>
      tpu.wait_dma2 semaphore(%run_scoped3A : memref<!tpu.dma_semaphore, #tpu.memory_space<semaphore_mem>>) src(%dma_wait3A_87 : memref<80x128xi32, #tpu.memory_space<hbm>>) dst(%arg8 : memref<80x128xi32, #tpu.memory_space<vmem>>)
      tpu.yield
    }) : () -> ()
    %barrier3A = arith.constant 0 : index
    tpu.barrier barrier_id(%barrier3A)
    %scan3A = arith.constant 0 : i32
    %scan3A_13 = arith.constant 10 : i32
    %scan3A_14 = arith.addi %scan3A, %scan3A_13 : i32
    %scan3A_15 = arith.constant 1 : i32
    scf.for %scan3A_81 = %scan3A to %scan3A_14 step %scan3A_15  : i32 {
      %mul3A_82 = arith.constant 1 : i32
      %mul3A_83 = arith.muli %scan3A_81, %mul3A_82 : i32
      %add3A_84 = arith.constant 0 : i32
      %add3A_85 = arith.addi %add3A_84, %mul3A_83 : i32
      %mul3A_86 = arith.constant 8 : i32
      %mul3A_87 = arith.muli %add3A_85, %mul3A_86 : i32
      %add3A_88 = arith.constant 0 : i32
      %add3A_89 = arith.addi %mul3A_87, %add3A_88 : i32
      %add3A_90 = arith.constant 0 : i32
      %add3A_91 = arith.addi %add3A_89, %add3A_90 : i32
      %dma_start3A = arith.constant 0 : i32
      %dma_start3A_92 = arith.constant 0 : i32
      %dma_start3A_93 = arith.constant 0 : i32
      %dma_start3A_94 = tpu.memref_slice %arg9[%dma_start3A, %dma_start3A_92, %dma_start3A_93] : memref<8x128x32xf32, #tpu.memory_space<vmem>> -> memref<1x128x32xf32, #tpu.memory_space<vmem>>
      %dma_start3A_95 = tpu.memref_squeeze %dma_start3A_94 : memref<1x128x32xf32, #tpu.memory_space<vmem>> -> memref<128x32xf32, #tpu.memory_space<vmem>>
      %dma_start3A_96 = arith.constant 0 : i32
      %dma_start3A_97 = tpu.memref_slice %arg7[%add3A_91, %dma_start3A_96] : memref<80x128xi32, #tpu.memory_space<vmem>> -> memref<1x128xi32, #tpu.memory_space<vmem>>
      %dma_start3A_98 = tpu.memref_squeeze %dma_start3A_97 : memref<1x128xi32, #tpu.memory_space<vmem>> -> memref<128xi32, #tpu.memory_space<vmem>>
      %dma_start3A_99 = arith.constant 0 : i32
      %dma_start3A_100 = arith.constant 0 : i32
      %dma_start3A_101 = tpu.memref_slice %arg12[%dma_start3A_99, %dma_start3A_100] : memref<10240x32xf32, #tpu.memory_space<vmem_shared>> -> memref<10240x32xf32, #tpu.memory_space<vmem_shared>>
      tpu.enqueue_indirect_dma source(%dma_start3A_101 : memref<10240x32xf32, #tpu.memory_space<vmem_shared>>) target(%dma_start3A_95 : memref<128x32xf32, #tpu.memory_space<vmem>>) offsets(%dma_start3A_98 : memref<128xi32, #tpu.memory_space<vmem>>) semaphore(%arg13 : memref<!tpu.dma_semaphore, #tpu.memory_space<semaphore_mem>>)
      %add3A_102 = arith.constant 1 : i32
      %add3A_103 = arith.addi %add3A_89, %add3A_102 : i32
      %dma_start3A_104 = arith.constant 1 : i32
      %dma_start3A_105 = arith.constant 0 : i32
      %dma_start3A_106 = arith.constant 0 : i32
      %dma_start3A_107 = tpu.memref_slice %arg9[%dma_start3A_104, %dma_start3A_105, %dma_start3A_106] : memref<8x128x32xf32, #tpu.memory_space<vmem>> -> memref<1x128x32xf32, #tpu.memory_space<vmem>>
      %dma_start3A_108 = tpu.memref_squeeze %dma_start3A_107 : memref<1x128x32xf32, #tpu.memory_space<vmem>> -> memref<128x32xf32, #tpu.memory_space<vmem>>
      %dma_start3A_109 = arith.constant 0 : i32
      %dma_start3A_110 = tpu.memref_slice %arg7[%add3A_103, %dma_start3A_109] : memref<80x128xi32, #tpu.memory_space<vmem>> -> memref<1x128xi32, #tpu.memory_space<vmem>>
      %dma_start3A_111 = tpu.memref_squeeze %dma_start3A_110 : memref<1x128xi32, #tpu.memory_space<vmem>> -> memref<128xi32, #tpu.memory_space<vmem>>
      %dma_start3A_112 = arith.constant 0 : i32
      %dma_start3A_113 = arith.constant 0 : i32
      %dma_start3A_114 = tpu.memref_slice %arg12[%dma_start3A_112, %dma_start3A_113] : memref<10240x32xf32, #tpu.memory_space<vmem_shared>> -> memref<10240x32xf32, #tpu.memory_space<vmem_shared>>
      tpu.enqueue_indirect_dma source(%dma_start3A_114 : memref<10240x32xf32, #tpu.memory_space<vmem_shared>>) target(%dma_start3A_108 : memref<128x32xf32, #tpu.memory_space<vmem>>) offsets(%dma_start3A_111 : memref<128xi32, #tpu.memory_space<vmem>>) semaphore(%arg13 : memref<!tpu.dma_semaphore, #tpu.memory_space<semaphore_mem>>)
      %add3A_115 = arith.constant 2 : i32
      %add3A_116 = arith.addi %add3A_89, %add3A_115 : i32
      %dma_start3A_117 = arith.constant 2 : i32
      %dma_start3A_118 = arith.constant 0 : i32
      %dma_start3A_119 = arith.constant 0 : i32
      %dma_start3A_120 = tpu.memref_slice %arg9[%dma_start3A_117, %dma_start3A_118, %dma_start3A_119] : memref<8x128x32xf32, #tpu.memory_space<vmem>> -> memref<1x128x32xf32, #tpu.memory_space<vmem>>
      %dma_start3A_121 = tpu.memref_squeeze %dma_start3A_120 : memref<1x128x32xf32, #tpu.memory_space<vmem>> -> memref<128x32xf32, #tpu.memory_space<vmem>>
      %dma_start3A_122 = arith.constant 0 : i32
      %dma_start3A_123 = tpu.memref_slice %arg7[%add3A_116, %dma_start3A_122] : memref<80x128xi32, #tpu.memory_space<vmem>> -> memref<1x128xi32, #tpu.memory_space<vmem>>
      %dma_start3A_124 = tpu.memref_squeeze %dma_start3A_123 : memref<1x128xi32, #tpu.memory_space<vmem>> -> memref<128xi32, #tpu.memory_space<vmem>>
      %dma_start3A_125 = arith.constant 0 : i32
      %dma_start3A_126 = arith.constant 0 : i32
      %dma_start3A_127 = tpu.memref_slice %arg12[%dma_start3A_125, %dma_start3A_126] : memref<10240x32xf32, #tpu.memory_space<vmem_shared>> -> memref<10240x32xf32, #tpu.memory_space<vmem_shared>>
      tpu.enqueue_indirect_dma source(%dma_start3A_127 : memref<10240x32xf32, #tpu.memory_space<vmem_shared>>) target(%dma_start3A_121 : memref<128x32xf32, #tpu.memory_space<vmem>>) offsets(%dma_start3A_124 : memref<128xi32, #tpu.memory_space<vmem>>) semaphore(%arg13 : memref<!tpu.dma_semaphore, #tpu.memory_space<semaphore_mem>>)
      %add3A_128 = arith.constant 3 : i32
      %add3A_129 = arith.addi %add3A_89, %add3A_128 : i32
      %dma_start3A_130 = arith.constant 3 : i32
      %dma_start3A_131 = arith.constant 0 : i32
      %dma_start3A_132 = arith.constant 0 : i32
      %dma_start3A_133 = tpu.memref_slice %arg9[%dma_start3A_130, %dma_start3A_131, %dma_start3A_132] : memref<8x128x32xf32, #tpu.memory_space<vmem>> -> memref<1x128x32xf32, #tpu.memory_space<vmem>>
      %dma_start3A_134 = tpu.memref_squeeze %dma_start3A_133 : memref<1x128x32xf32, #tpu.memory_space<vmem>> -> memref<128x32xf32, #tpu.memory_space<vmem>>
      %dma_start3A_135 = arith.constant 0 : i32
      %dma_start3A_136 = tpu.memref_slice %arg7[%add3A_129, %dma_start3A_135] : memref<80x128xi32, #tpu.memory_space<vmem>> -> memref<1x128xi32, #tpu.memory_space<vmem>>
      %dma_start3A_137 = tpu.memref_squeeze %dma_start3A_136 : memref<1x128xi32, #tpu.memory_space<vmem>> -> memref<128xi32, #tpu.memory_space<vmem>>
      %dma_start3A_138 = arith.constant 0 : i32
      %dma_start3A_139 = arith.constant 0 : i32
      %dma_start3A_140 = tpu.memref_slice %arg12[%dma_start3A_138, %dma_start3A_139] : memref<10240x32xf32, #tpu.memory_space<vmem_shared>> -> memref<10240x32xf32, #tpu.memory_space<vmem_shared>>
      tpu.enqueue_indirect_dma source(%dma_start3A_140 : memref<10240x32xf32, #tpu.memory_space<vmem_shared>>) target(%dma_start3A_134 : memref<128x32xf32, #tpu.memory_space<vmem>>) offsets(%dma_start3A_137 : memref<128xi32, #tpu.memory_space<vmem>>) semaphore(%arg13 : memref<!tpu.dma_semaphore, #tpu.memory_space<semaphore_mem>>)
      %gt3A = arith.constant 0 : i32
      %gt3A_141 = arith.cmpi sgt, %add3A_85, %gt3A : i32
      %convert_element_type3A = arith.extui %gt3A_141 : i1 to i32
      %cond3A = arith.constant 0 : i32
      %cond3A_142 = arith.cmpi ne, %convert_element_type3A, %cond3A : i32
      scf.if %cond3A_142 {
        %dma_wait3A_449 = arith.constant 0 : i32
        %dma_wait3A_450 = arith.constant 0 : i32
        %dma_wait3A_451 = arith.constant 0 : i32
        %dma_wait3A_452 = tpu.memref_slice %arg9[%dma_wait3A_449, %dma_wait3A_450, %dma_wait3A_451] : memref<8x128x32xf32, #tpu.memory_space<vmem>> -> memref<1x128x32xf32, #tpu.memory_space<vmem>>
        %dma_wait3A_453 = tpu.memref_squeeze %dma_wait3A_452 : memref<1x128x32xf32, #tpu.memory_space<vmem>> -> memref<128x32xf32, #tpu.memory_space<vmem>>
        %dma_wait3A_454 = arith.constant 0 : i32
        %dma_wait3A_455 = arith.constant 0 : i32
        %dma_wait3A_456 = tpu.memref_slice %arg5[%dma_wait3A_454, %dma_wait3A_455] : memref<10240x32xf32, #tpu.memory_space<hbm>> -> memref<128x32xf32, #tpu.memory_space<hbm>>
        %dma_wait3A_457 = arith.constant 0 : i32
        %dma_wait3A_458 = arith.constant 0 : i32
        %dma_wait3A_459 = tpu.memref_slice %arg9[%dma_wait3A_449, %dma_wait3A_457, %dma_wait3A_458] : memref<8x128x32xf32, #tpu.memory_space<vmem>> -> memref<1x128x32xf32, #tpu.memory_space<vmem>>
        %dma_wait3A_460 = tpu.memref_squeeze %dma_wait3A_459 : memref<1x128x32xf32, #tpu.memory_space<vmem>> -> memref<128x32xf32, #tpu.memory_space<vmem>>
        %dma_wait3A_461 = arith.constant 0 : i32
        %dma_wait3A_462 = arith.constant 0 : i32
        %dma_wait3A_463 = tpu.memref_slice %arg5[%dma_wait3A_461, %dma_wait3A_462] : memref<10240x32xf32, #tpu.memory_space<hbm>> -> memref<128x32xf32, #tpu.memory_space<hbm>>
        tpu.wait_dma2 semaphore(%arg14 : memref<!tpu.dma_semaphore, #tpu.memory_space<semaphore_mem>>) src(%dma_wait3A_463 : memref<128x32xf32, #tpu.memory_space<hbm>>) dst(%dma_wait3A_460 : memref<128x32xf32, #tpu.memory_space<vmem>>)
        %dma_wait3A_464 = arith.constant 0 : i32
        %dma_wait3A_465 = arith.constant 0 : i32
        %dma_wait3A_466 = arith.constant 0 : i32
        %dma_wait3A_467 = tpu.memref_slice %arg9[%dma_wait3A_464, %dma_wait3A_465, %dma_wait3A_466] : memref<8x128x32xf32, #tpu.memory_space<vmem>> -> memref<1x128x32xf32, #tpu.memory_space<vmem>>
        %dma_wait3A_468 = tpu.memref_squeeze %dma_wait3A_467 : memref<1x128x32xf32, #tpu.memory_space<vmem>> -> memref<128x32xf32, #tpu.memory_space<vmem>>
        %dma_wait3A_469 = arith.constant 0 : i32
        %dma_wait3A_470 = arith.constant 0 : i32
        %dma_wait3A_471 = tpu.memref_slice %arg5[%dma_wait3A_469, %dma_wait3A_470] : memref<10240x32xf32, #tpu.memory_space<hbm>> -> memref<128x32xf32, #tpu.memory_space<hbm>>
        %dma_wait3A_472 = arith.constant 0 : i32
        %dma_wait3A_473 = arith.constant 0 : i32
        %dma_wait3A_474 = tpu.memref_slice %arg9[%dma_wait3A_464, %dma_wait3A_472, %dma_wait3A_473] : memref<8x128x32xf32, #tpu.memory_space<vmem>> -> memref<1x128x32xf32, #tpu.memory_space<vmem>>
        %dma_wait3A_475 = tpu.memref_squeeze %dma_wait3A_474 : memref<1x128x32xf32, #tpu.memory_space<vmem>> -> memref<128x32xf32, #tpu.memory_space<vmem>>
        %dma_wait3A_476 = arith.constant 0 : i32
        %dma_wait3A_477 = arith.constant 0 : i32
        %dma_wait3A_478 = tpu.memref_slice %arg5[%dma_wait3A_476, %dma_wait3A_477] : memref<10240x32xf32, #tpu.memory_space<hbm>> -> memref<128x32xf32, #tpu.memory_space<hbm>>
        tpu.wait_dma2 semaphore(%arg14 : memref<!tpu.dma_semaphore, #tpu.memory_space<semaphore_mem>>) src(%dma_wait3A_478 : memref<128x32xf32, #tpu.memory_space<hbm>>) dst(%dma_wait3A_475 : memref<128x32xf32, #tpu.memory_space<vmem>>)
        %dma_wait3A_479 = arith.constant 0 : i32
        %dma_wait3A_480 = arith.constant 0 : i32
        %dma_wait3A_481 = arith.constant 0 : i32
        %dma_wait3A_482 = tpu.memref_slice %arg9[%dma_wait3A_479, %dma_wait3A_480, %dma_wait3A_481] : memref<8x128x32xf32, #tpu.memory_space<vmem>> -> memref<1x128x32xf32, #tpu.memory_space<vmem>>
        %dma_wait3A_483 = tpu.memref_squeeze %dma_wait3A_482 : memref<1x128x32xf32, #tpu.memory_space<vmem>> -> memref<128x32xf32, #tpu.memory_space<vmem>>
        %dma_wait3A_484 = arith.constant 0 : i32
        %dma_wait3A_485 = arith.constant 0 : i32
        %dma_wait3A_486 = tpu.memref_slice %arg5[%dma_wait3A_484, %dma_wait3A_485] : memref<10240x32xf32, #tpu.memory_space<hbm>> -> memref<128x32xf32, #tpu.memory_space<hbm>>
        %dma_wait3A_487 = arith.constant 0 : i32
        %dma_wait3A_488 = arith.constant 0 : i32
        %dma_wait3A_489 = tpu.memref_slice %arg9[%dma_wait3A_479, %dma_wait3A_487, %dma_wait3A_488] : memref<8x128x32xf32, #tpu.memory_space<vmem>> -> memref<1x128x32xf32, #tpu.memory_space<vmem>>
        %dma_wait3A_490 = tpu.memref_squeeze %dma_wait3A_489 : memref<1x128x32xf32, #tpu.memory_space<vmem>> -> memref<128x32xf32, #tpu.memory_space<vmem>>
        %dma_wait3A_491 = arith.constant 0 : i32
        %dma_wait3A_492 = arith.constant 0 : i32
        %dma_wait3A_493 = tpu.memref_slice %arg5[%dma_wait3A_491, %dma_wait3A_492] : memref<10240x32xf32, #tpu.memory_space<hbm>> -> memref<128x32xf32, #tpu.memory_space<hbm>>
        tpu.wait_dma2 semaphore(%arg14 : memref<!tpu.dma_semaphore, #tpu.memory_space<semaphore_mem>>) src(%dma_wait3A_493 : memref<128x32xf32, #tpu.memory_space<hbm>>) dst(%dma_wait3A_490 : memref<128x32xf32, #tpu.memory_space<vmem>>)
        %dma_wait3A_494 = arith.constant 0 : i32
        %dma_wait3A_495 = arith.constant 0 : i32
        %dma_wait3A_496 = arith.constant 0 : i32
        %dma_wait3A_497 = tpu.memref_slice %arg9[%dma_wait3A_494, %dma_wait3A_495, %dma_wait3A_496] : memref<8x128x32xf32, #tpu.memory_space<vmem>> -> memref<1x128x32xf32, #tpu.memory_space<vmem>>
        %dma_wait3A_498 = tpu.memref_squeeze %dma_wait3A_497 : memref<1x128x32xf32, #tpu.memory_space<vmem>> -> memref<128x32xf32, #tpu.memory_space<vmem>>
        %dma_wait3A_499 = arith.constant 0 : i32
        %dma_wait3A_500 = arith.constant 0 : i32
        %dma_wait3A_501 = tpu.memref_slice %arg5[%dma_wait3A_499, %dma_wait3A_500] : memref<10240x32xf32, #tpu.memory_space<hbm>> -> memref<128x32xf32, #tpu.memory_space<hbm>>
        %dma_wait3A_502 = arith.constant 0 : i32
        %dma_wait3A_503 = arith.constant 0 : i32
        %dma_wait3A_504 = tpu.memref_slice %arg9[%dma_wait3A_494, %dma_wait3A_502, %dma_wait3A_503] : memref<8x128x32xf32, #tpu.memory_space<vmem>> -> memref<1x128x32xf32, #tpu.memory_space<vmem>>
        %dma_wait3A_505 = tpu.memref_squeeze %dma_wait3A_504 : memref<1x128x32xf32, #tpu.memory_space<vmem>> -> memref<128x32xf32, #tpu.memory_space<vmem>>
        %dma_wait3A_506 = arith.constant 0 : i32
        %dma_wait3A_507 = arith.constant 0 : i32
        %dma_wait3A_508 = tpu.memref_slice %arg5[%dma_wait3A_506, %dma_wait3A_507] : memref<10240x32xf32, #tpu.memory_space<hbm>> -> memref<128x32xf32, #tpu.memory_space<hbm>>
        tpu.wait_dma2 semaphore(%arg14 : memref<!tpu.dma_semaphore, #tpu.memory_space<semaphore_mem>>) src(%dma_wait3A_508 : memref<128x32xf32, #tpu.memory_space<hbm>>) dst(%dma_wait3A_505 : memref<128x32xf32, #tpu.memory_space<vmem>>)
      } else {
      }
      %dma_wait3A_143 = arith.constant 0 : i32
      %dma_wait3A_144 = arith.constant 0 : i32
      %dma_wait3A_145 = arith.constant 0 : i32
      %dma_wait3A_146 = tpu.memref_slice %arg9[%dma_wait3A_143, %dma_wait3A_144, %dma_wait3A_145] : memref<8x128x32xf32, #tpu.memory_space<vmem>> -> memref<1x128x32xf32, #tpu.memory_space<vmem>>
      %dma_wait3A_147 = tpu.memref_squeeze %dma_wait3A_146 : memref<1x128x32xf32, #tpu.memory_space<vmem>> -> memref<128x32xf32, #tpu.memory_space<vmem>>
      %dma_wait3A_148 = arith.constant 0 : i32
      %dma_wait3A_149 = tpu.memref_slice %arg7[%add3A_91, %dma_wait3A_148] : memref<80x128xi32, #tpu.memory_space<vmem>> -> memref<1x128xi32, #tpu.memory_space<vmem>>
      %dma_wait3A_150 = tpu.memref_squeeze %dma_wait3A_149 : memref<1x128xi32, #tpu.memory_space<vmem>> -> memref<128xi32, #tpu.memory_space<vmem>>
      %dma_wait3A_151 = arith.constant 0 : i32
      %dma_wait3A_152 = arith.constant 0 : i32
      %dma_wait3A_153 = tpu.memref_slice %arg12[%dma_wait3A_151, %dma_wait3A_152] : memref<10240x32xf32, #tpu.memory_space<vmem_shared>> -> memref<10240x32xf32, #tpu.memory_space<vmem_shared>>
      tpu.wait_indirect_dma semaphore(%arg13 : memref<!tpu.dma_semaphore, #tpu.memory_space<semaphore_mem>>) src(%dma_wait3A_153 : memref<10240x32xf32, #tpu.memory_space<vmem_shared>>) dst(%dma_wait3A_147 : memref<128x32xf32, #tpu.memory_space<vmem>>)
      %dma_wait3A_154 = arith.constant 1 : i32
      %dma_wait3A_155 = arith.constant 0 : i32
      %dma_wait3A_156 = arith.constant 0 : i32
      %dma_wait3A_157 = tpu.memref_slice %arg9[%dma_wait3A_154, %dma_wait3A_155, %dma_wait3A_156] : memref<8x128x32xf32, #tpu.memory_space<vmem>> -> memref<1x128x32xf32, #tpu.memory_space<vmem>>
      %dma_wait3A_158 = tpu.memref_squeeze %dma_wait3A_157 : memref<1x128x32xf32, #tpu.memory_space<vmem>> -> memref<128x32xf32, #tpu.memory_space<vmem>>
      %dma_wait3A_159 = arith.constant 0 : i32
      %dma_wait3A_160 = tpu.memref_slice %arg7[%add3A_103, %dma_wait3A_159] : memref<80x128xi32, #tpu.memory_space<vmem>> -> memref<1x128xi32, #tpu.memory_space<vmem>>
      %dma_wait3A_161 = tpu.memref_squeeze %dma_wait3A_160 : memref<1x128xi32, #tpu.memory_space<vmem>> -> memref<128xi32, #tpu.memory_space<vmem>>
      %dma_wait3A_162 = arith.constant 0 : i32
      %dma_wait3A_163 = arith.constant 0 : i32
      %dma_wait3A_164 = tpu.memref_slice %arg12[%dma_wait3A_162, %dma_wait3A_163] : memref<10240x32xf32, #tpu.memory_space<vmem_shared>> -> memref<10240x32xf32, #tpu.memory_space<vmem_shared>>
      tpu.wait_indirect_dma semaphore(%arg13 : memref<!tpu.dma_semaphore, #tpu.memory_space<semaphore_mem>>) src(%dma_wait3A_164 : memref<10240x32xf32, #tpu.memory_space<vmem_shared>>) dst(%dma_wait3A_158 : memref<128x32xf32, #tpu.memory_space<vmem>>)
      %dma_wait3A_165 = arith.constant 2 : i32
      %dma_wait3A_166 = arith.constant 0 : i32
      %dma_wait3A_167 = arith.constant 0 : i32
      %dma_wait3A_168 = tpu.memref_slice %arg9[%dma_wait3A_165, %dma_wait3A_166, %dma_wait3A_167] : memref<8x128x32xf32, #tpu.memory_space<vmem>> -> memref<1x128x32xf32, #tpu.memory_space<vmem>>
      %dma_wait3A_169 = tpu.memref_squeeze %dma_wait3A_168 : memref<1x128x32xf32, #tpu.memory_space<vmem>> -> memref<128x32xf32, #tpu.memory_space<vmem>>
      %dma_wait3A_170 = arith.constant 0 : i32
      %dma_wait3A_171 = tpu.memref_slice %arg7[%add3A_116, %dma_wait3A_170] : memref<80x128xi32, #tpu.memory_space<vmem>> -> memref<1x128xi32, #tpu.memory_space<vmem>>
      %dma_wait3A_172 = tpu.memref_squeeze %dma_wait3A_171 : memref<1x128xi32, #tpu.memory_space<vmem>> -> memref<128xi32, #tpu.memory_space<vmem>>
      %dma_wait3A_173 = arith.constant 0 : i32
      %dma_wait3A_174 = arith.constant 0 : i32
      %dma_wait3A_175 = tpu.memref_slice %arg12[%dma_wait3A_173, %dma_wait3A_174] : memref<10240x32xf32, #tpu.memory_space<vmem_shared>> -> memref<10240x32xf32, #tpu.memory_space<vmem_shared>>
      tpu.wait_indirect_dma semaphore(%arg13 : memref<!tpu.dma_semaphore, #tpu.memory_space<semaphore_mem>>) src(%dma_wait3A_175 : memref<10240x32xf32, #tpu.memory_space<vmem_shared>>) dst(%dma_wait3A_169 : memref<128x32xf32, #tpu.memory_space<vmem>>)
      %dma_wait3A_176 = arith.constant 3 : i32
      %dma_wait3A_177 = arith.constant 0 : i32
      %dma_wait3A_178 = arith.constant 0 : i32
      %dma_wait3A_179 = tpu.memref_slice %arg9[%dma_wait3A_176, %dma_wait3A_177, %dma_wait3A_178] : memref<8x128x32xf32, #tpu.memory_space<vmem>> -> memref<1x128x32xf32, #tpu.memory_space<vmem>>
      %dma_wait3A_180 = tpu.memref_squeeze %dma_wait3A_179 : memref<1x128x32xf32, #tpu.memory_space<vmem>> -> memref<128x32xf32, #tpu.memory_space<vmem>>
      %dma_wait3A_181 = arith.constant 0 : i32
      %dma_wait3A_182 = tpu.memref_slice %arg7[%add3A_129, %dma_wait3A_181] : memref<80x128xi32, #tpu.memory_space<vmem>> -> memref<1x128xi32, #tpu.memory_space<vmem>>
      %dma_wait3A_183 = tpu.memref_squeeze %dma_wait3A_182 : memref<1x128xi32, #tpu.memory_space<vmem>> -> memref<128xi32, #tpu.memory_space<vmem>>
      %dma_wait3A_184 = arith.constant 0 : i32
      %dma_wait3A_185 = arith.constant 0 : i32
      %dma_wait3A_186 = tpu.memref_slice %arg12[%dma_wait3A_184, %dma_wait3A_185] : memref<10240x32xf32, #tpu.memory_space<vmem_shared>> -> memref<10240x32xf32, #tpu.memory_space<vmem_shared>>
      tpu.wait_indirect_dma semaphore(%arg13 : memref<!tpu.dma_semaphore, #tpu.memory_space<semaphore_mem>>) src(%dma_wait3A_186 : memref<10240x32xf32, #tpu.memory_space<vmem_shared>>) dst(%dma_wait3A_180 : memref<128x32xf32, #tpu.memory_space<vmem>>)
      %add3A_187 = arith.constant 0 : i32
      %add3A_188 = arith.addi %add3A_89, %add3A_187 : i32
      %dma_start3A_189 = arith.constant 0 : i32
      %dma_start3A_190 = arith.constant 0 : i32
      %dma_start3A_191 = arith.constant 0 : i32
      %dma_start3A_192 = tpu.memref_slice %arg9[%dma_start3A_189, %dma_start3A_190, %dma_start3A_191] : memref<8x128x32xf32, #tpu.memory_space<vmem>> -> memref<1x128x32xf32, #tpu.memory_space<vmem>>
      %dma_start3A_193 = tpu.memref_squeeze %dma_start3A_192 : memref<1x128x32xf32, #tpu.memory_space<vmem>> -> memref<128x32xf32, #tpu.memory_space<vmem>>
      %dma_start3A_194 = arith.constant 0 : i32
      %dma_start3A_195 = tpu.memref_slice %arg8[%add3A_188, %dma_start3A_194] : memref<80x128xi32, #tpu.memory_space<vmem>> -> memref<1x128xi32, #tpu.memory_space<vmem>>
      %dma_start3A_196 = tpu.memref_squeeze %dma_start3A_195 : memref<1x128xi32, #tpu.memory_space<vmem>> -> memref<128xi32, #tpu.memory_space<vmem>>
      %dma_start3A_197 = arith.constant 0 : i32
      %dma_start3A_198 = arith.constant 0 : i32
      %dma_start3A_199 = tpu.memref_slice %arg11[%dma_start3A_197, %dma_start3A_198] : memref<10240x32xf32, #tpu.memory_space<vmem_shared>> -> memref<10240x32xf32, #tpu.memory_space<vmem_shared>>
      tpu.enqueue_indirect_dma source(%dma_start3A_193 : memref<128x32xf32, #tpu.memory_space<vmem>>) target(%dma_start3A_199 : memref<10240x32xf32, #tpu.memory_space<vmem_shared>>) offsets(%dma_start3A_196 : memref<128xi32, #tpu.memory_space<vmem>>) semaphore(%arg14 : memref<!tpu.dma_semaphore, #tpu.memory_space<semaphore_mem>>) {add = true}
      %add3A_200 = arith.constant 1 : i32
      %add3A_201 = arith.addi %add3A_89, %add3A_200 : i32
      %dma_start3A_202 = arith.constant 1 : i32
      %dma_start3A_203 = arith.constant 0 : i32
      %dma_start3A_204 = arith.constant 0 : i32
      %dma_start3A_205 = tpu.memref_slice %arg9[%dma_start3A_202, %dma_start3A_203, %dma_start3A_204] : memref<8x128x32xf32, #tpu.memory_space<vmem>> -> memref<1x128x32xf32, #tpu.memory_space<vmem>>
      %dma_start3A_206 = tpu.memref_squeeze %dma_start3A_205 : memref<1x128x32xf32, #tpu.memory_space<vmem>> -> memref<128x32xf32, #tpu.memory_space<vmem>>
      %dma_start3A_207 = arith.constant 0 : i32
      %dma_start3A_208 = tpu.memref_slice %arg8[%add3A_201, %dma_start3A_207] : memref<80x128xi32, #tpu.memory_space<vmem>> -> memref<1x128xi32, #tpu.memory_space<vmem>>
      %dma_start3A_209 = tpu.memref_squeeze %dma_start3A_208 : memref<1x128xi32, #tpu.memory_space<vmem>> -> memref<128xi32, #tpu.memory_space<vmem>>
      %dma_start3A_210 = arith.constant 0 : i32
      %dma_start3A_211 = arith.constant 0 : i32
      %dma_start3A_212 = tpu.memref_slice %arg11[%dma_start3A_210, %dma_start3A_211] : memref<10240x32xf32, #tpu.memory_space<vmem_shared>> -> memref<10240x32xf32, #tpu.memory_space<vmem_shared>>
      tpu.enqueue_indirect_dma source(%dma_start3A_206 : memref<128x32xf32, #tpu.memory_space<vmem>>) target(%dma_start3A_212 : memref<10240x32xf32, #tpu.memory_space<vmem_shared>>) offsets(%dma_start3A_209 : memref<128xi32, #tpu.memory_space<vmem>>) semaphore(%arg14 : memref<!tpu.dma_semaphore, #tpu.memory_space<semaphore_mem>>) {add = true}
      %add3A_213 = arith.constant 2 : i32
      %add3A_214 = arith.addi %add3A_89, %add3A_213 : i32
      %dma_start3A_215 = arith.constant 2 : i32
      %dma_start3A_216 = arith.constant 0 : i32
      %dma_start3A_217 = arith.constant 0 : i32
      %dma_start3A_218 = tpu.memref_slice %arg9[%dma_start3A_215, %dma_start3A_216, %dma_start3A_217] : memref<8x128x32xf32, #tpu.memory_space<vmem>> -> memref<1x128x32xf32, #tpu.memory_space<vmem>>
      %dma_start3A_219 = tpu.memref_squeeze %dma_start3A_218 : memref<1x128x32xf32, #tpu.memory_space<vmem>> -> memref<128x32xf32, #tpu.memory_space<vmem>>
      %dma_start3A_220 = arith.constant 0 : i32
      %dma_start3A_221 = tpu.memref_slice %arg8[%add3A_214, %dma_start3A_220] : memref<80x128xi32, #tpu.memory_space<vmem>> -> memref<1x128xi32, #tpu.memory_space<vmem>>
      %dma_start3A_222 = tpu.memref_squeeze %dma_start3A_221 : memref<1x128xi32, #tpu.memory_space<vmem>> -> memref<128xi32, #tpu.memory_space<vmem>>
      %dma_start3A_223 = arith.constant 0 : i32
      %dma_start3A_224 = arith.constant 0 : i32
      %dma_start3A_225 = tpu.memref_slice %arg11[%dma_start3A_223, %dma_start3A_224] : memref<10240x32xf32, #tpu.memory_space<vmem_shared>> -> memref<10240x32xf32, #tpu.memory_space<vmem_shared>>
      tpu.enqueue_indirect_dma source(%dma_start3A_219 : memref<128x32xf32, #tpu.memory_space<vmem>>) target(%dma_start3A_225 : memref<10240x32xf32, #tpu.memory_space<vmem_shared>>) offsets(%dma_start3A_222 : memref<128xi32, #tpu.memory_space<vmem>>) semaphore(%arg14 : memref<!tpu.dma_semaphore, #tpu.memory_space<semaphore_mem>>) {add = true}
      %add3A_226 = arith.constant 3 : i32
      %add3A_227 = arith.addi %add3A_89, %add3A_226 : i32
      %dma_start3A_228 = arith.constant 3 : i32
      %dma_start3A_229 = arith.constant 0 : i32
      %dma_start3A_230 = arith.constant 0 : i32
      %dma_start3A_231 = tpu.memref_slice %arg9[%dma_start3A_228, %dma_start3A_229, %dma_start3A_230] : memref<8x128x32xf32, #tpu.memory_space<vmem>> -> memref<1x128x32xf32, #tpu.memory_space<vmem>>
      %dma_start3A_232 = tpu.memref_squeeze %dma_start3A_231 : memref<1x128x32xf32, #tpu.memory_space<vmem>> -> memref<128x32xf32, #tpu.memory_space<vmem>>
      %dma_start3A_233 = arith.constant 0 : i32
      %dma_start3A_234 = tpu.memref_slice %arg8[%add3A_227, %dma_start3A_233] : memref<80x128xi32, #tpu.memory_space<vmem>> -> memref<1x128xi32, #tpu.memory_space<vmem>>
      %dma_start3A_235 = tpu.memref_squeeze %dma_start3A_234 : memref<1x128xi32, #tpu.memory_space<vmem>> -> memref<128xi32, #tpu.memory_space<vmem>>
      %dma_start3A_236 = arith.constant 0 : i32
      %dma_start3A_237 = arith.constant 0 : i32
      %dma_start3A_238 = tpu.memref_slice %arg11[%dma_start3A_236, %dma_start3A_237] : memref<10240x32xf32, #tpu.memory_space<vmem_shared>> -> memref<10240x32xf32, #tpu.memory_space<vmem_shared>>
      tpu.enqueue_indirect_dma source(%dma_start3A_232 : memref<128x32xf32, #tpu.memory_space<vmem>>) target(%dma_start3A_238 : memref<10240x32xf32, #tpu.memory_space<vmem_shared>>) offsets(%dma_start3A_235 : memref<128xi32, #tpu.memory_space<vmem>>) semaphore(%arg14 : memref<!tpu.dma_semaphore, #tpu.memory_space<semaphore_mem>>) {add = true}
      %add3A_239 = arith.constant 4 : i32
      %add3A_240 = arith.addi %mul3A_87, %add3A_239 : i32
      %add3A_241 = arith.constant 0 : i32
      %add3A_242 = arith.addi %add3A_240, %add3A_241 : i32
      %dma_start3A_243 = arith.constant 4 : i32
      %dma_start3A_244 = arith.constant 0 : i32
      %dma_start3A_245 = arith.constant 0 : i32
      %dma_start3A_246 = tpu.memref_slice %arg9[%dma_start3A_243, %dma_start3A_244, %dma_start3A_245] : memref<8x128x32xf32, #tpu.memory_space<vmem>> -> memref<1x128x32xf32, #tpu.memory_space<vmem>>
      %dma_start3A_247 = tpu.memref_squeeze %dma_start3A_246 : memref<1x128x32xf32, #tpu.memory_space<vmem>> -> memref<128x32xf32, #tpu.memory_space<vmem>>
      %dma_start3A_248 = arith.constant 0 : i32
      %dma_start3A_249 = tpu.memref_slice %arg7[%add3A_242, %dma_start3A_248] : memref<80x128xi32, #tpu.memory_space<vmem>> -> memref<1x128xi32, #tpu.memory_space<vmem>>
      %dma_start3A_250 = tpu.memref_squeeze %dma_start3A_249 : memref<1x128xi32, #tpu.memory_space<vmem>> -> memref<128xi32, #tpu.memory_space<vmem>>
      %dma_start3A_251 = arith.constant 0 : i32
      %dma_start3A_252 = arith.constant 0 : i32
      %dma_start3A_253 = tpu.memref_slice %arg12[%dma_start3A_251, %dma_start3A_252] : memref<10240x32xf32, #tpu.memory_space<vmem_shared>> -> memref<10240x32xf32, #tpu.memory_space<vmem_shared>>
      tpu.enqueue_indirect_dma source(%dma_start3A_253 : memref<10240x32xf32, #tpu.memory_space<vmem_shared>>) target(%dma_start3A_247 : memref<128x32xf32, #tpu.memory_space<vmem>>) offsets(%dma_start3A_250 : memref<128xi32, #tpu.memory_space<vmem>>) semaphore(%arg13 : memref<!tpu.dma_semaphore, #tpu.memory_space<semaphore_mem>>)
      %add3A_254 = arith.constant 1 : i32
      %add3A_255 = arith.addi %add3A_240, %add3A_254 : i32
      %dma_start3A_256 = arith.constant 5 : i32
      %dma_start3A_257 = arith.constant 0 : i32
      %dma_start3A_258 = arith.constant 0 : i32
      %dma_start3A_259 = tpu.memref_slice %arg9[%dma_start3A_256, %dma_start3A_257, %dma_start3A_258] : memref<8x128x32xf32, #tpu.memory_space<vmem>> -> memref<1x128x32xf32, #tpu.memory_space<vmem>>
      %dma_start3A_260 = tpu.memref_squeeze %dma_start3A_259 : memref<1x128x32xf32, #tpu.memory_space<vmem>> -> memref<128x32xf32, #tpu.memory_space<vmem>>
      %dma_start3A_261 = arith.constant 0 : i32
      %dma_start3A_262 = tpu.memref_slice %arg7[%add3A_255, %dma_start3A_261] : memref<80x128xi32, #tpu.memory_space<vmem>> -> memref<1x128xi32, #tpu.memory_space<vmem>>
      %dma_start3A_263 = tpu.memref_squeeze %dma_start3A_262 : memref<1x128xi32, #tpu.memory_space<vmem>> -> memref<128xi32, #tpu.memory_space<vmem>>
      %dma_start3A_264 = arith.constant 0 : i32
      %dma_start3A_265 = arith.constant 0 : i32
      %dma_start3A_266 = tpu.memref_slice %arg12[%dma_start3A_264, %dma_start3A_265] : memref<10240x32xf32, #tpu.memory_space<vmem_shared>> -> memref<10240x32xf32, #tpu.memory_space<vmem_shared>>
      tpu.enqueue_indirect_dma source(%dma_start3A_266 : memref<10240x32xf32, #tpu.memory_space<vmem_shared>>) target(%dma_start3A_260 : memref<128x32xf32, #tpu.memory_space<vmem>>) offsets(%dma_start3A_263 : memref<128xi32, #tpu.memory_space<vmem>>) semaphore(%arg13 : memref<!tpu.dma_semaphore, #tpu.memory_space<semaphore_mem>>)
      %add3A_267 = arith.constant 2 : i32
      %add3A_268 = arith.addi %add3A_240, %add3A_267 : i32
      %dma_start3A_269 = arith.constant 6 : i32
      %dma_start3A_270 = arith.constant 0 : i32
      %dma_start3A_271 = arith.constant 0 : i32
      %dma_start3A_272 = tpu.memref_slice %arg9[%dma_start3A_269, %dma_start3A_270, %dma_start3A_271] : memref<8x128x32xf32, #tpu.memory_space<vmem>> -> memref<1x128x32xf32, #tpu.memory_space<vmem>>
      %dma_start3A_273 = tpu.memref_squeeze %dma_start3A_272 : memref<1x128x32xf32, #tpu.memory_space<vmem>> -> memref<128x32xf32, #tpu.memory_space<vmem>>
      %dma_start3A_274 = arith.constant 0 : i32
      %dma_start3A_275 = tpu.memref_slice %arg7[%add3A_268, %dma_start3A_274] : memref<80x128xi32, #tpu.memory_space<vmem>> -> memref<1x128xi32, #tpu.memory_space<vmem>>
      %dma_start3A_276 = tpu.memref_squeeze %dma_start3A_275 : memref<1x128xi32, #tpu.memory_space<vmem>> -> memref<128xi32, #tpu.memory_space<vmem>>
      %dma_start3A_277 = arith.constant 0 : i32
      %dma_start3A_278 = arith.constant 0 : i32
      %dma_start3A_279 = tpu.memref_slice %arg12[%dma_start3A_277, %dma_start3A_278] : memref<10240x32xf32, #tpu.memory_space<vmem_shared>> -> memref<10240x32xf32, #tpu.memory_space<vmem_shared>>
      tpu.enqueue_indirect_dma source(%dma_start3A_279 : memref<10240x32xf32, #tpu.memory_space<vmem_shared>>) target(%dma_start3A_273 : memref<128x32xf32, #tpu.memory_space<vmem>>) offsets(%dma_start3A_276 : memref<128xi32, #tpu.memory_space<vmem>>) semaphore(%arg13 : memref<!tpu.dma_semaphore, #tpu.memory_space<semaphore_mem>>)
      %add3A_280 = arith.constant 3 : i32
      %add3A_281 = arith.addi %add3A_240, %add3A_280 : i32
      %dma_start3A_282 = arith.constant 7 : i32
      %dma_start3A_283 = arith.constant 0 : i32
      %dma_start3A_284 = arith.constant 0 : i32
      %dma_start3A_285 = tpu.memref_slice %arg9[%dma_start3A_282, %dma_start3A_283, %dma_start3A_284] : memref<8x128x32xf32, #tpu.memory_space<vmem>> -> memref<1x128x32xf32, #tpu.memory_space<vmem>>
      %dma_start3A_286 = tpu.memref_squeeze %dma_start3A_285 : memref<1x128x32xf32, #tpu.memory_space<vmem>> -> memref<128x32xf32, #tpu.memory_space<vmem>>
      %dma_start3A_287 = arith.constant 0 : i32
      %dma_start3A_288 = tpu.memref_slice %arg7[%add3A_281, %dma_start3A_287] : memref<80x128xi32, #tpu.memory_space<vmem>> -> memref<1x128xi32, #tpu.memory_space<vmem>>
      %dma_start3A_289 = tpu.memref_squeeze %dma_start3A_288 : memref<1x128xi32, #tpu.memory_space<vmem>> -> memref<128xi32, #tpu.memory_space<vmem>>
      %dma_start3A_290 = arith.constant 0 : i32
      %dma_start3A_291 = arith.constant 0 : i32
      %dma_start3A_292 = tpu.memref_slice %arg12[%dma_start3A_290, %dma_start3A_291] : memref<10240x32xf32, #tpu.memory_space<vmem_shared>> -> memref<10240x32xf32, #tpu.memory_space<vmem_shared>>
      tpu.enqueue_indirect_dma source(%dma_start3A_292 : memref<10240x32xf32, #tpu.memory_space<vmem_shared>>) target(%dma_start3A_286 : memref<128x32xf32, #tpu.memory_space<vmem>>) offsets(%dma_start3A_289 : memref<128xi32, #tpu.memory_space<vmem>>) semaphore(%arg13 : memref<!tpu.dma_semaphore, #tpu.memory_space<semaphore_mem>>)
      %dma_wait3A_293 = arith.constant 0 : i32
      %dma_wait3A_294 = arith.constant 0 : i32
      %dma_wait3A_295 = arith.constant 0 : i32
      %dma_wait3A_296 = tpu.memref_slice %arg9[%dma_wait3A_293, %dma_wait3A_294, %dma_wait3A_295] : memref<8x128x32xf32, #tpu.memory_space<vmem>> -> memref<1x128x32xf32, #tpu.memory_space<vmem>>
      %dma_wait3A_297 = tpu.memref_squeeze %dma_wait3A_296 : memref<1x128x32xf32, #tpu.memory_space<vmem>> -> memref<128x32xf32, #tpu.memory_space<vmem>>
      %dma_wait3A_298 = arith.constant 0 : i32
      %dma_wait3A_299 = arith.constant 0 : i32
      %dma_wait3A_300 = tpu.memref_slice %arg5[%dma_wait3A_298, %dma_wait3A_299] : memref<10240x32xf32, #tpu.memory_space<hbm>> -> memref<128x32xf32, #tpu.memory_space<hbm>>
      %dma_wait3A_301 = arith.constant 0 : i32
      %dma_wait3A_302 = arith.constant 0 : i32
      %dma_wait3A_303 = tpu.memref_slice %arg9[%dma_wait3A_293, %dma_wait3A_301, %dma_wait3A_302] : memref<8x128x32xf32, #tpu.memory_space<vmem>> -> memref<1x128x32xf32, #tpu.memory_space<vmem>>
      %dma_wait3A_304 = tpu.memref_squeeze %dma_wait3A_303 : memref<1x128x32xf32, #tpu.memory_space<vmem>> -> memref<128x32xf32, #tpu.memory_space<vmem>>
      %dma_wait3A_305 = arith.constant 0 : i32
      %dma_wait3A_306 = arith.constant 0 : i32
      %dma_wait3A_307 = tpu.memref_slice %arg5[%dma_wait3A_305, %dma_wait3A_306] : memref<10240x32xf32, #tpu.memory_space<hbm>> -> memref<128x32xf32, #tpu.memory_space<hbm>>
      tpu.wait_dma2 semaphore(%arg14 : memref<!tpu.dma_semaphore, #tpu.memory_space<semaphore_mem>>) src(%dma_wait3A_307 : memref<128x32xf32, #tpu.memory_space<hbm>>) dst(%dma_wait3A_304 : memref<128x32xf32, #tpu.memory_space<vmem>>)
      %dma_wait3A_308 = arith.constant 0 : i32
      %dma_wait3A_309 = arith.constant 0 : i32
      %dma_wait3A_310 = arith.constant 0 : i32
      %dma_wait3A_311 = tpu.memref_slice %arg9[%dma_wait3A_308, %dma_wait3A_309, %dma_wait3A_310] : memref<8x128x32xf32, #tpu.memory_space<vmem>> -> memref<1x128x32xf32, #tpu.memory_space<vmem>>
      %dma_wait3A_312 = tpu.memref_squeeze %dma_wait3A_311 : memref<1x128x32xf32, #tpu.memory_space<vmem>> -> memref<128x32xf32, #tpu.memory_space<vmem>>
      %dma_wait3A_313 = arith.constant 0 : i32
      %dma_wait3A_314 = arith.constant 0 : i32
      %dma_wait3A_315 = tpu.memref_slice %arg5[%dma_wait3A_313, %dma_wait3A_314] : memref<10240x32xf32, #tpu.memory_space<hbm>> -> memref<128x32xf32, #tpu.memory_space<hbm>>
      %dma_wait3A_316 = arith.constant 0 : i32
      %dma_wait3A_317 = arith.constant 0 : i32
      %dma_wait3A_318 = tpu.memref_slice %arg9[%dma_wait3A_308, %dma_wait3A_316, %dma_wait3A_317] : memref<8x128x32xf32, #tpu.memory_space<vmem>> -> memref<1x128x32xf32, #tpu.memory_space<vmem>>
      %dma_wait3A_319 = tpu.memref_squeeze %dma_wait3A_318 : memref<1x128x32xf32, #tpu.memory_space<vmem>> -> memref<128x32xf32, #tpu.memory_space<vmem>>
      %dma_wait3A_320 = arith.constant 0 : i32
      %dma_wait3A_321 = arith.constant 0 : i32
      %dma_wait3A_322 = tpu.memref_slice %arg5[%dma_wait3A_320, %dma_wait3A_321] : memref<10240x32xf32, #tpu.memory_space<hbm>> -> memref<128x32xf32, #tpu.memory_space<hbm>>
      tpu.wait_dma2 semaphore(%arg14 : memref<!tpu.dma_semaphore, #tpu.memory_space<semaphore_mem>>) src(%dma_wait3A_322 : memref<128x32xf32, #tpu.memory_space<hbm>>) dst(%dma_wait3A_319 : memref<128x32xf32, #tpu.memory_space<vmem>>)
      %dma_wait3A_323 = arith.constant 0 : i32
      %dma_wait3A_324 = arith.constant 0 : i32
      %dma_wait3A_325 = arith.constant 0 : i32
      %dma_wait3A_326 = tpu.memref_slice %arg9[%dma_wait3A_323, %dma_wait3A_324, %dma_wait3A_325] : memref<8x128x32xf32, #tpu.memory_space<vmem>> -> memref<1x128x32xf32, #tpu.memory_space<vmem>>
      %dma_wait3A_327 = tpu.memref_squeeze %dma_wait3A_326 : memref<1x128x32xf32, #tpu.memory_space<vmem>> -> memref<128x32xf32, #tpu.memory_space<vmem>>
      %dma_wait3A_328 = arith.constant 0 : i32
      %dma_wait3A_329 = arith.constant 0 : i32
      %dma_wait3A_330 = tpu.memref_slice %arg5[%dma_wait3A_328, %dma_wait3A_329] : memref<10240x32xf32, #tpu.memory_space<hbm>> -> memref<128x32xf32, #tpu.memory_space<hbm>>
      %dma_wait3A_331 = arith.constant 0 : i32
      %dma_wait3A_332 = arith.constant 0 : i32
      %dma_wait3A_333 = tpu.memref_slice %arg9[%dma_wait3A_323, %dma_wait3A_331, %dma_wait3A_332] : memref<8x128x32xf32, #tpu.memory_space<vmem>> -> memref<1x128x32xf32, #tpu.memory_space<vmem>>
      %dma_wait3A_334 = tpu.memref_squeeze %dma_wait3A_333 : memref<1x128x32xf32, #tpu.memory_space<vmem>> -> memref<128x32xf32, #tpu.memory_space<vmem>>
      %dma_wait3A_335 = arith.constant 0 : i32
      %dma_wait3A_336 = arith.constant 0 : i32
      %dma_wait3A_337 = tpu.memref_slice %arg5[%dma_wait3A_335, %dma_wait3A_336] : memref<10240x32xf32, #tpu.memory_space<hbm>> -> memref<128x32xf32, #tpu.memory_space<hbm>>
      tpu.wait_dma2 semaphore(%arg14 : memref<!tpu.dma_semaphore, #tpu.memory_space<semaphore_mem>>) src(%dma_wait3A_337 : memref<128x32xf32, #tpu.memory_space<hbm>>) dst(%dma_wait3A_334 : memref<128x32xf32, #tpu.memory_space<vmem>>)
      %dma_wait3A_338 = arith.constant 0 : i32
      %dma_wait3A_339 = arith.constant 0 : i32
      %dma_wait3A_340 = arith.constant 0 : i32
      %dma_wait3A_341 = tpu.memref_slice %arg9[%dma_wait3A_338, %dma_wait3A_339, %dma_wait3A_340] : memref<8x128x32xf32, #tpu.memory_space<vmem>> -> memref<1x128x32xf32, #tpu.memory_space<vmem>>
      %dma_wait3A_342 = tpu.memref_squeeze %dma_wait3A_341 : memref<1x128x32xf32, #tpu.memory_space<vmem>> -> memref<128x32xf32, #tpu.memory_space<vmem>>
      %dma_wait3A_343 = arith.constant 0 : i32
      %dma_wait3A_344 = arith.constant 0 : i32
      %dma_wait3A_345 = tpu.memref_slice %arg5[%dma_wait3A_343, %dma_wait3A_344] : memref<10240x32xf32, #tpu.memory_space<hbm>> -> memref<128x32xf32, #tpu.memory_space<hbm>>
      %dma_wait3A_346 = arith.constant 0 : i32
      %dma_wait3A_347 = arith.constant 0 : i32
      %dma_wait3A_348 = tpu.memref_slice %arg9[%dma_wait3A_338, %dma_wait3A_346, %dma_wait3A_347] : memref<8x128x32xf32, #tpu.memory_space<vmem>> -> memref<1x128x32xf32, #tpu.memory_space<vmem>>
      %dma_wait3A_349 = tpu.memref_squeeze %dma_wait3A_348 : memref<1x128x32xf32, #tpu.memory_space<vmem>> -> memref<128x32xf32, #tpu.memory_space<vmem>>
      %dma_wait3A_350 = arith.constant 0 : i32
      %dma_wait3A_351 = arith.constant 0 : i32
      %dma_wait3A_352 = tpu.memref_slice %arg5[%dma_wait3A_350, %dma_wait3A_351] : memref<10240x32xf32, #tpu.memory_space<hbm>> -> memref<128x32xf32, #tpu.memory_space<hbm>>
      tpu.wait_dma2 semaphore(%arg14 : memref<!tpu.dma_semaphore, #tpu.memory_space<semaphore_mem>>) src(%dma_wait3A_352 : memref<128x32xf32, #tpu.memory_space<hbm>>) dst(%dma_wait3A_349 : memref<128x32xf32, #tpu.memory_space<vmem>>)
      %dma_wait3A_353 = arith.constant 4 : i32
      %dma_wait3A_354 = arith.constant 0 : i32
      %dma_wait3A_355 = arith.constant 0 : i32
      %dma_wait3A_356 = tpu.memref_slice %arg9[%dma_wait3A_353, %dma_wait3A_354, %dma_wait3A_355] : memref<8x128x32xf32, #tpu.memory_space<vmem>> -> memref<1x128x32xf32, #tpu.memory_space<vmem>>
      %dma_wait3A_357 = tpu.memref_squeeze %dma_wait3A_356 : memref<1x128x32xf32, #tpu.memory_space<vmem>> -> memref<128x32xf32, #tpu.memory_space<vmem>>
      %dma_wait3A_358 = arith.constant 0 : i32
      %dma_wait3A_359 = tpu.memref_slice %arg7[%add3A_242, %dma_wait3A_358] : memref<80x128xi32, #tpu.memory_space<vmem>> -> memref<1x128xi32, #tpu.memory_space<vmem>>
      %dma_wait3A_360 = tpu.memref_squeeze %dma_wait3A_359 : memref<1x128xi32, #tpu.memory_space<vmem>> -> memref<128xi32, #tpu.memory_space<vmem>>
      %dma_wait3A_361 = arith.constant 0 : i32
      %dma_wait3A_362 = arith.constant 0 : i32
      %dma_wait3A_363 = tpu.memref_slice %arg12[%dma_wait3A_361, %dma_wait3A_362] : memref<10240x32xf32, #tpu.memory_space<vmem_shared>> -> memref<10240x32xf32, #tpu.memory_space<vmem_shared>>
      tpu.wait_indirect_dma semaphore(%arg13 : memref<!tpu.dma_semaphore, #tpu.memory_space<semaphore_mem>>) src(%dma_wait3A_363 : memref<10240x32xf32, #tpu.memory_space<vmem_shared>>) dst(%dma_wait3A_357 : memref<128x32xf32, #tpu.memory_space<vmem>>)
      %dma_wait3A_364 = arith.constant 5 : i32
      %dma_wait3A_365 = arith.constant 0 : i32
      %dma_wait3A_366 = arith.constant 0 : i32
      %dma_wait3A_367 = tpu.memref_slice %arg9[%dma_wait3A_364, %dma_wait3A_365, %dma_wait3A_366] : memref<8x128x32xf32, #tpu.memory_space<vmem>> -> memref<1x128x32xf32, #tpu.memory_space<vmem>>
      %dma_wait3A_368 = tpu.memref_squeeze %dma_wait3A_367 : memref<1x128x32xf32, #tpu.memory_space<vmem>> -> memref<128x32xf32, #tpu.memory_space<vmem>>
      %dma_wait3A_369 = arith.constant 0 : i32
      %dma_wait3A_370 = tpu.memref_slice %arg7[%add3A_255, %dma_wait3A_369] : memref<80x128xi32, #tpu.memory_space<vmem>> -> memref<1x128xi32, #tpu.memory_space<vmem>>
      %dma_wait3A_371 = tpu.memref_squeeze %dma_wait3A_370 : memref<1x128xi32, #tpu.memory_space<vmem>> -> memref<128xi32, #tpu.memory_space<vmem>>
      %dma_wait3A_372 = arith.constant 0 : i32
      %dma_wait3A_373 = arith.constant 0 : i32
      %dma_wait3A_374 = tpu.memref_slice %arg12[%dma_wait3A_372, %dma_wait3A_373] : memref<10240x32xf32, #tpu.memory_space<vmem_shared>> -> memref<10240x32xf32, #tpu.memory_space<vmem_shared>>
      tpu.wait_indirect_dma semaphore(%arg13 : memref<!tpu.dma_semaphore, #tpu.memory_space<semaphore_mem>>) src(%dma_wait3A_374 : memref<10240x32xf32, #tpu.memory_space<vmem_shared>>) dst(%dma_wait3A_368 : memref<128x32xf32, #tpu.memory_space<vmem>>)
      %dma_wait3A_375 = arith.constant 6 : i32
      %dma_wait3A_376 = arith.constant 0 : i32
      %dma_wait3A_377 = arith.constant 0 : i32
      %dma_wait3A_378 = tpu.memref_slice %arg9[%dma_wait3A_375, %dma_wait3A_376, %dma_wait3A_377] : memref<8x128x32xf32, #tpu.memory_space<vmem>> -> memref<1x128x32xf32, #tpu.memory_space<vmem>>
      %dma_wait3A_379 = tpu.memref_squeeze %dma_wait3A_378 : memref<1x128x32xf32, #tpu.memory_space<vmem>> -> memref<128x32xf32, #tpu.memory_space<vmem>>
      %dma_wait3A_380 = arith.constant 0 : i32
      %dma_wait3A_381 = tpu.memref_slice %arg7[%add3A_268, %dma_wait3A_380] : memref<80x128xi32, #tpu.memory_space<vmem>> -> memref<1x128xi32, #tpu.memory_space<vmem>>
      %dma_wait3A_382 = tpu.memref_squeeze %dma_wait3A_381 : memref<1x128xi32, #tpu.memory_space<vmem>> -> memref<128xi32, #tpu.memory_space<vmem>>
      %dma_wait3A_383 = arith.constant 0 : i32
      %dma_wait3A_384 = arith.constant 0 : i32
      %dma_wait3A_385 = tpu.memref_slice %arg12[%dma_wait3A_383, %dma_wait3A_384] : memref<10240x32xf32, #tpu.memory_space<vmem_shared>> -> memref<10240x32xf32, #tpu.memory_space<vmem_shared>>
      tpu.wait_indirect_dma semaphore(%arg13 : memref<!tpu.dma_semaphore, #tpu.memory_space<semaphore_mem>>) src(%dma_wait3A_385 : memref<10240x32xf32, #tpu.memory_space<vmem_shared>>) dst(%dma_wait3A_379 : memref<128x32xf32, #tpu.memory_space<vmem>>)
      %dma_wait3A_386 = arith.constant 7 : i32
      %dma_wait3A_387 = arith.constant 0 : i32
      %dma_wait3A_388 = arith.constant 0 : i32
      %dma_wait3A_389 = tpu.memref_slice %arg9[%dma_wait3A_386, %dma_wait3A_387, %dma_wait3A_388] : memref<8x128x32xf32, #tpu.memory_space<vmem>> -> memref<1x128x32xf32, #tpu.memory_space<vmem>>
      %dma_wait3A_390 = tpu.memref_squeeze %dma_wait3A_389 : memref<1x128x32xf32, #tpu.memory_space<vmem>> -> memref<128x32xf32, #tpu.memory_space<vmem>>
      %dma_wait3A_391 = arith.constant 0 : i32
      %dma_wait3A_392 = tpu.memref_slice %arg7[%add3A_281, %dma_wait3A_391] : memref<80x128xi32, #tpu.memory_space<vmem>> -> memref<1x128xi32, #tpu.memory_space<vmem>>
      %dma_wait3A_393 = tpu.memref_squeeze %dma_wait3A_392 : memref<1x128xi32, #tpu.memory_space<vmem>> -> memref<128xi32, #tpu.memory_space<vmem>>
      %dma_wait3A_394 = arith.constant 0 : i32
      %dma_wait3A_395 = arith.constant 0 : i32
      %dma_wait3A_396 = tpu.memref_slice %arg12[%dma_wait3A_394, %dma_wait3A_395] : memref<10240x32xf32, #tpu.memory_space<vmem_shared>> -> memref<10240x32xf32, #tpu.memory_space<vmem_shared>>
      tpu.wait_indirect_dma semaphore(%arg13 : memref<!tpu.dma_semaphore, #tpu.memory_space<semaphore_mem>>) src(%dma_wait3A_396 : memref<10240x32xf32, #tpu.memory_space<vmem_shared>>) dst(%dma_wait3A_390 : memref<128x32xf32, #tpu.memory_space<vmem>>)
      %add3A_397 = arith.constant 0 : i32
      %add3A_398 = arith.addi %add3A_240, %add3A_397 : i32
      %dma_start3A_399 = arith.constant 4 : i32
      %dma_start3A_400 = arith.constant 0 : i32
      %dma_start3A_401 = arith.constant 0 : i32
      %dma_start3A_402 = tpu.memref_slice %arg9[%dma_start3A_399, %dma_start3A_400, %dma_start3A_401] : memref<8x128x32xf32, #tpu.memory_space<vmem>> -> memref<1x128x32xf32, #tpu.memory_space<vmem>>
      %dma_start3A_403 = tpu.memref_squeeze %dma_start3A_402 : memref<1x128x32xf32, #tpu.memory_space<vmem>> -> memref<128x32xf32, #tpu.memory_space<vmem>>
      %dma_start3A_404 = arith.constant 0 : i32
      %dma_start3A_405 = tpu.memref_slice %arg8[%add3A_398, %dma_start3A_404] : memref<80x128xi32, #tpu.memory_space<vmem>> -> memref<1x128xi32, #tpu.memory_space<vmem>>
      %dma_start3A_406 = tpu.memref_squeeze %dma_start3A_405 : memref<1x128xi32, #tpu.memory_space<vmem>> -> memref<128xi32, #tpu.memory_space<vmem>>
      %dma_start3A_407 = arith.constant 0 : i32
      %dma_start3A_408 = arith.constant 0 : i32
      %dma_start3A_409 = tpu.memref_slice %arg11[%dma_start3A_407, %dma_start3A_408] : memref<10240x32xf32, #tpu.memory_space<vmem_shared>> -> memref<10240x32xf32, #tpu.memory_space<vmem_shared>>
      tpu.enqueue_indirect_dma source(%dma_start3A_403 : memref<128x32xf32, #tpu.memory_space<vmem>>) target(%dma_start3A_409 : memref<10240x32xf32, #tpu.memory_space<vmem_shared>>) offsets(%dma_start3A_406 : memref<128xi32, #tpu.memory_space<vmem>>) semaphore(%arg14 : memref<!tpu.dma_semaphore, #tpu.memory_space<semaphore_mem>>) {add = true}
      %add3A_410 = arith.constant 1 : i32
      %add3A_411 = arith.addi %add3A_240, %add3A_410 : i32
      %dma_start3A_412 = arith.constant 5 : i32
      %dma_start3A_413 = arith.constant 0 : i32
      %dma_start3A_414 = arith.constant 0 : i32
      %dma_start3A_415 = tpu.memref_slice %arg9[%dma_start3A_412, %dma_start3A_413, %dma_start3A_414] : memref<8x128x32xf32, #tpu.memory_space<vmem>> -> memref<1x128x32xf32, #tpu.memory_space<vmem>>
      %dma_start3A_416 = tpu.memref_squeeze %dma_start3A_415 : memref<1x128x32xf32, #tpu.memory_space<vmem>> -> memref<128x32xf32, #tpu.memory_space<vmem>>
      %dma_start3A_417 = arith.constant 0 : i32
      %dma_start3A_418 = tpu.memref_slice %arg8[%add3A_411, %dma_start3A_417] : memref<80x128xi32, #tpu.memory_space<vmem>> -> memref<1x128xi32, #tpu.memory_space<vmem>>
      %dma_start3A_419 = tpu.memref_squeeze %dma_start3A_418 : memref<1x128xi32, #tpu.memory_space<vmem>> -> memref<128xi32, #tpu.memory_space<vmem>>
      %dma_start3A_420 = arith.constant 0 : i32
      %dma_start3A_421 = arith.constant 0 : i32
      %dma_start3A_422 = tpu.memref_slice %arg11[%dma_start3A_420, %dma_start3A_421] : memref<10240x32xf32, #tpu.memory_space<vmem_shared>> -> memref<10240x32xf32, #tpu.memory_space<vmem_shared>>
      tpu.enqueue_indirect_dma source(%dma_start3A_416 : memref<128x32xf32, #tpu.memory_space<vmem>>) target(%dma_start3A_422 : memref<10240x32xf32, #tpu.memory_space<vmem_shared>>) offsets(%dma_start3A_419 : memref<128xi32, #tpu.memory_space<vmem>>) semaphore(%arg14 : memref<!tpu.dma_semaphore, #tpu.memory_space<semaphore_mem>>) {add = true}
      %add3A_423 = arith.constant 2 : i32
      %add3A_424 = arith.addi %add3A_240, %add3A_423 : i32
      %dma_start3A_425 = arith.constant 6 : i32
      %dma_start3A_426 = arith.constant 0 : i32
      %dma_start3A_427 = arith.constant 0 : i32
      %dma_start3A_428 = tpu.memref_slice %arg9[%dma_start3A_425, %dma_start3A_426, %dma_start3A_427] : memref<8x128x32xf32, #tpu.memory_space<vmem>> -> memref<1x128x32xf32, #tpu.memory_space<vmem>>
      %dma_start3A_429 = tpu.memref_squeeze %dma_start3A_428 : memref<1x128x32xf32, #tpu.memory_space<vmem>> -> memref<128x32xf32, #tpu.memory_space<vmem>>
      %dma_start3A_430 = arith.constant 0 : i32
      %dma_start3A_431 = tpu.memref_slice %arg8[%add3A_424, %dma_start3A_430] : memref<80x128xi32, #tpu.memory_space<vmem>> -> memref<1x128xi32, #tpu.memory_space<vmem>>
      %dma_start3A_432 = tpu.memref_squeeze %dma_start3A_431 : memref<1x128xi32, #tpu.memory_space<vmem>> -> memref<128xi32, #tpu.memory_space<vmem>>
      %dma_start3A_433 = arith.constant 0 : i32
      %dma_start3A_434 = arith.constant 0 : i32
      %dma_start3A_435 = tpu.memref_slice %arg11[%dma_start3A_433, %dma_start3A_434] : memref<10240x32xf32, #tpu.memory_space<vmem_shared>> -> memref<10240x32xf32, #tpu.memory_space<vmem_shared>>
      tpu.enqueue_indirect_dma source(%dma_start3A_429 : memref<128x32xf32, #tpu.memory_space<vmem>>) target(%dma_start3A_435 : memref<10240x32xf32, #tpu.memory_space<vmem_shared>>) offsets(%dma_start3A_432 : memref<128xi32, #tpu.memory_space<vmem>>) semaphore(%arg14 : memref<!tpu.dma_semaphore, #tpu.memory_space<semaphore_mem>>) {add = true}
      %add3A_436 = arith.constant 3 : i32
      %add3A_437 = arith.addi %add3A_240, %add3A_436 : i32
      %dma_start3A_438 = arith.constant 7 : i32
      %dma_start3A_439 = arith.constant 0 : i32
      %dma_start3A_440 = arith.constant 0 : i32
      %dma_start3A_441 = tpu.memref_slice %arg9[%dma_start3A_438, %dma_start3A_439, %dma_start3A_440] : memref<8x128x32xf32, #tpu.memory_space<vmem>> -> memref<1x128x32xf32, #tpu.memory_space<vmem>>
      %dma_start3A_442 = tpu.memref_squeeze %dma_start3A_441 : memref<1x128x32xf32, #tpu.memory_space<vmem>> -> memref<128x32xf32, #tpu.memory_space<vmem>>
      %dma_start3A_443 = arith.constant 0 : i32
      %dma_start3A_444 = tpu.memref_slice %arg8[%add3A_437, %dma_start3A_443] : memref<80x128xi32, #tpu.memory_space<vmem>> -> memref<1x128xi32, #tpu.memory_space<vmem>>
      %dma_start3A_445 = tpu.memref_squeeze %dma_start3A_444 : memref<1x128xi32, #tpu.memory_space<vmem>> -> memref<128xi32, #tpu.memory_space<vmem>>
      %dma_start3A_446 = arith.constant 0 : i32
      %dma_start3A_447 = arith.constant 0 : i32
      %dma_start3A_448 = tpu.memref_slice %arg11[%dma_start3A_446, %dma_start3A_447] : memref<10240x32xf32, #tpu.memory_space<vmem_shared>> -> memref<10240x32xf32, #tpu.memory_space<vmem_shared>>
      tpu.enqueue_indirect_dma source(%dma_start3A_442 : memref<128x32xf32, #tpu.memory_space<vmem>>) target(%dma_start3A_448 : memref<10240x32xf32, #tpu.memory_space<vmem_shared>>) offsets(%dma_start3A_445 : memref<128xi32, #tpu.memory_space<vmem>>) semaphore(%arg14 : memref<!tpu.dma_semaphore, #tpu.memory_space<semaphore_mem>>) {add = true}
    }
    %scan3A_16 = arith.constant 10 : i32
    %dma_wait3A = arith.constant 0 : i32
    %dma_wait3A_17 = arith.constant 0 : i32
    %dma_wait3A_18 = arith.constant 0 : i32
    %dma_wait3A_19 = tpu.memref_slice %arg9[%dma_wait3A, %dma_wait3A_17, %dma_wait3A_18] : memref<8x128x32xf32, #tpu.memory_space<vmem>> -> memref<1x128x32xf32, #tpu.memory_space<vmem>>
    %dma_wait3A_20 = tpu.memref_squeeze %dma_wait3A_19 : memref<1x128x32xf32, #tpu.memory_space<vmem>> -> memref<128x32xf32, #tpu.memory_space<vmem>>
    %dma_wait3A_21 = arith.constant 0 : i32
    %dma_wait3A_22 = arith.constant 0 : i32
    %dma_wait3A_23 = tpu.memref_slice %arg5[%dma_wait3A_21, %dma_wait3A_22] : memref<10240x32xf32, #tpu.memory_space<hbm>> -> memref<128x32xf32, #tpu.memory_space<hbm>>
    %dma_wait3A_24 = arith.constant 0 : i32
    %dma_wait3A_25 = arith.constant 0 : i32
    %dma_wait3A_26 = tpu.memref_slice %arg9[%dma_wait3A, %dma_wait3A_24, %dma_wait3A_25] : memref<8x128x32xf32, #tpu.memory_space<vmem>> -> memref<1x128x32xf32, #tpu.memory_space<vmem>>
    %dma_wait3A_27 = tpu.memref_squeeze %dma_wait3A_26 : memref<1x128x32xf32, #tpu.memory_space<vmem>> -> memref<128x32xf32, #tpu.memory_space<vmem>>
    %dma_wait3A_28 = arith.constant 0 : i32
    %dma_wait3A_29 = arith.constant 0 : i32
    %dma_wait3A_30 = tpu.memref_slice %arg5[%dma_wait3A_28, %dma_wait3A_29] : memref<10240x32xf32, #tpu.memory_space<hbm>> -> memref<128x32xf32, #tpu.memory_space<hbm>>
    tpu.wait_dma2 semaphore(%arg14 : memref<!tpu.dma_semaphore, #tpu.memory_space<semaphore_mem>>) src(%dma_wait3A_30 : memref<128x32xf32, #tpu.memory_space<hbm>>) dst(%dma_wait3A_27 : memref<128x32xf32, #tpu.memory_space<vmem>>)
    %dma_wait3A_31 = arith.constant 0 : i32
    %dma_wait3A_32 = arith.constant 0 : i32
    %dma_wait3A_33 = arith.constant 0 : i32
    %dma_wait3A_34 = tpu.memref_slice %arg9[%dma_wait3A_31, %dma_wait3A_32, %dma_wait3A_33] : memref<8x128x32xf32, #tpu.memory_space<vmem>> -> memref<1x128x32xf32, #tpu.memory_space<vmem>>
    %dma_wait3A_35 = tpu.memref_squeeze %dma_wait3A_34 : memref<1x128x32xf32, #tpu.memory_space<vmem>> -> memref<128x32xf32, #tpu.memory_space<vmem>>
    %dma_wait3A_36 = arith.constant 0 : i32
    %dma_wait3A_37 = arith.constant 0 : i32
    %dma_wait3A_38 = tpu.memref_slice %arg5[%dma_wait3A_36, %dma_wait3A_37] : memref<10240x32xf32, #tpu.memory_space<hbm>> -> memref<128x32xf32, #tpu.memory_space<hbm>>
    %dma_wait3A_39 = arith.constant 0 : i32
    %dma_wait3A_40 = arith.constant 0 : i32
    %dma_wait3A_41 = tpu.memref_slice %arg9[%dma_wait3A_31, %dma_wait3A_39, %dma_wait3A_40] : memref<8x128x32xf32, #tpu.memory_space<vmem>> -> memref<1x128x32xf32, #tpu.memory_space<vmem>>
    %dma_wait3A_42 = tpu.memref_squeeze %dma_wait3A_41 : memref<1x128x32xf32, #tpu.memory_space<vmem>> -> memref<128x32xf32, #tpu.memory_space<vmem>>
    %dma_wait3A_43 = arith.constant 0 : i32
    %dma_wait3A_44 = arith.constant 0 : i32
    %dma_wait3A_45 = tpu.memref_slice %arg5[%dma_wait3A_43, %dma_wait3A_44] : memref<10240x32xf32, #tpu.memory_space<hbm>> -> memref<128x32xf32, #tpu.memory_space<hbm>>
    tpu.wait_dma2 semaphore(%arg14 : memref<!tpu.dma_semaphore, #tpu.memory_space<semaphore_mem>>) src(%dma_wait3A_45 : memref<128x32xf32, #tpu.memory_space<hbm>>) dst(%dma_wait3A_42 : memref<128x32xf32, #tpu.memory_space<vmem>>)
    %dma_wait3A_46 = arith.constant 0 : i32
    %dma_wait3A_47 = arith.constant 0 : i32
    %dma_wait3A_48 = arith.constant 0 : i32
    %dma_wait3A_49 = tpu.memref_slice %arg9[%dma_wait3A_46, %dma_wait3A_47, %dma_wait3A_48] : memref<8x128x32xf32, #tpu.memory_space<vmem>> -> memref<1x128x32xf32, #tpu.memory_space<vmem>>
    %dma_wait3A_50 = tpu.memref_squeeze %dma_wait3A_49 : memref<1x128x32xf32, #tpu.memory_space<vmem>> -> memref<128x32xf32, #tpu.memory_space<vmem>>
    %dma_wait3A_51 = arith.constant 0 : i32
    %dma_wait3A_52 = arith.constant 0 : i32
    %dma_wait3A_53 = tpu.memref_slice %arg5[%dma_wait3A_51, %dma_wait3A_52] : memref<10240x32xf32, #tpu.memory_space<hbm>> -> memref<128x32xf32, #tpu.memory_space<hbm>>
    %dma_wait3A_54 = arith.constant 0 : i32
    %dma_wait3A_55 = arith.constant 0 : i32
    %dma_wait3A_56 = tpu.memref_slice %arg9[%dma_wait3A_46, %dma_wait3A_54, %dma_wait3A_55] : memref<8x128x32xf32, #tpu.memory_space<vmem>> -> memref<1x128x32xf32, #tpu.memory_space<vmem>>
    %dma_wait3A_57 = tpu.memref_squeeze %dma_wait3A_56 : memref<1x128x32xf32, #tpu.memory_space<vmem>> -> memref<128x32xf32, #tpu.memory_space<vmem>>
    %dma_wait3A_58 = arith.constant 0 : i32
    %dma_wait3A_59 = arith.constant 0 : i32
    %dma_wait3A_60 = tpu.memref_slice %arg5[%dma_wait3A_58, %dma_wait3A_59] : memref<10240x32xf32, #tpu.memory_space<hbm>> -> memref<128x32xf32, #tpu.memory_space<hbm>>
    tpu.wait_dma2 semaphore(%arg14 : memref<!tpu.dma_semaphore, #tpu.memory_space<semaphore_mem>>) src(%dma_wait3A_60 : memref<128x32xf32, #tpu.memory_space<hbm>>) dst(%dma_wait3A_57 : memref<128x32xf32, #tpu.memory_space<vmem>>)
    %dma_wait3A_61 = arith.constant 0 : i32
    %dma_wait3A_62 = arith.constant 0 : i32
    %dma_wait3A_63 = arith.constant 0 : i32
    %dma_wait3A_64 = tpu.memref_slice %arg9[%dma_wait3A_61, %dma_wait3A_62, %dma_wait3A_63] : memref<8x128x32xf32, #tpu.memory_space<vmem>> -> memref<1x128x32xf32, #tpu.memory_space<vmem>>
    %dma_wait3A_65 = tpu.memref_squeeze %dma_wait3A_64 : memref<1x128x32xf32, #tpu.memory_space<vmem>> -> memref<128x32xf32, #tpu.memory_space<vmem>>
    %dma_wait3A_66 = arith.constant 0 : i32
    %dma_wait3A_67 = arith.constant 0 : i32
    %dma_wait3A_68 = tpu.memref_slice %arg5[%dma_wait3A_66, %dma_wait3A_67] : memref<10240x32xf32, #tpu.memory_space<hbm>> -> memref<128x32xf32, #tpu.memory_space<hbm>>
    %dma_wait3A_69 = arith.constant 0 : i32
    %dma_wait3A_70 = arith.constant 0 : i32
    %dma_wait3A_71 = tpu.memref_slice %arg9[%dma_wait3A_61, %dma_wait3A_69, %dma_wait3A_70] : memref<8x128x32xf32, #tpu.memory_space<vmem>> -> memref<1x128x32xf32, #tpu.memory_space<vmem>>
    %dma_wait3A_72 = tpu.memref_squeeze %dma_wait3A_71 : memref<1x128x32xf32, #tpu.memory_space<vmem>> -> memref<128x32xf32, #tpu.memory_space<vmem>>
    %dma_wait3A_73 = arith.constant 0 : i32
    %dma_wait3A_74 = arith.constant 0 : i32
    %dma_wait3A_75 = tpu.memref_slice %arg5[%dma_wait3A_73, %dma_wait3A_74] : memref<10240x32xf32, #tpu.memory_space<hbm>> -> memref<128x32xf32, #tpu.memory_space<hbm>>
    tpu.wait_dma2 semaphore(%arg14 : memref<!tpu.dma_semaphore, #tpu.memory_space<semaphore_mem>>) src(%dma_wait3A_75 : memref<128x32xf32, #tpu.memory_space<hbm>>) dst(%dma_wait3A_72 : memref<128x32xf32, #tpu.memory_space<vmem>>)
    %barrier3A_76 = arith.constant 0 : index
    tpu.barrier barrier_id(%barrier3A_76)
    %mul3A_77 = arith.constant 640 : i32
    %mul3A_78 = arith.muli %arg1, %mul3A_77 : i32
    "tpu.region"() ({
      %run_scoped3A = tpu.sem_alloc : memref<!tpu.dma_semaphore, #tpu.memory_space<semaphore_mem>>
      %dma_start3A = arith.constant 0 : i32
      %dma_start3A_81 = tpu.memref_slice %arg11[%mul3A_78, %dma_start3A] : memref<10240x32xf32, #tpu.memory_space<vmem_shared>> -> memref<640x32xf32, #tpu.memory_space<vmem_shared>>
      %dma_start3A_82 = arith.constant 0 : i32
      %dma_start3A_83 = tpu.memref_slice %arg11[%mul3A_78, %dma_start3A_82] : memref<10240x32xf32, #tpu.memory_space<vmem_shared>> -> memref<640x32xf32, #tpu.memory_space<vmem_shared>>
      tpu.enqueue_dma source(%dma_start3A_83 : memref<640x32xf32, #tpu.memory_space<vmem_shared>>) target(%arg10 : memref<640x32xf32, #tpu.memory_space<vmem>>) target_semaphore(%run_scoped3A : memref<!tpu.dma_semaphore, #tpu.memory_space<semaphore_mem>>)
      %dma_wait3A_84 = arith.constant 0 : i32
      %dma_wait3A_85 = tpu.memref_slice %arg11[%mul3A_78, %dma_wait3A_84] : memref<10240x32xf32, #tpu.memory_space<vmem_shared>> -> memref<640x32xf32, #tpu.memory_space<vmem_shared>>
      %dma_wait3A_86 = arith.constant 0 : i32
      %dma_wait3A_87 = tpu.memref_slice %arg11[%mul3A_78, %dma_wait3A_86] : memref<10240x32xf32, #tpu.memory_space<vmem_shared>> -> memref<640x32xf32, #tpu.memory_space<vmem_shared>>
      tpu.wait_dma2 semaphore(%run_scoped3A : memref<!tpu.dma_semaphore, #tpu.memory_space<semaphore_mem>>) src(%dma_wait3A_87 : memref<640x32xf32, #tpu.memory_space<vmem_shared>>) dst(%arg10 : memref<640x32xf32, #tpu.memory_space<vmem>>)
      tpu.yield
    }) : () -> ()
    %mul3A_79 = arith.constant 640 : i32
    %mul3A_80 = arith.muli %arg1, %mul3A_79 : i32
    "tpu.region"() ({
      %run_scoped3A = tpu.sem_alloc : memref<!tpu.dma_semaphore, #tpu.memory_space<semaphore_mem>>
      %dma_start3A = arith.constant 0 : i32
      %dma_start3A_81 = tpu.memref_slice %arg6[%arg0, %mul3A_80, %dma_start3A] : memref<2x10240x32xf32, #tpu.memory_space<hbm>> -> memref<1x640x32xf32, #tpu.memory_space<hbm>>
      %dma_start3A_82 = tpu.memref_squeeze %dma_start3A_81 : memref<1x640x32xf32, #tpu.memory_space<hbm>> -> memref<640x32xf32, #tpu.memory_space<hbm>>
      %dma_start3A_83 = arith.constant 0 : i32
      %dma_start3A_84 = tpu.memref_slice %arg6[%arg0, %mul3A_80, %dma_start3A_83] : memref<2x10240x32xf32, #tpu.memory_space<hbm>> -> memref<1x640x32xf32, #tpu.memory_space<hbm>>
      %dma_start3A_85 = tpu.memref_squeeze %dma_start3A_84 : memref<1x640x32xf32, #tpu.memory_space<hbm>> -> memref<640x32xf32, #tpu.memory_space<hbm>>
      tpu.enqueue_dma source(%arg10 : memref<640x32xf32, #tpu.memory_space<vmem>>) target(%dma_start3A_85 : memref<640x32xf32, #tpu.memory_space<hbm>>) target_semaphore(%run_scoped3A : memref<!tpu.dma_semaphore, #tpu.memory_space<semaphore_mem>>)
      %dma_wait3A_86 = arith.constant 0 : i32
      %dma_wait3A_87 = tpu.memref_slice %arg6[%arg0, %mul3A_80, %dma_wait3A_86] : memref<2x10240x32xf32, #tpu.memory_space<hbm>> -> memref<1x640x32xf32, #tpu.memory_space<hbm>>
      %dma_wait3A_88 = tpu.memref_squeeze %dma_wait3A_87 : memref<1x640x32xf32, #tpu.memory_space<hbm>> -> memref<640x32xf32, #tpu.memory_space<hbm>>
      %dma_wait3A_89 = arith.constant 0 : i32
      %dma_wait3A_90 = tpu.memref_slice %arg6[%arg0, %mul3A_80, %dma_wait3A_89] : memref<2x10240x32xf32, #tpu.memory_space<hbm>> -> memref<1x640x32xf32, #tpu.memory_space<hbm>>
      %dma_wait3A_91 = tpu.memref_squeeze %dma_wait3A_90 : memref<1x640x32xf32, #tpu.memory_space<hbm>> -> memref<640x32xf32, #tpu.memory_space<hbm>>
      tpu.wait_dma2 semaphore(%run_scoped3A : memref<!tpu.dma_semaphore, #tpu.memory_space<semaphore_mem>>) src(%arg10 : memref<640x32xf32, #tpu.memory_space<vmem>>) dst(%dma_wait3A_91 : memref<640x32xf32, #tpu.memory_space<hbm>>)
      tpu.yield
    }) : () -> ()
    return
  }
}

#map = affine_map<(d0, d1) -> (0, 0)>
#map1 = affine_map<(d0, d1) -> (0, 0, 0)>
module attributes {stable_mosaic.version = 14 : i64} {
  func.func @_deg_body(%arg0: i32, %arg1: i32, %arg2: memref<2560x128xi32, #tpu.memory_space<hbm>>, %arg3: memref<128x32xf32, #tpu.memory_space<hbm>>, %arg4: memref<10240x32xf32, #tpu.memory_space<hbm>>, %arg5: memref<2x10240x32xf32, #tpu.memory_space<hbm>>, %arg6: memref<80x128xi32, #tpu.memory_space<vmem>>, %arg7: memref<128x32xf32, #tpu.memory_space<vmem>>, %arg8: memref<640x32xf32, #tpu.memory_space<vmem>>, %arg9: memref<10240x32xf32, #tpu.memory_space<vmem_shared>>) attributes {dimension_semantics = [#tpu.dimension_semantics<core_parallel>, #tpu.dimension_semantics<subcore_parallel>], iteration_bounds = array<i64: 2, 16>, scalar_prefetch = 0 : i64, scratch_operands = 4 : i64, tpu.core_type = #tpu.core_type<sc_vector_subcore>, window_params = [{transform_indices = #map}, {transform_indices = #map}, {transform_indices = #map}, {transform_indices = #map1}]} {
    %mul3A = arith.constant 2 : i32
    %mul3A_0 = arith.muli %arg1, %mul3A : i32
    %add3A = arith.addi %mul3A_0, %arg0 : i32
    %mul3A_1 = arith.constant 640 : i32
    %mul3A_2 = arith.muli %arg1, %mul3A_1 : i32
    "tpu.region"() ({
      %run_scoped3A = tpu.sem_alloc : memref<!tpu.dma_semaphore, #tpu.memory_space<semaphore_mem>>
      %dma_start3A = arith.constant 0 : i32
      %dma_start3A_16 = tpu.memref_slice %arg4[%mul3A_2, %dma_start3A] : memref<10240x32xf32, #tpu.memory_space<hbm>> -> memref<640x32xf32, #tpu.memory_space<hbm>>
      %dma_start3A_17 = arith.constant 0 : i32
      %dma_start3A_18 = tpu.memref_slice %arg4[%mul3A_2, %dma_start3A_17] : memref<10240x32xf32, #tpu.memory_space<hbm>> -> memref<640x32xf32, #tpu.memory_space<hbm>>
      tpu.enqueue_dma source(%dma_start3A_18 : memref<640x32xf32, #tpu.memory_space<hbm>>) target(%arg8 : memref<640x32xf32, #tpu.memory_space<vmem>>) target_semaphore(%run_scoped3A : memref<!tpu.dma_semaphore, #tpu.memory_space<semaphore_mem>>)
      %dma_wait3A = arith.constant 0 : i32
      %dma_wait3A_19 = tpu.memref_slice %arg4[%mul3A_2, %dma_wait3A] : memref<10240x32xf32, #tpu.memory_space<hbm>> -> memref<640x32xf32, #tpu.memory_space<hbm>>
      %dma_wait3A_20 = arith.constant 0 : i32
      %dma_wait3A_21 = tpu.memref_slice %arg4[%mul3A_2, %dma_wait3A_20] : memref<10240x32xf32, #tpu.memory_space<hbm>> -> memref<640x32xf32, #tpu.memory_space<hbm>>
      tpu.wait_dma2 semaphore(%run_scoped3A : memref<!tpu.dma_semaphore, #tpu.memory_space<semaphore_mem>>) src(%dma_wait3A_21 : memref<640x32xf32, #tpu.memory_space<hbm>>) dst(%arg8 : memref<640x32xf32, #tpu.memory_space<vmem>>)
      tpu.yield
    }) : () -> ()
    %mul3A_3 = arith.constant 640 : i32
    %mul3A_4 = arith.muli %arg1, %mul3A_3 : i32
    "tpu.region"() ({
      %run_scoped3A = tpu.sem_alloc : memref<!tpu.dma_semaphore, #tpu.memory_space<semaphore_mem>>
      %dma_start3A = arith.constant 0 : i32
      %dma_start3A_16 = tpu.memref_slice %arg9[%mul3A_4, %dma_start3A] : memref<10240x32xf32, #tpu.memory_space<vmem_shared>> -> memref<640x32xf32, #tpu.memory_space<vmem_shared>>
      %dma_start3A_17 = arith.constant 0 : i32
      %dma_start3A_18 = tpu.memref_slice %arg9[%mul3A_4, %dma_start3A_17] : memref<10240x32xf32, #tpu.memory_space<vmem_shared>> -> memref<640x32xf32, #tpu.memory_space<vmem_shared>>
      tpu.enqueue_dma source(%arg8 : memref<640x32xf32, #tpu.memory_space<vmem>>) target(%dma_start3A_18 : memref<640x32xf32, #tpu.memory_space<vmem_shared>>) target_semaphore(%run_scoped3A : memref<!tpu.dma_semaphore, #tpu.memory_space<semaphore_mem>>)
      %dma_wait3A = arith.constant 0 : i32
      %dma_wait3A_19 = tpu.memref_slice %arg9[%mul3A_4, %dma_wait3A] : memref<10240x32xf32, #tpu.memory_space<vmem_shared>> -> memref<640x32xf32, #tpu.memory_space<vmem_shared>>
      %dma_wait3A_20 = arith.constant 0 : i32
      %dma_wait3A_21 = tpu.memref_slice %arg9[%mul3A_4, %dma_wait3A_20] : memref<10240x32xf32, #tpu.memory_space<vmem_shared>> -> memref<640x32xf32, #tpu.memory_space<vmem_shared>>
      tpu.wait_dma2 semaphore(%run_scoped3A : memref<!tpu.dma_semaphore, #tpu.memory_space<semaphore_mem>>) src(%arg8 : memref<640x32xf32, #tpu.memory_space<vmem>>) dst(%dma_wait3A_21 : memref<640x32xf32, #tpu.memory_space<vmem_shared>>)
      tpu.yield
    }) : () -> ()
    %mul3A_5 = arith.constant 80 : i32
    %mul3A_6 = arith.muli %add3A, %mul3A_5 : i32
    "tpu.region"() ({
      %run_scoped3A = tpu.sem_alloc : memref<!tpu.dma_semaphore, #tpu.memory_space<semaphore_mem>>
      %dma_start3A = arith.constant 0 : i32
      %dma_start3A_16 = tpu.memref_slice %arg2[%mul3A_6, %dma_start3A] : memref<2560x128xi32, #tpu.memory_space<hbm>> -> memref<80x128xi32, #tpu.memory_space<hbm>>
      %dma_start3A_17 = arith.constant 0 : i32
      %dma_start3A_18 = tpu.memref_slice %arg2[%mul3A_6, %dma_start3A_17] : memref<2560x128xi32, #tpu.memory_space<hbm>> -> memref<80x128xi32, #tpu.memory_space<hbm>>
      tpu.enqueue_dma source(%dma_start3A_18 : memref<80x128xi32, #tpu.memory_space<hbm>>) target(%arg6 : memref<80x128xi32, #tpu.memory_space<vmem>>) target_semaphore(%run_scoped3A : memref<!tpu.dma_semaphore, #tpu.memory_space<semaphore_mem>>)
      %dma_wait3A = arith.constant 0 : i32
      %dma_wait3A_19 = tpu.memref_slice %arg2[%mul3A_6, %dma_wait3A] : memref<2560x128xi32, #tpu.memory_space<hbm>> -> memref<80x128xi32, #tpu.memory_space<hbm>>
      %dma_wait3A_20 = arith.constant 0 : i32
      %dma_wait3A_21 = tpu.memref_slice %arg2[%mul3A_6, %dma_wait3A_20] : memref<2560x128xi32, #tpu.memory_space<hbm>> -> memref<80x128xi32, #tpu.memory_space<hbm>>
      tpu.wait_dma2 semaphore(%run_scoped3A : memref<!tpu.dma_semaphore, #tpu.memory_space<semaphore_mem>>) src(%dma_wait3A_21 : memref<80x128xi32, #tpu.memory_space<hbm>>) dst(%arg6 : memref<80x128xi32, #tpu.memory_space<vmem>>)
      tpu.yield
    }) : () -> ()
    "tpu.region"() ({
      %run_scoped3A = tpu.sem_alloc : memref<!tpu.dma_semaphore, #tpu.memory_space<semaphore_mem>>
      tpu.enqueue_dma source(%arg3 : memref<128x32xf32, #tpu.memory_space<hbm>>) target(%arg7 : memref<128x32xf32, #tpu.memory_space<vmem>>) target_semaphore(%run_scoped3A : memref<!tpu.dma_semaphore, #tpu.memory_space<semaphore_mem>>)
      tpu.wait_dma2 semaphore(%run_scoped3A : memref<!tpu.dma_semaphore, #tpu.memory_space<semaphore_mem>>) src(%arg3 : memref<128x32xf32, #tpu.memory_space<hbm>>) dst(%arg7 : memref<128x32xf32, #tpu.memory_space<vmem>>)
      tpu.yield
    }) : () -> ()
    %barrier3A = arith.constant 0 : index
    tpu.barrier barrier_id(%barrier3A)
    %scan3A = arith.constant 0 : i32
    %scan3A_7 = arith.constant 80 : i32
    %scan3A_8 = arith.addi %scan3A, %scan3A_7 : i32
    %scan3A_9 = arith.constant 1 : i32
    scf.for %scan3A_16 = %scan3A to %scan3A_8 step %scan3A_9  : i32 {
      %mul3A_17 = arith.constant 1 : i32
      %mul3A_18 = arith.muli %scan3A_16, %mul3A_17 : i32
      %add3A_19 = arith.constant 0 : i32
      %add3A_20 = arith.addi %add3A_19, %mul3A_18 : i32
      "tpu.region"() ({
        %run_scoped3A = tpu.sem_alloc : memref<!tpu.dma_semaphore, #tpu.memory_space<semaphore_mem>>
        %dma_start3A = arith.constant 0 : i32
        %dma_start3A_21 = tpu.memref_slice %arg6[%add3A_20, %dma_start3A] : memref<80x128xi32, #tpu.memory_space<vmem>> -> memref<1x128xi32, #tpu.memory_space<vmem>>
        %dma_start3A_22 = tpu.memref_squeeze %dma_start3A_21 : memref<1x128xi32, #tpu.memory_space<vmem>> -> memref<128xi32, #tpu.memory_space<vmem>>
        %dma_start3A_23 = arith.constant 0 : i32
        %dma_start3A_24 = arith.constant 0 : i32
        %dma_start3A_25 = tpu.memref_slice %arg9[%dma_start3A_23, %dma_start3A_24] : memref<10240x32xf32, #tpu.memory_space<vmem_shared>> -> memref<10240x32xf32, #tpu.memory_space<vmem_shared>>
        tpu.enqueue_indirect_dma source(%arg7 : memref<128x32xf32, #tpu.memory_space<vmem>>) target(%dma_start3A_25 : memref<10240x32xf32, #tpu.memory_space<vmem_shared>>) offsets(%dma_start3A_22 : memref<128xi32, #tpu.memory_space<vmem>>) semaphore(%run_scoped3A : memref<!tpu.dma_semaphore, #tpu.memory_space<semaphore_mem>>) {add = true}
        %dma_wait3A = arith.constant 0 : i32
        %dma_wait3A_26 = tpu.memref_slice %arg6[%add3A_20, %dma_wait3A] : memref<80x128xi32, #tpu.memory_space<vmem>> -> memref<1x128xi32, #tpu.memory_space<vmem>>
        %dma_wait3A_27 = tpu.memref_squeeze %dma_wait3A_26 : memref<1x128xi32, #tpu.memory_space<vmem>> -> memref<128xi32, #tpu.memory_space<vmem>>
        %dma_wait3A_28 = arith.constant 0 : i32
        %dma_wait3A_29 = arith.constant 0 : i32
        %dma_wait3A_30 = tpu.memref_slice %arg9[%dma_wait3A_28, %dma_wait3A_29] : memref<10240x32xf32, #tpu.memory_space<vmem_shared>> -> memref<10240x32xf32, #tpu.memory_space<vmem_shared>>
        tpu.wait_indirect_dma semaphore(%run_scoped3A : memref<!tpu.dma_semaphore, #tpu.memory_space<semaphore_mem>>) src(%arg7 : memref<128x32xf32, #tpu.memory_space<vmem>>) dst(%dma_wait3A_30 : memref<10240x32xf32, #tpu.memory_space<vmem_shared>>)
        tpu.yield
      }) : () -> ()
    }
    %scan3A_10 = arith.constant 80 : i32
    %barrier3A_11 = arith.constant 0 : index
    tpu.barrier barrier_id(%barrier3A_11)
    %mul3A_12 = arith.constant 640 : i32
    %mul3A_13 = arith.muli %arg1, %mul3A_12 : i32
    "tpu.region"() ({
      %run_scoped3A = tpu.sem_alloc : memref<!tpu.dma_semaphore, #tpu.memory_space<semaphore_mem>>
      %dma_start3A = arith.constant 0 : i32
      %dma_start3A_16 = tpu.memref_slice %arg9[%mul3A_13, %dma_start3A] : memref<10240x32xf32, #tpu.memory_space<vmem_shared>> -> memref<640x32xf32, #tpu.memory_space<vmem_shared>>
      %dma_start3A_17 = arith.constant 0 : i32
      %dma_start3A_18 = tpu.memref_slice %arg9[%mul3A_13, %dma_start3A_17] : memref<10240x32xf32, #tpu.memory_space<vmem_shared>> -> memref<640x32xf32, #tpu.memory_space<vmem_shared>>
      tpu.enqueue_dma source(%dma_start3A_18 : memref<640x32xf32, #tpu.memory_space<vmem_shared>>) target(%arg8 : memref<640x32xf32, #tpu.memory_space<vmem>>) target_semaphore(%run_scoped3A : memref<!tpu.dma_semaphore, #tpu.memory_space<semaphore_mem>>)
      %dma_wait3A = arith.constant 0 : i32
      %dma_wait3A_19 = tpu.memref_slice %arg9[%mul3A_13, %dma_wait3A] : memref<10240x32xf32, #tpu.memory_space<vmem_shared>> -> memref<640x32xf32, #tpu.memory_space<vmem_shared>>
      %dma_wait3A_20 = arith.constant 0 : i32
      %dma_wait3A_21 = tpu.memref_slice %arg9[%mul3A_13, %dma_wait3A_20] : memref<10240x32xf32, #tpu.memory_space<vmem_shared>> -> memref<640x32xf32, #tpu.memory_space<vmem_shared>>
      tpu.wait_dma2 semaphore(%run_scoped3A : memref<!tpu.dma_semaphore, #tpu.memory_space<semaphore_mem>>) src(%dma_wait3A_21 : memref<640x32xf32, #tpu.memory_space<vmem_shared>>) dst(%arg8 : memref<640x32xf32, #tpu.memory_space<vmem>>)
      tpu.yield
    }) : () -> ()
    %mul3A_14 = arith.constant 640 : i32
    %mul3A_15 = arith.muli %arg1, %mul3A_14 : i32
    "tpu.region"() ({
      %run_scoped3A = tpu.sem_alloc : memref<!tpu.dma_semaphore, #tpu.memory_space<semaphore_mem>>
      %dma_start3A = arith.constant 0 : i32
      %dma_start3A_16 = tpu.memref_slice %arg5[%arg0, %mul3A_15, %dma_start3A] : memref<2x10240x32xf32, #tpu.memory_space<hbm>> -> memref<1x640x32xf32, #tpu.memory_space<hbm>>
      %dma_start3A_17 = tpu.memref_squeeze %dma_start3A_16 : memref<1x640x32xf32, #tpu.memory_space<hbm>> -> memref<640x32xf32, #tpu.memory_space<hbm>>
      %dma_start3A_18 = arith.constant 0 : i32
      %dma_start3A_19 = tpu.memref_slice %arg5[%arg0, %mul3A_15, %dma_start3A_18] : memref<2x10240x32xf32, #tpu.memory_space<hbm>> -> memref<1x640x32xf32, #tpu.memory_space<hbm>>
      %dma_start3A_20 = tpu.memref_squeeze %dma_start3A_19 : memref<1x640x32xf32, #tpu.memory_space<hbm>> -> memref<640x32xf32, #tpu.memory_space<hbm>>
      tpu.enqueue_dma source(%arg8 : memref<640x32xf32, #tpu.memory_space<vmem>>) target(%dma_start3A_20 : memref<640x32xf32, #tpu.memory_space<hbm>>) target_semaphore(%run_scoped3A : memref<!tpu.dma_semaphore, #tpu.memory_space<semaphore_mem>>)
      %dma_wait3A = arith.constant 0 : i32
      %dma_wait3A_21 = tpu.memref_slice %arg5[%arg0, %mul3A_15, %dma_wait3A] : memref<2x10240x32xf32, #tpu.memory_space<hbm>> -> memref<1x640x32xf32, #tpu.memory_space<hbm>>
      %dma_wait3A_22 = tpu.memref_squeeze %dma_wait3A_21 : memref<1x640x32xf32, #tpu.memory_space<hbm>> -> memref<640x32xf32, #tpu.memory_space<hbm>>
      %dma_wait3A_23 = arith.constant 0 : i32
      %dma_wait3A_24 = tpu.memref_slice %arg5[%arg0, %mul3A_15, %dma_wait3A_23] : memref<2x10240x32xf32, #tpu.memory_space<hbm>> -> memref<1x640x32xf32, #tpu.memory_space<hbm>>
      %dma_wait3A_25 = tpu.memref_squeeze %dma_wait3A_24 : memref<1x640x32xf32, #tpu.memory_space<hbm>> -> memref<640x32xf32, #tpu.memory_space<hbm>>
      tpu.wait_dma2 semaphore(%run_scoped3A : memref<!tpu.dma_semaphore, #tpu.memory_space<semaphore_mem>>) src(%arg8 : memref<640x32xf32, #tpu.memory_space<vmem>>) dst(%dma_wait3A_25 : memref<640x32xf32, #tpu.memory_space<hbm>>)
      tpu.yield
    }) : () -> ()
    return
  }
}

#map = affine_map<(d0, d1) -> (0, 0)>
#map1 = affine_map<(d0, d1) -> (0, 0, 0)>
module attributes {stable_mosaic.version = 14 : i64} {
  func.func @_msg_body(%arg0: i32, %arg1: i32, %arg2: memref<10240x32xf32, #tpu.memory_space<hbm>>, %arg3: memref<2560x128xi32, #tpu.memory_space<hbm>>, %arg4: memref<2560x128xi32, #tpu.memory_space<hbm>>, %arg5: memref<10240x32xf32, #tpu.memory_space<hbm>>, %arg6: memref<2x10240x32xf32, #tpu.memory_space<hbm>>, %arg7: memref<80x128xi32, #tpu.memory_space<vmem>>, %arg8: memref<80x128xi32, #tpu.memory_space<vmem>>, %arg9: memref<8x128x32xf32, #tpu.memory_space<vmem>>, %arg10: memref<640x32xf32, #tpu.memory_space<vmem>>, %arg11: memref<10240x32xf32, #tpu.memory_space<vmem_shared>>, %arg12: memref<10240x32xf32, #tpu.memory_space<vmem_shared>>, %arg13: memref<!tpu.dma_semaphore, #tpu.memory_space<semaphore_mem>>, %arg14: memref<!tpu.dma_semaphore, #tpu.memory_space<semaphore_mem>>) attributes {dimension_semantics = [#tpu.dimension_semantics<core_parallel>, #tpu.dimension_semantics<subcore_parallel>], iteration_bounds = array<i64: 2, 16>, scalar_prefetch = 0 : i64, scratch_operands = 8 : i64, tpu.core_type = #tpu.core_type<sc_vector_subcore>, window_params = [{transform_indices = #map}, {transform_indices = #map}, {transform_indices = #map}, {transform_indices = #map}, {transform_indices = #map1}]} {
    %mul3A = arith.constant 2 : i32
    %mul3A_0 = arith.muli %arg1, %mul3A : i32
    %add3A = arith.addi %mul3A_0, %arg0 : i32
    %mul3A_1 = arith.constant 640 : i32
    %mul3A_2 = arith.muli %arg1, %mul3A_1 : i32
    "tpu.region"() ({
      %run_scoped3A = tpu.sem_alloc : memref<!tpu.dma_semaphore, #tpu.memory_space<semaphore_mem>>
      %dma_start3A = arith.constant 0 : i32
      %dma_start3A_81 = tpu.memref_slice %arg5[%mul3A_2, %dma_start3A] : memref<10240x32xf32, #tpu.memory_space<hbm>> -> memref<640x32xf32, #tpu.memory_space<hbm>>
      %dma_start3A_82 = arith.constant 0 : i32
      %dma_start3A_83 = tpu.memref_slice %arg5[%mul3A_2, %dma_start3A_82] : memref<10240x32xf32, #tpu.memory_space<hbm>> -> memref<640x32xf32, #tpu.memory_space<hbm>>
      tpu.enqueue_dma source(%dma_start3A_83 : memref<640x32xf32, #tpu.memory_space<hbm>>) target(%arg10 : memref<640x32xf32, #tpu.memory_space<vmem>>) target_semaphore(%run_scoped3A : memref<!tpu.dma_semaphore, #tpu.memory_space<semaphore_mem>>)
      %dma_wait3A_84 = arith.constant 0 : i32
      %dma_wait3A_85 = tpu.memref_slice %arg5[%mul3A_2, %dma_wait3A_84] : memref<10240x32xf32, #tpu.memory_space<hbm>> -> memref<640x32xf32, #tpu.memory_space<hbm>>
      %dma_wait3A_86 = arith.constant 0 : i32
      %dma_wait3A_87 = tpu.memref_slice %arg5[%mul3A_2, %dma_wait3A_86] : memref<10240x32xf32, #tpu.memory_space<hbm>> -> memref<640x32xf32, #tpu.memory_space<hbm>>
      tpu.wait_dma2 semaphore(%run_scoped3A : memref<!tpu.dma_semaphore, #tpu.memory_space<semaphore_mem>>) src(%dma_wait3A_87 : memref<640x32xf32, #tpu.memory_space<hbm>>) dst(%arg10 : memref<640x32xf32, #tpu.memory_space<vmem>>)
      tpu.yield
    }) : () -> ()
    %mul3A_3 = arith.constant 640 : i32
    %mul3A_4 = arith.muli %arg1, %mul3A_3 : i32
    "tpu.region"() ({
      %run_scoped3A = tpu.sem_alloc : memref<!tpu.dma_semaphore, #tpu.memory_space<semaphore_mem>>
      %dma_start3A = arith.constant 0 : i32
      %dma_start3A_81 = tpu.memref_slice %arg11[%mul3A_4, %dma_start3A] : memref<10240x32xf32, #tpu.memory_space<vmem_shared>> -> memref<640x32xf32, #tpu.memory_space<vmem_shared>>
      %dma_start3A_82 = arith.constant 0 : i32
      %dma_start3A_83 = tpu.memref_slice %arg11[%mul3A_4, %dma_start3A_82] : memref<10240x32xf32, #tpu.memory_space<vmem_shared>> -> memref<640x32xf32, #tpu.memory_space<vmem_shared>>
      tpu.enqueue_dma source(%arg10 : memref<640x32xf32, #tpu.memory_space<vmem>>) target(%dma_start3A_83 : memref<640x32xf32, #tpu.memory_space<vmem_shared>>) target_semaphore(%run_scoped3A : memref<!tpu.dma_semaphore, #tpu.memory_space<semaphore_mem>>)
      %dma_wait3A_84 = arith.constant 0 : i32
      %dma_wait3A_85 = tpu.memref_slice %arg11[%mul3A_4, %dma_wait3A_84] : memref<10240x32xf32, #tpu.memory_space<vmem_shared>> -> memref<640x32xf32, #tpu.memory_space<vmem_shared>>
      %dma_wait3A_86 = arith.constant 0 : i32
      %dma_wait3A_87 = tpu.memref_slice %arg11[%mul3A_4, %dma_wait3A_86] : memref<10240x32xf32, #tpu.memory_space<vmem_shared>> -> memref<640x32xf32, #tpu.memory_space<vmem_shared>>
      tpu.wait_dma2 semaphore(%run_scoped3A : memref<!tpu.dma_semaphore, #tpu.memory_space<semaphore_mem>>) src(%arg10 : memref<640x32xf32, #tpu.memory_space<vmem>>) dst(%dma_wait3A_87 : memref<640x32xf32, #tpu.memory_space<vmem_shared>>)
      tpu.yield
    }) : () -> ()
    %mul3A_5 = arith.constant 640 : i32
    %mul3A_6 = arith.muli %arg1, %mul3A_5 : i32
    "tpu.region"() ({
      %run_scoped3A = tpu.sem_alloc : memref<!tpu.dma_semaphore, #tpu.memory_space<semaphore_mem>>
      %dma_start3A = arith.constant 0 : i32
      %dma_start3A_81 = tpu.memref_slice %arg2[%mul3A_6, %dma_start3A] : memref<10240x32xf32, #tpu.memory_space<hbm>> -> memref<640x32xf32, #tpu.memory_space<hbm>>
      %dma_start3A_82 = arith.constant 0 : i32
      %dma_start3A_83 = tpu.memref_slice %arg2[%mul3A_6, %dma_start3A_82] : memref<10240x32xf32, #tpu.memory_space<hbm>> -> memref<640x32xf32, #tpu.memory_space<hbm>>
      tpu.enqueue_dma source(%dma_start3A_83 : memref<640x32xf32, #tpu.memory_space<hbm>>) target(%arg10 : memref<640x32xf32, #tpu.memory_space<vmem>>) target_semaphore(%run_scoped3A : memref<!tpu.dma_semaphore, #tpu.memory_space<semaphore_mem>>)
      %dma_wait3A_84 = arith.constant 0 : i32
      %dma_wait3A_85 = tpu.memref_slice %arg2[%mul3A_6, %dma_wait3A_84] : memref<10240x32xf32, #tpu.memory_space<hbm>> -> memref<640x32xf32, #tpu.memory_space<hbm>>
      %dma_wait3A_86 = arith.constant 0 : i32
      %dma_wait3A_87 = tpu.memref_slice %arg2[%mul3A_6, %dma_wait3A_86] : memref<10240x32xf32, #tpu.memory_space<hbm>> -> memref<640x32xf32, #tpu.memory_space<hbm>>
      tpu.wait_dma2 semaphore(%run_scoped3A : memref<!tpu.dma_semaphore, #tpu.memory_space<semaphore_mem>>) src(%dma_wait3A_87 : memref<640x32xf32, #tpu.memory_space<hbm>>) dst(%arg10 : memref<640x32xf32, #tpu.memory_space<vmem>>)
      tpu.yield
    }) : () -> ()
    %mul3A_7 = arith.constant 640 : i32
    %mul3A_8 = arith.muli %arg1, %mul3A_7 : i32
    "tpu.region"() ({
      %run_scoped3A = tpu.sem_alloc : memref<!tpu.dma_semaphore, #tpu.memory_space<semaphore_mem>>
      %dma_start3A = arith.constant 0 : i32
      %dma_start3A_81 = tpu.memref_slice %arg12[%mul3A_8, %dma_start3A] : memref<10240x32xf32, #tpu.memory_space<vmem_shared>> -> memref<640x32xf32, #tpu.memory_space<vmem_shared>>
      %dma_start3A_82 = arith.constant 0 : i32
      %dma_start3A_83 = tpu.memref_slice %arg12[%mul3A_8, %dma_start3A_82] : memref<10240x32xf32, #tpu.memory_space<vmem_shared>> -> memref<640x32xf32, #tpu.memory_space<vmem_shared>>
      tpu.enqueue_dma source(%arg10 : memref<640x32xf32, #tpu.memory_space<vmem>>) target(%dma_start3A_83 : memref<640x32xf32, #tpu.memory_space<vmem_shared>>) target_semaphore(%run_scoped3A : memref<!tpu.dma_semaphore, #tpu.memory_space<semaphore_mem>>)
      %dma_wait3A_84 = arith.constant 0 : i32
      %dma_wait3A_85 = tpu.memref_slice %arg12[%mul3A_8, %dma_wait3A_84] : memref<10240x32xf32, #tpu.memory_space<vmem_shared>> -> memref<640x32xf32, #tpu.memory_space<vmem_shared>>
      %dma_wait3A_86 = arith.constant 0 : i32
      %dma_wait3A_87 = tpu.memref_slice %arg12[%mul3A_8, %dma_wait3A_86] : memref<10240x32xf32, #tpu.memory_space<vmem_shared>> -> memref<640x32xf32, #tpu.memory_space<vmem_shared>>
      tpu.wait_dma2 semaphore(%run_scoped3A : memref<!tpu.dma_semaphore, #tpu.memory_space<semaphore_mem>>) src(%arg10 : memref<640x32xf32, #tpu.memory_space<vmem>>) dst(%dma_wait3A_87 : memref<640x32xf32, #tpu.memory_space<vmem_shared>>)
      tpu.yield
    }) : () -> ()
    %mul3A_9 = arith.constant 80 : i32
    %mul3A_10 = arith.muli %add3A, %mul3A_9 : i32
    "tpu.region"() ({
      %run_scoped3A = tpu.sem_alloc : memref<!tpu.dma_semaphore, #tpu.memory_space<semaphore_mem>>
      %dma_start3A = arith.constant 0 : i32
      %dma_start3A_81 = tpu.memref_slice %arg3[%mul3A_10, %dma_start3A] : memref<2560x128xi32, #tpu.memory_space<hbm>> -> memref<80x128xi32, #tpu.memory_space<hbm>>
      %dma_start3A_82 = arith.constant 0 : i32
      %dma_start3A_83 = tpu.memref_slice %arg3[%mul3A_10, %dma_start3A_82] : memref<2560x128xi32, #tpu.memory_space<hbm>> -> memref<80x128xi32, #tpu.memory_space<hbm>>
      tpu.enqueue_dma source(%dma_start3A_83 : memref<80x128xi32, #tpu.memory_space<hbm>>) target(%arg7 : memref<80x128xi32, #tpu.memory_space<vmem>>) target_semaphore(%run_scoped3A : memref<!tpu.dma_semaphore, #tpu.memory_space<semaphore_mem>>)
      %dma_wait3A_84 = arith.constant 0 : i32
      %dma_wait3A_85 = tpu.memref_slice %arg3[%mul3A_10, %dma_wait3A_84] : memref<2560x128xi32, #tpu.memory_space<hbm>> -> memref<80x128xi32, #tpu.memory_space<hbm>>
      %dma_wait3A_86 = arith.constant 0 : i32
      %dma_wait3A_87 = tpu.memref_slice %arg3[%mul3A_10, %dma_wait3A_86] : memref<2560x128xi32, #tpu.memory_space<hbm>> -> memref<80x128xi32, #tpu.memory_space<hbm>>
      tpu.wait_dma2 semaphore(%run_scoped3A : memref<!tpu.dma_semaphore, #tpu.memory_space<semaphore_mem>>) src(%dma_wait3A_87 : memref<80x128xi32, #tpu.memory_space<hbm>>) dst(%arg7 : memref<80x128xi32, #tpu.memory_space<vmem>>)
      tpu.yield
    }) : () -> ()
    %mul3A_11 = arith.constant 80 : i32
    %mul3A_12 = arith.muli %add3A, %mul3A_11 : i32
    "tpu.region"() ({
      %run_scoped3A = tpu.sem_alloc : memref<!tpu.dma_semaphore, #tpu.memory_space<semaphore_mem>>
      %dma_start3A = arith.constant 0 : i32
      %dma_start3A_81 = tpu.memref_slice %arg4[%mul3A_12, %dma_start3A] : memref<2560x128xi32, #tpu.memory_space<hbm>> -> memref<80x128xi32, #tpu.memory_space<hbm>>
      %dma_start3A_82 = arith.constant 0 : i32
      %dma_start3A_83 = tpu.memref_slice %arg4[%mul3A_12, %dma_start3A_82] : memref<2560x128xi32, #tpu.memory_space<hbm>> -> memref<80x128xi32, #tpu.memory_space<hbm>>
      tpu.enqueue_dma source(%dma_start3A_83 : memref<80x128xi32, #tpu.memory_space<hbm>>) target(%arg8 : memref<80x128xi32, #tpu.memory_space<vmem>>) target_semaphore(%run_scoped3A : memref<!tpu.dma_semaphore, #tpu.memory_space<semaphore_mem>>)
      %dma_wait3A_84 = arith.constant 0 : i32
      %dma_wait3A_85 = tpu.memref_slice %arg4[%mul3A_12, %dma_wait3A_84] : memref<2560x128xi32, #tpu.memory_space<hbm>> -> memref<80x128xi32, #tpu.memory_space<hbm>>
      %dma_wait3A_86 = arith.constant 0 : i32
      %dma_wait3A_87 = tpu.memref_slice %arg4[%mul3A_12, %dma_wait3A_86] : memref<2560x128xi32, #tpu.memory_space<hbm>> -> memref<80x128xi32, #tpu.memory_space<hbm>>
      tpu.wait_dma2 semaphore(%run_scoped3A : memref<!tpu.dma_semaphore, #tpu.memory_space<semaphore_mem>>) src(%dma_wait3A_87 : memref<80x128xi32, #tpu.memory_space<hbm>>) dst(%arg8 : memref<80x128xi32, #tpu.memory_space<vmem>>)
      tpu.yield
    }) : () -> ()
    %barrier3A = arith.constant 0 : index
    tpu.barrier barrier_id(%barrier3A)
    %scan3A = arith.constant 0 : i32
    %scan3A_13 = arith.constant 10 : i32
    %scan3A_14 = arith.addi %scan3A, %scan3A_13 : i32
    %scan3A_15 = arith.constant 1 : i32
    scf.for %scan3A_81 = %scan3A to %scan3A_14 step %scan3A_15  : i32 {
      %mul3A_82 = arith.constant 1 : i32
      %mul3A_83 = arith.muli %scan3A_81, %mul3A_82 : i32
      %add3A_84 = arith.constant 0 : i32
      %add3A_85 = arith.addi %add3A_84, %mul3A_83 : i32
      %mul3A_86 = arith.constant 8 : i32
      %mul3A_87 = arith.muli %add3A_85, %mul3A_86 : i32
      %add3A_88 = arith.constant 0 : i32
      %add3A_89 = arith.addi %mul3A_87, %add3A_88 : i32
      %add3A_90 = arith.constant 0 : i32
      %add3A_91 = arith.addi %add3A_89, %add3A_90 : i32
      %dma_start3A = arith.constant 0 : i32
      %dma_start3A_92 = arith.constant 0 : i32
      %dma_start3A_93 = arith.constant 0 : i32
      %dma_start3A_94 = tpu.memref_slice %arg9[%dma_start3A, %dma_start3A_92, %dma_start3A_93] : memref<8x128x32xf32, #tpu.memory_space<vmem>> -> memref<1x128x32xf32, #tpu.memory_space<vmem>>
      %dma_start3A_95 = tpu.memref_squeeze %dma_start3A_94 : memref<1x128x32xf32, #tpu.memory_space<vmem>> -> memref<128x32xf32, #tpu.memory_space<vmem>>
      %dma_start3A_96 = arith.constant 0 : i32
      %dma_start3A_97 = tpu.memref_slice %arg7[%add3A_91, %dma_start3A_96] : memref<80x128xi32, #tpu.memory_space<vmem>> -> memref<1x128xi32, #tpu.memory_space<vmem>>
      %dma_start3A_98 = tpu.memref_squeeze %dma_start3A_97 : memref<1x128xi32, #tpu.memory_space<vmem>> -> memref<128xi32, #tpu.memory_space<vmem>>
      %dma_start3A_99 = arith.constant 0 : i32
      %dma_start3A_100 = arith.constant 0 : i32
      %dma_start3A_101 = tpu.memref_slice %arg12[%dma_start3A_99, %dma_start3A_100] : memref<10240x32xf32, #tpu.memory_space<vmem_shared>> -> memref<10240x32xf32, #tpu.memory_space<vmem_shared>>
      tpu.enqueue_indirect_dma source(%dma_start3A_101 : memref<10240x32xf32, #tpu.memory_space<vmem_shared>>) target(%dma_start3A_95 : memref<128x32xf32, #tpu.memory_space<vmem>>) offsets(%dma_start3A_98 : memref<128xi32, #tpu.memory_space<vmem>>) semaphore(%arg13 : memref<!tpu.dma_semaphore, #tpu.memory_space<semaphore_mem>>)
      %add3A_102 = arith.constant 1 : i32
      %add3A_103 = arith.addi %add3A_89, %add3A_102 : i32
      %dma_start3A_104 = arith.constant 1 : i32
      %dma_start3A_105 = arith.constant 0 : i32
      %dma_start3A_106 = arith.constant 0 : i32
      %dma_start3A_107 = tpu.memref_slice %arg9[%dma_start3A_104, %dma_start3A_105, %dma_start3A_106] : memref<8x128x32xf32, #tpu.memory_space<vmem>> -> memref<1x128x32xf32, #tpu.memory_space<vmem>>
      %dma_start3A_108 = tpu.memref_squeeze %dma_start3A_107 : memref<1x128x32xf32, #tpu.memory_space<vmem>> -> memref<128x32xf32, #tpu.memory_space<vmem>>
      %dma_start3A_109 = arith.constant 0 : i32
      %dma_start3A_110 = tpu.memref_slice %arg7[%add3A_103, %dma_start3A_109] : memref<80x128xi32, #tpu.memory_space<vmem>> -> memref<1x128xi32, #tpu.memory_space<vmem>>
      %dma_start3A_111 = tpu.memref_squeeze %dma_start3A_110 : memref<1x128xi32, #tpu.memory_space<vmem>> -> memref<128xi32, #tpu.memory_space<vmem>>
      %dma_start3A_112 = arith.constant 0 : i32
      %dma_start3A_113 = arith.constant 0 : i32
      %dma_start3A_114 = tpu.memref_slice %arg12[%dma_start3A_112, %dma_start3A_113] : memref<10240x32xf32, #tpu.memory_space<vmem_shared>> -> memref<10240x32xf32, #tpu.memory_space<vmem_shared>>
      tpu.enqueue_indirect_dma source(%dma_start3A_114 : memref<10240x32xf32, #tpu.memory_space<vmem_shared>>) target(%dma_start3A_108 : memref<128x32xf32, #tpu.memory_space<vmem>>) offsets(%dma_start3A_111 : memref<128xi32, #tpu.memory_space<vmem>>) semaphore(%arg13 : memref<!tpu.dma_semaphore, #tpu.memory_space<semaphore_mem>>)
      %add3A_115 = arith.constant 2 : i32
      %add3A_116 = arith.addi %add3A_89, %add3A_115 : i32
      %dma_start3A_117 = arith.constant 2 : i32
      %dma_start3A_118 = arith.constant 0 : i32
      %dma_start3A_119 = arith.constant 0 : i32
      %dma_start3A_120 = tpu.memref_slice %arg9[%dma_start3A_117, %dma_start3A_118, %dma_start3A_119] : memref<8x128x32xf32, #tpu.memory_space<vmem>> -> memref<1x128x32xf32, #tpu.memory_space<vmem>>
      %dma_start3A_121 = tpu.memref_squeeze %dma_start3A_120 : memref<1x128x32xf32, #tpu.memory_space<vmem>> -> memref<128x32xf32, #tpu.memory_space<vmem>>
      %dma_start3A_122 = arith.constant 0 : i32
      %dma_start3A_123 = tpu.memref_slice %arg7[%add3A_116, %dma_start3A_122] : memref<80x128xi32, #tpu.memory_space<vmem>> -> memref<1x128xi32, #tpu.memory_space<vmem>>
      %dma_start3A_124 = tpu.memref_squeeze %dma_start3A_123 : memref<1x128xi32, #tpu.memory_space<vmem>> -> memref<128xi32, #tpu.memory_space<vmem>>
      %dma_start3A_125 = arith.constant 0 : i32
      %dma_start3A_126 = arith.constant 0 : i32
      %dma_start3A_127 = tpu.memref_slice %arg12[%dma_start3A_125, %dma_start3A_126] : memref<10240x32xf32, #tpu.memory_space<vmem_shared>> -> memref<10240x32xf32, #tpu.memory_space<vmem_shared>>
      tpu.enqueue_indirect_dma source(%dma_start3A_127 : memref<10240x32xf32, #tpu.memory_space<vmem_shared>>) target(%dma_start3A_121 : memref<128x32xf32, #tpu.memory_space<vmem>>) offsets(%dma_start3A_124 : memref<128xi32, #tpu.memory_space<vmem>>) semaphore(%arg13 : memref<!tpu.dma_semaphore, #tpu.memory_space<semaphore_mem>>)
      %add3A_128 = arith.constant 3 : i32
      %add3A_129 = arith.addi %add3A_89, %add3A_128 : i32
      %dma_start3A_130 = arith.constant 3 : i32
      %dma_start3A_131 = arith.constant 0 : i32
      %dma_start3A_132 = arith.constant 0 : i32
      %dma_start3A_133 = tpu.memref_slice %arg9[%dma_start3A_130, %dma_start3A_131, %dma_start3A_132] : memref<8x128x32xf32, #tpu.memory_space<vmem>> -> memref<1x128x32xf32, #tpu.memory_space<vmem>>
      %dma_start3A_134 = tpu.memref_squeeze %dma_start3A_133 : memref<1x128x32xf32, #tpu.memory_space<vmem>> -> memref<128x32xf32, #tpu.memory_space<vmem>>
      %dma_start3A_135 = arith.constant 0 : i32
      %dma_start3A_136 = tpu.memref_slice %arg7[%add3A_129, %dma_start3A_135] : memref<80x128xi32, #tpu.memory_space<vmem>> -> memref<1x128xi32, #tpu.memory_space<vmem>>
      %dma_start3A_137 = tpu.memref_squeeze %dma_start3A_136 : memref<1x128xi32, #tpu.memory_space<vmem>> -> memref<128xi32, #tpu.memory_space<vmem>>
      %dma_start3A_138 = arith.constant 0 : i32
      %dma_start3A_139 = arith.constant 0 : i32
      %dma_start3A_140 = tpu.memref_slice %arg12[%dma_start3A_138, %dma_start3A_139] : memref<10240x32xf32, #tpu.memory_space<vmem_shared>> -> memref<10240x32xf32, #tpu.memory_space<vmem_shared>>
      tpu.enqueue_indirect_dma source(%dma_start3A_140 : memref<10240x32xf32, #tpu.memory_space<vmem_shared>>) target(%dma_start3A_134 : memref<128x32xf32, #tpu.memory_space<vmem>>) offsets(%dma_start3A_137 : memref<128xi32, #tpu.memory_space<vmem>>) semaphore(%arg13 : memref<!tpu.dma_semaphore, #tpu.memory_space<semaphore_mem>>)
      %gt3A = arith.constant 0 : i32
      %gt3A_141 = arith.cmpi sgt, %add3A_85, %gt3A : i32
      %convert_element_type3A = arith.extui %gt3A_141 : i1 to i32
      %cond3A = arith.constant 0 : i32
      %cond3A_142 = arith.cmpi ne, %convert_element_type3A, %cond3A : i32
      scf.if %cond3A_142 {
        %dma_wait3A_449 = arith.constant 0 : i32
        %dma_wait3A_450 = arith.constant 0 : i32
        %dma_wait3A_451 = arith.constant 0 : i32
        %dma_wait3A_452 = tpu.memref_slice %arg9[%dma_wait3A_449, %dma_wait3A_450, %dma_wait3A_451] : memref<8x128x32xf32, #tpu.memory_space<vmem>> -> memref<1x128x32xf32, #tpu.memory_space<vmem>>
        %dma_wait3A_453 = tpu.memref_squeeze %dma_wait3A_452 : memref<1x128x32xf32, #tpu.memory_space<vmem>> -> memref<128x32xf32, #tpu.memory_space<vmem>>
        %dma_wait3A_454 = arith.constant 0 : i32
        %dma_wait3A_455 = arith.constant 0 : i32
        %dma_wait3A_456 = tpu.memref_slice %arg5[%dma_wait3A_454, %dma_wait3A_455] : memref<10240x32xf32, #tpu.memory_space<hbm>> -> memref<128x32xf32, #tpu.memory_space<hbm>>
        %dma_wait3A_457 = arith.constant 0 : i32
        %dma_wait3A_458 = arith.constant 0 : i32
        %dma_wait3A_459 = tpu.memref_slice %arg9[%dma_wait3A_449, %dma_wait3A_457, %dma_wait3A_458] : memref<8x128x32xf32, #tpu.memory_space<vmem>> -> memref<1x128x32xf32, #tpu.memory_space<vmem>>
        %dma_wait3A_460 = tpu.memref_squeeze %dma_wait3A_459 : memref<1x128x32xf32, #tpu.memory_space<vmem>> -> memref<128x32xf32, #tpu.memory_space<vmem>>
        %dma_wait3A_461 = arith.constant 0 : i32
        %dma_wait3A_462 = arith.constant 0 : i32
        %dma_wait3A_463 = tpu.memref_slice %arg5[%dma_wait3A_461, %dma_wait3A_462] : memref<10240x32xf32, #tpu.memory_space<hbm>> -> memref<128x32xf32, #tpu.memory_space<hbm>>
        tpu.wait_dma2 semaphore(%arg14 : memref<!tpu.dma_semaphore, #tpu.memory_space<semaphore_mem>>) src(%dma_wait3A_463 : memref<128x32xf32, #tpu.memory_space<hbm>>) dst(%dma_wait3A_460 : memref<128x32xf32, #tpu.memory_space<vmem>>)
        %dma_wait3A_464 = arith.constant 0 : i32
        %dma_wait3A_465 = arith.constant 0 : i32
        %dma_wait3A_466 = arith.constant 0 : i32
        %dma_wait3A_467 = tpu.memref_slice %arg9[%dma_wait3A_464, %dma_wait3A_465, %dma_wait3A_466] : memref<8x128x32xf32, #tpu.memory_space<vmem>> -> memref<1x128x32xf32, #tpu.memory_space<vmem>>
        %dma_wait3A_468 = tpu.memref_squeeze %dma_wait3A_467 : memref<1x128x32xf32, #tpu.memory_space<vmem>> -> memref<128x32xf32, #tpu.memory_space<vmem>>
        %dma_wait3A_469 = arith.constant 0 : i32
        %dma_wait3A_470 = arith.constant 0 : i32
        %dma_wait3A_471 = tpu.memref_slice %arg5[%dma_wait3A_469, %dma_wait3A_470] : memref<10240x32xf32, #tpu.memory_space<hbm>> -> memref<128x32xf32, #tpu.memory_space<hbm>>
        %dma_wait3A_472 = arith.constant 0 : i32
        %dma_wait3A_473 = arith.constant 0 : i32
        %dma_wait3A_474 = tpu.memref_slice %arg9[%dma_wait3A_464, %dma_wait3A_472, %dma_wait3A_473] : memref<8x128x32xf32, #tpu.memory_space<vmem>> -> memref<1x128x32xf32, #tpu.memory_space<vmem>>
        %dma_wait3A_475 = tpu.memref_squeeze %dma_wait3A_474 : memref<1x128x32xf32, #tpu.memory_space<vmem>> -> memref<128x32xf32, #tpu.memory_space<vmem>>
        %dma_wait3A_476 = arith.constant 0 : i32
        %dma_wait3A_477 = arith.constant 0 : i32
        %dma_wait3A_478 = tpu.memref_slice %arg5[%dma_wait3A_476, %dma_wait3A_477] : memref<10240x32xf32, #tpu.memory_space<hbm>> -> memref<128x32xf32, #tpu.memory_space<hbm>>
        tpu.wait_dma2 semaphore(%arg14 : memref<!tpu.dma_semaphore, #tpu.memory_space<semaphore_mem>>) src(%dma_wait3A_478 : memref<128x32xf32, #tpu.memory_space<hbm>>) dst(%dma_wait3A_475 : memref<128x32xf32, #tpu.memory_space<vmem>>)
        %dma_wait3A_479 = arith.constant 0 : i32
        %dma_wait3A_480 = arith.constant 0 : i32
        %dma_wait3A_481 = arith.constant 0 : i32
        %dma_wait3A_482 = tpu.memref_slice %arg9[%dma_wait3A_479, %dma_wait3A_480, %dma_wait3A_481] : memref<8x128x32xf32, #tpu.memory_space<vmem>> -> memref<1x128x32xf32, #tpu.memory_space<vmem>>
        %dma_wait3A_483 = tpu.memref_squeeze %dma_wait3A_482 : memref<1x128x32xf32, #tpu.memory_space<vmem>> -> memref<128x32xf32, #tpu.memory_space<vmem>>
        %dma_wait3A_484 = arith.constant 0 : i32
        %dma_wait3A_485 = arith.constant 0 : i32
        %dma_wait3A_486 = tpu.memref_slice %arg5[%dma_wait3A_484, %dma_wait3A_485] : memref<10240x32xf32, #tpu.memory_space<hbm>> -> memref<128x32xf32, #tpu.memory_space<hbm>>
        %dma_wait3A_487 = arith.constant 0 : i32
        %dma_wait3A_488 = arith.constant 0 : i32
        %dma_wait3A_489 = tpu.memref_slice %arg9[%dma_wait3A_479, %dma_wait3A_487, %dma_wait3A_488] : memref<8x128x32xf32, #tpu.memory_space<vmem>> -> memref<1x128x32xf32, #tpu.memory_space<vmem>>
        %dma_wait3A_490 = tpu.memref_squeeze %dma_wait3A_489 : memref<1x128x32xf32, #tpu.memory_space<vmem>> -> memref<128x32xf32, #tpu.memory_space<vmem>>
        %dma_wait3A_491 = arith.constant 0 : i32
        %dma_wait3A_492 = arith.constant 0 : i32
        %dma_wait3A_493 = tpu.memref_slice %arg5[%dma_wait3A_491, %dma_wait3A_492] : memref<10240x32xf32, #tpu.memory_space<hbm>> -> memref<128x32xf32, #tpu.memory_space<hbm>>
        tpu.wait_dma2 semaphore(%arg14 : memref<!tpu.dma_semaphore, #tpu.memory_space<semaphore_mem>>) src(%dma_wait3A_493 : memref<128x32xf32, #tpu.memory_space<hbm>>) dst(%dma_wait3A_490 : memref<128x32xf32, #tpu.memory_space<vmem>>)
        %dma_wait3A_494 = arith.constant 0 : i32
        %dma_wait3A_495 = arith.constant 0 : i32
        %dma_wait3A_496 = arith.constant 0 : i32
        %dma_wait3A_497 = tpu.memref_slice %arg9[%dma_wait3A_494, %dma_wait3A_495, %dma_wait3A_496] : memref<8x128x32xf32, #tpu.memory_space<vmem>> -> memref<1x128x32xf32, #tpu.memory_space<vmem>>
        %dma_wait3A_498 = tpu.memref_squeeze %dma_wait3A_497 : memref<1x128x32xf32, #tpu.memory_space<vmem>> -> memref<128x32xf32, #tpu.memory_space<vmem>>
        %dma_wait3A_499 = arith.constant 0 : i32
        %dma_wait3A_500 = arith.constant 0 : i32
        %dma_wait3A_501 = tpu.memref_slice %arg5[%dma_wait3A_499, %dma_wait3A_500] : memref<10240x32xf32, #tpu.memory_space<hbm>> -> memref<128x32xf32, #tpu.memory_space<hbm>>
        %dma_wait3A_502 = arith.constant 0 : i32
        %dma_wait3A_503 = arith.constant 0 : i32
        %dma_wait3A_504 = tpu.memref_slice %arg9[%dma_wait3A_494, %dma_wait3A_502, %dma_wait3A_503] : memref<8x128x32xf32, #tpu.memory_space<vmem>> -> memref<1x128x32xf32, #tpu.memory_space<vmem>>
        %dma_wait3A_505 = tpu.memref_squeeze %dma_wait3A_504 : memref<1x128x32xf32, #tpu.memory_space<vmem>> -> memref<128x32xf32, #tpu.memory_space<vmem>>
        %dma_wait3A_506 = arith.constant 0 : i32
        %dma_wait3A_507 = arith.constant 0 : i32
        %dma_wait3A_508 = tpu.memref_slice %arg5[%dma_wait3A_506, %dma_wait3A_507] : memref<10240x32xf32, #tpu.memory_space<hbm>> -> memref<128x32xf32, #tpu.memory_space<hbm>>
        tpu.wait_dma2 semaphore(%arg14 : memref<!tpu.dma_semaphore, #tpu.memory_space<semaphore_mem>>) src(%dma_wait3A_508 : memref<128x32xf32, #tpu.memory_space<hbm>>) dst(%dma_wait3A_505 : memref<128x32xf32, #tpu.memory_space<vmem>>)
      } else {
      }
      %dma_wait3A_143 = arith.constant 0 : i32
      %dma_wait3A_144 = arith.constant 0 : i32
      %dma_wait3A_145 = arith.constant 0 : i32
      %dma_wait3A_146 = tpu.memref_slice %arg9[%dma_wait3A_143, %dma_wait3A_144, %dma_wait3A_145] : memref<8x128x32xf32, #tpu.memory_space<vmem>> -> memref<1x128x32xf32, #tpu.memory_space<vmem>>
      %dma_wait3A_147 = tpu.memref_squeeze %dma_wait3A_146 : memref<1x128x32xf32, #tpu.memory_space<vmem>> -> memref<128x32xf32, #tpu.memory_space<vmem>>
      %dma_wait3A_148 = arith.constant 0 : i32
      %dma_wait3A_149 = tpu.memref_slice %arg7[%add3A_91, %dma_wait3A_148] : memref<80x128xi32, #tpu.memory_space<vmem>> -> memref<1x128xi32, #tpu.memory_space<vmem>>
      %dma_wait3A_150 = tpu.memref_squeeze %dma_wait3A_149 : memref<1x128xi32, #tpu.memory_space<vmem>> -> memref<128xi32, #tpu.memory_space<vmem>>
      %dma_wait3A_151 = arith.constant 0 : i32
      %dma_wait3A_152 = arith.constant 0 : i32
      %dma_wait3A_153 = tpu.memref_slice %arg12[%dma_wait3A_151, %dma_wait3A_152] : memref<10240x32xf32, #tpu.memory_space<vmem_shared>> -> memref<10240x32xf32, #tpu.memory_space<vmem_shared>>
      tpu.wait_indirect_dma semaphore(%arg13 : memref<!tpu.dma_semaphore, #tpu.memory_space<semaphore_mem>>) src(%dma_wait3A_153 : memref<10240x32xf32, #tpu.memory_space<vmem_shared>>) dst(%dma_wait3A_147 : memref<128x32xf32, #tpu.memory_space<vmem>>)
      %dma_wait3A_154 = arith.constant 1 : i32
      %dma_wait3A_155 = arith.constant 0 : i32
      %dma_wait3A_156 = arith.constant 0 : i32
      %dma_wait3A_157 = tpu.memref_slice %arg9[%dma_wait3A_154, %dma_wait3A_155, %dma_wait3A_156] : memref<8x128x32xf32, #tpu.memory_space<vmem>> -> memref<1x128x32xf32, #tpu.memory_space<vmem>>
      %dma_wait3A_158 = tpu.memref_squeeze %dma_wait3A_157 : memref<1x128x32xf32, #tpu.memory_space<vmem>> -> memref<128x32xf32, #tpu.memory_space<vmem>>
      %dma_wait3A_159 = arith.constant 0 : i32
      %dma_wait3A_160 = tpu.memref_slice %arg7[%add3A_103, %dma_wait3A_159] : memref<80x128xi32, #tpu.memory_space<vmem>> -> memref<1x128xi32, #tpu.memory_space<vmem>>
      %dma_wait3A_161 = tpu.memref_squeeze %dma_wait3A_160 : memref<1x128xi32, #tpu.memory_space<vmem>> -> memref<128xi32, #tpu.memory_space<vmem>>
      %dma_wait3A_162 = arith.constant 0 : i32
      %dma_wait3A_163 = arith.constant 0 : i32
      %dma_wait3A_164 = tpu.memref_slice %arg12[%dma_wait3A_162, %dma_wait3A_163] : memref<10240x32xf32, #tpu.memory_space<vmem_shared>> -> memref<10240x32xf32, #tpu.memory_space<vmem_shared>>
      tpu.wait_indirect_dma semaphore(%arg13 : memref<!tpu.dma_semaphore, #tpu.memory_space<semaphore_mem>>) src(%dma_wait3A_164 : memref<10240x32xf32, #tpu.memory_space<vmem_shared>>) dst(%dma_wait3A_158 : memref<128x32xf32, #tpu.memory_space<vmem>>)
      %dma_wait3A_165 = arith.constant 2 : i32
      %dma_wait3A_166 = arith.constant 0 : i32
      %dma_wait3A_167 = arith.constant 0 : i32
      %dma_wait3A_168 = tpu.memref_slice %arg9[%dma_wait3A_165, %dma_wait3A_166, %dma_wait3A_167] : memref<8x128x32xf32, #tpu.memory_space<vmem>> -> memref<1x128x32xf32, #tpu.memory_space<vmem>>
      %dma_wait3A_169 = tpu.memref_squeeze %dma_wait3A_168 : memref<1x128x32xf32, #tpu.memory_space<vmem>> -> memref<128x32xf32, #tpu.memory_space<vmem>>
      %dma_wait3A_170 = arith.constant 0 : i32
      %dma_wait3A_171 = tpu.memref_slice %arg7[%add3A_116, %dma_wait3A_170] : memref<80x128xi32, #tpu.memory_space<vmem>> -> memref<1x128xi32, #tpu.memory_space<vmem>>
      %dma_wait3A_172 = tpu.memref_squeeze %dma_wait3A_171 : memref<1x128xi32, #tpu.memory_space<vmem>> -> memref<128xi32, #tpu.memory_space<vmem>>
      %dma_wait3A_173 = arith.constant 0 : i32
      %dma_wait3A_174 = arith.constant 0 : i32
      %dma_wait3A_175 = tpu.memref_slice %arg12[%dma_wait3A_173, %dma_wait3A_174] : memref<10240x32xf32, #tpu.memory_space<vmem_shared>> -> memref<10240x32xf32, #tpu.memory_space<vmem_shared>>
      tpu.wait_indirect_dma semaphore(%arg13 : memref<!tpu.dma_semaphore, #tpu.memory_space<semaphore_mem>>) src(%dma_wait3A_175 : memref<10240x32xf32, #tpu.memory_space<vmem_shared>>) dst(%dma_wait3A_169 : memref<128x32xf32, #tpu.memory_space<vmem>>)
      %dma_wait3A_176 = arith.constant 3 : i32
      %dma_wait3A_177 = arith.constant 0 : i32
      %dma_wait3A_178 = arith.constant 0 : i32
      %dma_wait3A_179 = tpu.memref_slice %arg9[%dma_wait3A_176, %dma_wait3A_177, %dma_wait3A_178] : memref<8x128x32xf32, #tpu.memory_space<vmem>> -> memref<1x128x32xf32, #tpu.memory_space<vmem>>
      %dma_wait3A_180 = tpu.memref_squeeze %dma_wait3A_179 : memref<1x128x32xf32, #tpu.memory_space<vmem>> -> memref<128x32xf32, #tpu.memory_space<vmem>>
      %dma_wait3A_181 = arith.constant 0 : i32
      %dma_wait3A_182 = tpu.memref_slice %arg7[%add3A_129, %dma_wait3A_181] : memref<80x128xi32, #tpu.memory_space<vmem>> -> memref<1x128xi32, #tpu.memory_space<vmem>>
      %dma_wait3A_183 = tpu.memref_squeeze %dma_wait3A_182 : memref<1x128xi32, #tpu.memory_space<vmem>> -> memref<128xi32, #tpu.memory_space<vmem>>
      %dma_wait3A_184 = arith.constant 0 : i32
      %dma_wait3A_185 = arith.constant 0 : i32
      %dma_wait3A_186 = tpu.memref_slice %arg12[%dma_wait3A_184, %dma_wait3A_185] : memref<10240x32xf32, #tpu.memory_space<vmem_shared>> -> memref<10240x32xf32, #tpu.memory_space<vmem_shared>>
      tpu.wait_indirect_dma semaphore(%arg13 : memref<!tpu.dma_semaphore, #tpu.memory_space<semaphore_mem>>) src(%dma_wait3A_186 : memref<10240x32xf32, #tpu.memory_space<vmem_shared>>) dst(%dma_wait3A_180 : memref<128x32xf32, #tpu.memory_space<vmem>>)
      %add3A_187 = arith.constant 0 : i32
      %add3A_188 = arith.addi %add3A_89, %add3A_187 : i32
      %dma_start3A_189 = arith.constant 0 : i32
      %dma_start3A_190 = arith.constant 0 : i32
      %dma_start3A_191 = arith.constant 0 : i32
      %dma_start3A_192 = tpu.memref_slice %arg9[%dma_start3A_189, %dma_start3A_190, %dma_start3A_191] : memref<8x128x32xf32, #tpu.memory_space<vmem>> -> memref<1x128x32xf32, #tpu.memory_space<vmem>>
      %dma_start3A_193 = tpu.memref_squeeze %dma_start3A_192 : memref<1x128x32xf32, #tpu.memory_space<vmem>> -> memref<128x32xf32, #tpu.memory_space<vmem>>
      %dma_start3A_194 = arith.constant 0 : i32
      %dma_start3A_195 = tpu.memref_slice %arg8[%add3A_188, %dma_start3A_194] : memref<80x128xi32, #tpu.memory_space<vmem>> -> memref<1x128xi32, #tpu.memory_space<vmem>>
      %dma_start3A_196 = tpu.memref_squeeze %dma_start3A_195 : memref<1x128xi32, #tpu.memory_space<vmem>> -> memref<128xi32, #tpu.memory_space<vmem>>
      %dma_start3A_197 = arith.constant 0 : i32
      %dma_start3A_198 = arith.constant 0 : i32
      %dma_start3A_199 = tpu.memref_slice %arg11[%dma_start3A_197, %dma_start3A_198] : memref<10240x32xf32, #tpu.memory_space<vmem_shared>> -> memref<10240x32xf32, #tpu.memory_space<vmem_shared>>
      tpu.enqueue_indirect_dma source(%dma_start3A_193 : memref<128x32xf32, #tpu.memory_space<vmem>>) target(%dma_start3A_199 : memref<10240x32xf32, #tpu.memory_space<vmem_shared>>) offsets(%dma_start3A_196 : memref<128xi32, #tpu.memory_space<vmem>>) semaphore(%arg14 : memref<!tpu.dma_semaphore, #tpu.memory_space<semaphore_mem>>) {add = true}
      %add3A_200 = arith.constant 1 : i32
      %add3A_201 = arith.addi %add3A_89, %add3A_200 : i32
      %dma_start3A_202 = arith.constant 1 : i32
      %dma_start3A_203 = arith.constant 0 : i32
      %dma_start3A_204 = arith.constant 0 : i32
      %dma_start3A_205 = tpu.memref_slice %arg9[%dma_start3A_202, %dma_start3A_203, %dma_start3A_204] : memref<8x128x32xf32, #tpu.memory_space<vmem>> -> memref<1x128x32xf32, #tpu.memory_space<vmem>>
      %dma_start3A_206 = tpu.memref_squeeze %dma_start3A_205 : memref<1x128x32xf32, #tpu.memory_space<vmem>> -> memref<128x32xf32, #tpu.memory_space<vmem>>
      %dma_start3A_207 = arith.constant 0 : i32
      %dma_start3A_208 = tpu.memref_slice %arg8[%add3A_201, %dma_start3A_207] : memref<80x128xi32, #tpu.memory_space<vmem>> -> memref<1x128xi32, #tpu.memory_space<vmem>>
      %dma_start3A_209 = tpu.memref_squeeze %dma_start3A_208 : memref<1x128xi32, #tpu.memory_space<vmem>> -> memref<128xi32, #tpu.memory_space<vmem>>
      %dma_start3A_210 = arith.constant 0 : i32
      %dma_start3A_211 = arith.constant 0 : i32
      %dma_start3A_212 = tpu.memref_slice %arg11[%dma_start3A_210, %dma_start3A_211] : memref<10240x32xf32, #tpu.memory_space<vmem_shared>> -> memref<10240x32xf32, #tpu.memory_space<vmem_shared>>
      tpu.enqueue_indirect_dma source(%dma_start3A_206 : memref<128x32xf32, #tpu.memory_space<vmem>>) target(%dma_start3A_212 : memref<10240x32xf32, #tpu.memory_space<vmem_shared>>) offsets(%dma_start3A_209 : memref<128xi32, #tpu.memory_space<vmem>>) semaphore(%arg14 : memref<!tpu.dma_semaphore, #tpu.memory_space<semaphore_mem>>) {add = true}
      %add3A_213 = arith.constant 2 : i32
      %add3A_214 = arith.addi %add3A_89, %add3A_213 : i32
      %dma_start3A_215 = arith.constant 2 : i32
      %dma_start3A_216 = arith.constant 0 : i32
      %dma_start3A_217 = arith.constant 0 : i32
      %dma_start3A_218 = tpu.memref_slice %arg9[%dma_start3A_215, %dma_start3A_216, %dma_start3A_217] : memref<8x128x32xf32, #tpu.memory_space<vmem>> -> memref<1x128x32xf32, #tpu.memory_space<vmem>>
      %dma_start3A_219 = tpu.memref_squeeze %dma_start3A_218 : memref<1x128x32xf32, #tpu.memory_space<vmem>> -> memref<128x32xf32, #tpu.memory_space<vmem>>
      %dma_start3A_220 = arith.constant 0 : i32
      %dma_start3A_221 = tpu.memref_slice %arg8[%add3A_214, %dma_start3A_220] : memref<80x128xi32, #tpu.memory_space<vmem>> -> memref<1x128xi32, #tpu.memory_space<vmem>>
      %dma_start3A_222 = tpu.memref_squeeze %dma_start3A_221 : memref<1x128xi32, #tpu.memory_space<vmem>> -> memref<128xi32, #tpu.memory_space<vmem>>
      %dma_start3A_223 = arith.constant 0 : i32
      %dma_start3A_224 = arith.constant 0 : i32
      %dma_start3A_225 = tpu.memref_slice %arg11[%dma_start3A_223, %dma_start3A_224] : memref<10240x32xf32, #tpu.memory_space<vmem_shared>> -> memref<10240x32xf32, #tpu.memory_space<vmem_shared>>
      tpu.enqueue_indirect_dma source(%dma_start3A_219 : memref<128x32xf32, #tpu.memory_space<vmem>>) target(%dma_start3A_225 : memref<10240x32xf32, #tpu.memory_space<vmem_shared>>) offsets(%dma_start3A_222 : memref<128xi32, #tpu.memory_space<vmem>>) semaphore(%arg14 : memref<!tpu.dma_semaphore, #tpu.memory_space<semaphore_mem>>) {add = true}
      %add3A_226 = arith.constant 3 : i32
      %add3A_227 = arith.addi %add3A_89, %add3A_226 : i32
      %dma_start3A_228 = arith.constant 3 : i32
      %dma_start3A_229 = arith.constant 0 : i32
      %dma_start3A_230 = arith.constant 0 : i32
      %dma_start3A_231 = tpu.memref_slice %arg9[%dma_start3A_228, %dma_start3A_229, %dma_start3A_230] : memref<8x128x32xf32, #tpu.memory_space<vmem>> -> memref<1x128x32xf32, #tpu.memory_space<vmem>>
      %dma_start3A_232 = tpu.memref_squeeze %dma_start3A_231 : memref<1x128x32xf32, #tpu.memory_space<vmem>> -> memref<128x32xf32, #tpu.memory_space<vmem>>
      %dma_start3A_233 = arith.constant 0 : i32
      %dma_start3A_234 = tpu.memref_slice %arg8[%add3A_227, %dma_start3A_233] : memref<80x128xi32, #tpu.memory_space<vmem>> -> memref<1x128xi32, #tpu.memory_space<vmem>>
      %dma_start3A_235 = tpu.memref_squeeze %dma_start3A_234 : memref<1x128xi32, #tpu.memory_space<vmem>> -> memref<128xi32, #tpu.memory_space<vmem>>
      %dma_start3A_236 = arith.constant 0 : i32
      %dma_start3A_237 = arith.constant 0 : i32
      %dma_start3A_238 = tpu.memref_slice %arg11[%dma_start3A_236, %dma_start3A_237] : memref<10240x32xf32, #tpu.memory_space<vmem_shared>> -> memref<10240x32xf32, #tpu.memory_space<vmem_shared>>
      tpu.enqueue_indirect_dma source(%dma_start3A_232 : memref<128x32xf32, #tpu.memory_space<vmem>>) target(%dma_start3A_238 : memref<10240x32xf32, #tpu.memory_space<vmem_shared>>) offsets(%dma_start3A_235 : memref<128xi32, #tpu.memory_space<vmem>>) semaphore(%arg14 : memref<!tpu.dma_semaphore, #tpu.memory_space<semaphore_mem>>) {add = true}
      %add3A_239 = arith.constant 4 : i32
      %add3A_240 = arith.addi %mul3A_87, %add3A_239 : i32
      %add3A_241 = arith.constant 0 : i32
      %add3A_242 = arith.addi %add3A_240, %add3A_241 : i32
      %dma_start3A_243 = arith.constant 4 : i32
      %dma_start3A_244 = arith.constant 0 : i32
      %dma_start3A_245 = arith.constant 0 : i32
      %dma_start3A_246 = tpu.memref_slice %arg9[%dma_start3A_243, %dma_start3A_244, %dma_start3A_245] : memref<8x128x32xf32, #tpu.memory_space<vmem>> -> memref<1x128x32xf32, #tpu.memory_space<vmem>>
      %dma_start3A_247 = tpu.memref_squeeze %dma_start3A_246 : memref<1x128x32xf32, #tpu.memory_space<vmem>> -> memref<128x32xf32, #tpu.memory_space<vmem>>
      %dma_start3A_248 = arith.constant 0 : i32
      %dma_start3A_249 = tpu.memref_slice %arg7[%add3A_242, %dma_start3A_248] : memref<80x128xi32, #tpu.memory_space<vmem>> -> memref<1x128xi32, #tpu.memory_space<vmem>>
      %dma_start3A_250 = tpu.memref_squeeze %dma_start3A_249 : memref<1x128xi32, #tpu.memory_space<vmem>> -> memref<128xi32, #tpu.memory_space<vmem>>
      %dma_start3A_251 = arith.constant 0 : i32
      %dma_start3A_252 = arith.constant 0 : i32
      %dma_start3A_253 = tpu.memref_slice %arg12[%dma_start3A_251, %dma_start3A_252] : memref<10240x32xf32, #tpu.memory_space<vmem_shared>> -> memref<10240x32xf32, #tpu.memory_space<vmem_shared>>
      tpu.enqueue_indirect_dma source(%dma_start3A_253 : memref<10240x32xf32, #tpu.memory_space<vmem_shared>>) target(%dma_start3A_247 : memref<128x32xf32, #tpu.memory_space<vmem>>) offsets(%dma_start3A_250 : memref<128xi32, #tpu.memory_space<vmem>>) semaphore(%arg13 : memref<!tpu.dma_semaphore, #tpu.memory_space<semaphore_mem>>)
      %add3A_254 = arith.constant 1 : i32
      %add3A_255 = arith.addi %add3A_240, %add3A_254 : i32
      %dma_start3A_256 = arith.constant 5 : i32
      %dma_start3A_257 = arith.constant 0 : i32
      %dma_start3A_258 = arith.constant 0 : i32
      %dma_start3A_259 = tpu.memref_slice %arg9[%dma_start3A_256, %dma_start3A_257, %dma_start3A_258] : memref<8x128x32xf32, #tpu.memory_space<vmem>> -> memref<1x128x32xf32, #tpu.memory_space<vmem>>
      %dma_start3A_260 = tpu.memref_squeeze %dma_start3A_259 : memref<1x128x32xf32, #tpu.memory_space<vmem>> -> memref<128x32xf32, #tpu.memory_space<vmem>>
      %dma_start3A_261 = arith.constant 0 : i32
      %dma_start3A_262 = tpu.memref_slice %arg7[%add3A_255, %dma_start3A_261] : memref<80x128xi32, #tpu.memory_space<vmem>> -> memref<1x128xi32, #tpu.memory_space<vmem>>
      %dma_start3A_263 = tpu.memref_squeeze %dma_start3A_262 : memref<1x128xi32, #tpu.memory_space<vmem>> -> memref<128xi32, #tpu.memory_space<vmem>>
      %dma_start3A_264 = arith.constant 0 : i32
      %dma_start3A_265 = arith.constant 0 : i32
      %dma_start3A_266 = tpu.memref_slice %arg12[%dma_start3A_264, %dma_start3A_265] : memref<10240x32xf32, #tpu.memory_space<vmem_shared>> -> memref<10240x32xf32, #tpu.memory_space<vmem_shared>>
      tpu.enqueue_indirect_dma source(%dma_start3A_266 : memref<10240x32xf32, #tpu.memory_space<vmem_shared>>) target(%dma_start3A_260 : memref<128x32xf32, #tpu.memory_space<vmem>>) offsets(%dma_start3A_263 : memref<128xi32, #tpu.memory_space<vmem>>) semaphore(%arg13 : memref<!tpu.dma_semaphore, #tpu.memory_space<semaphore_mem>>)
      %add3A_267 = arith.constant 2 : i32
      %add3A_268 = arith.addi %add3A_240, %add3A_267 : i32
      %dma_start3A_269 = arith.constant 6 : i32
      %dma_start3A_270 = arith.constant 0 : i32
      %dma_start3A_271 = arith.constant 0 : i32
      %dma_start3A_272 = tpu.memref_slice %arg9[%dma_start3A_269, %dma_start3A_270, %dma_start3A_271] : memref<8x128x32xf32, #tpu.memory_space<vmem>> -> memref<1x128x32xf32, #tpu.memory_space<vmem>>
      %dma_start3A_273 = tpu.memref_squeeze %dma_start3A_272 : memref<1x128x32xf32, #tpu.memory_space<vmem>> -> memref<128x32xf32, #tpu.memory_space<vmem>>
      %dma_start3A_274 = arith.constant 0 : i32
      %dma_start3A_275 = tpu.memref_slice %arg7[%add3A_268, %dma_start3A_274] : memref<80x128xi32, #tpu.memory_space<vmem>> -> memref<1x128xi32, #tpu.memory_space<vmem>>
      %dma_start3A_276 = tpu.memref_squeeze %dma_start3A_275 : memref<1x128xi32, #tpu.memory_space<vmem>> -> memref<128xi32, #tpu.memory_space<vmem>>
      %dma_start3A_277 = arith.constant 0 : i32
      %dma_start3A_278 = arith.constant 0 : i32
      %dma_start3A_279 = tpu.memref_slice %arg12[%dma_start3A_277, %dma_start3A_278] : memref<10240x32xf32, #tpu.memory_space<vmem_shared>> -> memref<10240x32xf32, #tpu.memory_space<vmem_shared>>
      tpu.enqueue_indirect_dma source(%dma_start3A_279 : memref<10240x32xf32, #tpu.memory_space<vmem_shared>>) target(%dma_start3A_273 : memref<128x32xf32, #tpu.memory_space<vmem>>) offsets(%dma_start3A_276 : memref<128xi32, #tpu.memory_space<vmem>>) semaphore(%arg13 : memref<!tpu.dma_semaphore, #tpu.memory_space<semaphore_mem>>)
      %add3A_280 = arith.constant 3 : i32
      %add3A_281 = arith.addi %add3A_240, %add3A_280 : i32
      %dma_start3A_282 = arith.constant 7 : i32
      %dma_start3A_283 = arith.constant 0 : i32
      %dma_start3A_284 = arith.constant 0 : i32
      %dma_start3A_285 = tpu.memref_slice %arg9[%dma_start3A_282, %dma_start3A_283, %dma_start3A_284] : memref<8x128x32xf32, #tpu.memory_space<vmem>> -> memref<1x128x32xf32, #tpu.memory_space<vmem>>
      %dma_start3A_286 = tpu.memref_squeeze %dma_start3A_285 : memref<1x128x32xf32, #tpu.memory_space<vmem>> -> memref<128x32xf32, #tpu.memory_space<vmem>>
      %dma_start3A_287 = arith.constant 0 : i32
      %dma_start3A_288 = tpu.memref_slice %arg7[%add3A_281, %dma_start3A_287] : memref<80x128xi32, #tpu.memory_space<vmem>> -> memref<1x128xi32, #tpu.memory_space<vmem>>
      %dma_start3A_289 = tpu.memref_squeeze %dma_start3A_288 : memref<1x128xi32, #tpu.memory_space<vmem>> -> memref<128xi32, #tpu.memory_space<vmem>>
      %dma_start3A_290 = arith.constant 0 : i32
      %dma_start3A_291 = arith.constant 0 : i32
      %dma_start3A_292 = tpu.memref_slice %arg12[%dma_start3A_290, %dma_start3A_291] : memref<10240x32xf32, #tpu.memory_space<vmem_shared>> -> memref<10240x32xf32, #tpu.memory_space<vmem_shared>>
      tpu.enqueue_indirect_dma source(%dma_start3A_292 : memref<10240x32xf32, #tpu.memory_space<vmem_shared>>) target(%dma_start3A_286 : memref<128x32xf32, #tpu.memory_space<vmem>>) offsets(%dma_start3A_289 : memref<128xi32, #tpu.memory_space<vmem>>) semaphore(%arg13 : memref<!tpu.dma_semaphore, #tpu.memory_space<semaphore_mem>>)
      %dma_wait3A_293 = arith.constant 0 : i32
      %dma_wait3A_294 = arith.constant 0 : i32
      %dma_wait3A_295 = arith.constant 0 : i32
      %dma_wait3A_296 = tpu.memref_slice %arg9[%dma_wait3A_293, %dma_wait3A_294, %dma_wait3A_295] : memref<8x128x32xf32, #tpu.memory_space<vmem>> -> memref<1x128x32xf32, #tpu.memory_space<vmem>>
      %dma_wait3A_297 = tpu.memref_squeeze %dma_wait3A_296 : memref<1x128x32xf32, #tpu.memory_space<vmem>> -> memref<128x32xf32, #tpu.memory_space<vmem>>
      %dma_wait3A_298 = arith.constant 0 : i32
      %dma_wait3A_299 = arith.constant 0 : i32
      %dma_wait3A_300 = tpu.memref_slice %arg5[%dma_wait3A_298, %dma_wait3A_299] : memref<10240x32xf32, #tpu.memory_space<hbm>> -> memref<128x32xf32, #tpu.memory_space<hbm>>
      %dma_wait3A_301 = arith.constant 0 : i32
      %dma_wait3A_302 = arith.constant 0 : i32
      %dma_wait3A_303 = tpu.memref_slice %arg9[%dma_wait3A_293, %dma_wait3A_301, %dma_wait3A_302] : memref<8x128x32xf32, #tpu.memory_space<vmem>> -> memref<1x128x32xf32, #tpu.memory_space<vmem>>
      %dma_wait3A_304 = tpu.memref_squeeze %dma_wait3A_303 : memref<1x128x32xf32, #tpu.memory_space<vmem>> -> memref<128x32xf32, #tpu.memory_space<vmem>>
      %dma_wait3A_305 = arith.constant 0 : i32
      %dma_wait3A_306 = arith.constant 0 : i32
      %dma_wait3A_307 = tpu.memref_slice %arg5[%dma_wait3A_305, %dma_wait3A_306] : memref<10240x32xf32, #tpu.memory_space<hbm>> -> memref<128x32xf32, #tpu.memory_space<hbm>>
      tpu.wait_dma2 semaphore(%arg14 : memref<!tpu.dma_semaphore, #tpu.memory_space<semaphore_mem>>) src(%dma_wait3A_307 : memref<128x32xf32, #tpu.memory_space<hbm>>) dst(%dma_wait3A_304 : memref<128x32xf32, #tpu.memory_space<vmem>>)
      %dma_wait3A_308 = arith.constant 0 : i32
      %dma_wait3A_309 = arith.constant 0 : i32
      %dma_wait3A_310 = arith.constant 0 : i32
      %dma_wait3A_311 = tpu.memref_slice %arg9[%dma_wait3A_308, %dma_wait3A_309, %dma_wait3A_310] : memref<8x128x32xf32, #tpu.memory_space<vmem>> -> memref<1x128x32xf32, #tpu.memory_space<vmem>>
      %dma_wait3A_312 = tpu.memref_squeeze %dma_wait3A_311 : memref<1x128x32xf32, #tpu.memory_space<vmem>> -> memref<128x32xf32, #tpu.memory_space<vmem>>
      %dma_wait3A_313 = arith.constant 0 : i32
      %dma_wait3A_314 = arith.constant 0 : i32
      %dma_wait3A_315 = tpu.memref_slice %arg5[%dma_wait3A_313, %dma_wait3A_314] : memref<10240x32xf32, #tpu.memory_space<hbm>> -> memref<128x32xf32, #tpu.memory_space<hbm>>
      %dma_wait3A_316 = arith.constant 0 : i32
      %dma_wait3A_317 = arith.constant 0 : i32
      %dma_wait3A_318 = tpu.memref_slice %arg9[%dma_wait3A_308, %dma_wait3A_316, %dma_wait3A_317] : memref<8x128x32xf32, #tpu.memory_space<vmem>> -> memref<1x128x32xf32, #tpu.memory_space<vmem>>
      %dma_wait3A_319 = tpu.memref_squeeze %dma_wait3A_318 : memref<1x128x32xf32, #tpu.memory_space<vmem>> -> memref<128x32xf32, #tpu.memory_space<vmem>>
      %dma_wait3A_320 = arith.constant 0 : i32
      %dma_wait3A_321 = arith.constant 0 : i32
      %dma_wait3A_322 = tpu.memref_slice %arg5[%dma_wait3A_320, %dma_wait3A_321] : memref<10240x32xf32, #tpu.memory_space<hbm>> -> memref<128x32xf32, #tpu.memory_space<hbm>>
      tpu.wait_dma2 semaphore(%arg14 : memref<!tpu.dma_semaphore, #tpu.memory_space<semaphore_mem>>) src(%dma_wait3A_322 : memref<128x32xf32, #tpu.memory_space<hbm>>) dst(%dma_wait3A_319 : memref<128x32xf32, #tpu.memory_space<vmem>>)
      %dma_wait3A_323 = arith.constant 0 : i32
      %dma_wait3A_324 = arith.constant 0 : i32
      %dma_wait3A_325 = arith.constant 0 : i32
      %dma_wait3A_326 = tpu.memref_slice %arg9[%dma_wait3A_323, %dma_wait3A_324, %dma_wait3A_325] : memref<8x128x32xf32, #tpu.memory_space<vmem>> -> memref<1x128x32xf32, #tpu.memory_space<vmem>>
      %dma_wait3A_327 = tpu.memref_squeeze %dma_wait3A_326 : memref<1x128x32xf32, #tpu.memory_space<vmem>> -> memref<128x32xf32, #tpu.memory_space<vmem>>
      %dma_wait3A_328 = arith.constant 0 : i32
      %dma_wait3A_329 = arith.constant 0 : i32
      %dma_wait3A_330 = tpu.memref_slice %arg5[%dma_wait3A_328, %dma_wait3A_329] : memref<10240x32xf32, #tpu.memory_space<hbm>> -> memref<128x32xf32, #tpu.memory_space<hbm>>
      %dma_wait3A_331 = arith.constant 0 : i32
      %dma_wait3A_332 = arith.constant 0 : i32
      %dma_wait3A_333 = tpu.memref_slice %arg9[%dma_wait3A_323, %dma_wait3A_331, %dma_wait3A_332] : memref<8x128x32xf32, #tpu.memory_space<vmem>> -> memref<1x128x32xf32, #tpu.memory_space<vmem>>
      %dma_wait3A_334 = tpu.memref_squeeze %dma_wait3A_333 : memref<1x128x32xf32, #tpu.memory_space<vmem>> -> memref<128x32xf32, #tpu.memory_space<vmem>>
      %dma_wait3A_335 = arith.constant 0 : i32
      %dma_wait3A_336 = arith.constant 0 : i32
      %dma_wait3A_337 = tpu.memref_slice %arg5[%dma_wait3A_335, %dma_wait3A_336] : memref<10240x32xf32, #tpu.memory_space<hbm>> -> memref<128x32xf32, #tpu.memory_space<hbm>>
      tpu.wait_dma2 semaphore(%arg14 : memref<!tpu.dma_semaphore, #tpu.memory_space<semaphore_mem>>) src(%dma_wait3A_337 : memref<128x32xf32, #tpu.memory_space<hbm>>) dst(%dma_wait3A_334 : memref<128x32xf32, #tpu.memory_space<vmem>>)
      %dma_wait3A_338 = arith.constant 0 : i32
      %dma_wait3A_339 = arith.constant 0 : i32
      %dma_wait3A_340 = arith.constant 0 : i32
      %dma_wait3A_341 = tpu.memref_slice %arg9[%dma_wait3A_338, %dma_wait3A_339, %dma_wait3A_340] : memref<8x128x32xf32, #tpu.memory_space<vmem>> -> memref<1x128x32xf32, #tpu.memory_space<vmem>>
      %dma_wait3A_342 = tpu.memref_squeeze %dma_wait3A_341 : memref<1x128x32xf32, #tpu.memory_space<vmem>> -> memref<128x32xf32, #tpu.memory_space<vmem>>
      %dma_wait3A_343 = arith.constant 0 : i32
      %dma_wait3A_344 = arith.constant 0 : i32
      %dma_wait3A_345 = tpu.memref_slice %arg5[%dma_wait3A_343, %dma_wait3A_344] : memref<10240x32xf32, #tpu.memory_space<hbm>> -> memref<128x32xf32, #tpu.memory_space<hbm>>
      %dma_wait3A_346 = arith.constant 0 : i32
      %dma_wait3A_347 = arith.constant 0 : i32
      %dma_wait3A_348 = tpu.memref_slice %arg9[%dma_wait3A_338, %dma_wait3A_346, %dma_wait3A_347] : memref<8x128x32xf32, #tpu.memory_space<vmem>> -> memref<1x128x32xf32, #tpu.memory_space<vmem>>
      %dma_wait3A_349 = tpu.memref_squeeze %dma_wait3A_348 : memref<1x128x32xf32, #tpu.memory_space<vmem>> -> memref<128x32xf32, #tpu.memory_space<vmem>>
      %dma_wait3A_350 = arith.constant 0 : i32
      %dma_wait3A_351 = arith.constant 0 : i32
      %dma_wait3A_352 = tpu.memref_slice %arg5[%dma_wait3A_350, %dma_wait3A_351] : memref<10240x32xf32, #tpu.memory_space<hbm>> -> memref<128x32xf32, #tpu.memory_space<hbm>>
      tpu.wait_dma2 semaphore(%arg14 : memref<!tpu.dma_semaphore, #tpu.memory_space<semaphore_mem>>) src(%dma_wait3A_352 : memref<128x32xf32, #tpu.memory_space<hbm>>) dst(%dma_wait3A_349 : memref<128x32xf32, #tpu.memory_space<vmem>>)
      %dma_wait3A_353 = arith.constant 4 : i32
      %dma_wait3A_354 = arith.constant 0 : i32
      %dma_wait3A_355 = arith.constant 0 : i32
      %dma_wait3A_356 = tpu.memref_slice %arg9[%dma_wait3A_353, %dma_wait3A_354, %dma_wait3A_355] : memref<8x128x32xf32, #tpu.memory_space<vmem>> -> memref<1x128x32xf32, #tpu.memory_space<vmem>>
      %dma_wait3A_357 = tpu.memref_squeeze %dma_wait3A_356 : memref<1x128x32xf32, #tpu.memory_space<vmem>> -> memref<128x32xf32, #tpu.memory_space<vmem>>
      %dma_wait3A_358 = arith.constant 0 : i32
      %dma_wait3A_359 = tpu.memref_slice %arg7[%add3A_242, %dma_wait3A_358] : memref<80x128xi32, #tpu.memory_space<vmem>> -> memref<1x128xi32, #tpu.memory_space<vmem>>
      %dma_wait3A_360 = tpu.memref_squeeze %dma_wait3A_359 : memref<1x128xi32, #tpu.memory_space<vmem>> -> memref<128xi32, #tpu.memory_space<vmem>>
      %dma_wait3A_361 = arith.constant 0 : i32
      %dma_wait3A_362 = arith.constant 0 : i32
      %dma_wait3A_363 = tpu.memref_slice %arg12[%dma_wait3A_361, %dma_wait3A_362] : memref<10240x32xf32, #tpu.memory_space<vmem_shared>> -> memref<10240x32xf32, #tpu.memory_space<vmem_shared>>
      tpu.wait_indirect_dma semaphore(%arg13 : memref<!tpu.dma_semaphore, #tpu.memory_space<semaphore_mem>>) src(%dma_wait3A_363 : memref<10240x32xf32, #tpu.memory_space<vmem_shared>>) dst(%dma_wait3A_357 : memref<128x32xf32, #tpu.memory_space<vmem>>)
      %dma_wait3A_364 = arith.constant 5 : i32
      %dma_wait3A_365 = arith.constant 0 : i32
      %dma_wait3A_366 = arith.constant 0 : i32
      %dma_wait3A_367 = tpu.memref_slice %arg9[%dma_wait3A_364, %dma_wait3A_365, %dma_wait3A_366] : memref<8x128x32xf32, #tpu.memory_space<vmem>> -> memref<1x128x32xf32, #tpu.memory_space<vmem>>
      %dma_wait3A_368 = tpu.memref_squeeze %dma_wait3A_367 : memref<1x128x32xf32, #tpu.memory_space<vmem>> -> memref<128x32xf32, #tpu.memory_space<vmem>>
      %dma_wait3A_369 = arith.constant 0 : i32
      %dma_wait3A_370 = tpu.memref_slice %arg7[%add3A_255, %dma_wait3A_369] : memref<80x128xi32, #tpu.memory_space<vmem>> -> memref<1x128xi32, #tpu.memory_space<vmem>>
      %dma_wait3A_371 = tpu.memref_squeeze %dma_wait3A_370 : memref<1x128xi32, #tpu.memory_space<vmem>> -> memref<128xi32, #tpu.memory_space<vmem>>
      %dma_wait3A_372 = arith.constant 0 : i32
      %dma_wait3A_373 = arith.constant 0 : i32
      %dma_wait3A_374 = tpu.memref_slice %arg12[%dma_wait3A_372, %dma_wait3A_373] : memref<10240x32xf32, #tpu.memory_space<vmem_shared>> -> memref<10240x32xf32, #tpu.memory_space<vmem_shared>>
      tpu.wait_indirect_dma semaphore(%arg13 : memref<!tpu.dma_semaphore, #tpu.memory_space<semaphore_mem>>) src(%dma_wait3A_374 : memref<10240x32xf32, #tpu.memory_space<vmem_shared>>) dst(%dma_wait3A_368 : memref<128x32xf32, #tpu.memory_space<vmem>>)
      %dma_wait3A_375 = arith.constant 6 : i32
      %dma_wait3A_376 = arith.constant 0 : i32
      %dma_wait3A_377 = arith.constant 0 : i32
      %dma_wait3A_378 = tpu.memref_slice %arg9[%dma_wait3A_375, %dma_wait3A_376, %dma_wait3A_377] : memref<8x128x32xf32, #tpu.memory_space<vmem>> -> memref<1x128x32xf32, #tpu.memory_space<vmem>>
      %dma_wait3A_379 = tpu.memref_squeeze %dma_wait3A_378 : memref<1x128x32xf32, #tpu.memory_space<vmem>> -> memref<128x32xf32, #tpu.memory_space<vmem>>
      %dma_wait3A_380 = arith.constant 0 : i32
      %dma_wait3A_381 = tpu.memref_slice %arg7[%add3A_268, %dma_wait3A_380] : memref<80x128xi32, #tpu.memory_space<vmem>> -> memref<1x128xi32, #tpu.memory_space<vmem>>
      %dma_wait3A_382 = tpu.memref_squeeze %dma_wait3A_381 : memref<1x128xi32, #tpu.memory_space<vmem>> -> memref<128xi32, #tpu.memory_space<vmem>>
      %dma_wait3A_383 = arith.constant 0 : i32
      %dma_wait3A_384 = arith.constant 0 : i32
      %dma_wait3A_385 = tpu.memref_slice %arg12[%dma_wait3A_383, %dma_wait3A_384] : memref<10240x32xf32, #tpu.memory_space<vmem_shared>> -> memref<10240x32xf32, #tpu.memory_space<vmem_shared>>
      tpu.wait_indirect_dma semaphore(%arg13 : memref<!tpu.dma_semaphore, #tpu.memory_space<semaphore_mem>>) src(%dma_wait3A_385 : memref<10240x32xf32, #tpu.memory_space<vmem_shared>>) dst(%dma_wait3A_379 : memref<128x32xf32, #tpu.memory_space<vmem>>)
      %dma_wait3A_386 = arith.constant 7 : i32
      %dma_wait3A_387 = arith.constant 0 : i32
      %dma_wait3A_388 = arith.constant 0 : i32
      %dma_wait3A_389 = tpu.memref_slice %arg9[%dma_wait3A_386, %dma_wait3A_387, %dma_wait3A_388] : memref<8x128x32xf32, #tpu.memory_space<vmem>> -> memref<1x128x32xf32, #tpu.memory_space<vmem>>
      %dma_wait3A_390 = tpu.memref_squeeze %dma_wait3A_389 : memref<1x128x32xf32, #tpu.memory_space<vmem>> -> memref<128x32xf32, #tpu.memory_space<vmem>>
      %dma_wait3A_391 = arith.constant 0 : i32
      %dma_wait3A_392 = tpu.memref_slice %arg7[%add3A_281, %dma_wait3A_391] : memref<80x128xi32, #tpu.memory_space<vmem>> -> memref<1x128xi32, #tpu.memory_space<vmem>>
      %dma_wait3A_393 = tpu.memref_squeeze %dma_wait3A_392 : memref<1x128xi32, #tpu.memory_space<vmem>> -> memref<128xi32, #tpu.memory_space<vmem>>
      %dma_wait3A_394 = arith.constant 0 : i32
      %dma_wait3A_395 = arith.constant 0 : i32
      %dma_wait3A_396 = tpu.memref_slice %arg12[%dma_wait3A_394, %dma_wait3A_395] : memref<10240x32xf32, #tpu.memory_space<vmem_shared>> -> memref<10240x32xf32, #tpu.memory_space<vmem_shared>>
      tpu.wait_indirect_dma semaphore(%arg13 : memref<!tpu.dma_semaphore, #tpu.memory_space<semaphore_mem>>) src(%dma_wait3A_396 : memref<10240x32xf32, #tpu.memory_space<vmem_shared>>) dst(%dma_wait3A_390 : memref<128x32xf32, #tpu.memory_space<vmem>>)
      %add3A_397 = arith.constant 0 : i32
      %add3A_398 = arith.addi %add3A_240, %add3A_397 : i32
      %dma_start3A_399 = arith.constant 4 : i32
      %dma_start3A_400 = arith.constant 0 : i32
      %dma_start3A_401 = arith.constant 0 : i32
      %dma_start3A_402 = tpu.memref_slice %arg9[%dma_start3A_399, %dma_start3A_400, %dma_start3A_401] : memref<8x128x32xf32, #tpu.memory_space<vmem>> -> memref<1x128x32xf32, #tpu.memory_space<vmem>>
      %dma_start3A_403 = tpu.memref_squeeze %dma_start3A_402 : memref<1x128x32xf32, #tpu.memory_space<vmem>> -> memref<128x32xf32, #tpu.memory_space<vmem>>
      %dma_start3A_404 = arith.constant 0 : i32
      %dma_start3A_405 = tpu.memref_slice %arg8[%add3A_398, %dma_start3A_404] : memref<80x128xi32, #tpu.memory_space<vmem>> -> memref<1x128xi32, #tpu.memory_space<vmem>>
      %dma_start3A_406 = tpu.memref_squeeze %dma_start3A_405 : memref<1x128xi32, #tpu.memory_space<vmem>> -> memref<128xi32, #tpu.memory_space<vmem>>
      %dma_start3A_407 = arith.constant 0 : i32
      %dma_start3A_408 = arith.constant 0 : i32
      %dma_start3A_409 = tpu.memref_slice %arg11[%dma_start3A_407, %dma_start3A_408] : memref<10240x32xf32, #tpu.memory_space<vmem_shared>> -> memref<10240x32xf32, #tpu.memory_space<vmem_shared>>
      tpu.enqueue_indirect_dma source(%dma_start3A_403 : memref<128x32xf32, #tpu.memory_space<vmem>>) target(%dma_start3A_409 : memref<10240x32xf32, #tpu.memory_space<vmem_shared>>) offsets(%dma_start3A_406 : memref<128xi32, #tpu.memory_space<vmem>>) semaphore(%arg14 : memref<!tpu.dma_semaphore, #tpu.memory_space<semaphore_mem>>) {add = true}
      %add3A_410 = arith.constant 1 : i32
      %add3A_411 = arith.addi %add3A_240, %add3A_410 : i32
      %dma_start3A_412 = arith.constant 5 : i32
      %dma_start3A_413 = arith.constant 0 : i32
      %dma_start3A_414 = arith.constant 0 : i32
      %dma_start3A_415 = tpu.memref_slice %arg9[%dma_start3A_412, %dma_start3A_413, %dma_start3A_414] : memref<8x128x32xf32, #tpu.memory_space<vmem>> -> memref<1x128x32xf32, #tpu.memory_space<vmem>>
      %dma_start3A_416 = tpu.memref_squeeze %dma_start3A_415 : memref<1x128x32xf32, #tpu.memory_space<vmem>> -> memref<128x32xf32, #tpu.memory_space<vmem>>
      %dma_start3A_417 = arith.constant 0 : i32
      %dma_start3A_418 = tpu.memref_slice %arg8[%add3A_411, %dma_start3A_417] : memref<80x128xi32, #tpu.memory_space<vmem>> -> memref<1x128xi32, #tpu.memory_space<vmem>>
      %dma_start3A_419 = tpu.memref_squeeze %dma_start3A_418 : memref<1x128xi32, #tpu.memory_space<vmem>> -> memref<128xi32, #tpu.memory_space<vmem>>
      %dma_start3A_420 = arith.constant 0 : i32
      %dma_start3A_421 = arith.constant 0 : i32
      %dma_start3A_422 = tpu.memref_slice %arg11[%dma_start3A_420, %dma_start3A_421] : memref<10240x32xf32, #tpu.memory_space<vmem_shared>> -> memref<10240x32xf32, #tpu.memory_space<vmem_shared>>
      tpu.enqueue_indirect_dma source(%dma_start3A_416 : memref<128x32xf32, #tpu.memory_space<vmem>>) target(%dma_start3A_422 : memref<10240x32xf32, #tpu.memory_space<vmem_shared>>) offsets(%dma_start3A_419 : memref<128xi32, #tpu.memory_space<vmem>>) semaphore(%arg14 : memref<!tpu.dma_semaphore, #tpu.memory_space<semaphore_mem>>) {add = true}
      %add3A_423 = arith.constant 2 : i32
      %add3A_424 = arith.addi %add3A_240, %add3A_423 : i32
      %dma_start3A_425 = arith.constant 6 : i32
      %dma_start3A_426 = arith.constant 0 : i32
      %dma_start3A_427 = arith.constant 0 : i32
      %dma_start3A_428 = tpu.memref_slice %arg9[%dma_start3A_425, %dma_start3A_426, %dma_start3A_427] : memref<8x128x32xf32, #tpu.memory_space<vmem>> -> memref<1x128x32xf32, #tpu.memory_space<vmem>>
      %dma_start3A_429 = tpu.memref_squeeze %dma_start3A_428 : memref<1x128x32xf32, #tpu.memory_space<vmem>> -> memref<128x32xf32, #tpu.memory_space<vmem>>
      %dma_start3A_430 = arith.constant 0 : i32
      %dma_start3A_431 = tpu.memref_slice %arg8[%add3A_424, %dma_start3A_430] : memref<80x128xi32, #tpu.memory_space<vmem>> -> memref<1x128xi32, #tpu.memory_space<vmem>>
      %dma_start3A_432 = tpu.memref_squeeze %dma_start3A_431 : memref<1x128xi32, #tpu.memory_space<vmem>> -> memref<128xi32, #tpu.memory_space<vmem>>
      %dma_start3A_433 = arith.constant 0 : i32
      %dma_start3A_434 = arith.constant 0 : i32
      %dma_start3A_435 = tpu.memref_slice %arg11[%dma_start3A_433, %dma_start3A_434] : memref<10240x32xf32, #tpu.memory_space<vmem_shared>> -> memref<10240x32xf32, #tpu.memory_space<vmem_shared>>
      tpu.enqueue_indirect_dma source(%dma_start3A_429 : memref<128x32xf32, #tpu.memory_space<vmem>>) target(%dma_start3A_435 : memref<10240x32xf32, #tpu.memory_space<vmem_shared>>) offsets(%dma_start3A_432 : memref<128xi32, #tpu.memory_space<vmem>>) semaphore(%arg14 : memref<!tpu.dma_semaphore, #tpu.memory_space<semaphore_mem>>) {add = true}
      %add3A_436 = arith.constant 3 : i32
      %add3A_437 = arith.addi %add3A_240, %add3A_436 : i32
      %dma_start3A_438 = arith.constant 7 : i32
      %dma_start3A_439 = arith.constant 0 : i32
      %dma_start3A_440 = arith.constant 0 : i32
      %dma_start3A_441 = tpu.memref_slice %arg9[%dma_start3A_438, %dma_start3A_439, %dma_start3A_440] : memref<8x128x32xf32, #tpu.memory_space<vmem>> -> memref<1x128x32xf32, #tpu.memory_space<vmem>>
      %dma_start3A_442 = tpu.memref_squeeze %dma_start3A_441 : memref<1x128x32xf32, #tpu.memory_space<vmem>> -> memref<128x32xf32, #tpu.memory_space<vmem>>
      %dma_start3A_443 = arith.constant 0 : i32
      %dma_start3A_444 = tpu.memref_slice %arg8[%add3A_437, %dma_start3A_443] : memref<80x128xi32, #tpu.memory_space<vmem>> -> memref<1x128xi32, #tpu.memory_space<vmem>>
      %dma_start3A_445 = tpu.memref_squeeze %dma_start3A_444 : memref<1x128xi32, #tpu.memory_space<vmem>> -> memref<128xi32, #tpu.memory_space<vmem>>
      %dma_start3A_446 = arith.constant 0 : i32
      %dma_start3A_447 = arith.constant 0 : i32
      %dma_start3A_448 = tpu.memref_slice %arg11[%dma_start3A_446, %dma_start3A_447] : memref<10240x32xf32, #tpu.memory_space<vmem_shared>> -> memref<10240x32xf32, #tpu.memory_space<vmem_shared>>
      tpu.enqueue_indirect_dma source(%dma_start3A_442 : memref<128x32xf32, #tpu.memory_space<vmem>>) target(%dma_start3A_448 : memref<10240x32xf32, #tpu.memory_space<vmem_shared>>) offsets(%dma_start3A_445 : memref<128xi32, #tpu.memory_space<vmem>>) semaphore(%arg14 : memref<!tpu.dma_semaphore, #tpu.memory_space<semaphore_mem>>) {add = true}
    }
    %scan3A_16 = arith.constant 10 : i32
    %dma_wait3A = arith.constant 0 : i32
    %dma_wait3A_17 = arith.constant 0 : i32
    %dma_wait3A_18 = arith.constant 0 : i32
    %dma_wait3A_19 = tpu.memref_slice %arg9[%dma_wait3A, %dma_wait3A_17, %dma_wait3A_18] : memref<8x128x32xf32, #tpu.memory_space<vmem>> -> memref<1x128x32xf32, #tpu.memory_space<vmem>>
    %dma_wait3A_20 = tpu.memref_squeeze %dma_wait3A_19 : memref<1x128x32xf32, #tpu.memory_space<vmem>> -> memref<128x32xf32, #tpu.memory_space<vmem>>
    %dma_wait3A_21 = arith.constant 0 : i32
    %dma_wait3A_22 = arith.constant 0 : i32
    %dma_wait3A_23 = tpu.memref_slice %arg5[%dma_wait3A_21, %dma_wait3A_22] : memref<10240x32xf32, #tpu.memory_space<hbm>> -> memref<128x32xf32, #tpu.memory_space<hbm>>
    %dma_wait3A_24 = arith.constant 0 : i32
    %dma_wait3A_25 = arith.constant 0 : i32
    %dma_wait3A_26 = tpu.memref_slice %arg9[%dma_wait3A, %dma_wait3A_24, %dma_wait3A_25] : memref<8x128x32xf32, #tpu.memory_space<vmem>> -> memref<1x128x32xf32, #tpu.memory_space<vmem>>
    %dma_wait3A_27 = tpu.memref_squeeze %dma_wait3A_26 : memref<1x128x32xf32, #tpu.memory_space<vmem>> -> memref<128x32xf32, #tpu.memory_space<vmem>>
    %dma_wait3A_28 = arith.constant 0 : i32
    %dma_wait3A_29 = arith.constant 0 : i32
    %dma_wait3A_30 = tpu.memref_slice %arg5[%dma_wait3A_28, %dma_wait3A_29] : memref<10240x32xf32, #tpu.memory_space<hbm>> -> memref<128x32xf32, #tpu.memory_space<hbm>>
    tpu.wait_dma2 semaphore(%arg14 : memref<!tpu.dma_semaphore, #tpu.memory_space<semaphore_mem>>) src(%dma_wait3A_30 : memref<128x32xf32, #tpu.memory_space<hbm>>) dst(%dma_wait3A_27 : memref<128x32xf32, #tpu.memory_space<vmem>>)
    %dma_wait3A_31 = arith.constant 0 : i32
    %dma_wait3A_32 = arith.constant 0 : i32
    %dma_wait3A_33 = arith.constant 0 : i32
    %dma_wait3A_34 = tpu.memref_slice %arg9[%dma_wait3A_31, %dma_wait3A_32, %dma_wait3A_33] : memref<8x128x32xf32, #tpu.memory_space<vmem>> -> memref<1x128x32xf32, #tpu.memory_space<vmem>>
    %dma_wait3A_35 = tpu.memref_squeeze %dma_wait3A_34 : memref<1x128x32xf32, #tpu.memory_space<vmem>> -> memref<128x32xf32, #tpu.memory_space<vmem>>
    %dma_wait3A_36 = arith.constant 0 : i32
    %dma_wait3A_37 = arith.constant 0 : i32
    %dma_wait3A_38 = tpu.memref_slice %arg5[%dma_wait3A_36, %dma_wait3A_37] : memref<10240x32xf32, #tpu.memory_space<hbm>> -> memref<128x32xf32, #tpu.memory_space<hbm>>
    %dma_wait3A_39 = arith.constant 0 : i32
    %dma_wait3A_40 = arith.constant 0 : i32
    %dma_wait3A_41 = tpu.memref_slice %arg9[%dma_wait3A_31, %dma_wait3A_39, %dma_wait3A_40] : memref<8x128x32xf32, #tpu.memory_space<vmem>> -> memref<1x128x32xf32, #tpu.memory_space<vmem>>
    %dma_wait3A_42 = tpu.memref_squeeze %dma_wait3A_41 : memref<1x128x32xf32, #tpu.memory_space<vmem>> -> memref<128x32xf32, #tpu.memory_space<vmem>>
    %dma_wait3A_43 = arith.constant 0 : i32
    %dma_wait3A_44 = arith.constant 0 : i32
    %dma_wait3A_45 = tpu.memref_slice %arg5[%dma_wait3A_43, %dma_wait3A_44] : memref<10240x32xf32, #tpu.memory_space<hbm>> -> memref<128x32xf32, #tpu.memory_space<hbm>>
    tpu.wait_dma2 semaphore(%arg14 : memref<!tpu.dma_semaphore, #tpu.memory_space<semaphore_mem>>) src(%dma_wait3A_45 : memref<128x32xf32, #tpu.memory_space<hbm>>) dst(%dma_wait3A_42 : memref<128x32xf32, #tpu.memory_space<vmem>>)
    %dma_wait3A_46 = arith.constant 0 : i32
    %dma_wait3A_47 = arith.constant 0 : i32
    %dma_wait3A_48 = arith.constant 0 : i32
    %dma_wait3A_49 = tpu.memref_slice %arg9[%dma_wait3A_46, %dma_wait3A_47, %dma_wait3A_48] : memref<8x128x32xf32, #tpu.memory_space<vmem>> -> memref<1x128x32xf32, #tpu.memory_space<vmem>>
    %dma_wait3A_50 = tpu.memref_squeeze %dma_wait3A_49 : memref<1x128x32xf32, #tpu.memory_space<vmem>> -> memref<128x32xf32, #tpu.memory_space<vmem>>
    %dma_wait3A_51 = arith.constant 0 : i32
    %dma_wait3A_52 = arith.constant 0 : i32
    %dma_wait3A_53 = tpu.memref_slice %arg5[%dma_wait3A_51, %dma_wait3A_52] : memref<10240x32xf32, #tpu.memory_space<hbm>> -> memref<128x32xf32, #tpu.memory_space<hbm>>
    %dma_wait3A_54 = arith.constant 0 : i32
    %dma_wait3A_55 = arith.constant 0 : i32
    %dma_wait3A_56 = tpu.memref_slice %arg9[%dma_wait3A_46, %dma_wait3A_54, %dma_wait3A_55] : memref<8x128x32xf32, #tpu.memory_space<vmem>> -> memref<1x128x32xf32, #tpu.memory_space<vmem>>
    %dma_wait3A_57 = tpu.memref_squeeze %dma_wait3A_56 : memref<1x128x32xf32, #tpu.memory_space<vmem>> -> memref<128x32xf32, #tpu.memory_space<vmem>>
    %dma_wait3A_58 = arith.constant 0 : i32
    %dma_wait3A_59 = arith.constant 0 : i32
    %dma_wait3A_60 = tpu.memref_slice %arg5[%dma_wait3A_58, %dma_wait3A_59] : memref<10240x32xf32, #tpu.memory_space<hbm>> -> memref<128x32xf32, #tpu.memory_space<hbm>>
    tpu.wait_dma2 semaphore(%arg14 : memref<!tpu.dma_semaphore, #tpu.memory_space<semaphore_mem>>) src(%dma_wait3A_60 : memref<128x32xf32, #tpu.memory_space<hbm>>) dst(%dma_wait3A_57 : memref<128x32xf32, #tpu.memory_space<vmem>>)
    %dma_wait3A_61 = arith.constant 0 : i32
    %dma_wait3A_62 = arith.constant 0 : i32
    %dma_wait3A_63 = arith.constant 0 : i32
    %dma_wait3A_64 = tpu.memref_slice %arg9[%dma_wait3A_61, %dma_wait3A_62, %dma_wait3A_63] : memref<8x128x32xf32, #tpu.memory_space<vmem>> -> memref<1x128x32xf32, #tpu.memory_space<vmem>>
    %dma_wait3A_65 = tpu.memref_squeeze %dma_wait3A_64 : memref<1x128x32xf32, #tpu.memory_space<vmem>> -> memref<128x32xf32, #tpu.memory_space<vmem>>
    %dma_wait3A_66 = arith.constant 0 : i32
    %dma_wait3A_67 = arith.constant 0 : i32
    %dma_wait3A_68 = tpu.memref_slice %arg5[%dma_wait3A_66, %dma_wait3A_67] : memref<10240x32xf32, #tpu.memory_space<hbm>> -> memref<128x32xf32, #tpu.memory_space<hbm>>
    %dma_wait3A_69 = arith.constant 0 : i32
    %dma_wait3A_70 = arith.constant 0 : i32
    %dma_wait3A_71 = tpu.memref_slice %arg9[%dma_wait3A_61, %dma_wait3A_69, %dma_wait3A_70] : memref<8x128x32xf32, #tpu.memory_space<vmem>> -> memref<1x128x32xf32, #tpu.memory_space<vmem>>
    %dma_wait3A_72 = tpu.memref_squeeze %dma_wait3A_71 : memref<1x128x32xf32, #tpu.memory_space<vmem>> -> memref<128x32xf32, #tpu.memory_space<vmem>>
    %dma_wait3A_73 = arith.constant 0 : i32
    %dma_wait3A_74 = arith.constant 0 : i32
    %dma_wait3A_75 = tpu.memref_slice %arg5[%dma_wait3A_73, %dma_wait3A_74] : memref<10240x32xf32, #tpu.memory_space<hbm>> -> memref<128x32xf32, #tpu.memory_space<hbm>>
    tpu.wait_dma2 semaphore(%arg14 : memref<!tpu.dma_semaphore, #tpu.memory_space<semaphore_mem>>) src(%dma_wait3A_75 : memref<128x32xf32, #tpu.memory_space<hbm>>) dst(%dma_wait3A_72 : memref<128x32xf32, #tpu.memory_space<vmem>>)
    %barrier3A_76 = arith.constant 0 : index
    tpu.barrier barrier_id(%barrier3A_76)
    %mul3A_77 = arith.constant 640 : i32
    %mul3A_78 = arith.muli %arg1, %mul3A_77 : i32
    "tpu.region"() ({
      %run_scoped3A = tpu.sem_alloc : memref<!tpu.dma_semaphore, #tpu.memory_space<semaphore_mem>>
      %dma_start3A = arith.constant 0 : i32
      %dma_start3A_81 = tpu.memref_slice %arg11[%mul3A_78, %dma_start3A] : memref<10240x32xf32, #tpu.memory_space<vmem_shared>> -> memref<640x32xf32, #tpu.memory_space<vmem_shared>>
      %dma_start3A_82 = arith.constant 0 : i32
      %dma_start3A_83 = tpu.memref_slice %arg11[%mul3A_78, %dma_start3A_82] : memref<10240x32xf32, #tpu.memory_space<vmem_shared>> -> memref<640x32xf32, #tpu.memory_space<vmem_shared>>
      tpu.enqueue_dma source(%dma_start3A_83 : memref<640x32xf32, #tpu.memory_space<vmem_shared>>) target(%arg10 : memref<640x32xf32, #tpu.memory_space<vmem>>) target_semaphore(%run_scoped3A : memref<!tpu.dma_semaphore, #tpu.memory_space<semaphore_mem>>)
      %dma_wait3A_84 = arith.constant 0 : i32
      %dma_wait3A_85 = tpu.memref_slice %arg11[%mul3A_78, %dma_wait3A_84] : memref<10240x32xf32, #tpu.memory_space<vmem_shared>> -> memref<640x32xf32, #tpu.memory_space<vmem_shared>>
      %dma_wait3A_86 = arith.constant 0 : i32
      %dma_wait3A_87 = tpu.memref_slice %arg11[%mul3A_78, %dma_wait3A_86] : memref<10240x32xf32, #tpu.memory_space<vmem_shared>> -> memref<640x32xf32, #tpu.memory_space<vmem_shared>>
      tpu.wait_dma2 semaphore(%run_scoped3A : memref<!tpu.dma_semaphore, #tpu.memory_space<semaphore_mem>>) src(%dma_wait3A_87 : memref<640x32xf32, #tpu.memory_space<vmem_shared>>) dst(%arg10 : memref<640x32xf32, #tpu.memory_space<vmem>>)
      tpu.yield
    }) : () -> ()
    %mul3A_79 = arith.constant 640 : i32
    %mul3A_80 = arith.muli %arg1, %mul3A_79 : i32
    "tpu.region"() ({
      %run_scoped3A = tpu.sem_alloc : memref<!tpu.dma_semaphore, #tpu.memory_space<semaphore_mem>>
      %dma_start3A = arith.constant 0 : i32
      %dma_start3A_81 = tpu.memref_slice %arg6[%arg0, %mul3A_80, %dma_start3A] : memref<2x10240x32xf32, #tpu.memory_space<hbm>> -> memref<1x640x32xf32, #tpu.memory_space<hbm>>
      %dma_start3A_82 = tpu.memref_squeeze %dma_start3A_81 : memref<1x640x32xf32, #tpu.memory_space<hbm>> -> memref<640x32xf32, #tpu.memory_space<hbm>>
      %dma_start3A_83 = arith.constant 0 : i32
      %dma_start3A_84 = tpu.memref_slice %arg6[%arg0, %mul3A_80, %dma_start3A_83] : memref<2x10240x32xf32, #tpu.memory_space<hbm>> -> memref<1x640x32xf32, #tpu.memory_space<hbm>>
      %dma_start3A_85 = tpu.memref_squeeze %dma_start3A_84 : memref<1x640x32xf32, #tpu.memory_space<hbm>> -> memref<640x32xf32, #tpu.memory_space<hbm>>
      tpu.enqueue_dma source(%arg10 : memref<640x32xf32, #tpu.memory_space<vmem>>) target(%dma_start3A_85 : memref<640x32xf32, #tpu.memory_space<hbm>>) target_semaphore(%run_scoped3A : memref<!tpu.dma_semaphore, #tpu.memory_space<semaphore_mem>>)
      %dma_wait3A_86 = arith.constant 0 : i32
      %dma_wait3A_87 = tpu.memref_slice %arg6[%arg0, %mul3A_80, %dma_wait3A_86] : memref<2x10240x32xf32, #tpu.memory_space<hbm>> -> memref<1x640x32xf32, #tpu.memory_space<hbm>>
      %dma_wait3A_88 = tpu.memref_squeeze %dma_wait3A_87 : memref<1x640x32xf32, #tpu.memory_space<hbm>> -> memref<640x32xf32, #tpu.memory_space<hbm>>
      %dma_wait3A_89 = arith.constant 0 : i32
      %dma_wait3A_90 = tpu.memref_slice %arg6[%arg0, %mul3A_80, %dma_wait3A_89] : memref<2x10240x32xf32, #tpu.memory_space<hbm>> -> memref<1x640x32xf32, #tpu.memory_space<hbm>>
      %dma_wait3A_91 = tpu.memref_squeeze %dma_wait3A_90 : memref<1x640x32xf32, #tpu.memory_space<hbm>> -> memref<640x32xf32, #tpu.memory_space<hbm>>
      tpu.wait_dma2 semaphore(%run_scoped3A : memref<!tpu.dma_semaphore, #tpu.memory_space<semaphore_mem>>) src(%arg10 : memref<640x32xf32, #tpu.memory_space<vmem>>) dst(%dma_wait3A_91 : memref<640x32xf32, #tpu.memory_space<hbm>>)
      tpu.yield
    }) : () -> ()
    return
  }
}

#map = affine_map<(d0, d1) -> (0, 0)>
#map1 = affine_map<(d0, d1) -> (0, 0, 0)>
module attributes {stable_mosaic.version = 14 : i64} {
  func.func @_msg_body(%arg0: i32, %arg1: i32, %arg2: memref<10240x32xf32, #tpu.memory_space<hbm>>, %arg3: memref<2560x128xi32, #tpu.memory_space<hbm>>, %arg4: memref<2560x128xi32, #tpu.memory_space<hbm>>, %arg5: memref<10240x32xf32, #tpu.memory_space<hbm>>, %arg6: memref<2x10240x32xf32, #tpu.memory_space<hbm>>, %arg7: memref<80x128xi32, #tpu.memory_space<vmem>>, %arg8: memref<80x128xi32, #tpu.memory_space<vmem>>, %arg9: memref<8x128x32xf32, #tpu.memory_space<vmem>>, %arg10: memref<640x32xf32, #tpu.memory_space<vmem>>, %arg11: memref<10240x32xf32, #tpu.memory_space<vmem_shared>>, %arg12: memref<10240x32xf32, #tpu.memory_space<vmem_shared>>, %arg13: memref<!tpu.dma_semaphore, #tpu.memory_space<semaphore_mem>>, %arg14: memref<!tpu.dma_semaphore, #tpu.memory_space<semaphore_mem>>) attributes {dimension_semantics = [#tpu.dimension_semantics<core_parallel>, #tpu.dimension_semantics<subcore_parallel>], iteration_bounds = array<i64: 2, 16>, scalar_prefetch = 0 : i64, scratch_operands = 8 : i64, tpu.core_type = #tpu.core_type<sc_vector_subcore>, window_params = [{transform_indices = #map}, {transform_indices = #map}, {transform_indices = #map}, {transform_indices = #map}, {transform_indices = #map1}]} {
    %mul3A = arith.constant 2 : i32
    %mul3A_0 = arith.muli %arg1, %mul3A : i32
    %add3A = arith.addi %mul3A_0, %arg0 : i32
    %mul3A_1 = arith.constant 640 : i32
    %mul3A_2 = arith.muli %arg1, %mul3A_1 : i32
    "tpu.region"() ({
      %run_scoped3A = tpu.sem_alloc : memref<!tpu.dma_semaphore, #tpu.memory_space<semaphore_mem>>
      %dma_start3A = arith.constant 0 : i32
      %dma_start3A_81 = tpu.memref_slice %arg5[%mul3A_2, %dma_start3A] : memref<10240x32xf32, #tpu.memory_space<hbm>> -> memref<640x32xf32, #tpu.memory_space<hbm>>
      %dma_start3A_82 = arith.constant 0 : i32
      %dma_start3A_83 = tpu.memref_slice %arg5[%mul3A_2, %dma_start3A_82] : memref<10240x32xf32, #tpu.memory_space<hbm>> -> memref<640x32xf32, #tpu.memory_space<hbm>>
      tpu.enqueue_dma source(%dma_start3A_83 : memref<640x32xf32, #tpu.memory_space<hbm>>) target(%arg10 : memref<640x32xf32, #tpu.memory_space<vmem>>) target_semaphore(%run_scoped3A : memref<!tpu.dma_semaphore, #tpu.memory_space<semaphore_mem>>)
      %dma_wait3A_84 = arith.constant 0 : i32
      %dma_wait3A_85 = tpu.memref_slice %arg5[%mul3A_2, %dma_wait3A_84] : memref<10240x32xf32, #tpu.memory_space<hbm>> -> memref<640x32xf32, #tpu.memory_space<hbm>>
      %dma_wait3A_86 = arith.constant 0 : i32
      %dma_wait3A_87 = tpu.memref_slice %arg5[%mul3A_2, %dma_wait3A_86] : memref<10240x32xf32, #tpu.memory_space<hbm>> -> memref<640x32xf32, #tpu.memory_space<hbm>>
      tpu.wait_dma2 semaphore(%run_scoped3A : memref<!tpu.dma_semaphore, #tpu.memory_space<semaphore_mem>>) src(%dma_wait3A_87 : memref<640x32xf32, #tpu.memory_space<hbm>>) dst(%arg10 : memref<640x32xf32, #tpu.memory_space<vmem>>)
      tpu.yield
    }) : () -> ()
    %mul3A_3 = arith.constant 640 : i32
    %mul3A_4 = arith.muli %arg1, %mul3A_3 : i32
    "tpu.region"() ({
      %run_scoped3A = tpu.sem_alloc : memref<!tpu.dma_semaphore, #tpu.memory_space<semaphore_mem>>
      %dma_start3A = arith.constant 0 : i32
      %dma_start3A_81 = tpu.memref_slice %arg11[%mul3A_4, %dma_start3A] : memref<10240x32xf32, #tpu.memory_space<vmem_shared>> -> memref<640x32xf32, #tpu.memory_space<vmem_shared>>
      %dma_start3A_82 = arith.constant 0 : i32
      %dma_start3A_83 = tpu.memref_slice %arg11[%mul3A_4, %dma_start3A_82] : memref<10240x32xf32, #tpu.memory_space<vmem_shared>> -> memref<640x32xf32, #tpu.memory_space<vmem_shared>>
      tpu.enqueue_dma source(%arg10 : memref<640x32xf32, #tpu.memory_space<vmem>>) target(%dma_start3A_83 : memref<640x32xf32, #tpu.memory_space<vmem_shared>>) target_semaphore(%run_scoped3A : memref<!tpu.dma_semaphore, #tpu.memory_space<semaphore_mem>>)
      %dma_wait3A_84 = arith.constant 0 : i32
      %dma_wait3A_85 = tpu.memref_slice %arg11[%mul3A_4, %dma_wait3A_84] : memref<10240x32xf32, #tpu.memory_space<vmem_shared>> -> memref<640x32xf32, #tpu.memory_space<vmem_shared>>
      %dma_wait3A_86 = arith.constant 0 : i32
      %dma_wait3A_87 = tpu.memref_slice %arg11[%mul3A_4, %dma_wait3A_86] : memref<10240x32xf32, #tpu.memory_space<vmem_shared>> -> memref<640x32xf32, #tpu.memory_space<vmem_shared>>
      tpu.wait_dma2 semaphore(%run_scoped3A : memref<!tpu.dma_semaphore, #tpu.memory_space<semaphore_mem>>) src(%arg10 : memref<640x32xf32, #tpu.memory_space<vmem>>) dst(%dma_wait3A_87 : memref<640x32xf32, #tpu.memory_space<vmem_shared>>)
      tpu.yield
    }) : () -> ()
    %mul3A_5 = arith.constant 640 : i32
    %mul3A_6 = arith.muli %arg1, %mul3A_5 : i32
    "tpu.region"() ({
      %run_scoped3A = tpu.sem_alloc : memref<!tpu.dma_semaphore, #tpu.memory_space<semaphore_mem>>
      %dma_start3A = arith.constant 0 : i32
      %dma_start3A_81 = tpu.memref_slice %arg2[%mul3A_6, %dma_start3A] : memref<10240x32xf32, #tpu.memory_space<hbm>> -> memref<640x32xf32, #tpu.memory_space<hbm>>
      %dma_start3A_82 = arith.constant 0 : i32
      %dma_start3A_83 = tpu.memref_slice %arg2[%mul3A_6, %dma_start3A_82] : memref<10240x32xf32, #tpu.memory_space<hbm>> -> memref<640x32xf32, #tpu.memory_space<hbm>>
      tpu.enqueue_dma source(%dma_start3A_83 : memref<640x32xf32, #tpu.memory_space<hbm>>) target(%arg10 : memref<640x32xf32, #tpu.memory_space<vmem>>) target_semaphore(%run_scoped3A : memref<!tpu.dma_semaphore, #tpu.memory_space<semaphore_mem>>)
      %dma_wait3A_84 = arith.constant 0 : i32
      %dma_wait3A_85 = tpu.memref_slice %arg2[%mul3A_6, %dma_wait3A_84] : memref<10240x32xf32, #tpu.memory_space<hbm>> -> memref<640x32xf32, #tpu.memory_space<hbm>>
      %dma_wait3A_86 = arith.constant 0 : i32
      %dma_wait3A_87 = tpu.memref_slice %arg2[%mul3A_6, %dma_wait3A_86] : memref<10240x32xf32, #tpu.memory_space<hbm>> -> memref<640x32xf32, #tpu.memory_space<hbm>>
      tpu.wait_dma2 semaphore(%run_scoped3A : memref<!tpu.dma_semaphore, #tpu.memory_space<semaphore_mem>>) src(%dma_wait3A_87 : memref<640x32xf32, #tpu.memory_space<hbm>>) dst(%arg10 : memref<640x32xf32, #tpu.memory_space<vmem>>)
      tpu.yield
    }) : () -> ()
    %mul3A_7 = arith.constant 640 : i32
    %mul3A_8 = arith.muli %arg1, %mul3A_7 : i32
    "tpu.region"() ({
      %run_scoped3A = tpu.sem_alloc : memref<!tpu.dma_semaphore, #tpu.memory_space<semaphore_mem>>
      %dma_start3A = arith.constant 0 : i32
      %dma_start3A_81 = tpu.memref_slice %arg12[%mul3A_8, %dma_start3A] : memref<10240x32xf32, #tpu.memory_space<vmem_shared>> -> memref<640x32xf32, #tpu.memory_space<vmem_shared>>
      %dma_start3A_82 = arith.constant 0 : i32
      %dma_start3A_83 = tpu.memref_slice %arg12[%mul3A_8, %dma_start3A_82] : memref<10240x32xf32, #tpu.memory_space<vmem_shared>> -> memref<640x32xf32, #tpu.memory_space<vmem_shared>>
      tpu.enqueue_dma source(%arg10 : memref<640x32xf32, #tpu.memory_space<vmem>>) target(%dma_start3A_83 : memref<640x32xf32, #tpu.memory_space<vmem_shared>>) target_semaphore(%run_scoped3A : memref<!tpu.dma_semaphore, #tpu.memory_space<semaphore_mem>>)
      %dma_wait3A_84 = arith.constant 0 : i32
      %dma_wait3A_85 = tpu.memref_slice %arg12[%mul3A_8, %dma_wait3A_84] : memref<10240x32xf32, #tpu.memory_space<vmem_shared>> -> memref<640x32xf32, #tpu.memory_space<vmem_shared>>
      %dma_wait3A_86 = arith.constant 0 : i32
      %dma_wait3A_87 = tpu.memref_slice %arg12[%mul3A_8, %dma_wait3A_86] : memref<10240x32xf32, #tpu.memory_space<vmem_shared>> -> memref<640x32xf32, #tpu.memory_space<vmem_shared>>
      tpu.wait_dma2 semaphore(%run_scoped3A : memref<!tpu.dma_semaphore, #tpu.memory_space<semaphore_mem>>) src(%arg10 : memref<640x32xf32, #tpu.memory_space<vmem>>) dst(%dma_wait3A_87 : memref<640x32xf32, #tpu.memory_space<vmem_shared>>)
      tpu.yield
    }) : () -> ()
    %mul3A_9 = arith.constant 80 : i32
    %mul3A_10 = arith.muli %add3A, %mul3A_9 : i32
    "tpu.region"() ({
      %run_scoped3A = tpu.sem_alloc : memref<!tpu.dma_semaphore, #tpu.memory_space<semaphore_mem>>
      %dma_start3A = arith.constant 0 : i32
      %dma_start3A_81 = tpu.memref_slice %arg3[%mul3A_10, %dma_start3A] : memref<2560x128xi32, #tpu.memory_space<hbm>> -> memref<80x128xi32, #tpu.memory_space<hbm>>
      %dma_start3A_82 = arith.constant 0 : i32
      %dma_start3A_83 = tpu.memref_slice %arg3[%mul3A_10, %dma_start3A_82] : memref<2560x128xi32, #tpu.memory_space<hbm>> -> memref<80x128xi32, #tpu.memory_space<hbm>>
      tpu.enqueue_dma source(%dma_start3A_83 : memref<80x128xi32, #tpu.memory_space<hbm>>) target(%arg7 : memref<80x128xi32, #tpu.memory_space<vmem>>) target_semaphore(%run_scoped3A : memref<!tpu.dma_semaphore, #tpu.memory_space<semaphore_mem>>)
      %dma_wait3A_84 = arith.constant 0 : i32
      %dma_wait3A_85 = tpu.memref_slice %arg3[%mul3A_10, %dma_wait3A_84] : memref<2560x128xi32, #tpu.memory_space<hbm>> -> memref<80x128xi32, #tpu.memory_space<hbm>>
      %dma_wait3A_86 = arith.constant 0 : i32
      %dma_wait3A_87 = tpu.memref_slice %arg3[%mul3A_10, %dma_wait3A_86] : memref<2560x128xi32, #tpu.memory_space<hbm>> -> memref<80x128xi32, #tpu.memory_space<hbm>>
      tpu.wait_dma2 semaphore(%run_scoped3A : memref<!tpu.dma_semaphore, #tpu.memory_space<semaphore_mem>>) src(%dma_wait3A_87 : memref<80x128xi32, #tpu.memory_space<hbm>>) dst(%arg7 : memref<80x128xi32, #tpu.memory_space<vmem>>)
      tpu.yield
    }) : () -> ()
    %mul3A_11 = arith.constant 80 : i32
    %mul3A_12 = arith.muli %add3A, %mul3A_11 : i32
    "tpu.region"() ({
      %run_scoped3A = tpu.sem_alloc : memref<!tpu.dma_semaphore, #tpu.memory_space<semaphore_mem>>
      %dma_start3A = arith.constant 0 : i32
      %dma_start3A_81 = tpu.memref_slice %arg4[%mul3A_12, %dma_start3A] : memref<2560x128xi32, #tpu.memory_space<hbm>> -> memref<80x128xi32, #tpu.memory_space<hbm>>
      %dma_start3A_82 = arith.constant 0 : i32
      %dma_start3A_83 = tpu.memref_slice %arg4[%mul3A_12, %dma_start3A_82] : memref<2560x128xi32, #tpu.memory_space<hbm>> -> memref<80x128xi32, #tpu.memory_space<hbm>>
      tpu.enqueue_dma source(%dma_start3A_83 : memref<80x128xi32, #tpu.memory_space<hbm>>) target(%arg8 : memref<80x128xi32, #tpu.memory_space<vmem>>) target_semaphore(%run_scoped3A : memref<!tpu.dma_semaphore, #tpu.memory_space<semaphore_mem>>)
      %dma_wait3A_84 = arith.constant 0 : i32
      %dma_wait3A_85 = tpu.memref_slice %arg4[%mul3A_12, %dma_wait3A_84] : memref<2560x128xi32, #tpu.memory_space<hbm>> -> memref<80x128xi32, #tpu.memory_space<hbm>>
      %dma_wait3A_86 = arith.constant 0 : i32
      %dma_wait3A_87 = tpu.memref_slice %arg4[%mul3A_12, %dma_wait3A_86] : memref<2560x128xi32, #tpu.memory_space<hbm>> -> memref<80x128xi32, #tpu.memory_space<hbm>>
      tpu.wait_dma2 semaphore(%run_scoped3A : memref<!tpu.dma_semaphore, #tpu.memory_space<semaphore_mem>>) src(%dma_wait3A_87 : memref<80x128xi32, #tpu.memory_space<hbm>>) dst(%arg8 : memref<80x128xi32, #tpu.memory_space<vmem>>)
      tpu.yield
    }) : () -> ()
    %barrier3A = arith.constant 0 : index
    tpu.barrier barrier_id(%barrier3A)
    %scan3A = arith.constant 0 : i32
    %scan3A_13 = arith.constant 10 : i32
    %scan3A_14 = arith.addi %scan3A, %scan3A_13 : i32
    %scan3A_15 = arith.constant 1 : i32
    scf.for %scan3A_81 = %scan3A to %scan3A_14 step %scan3A_15  : i32 {
      %mul3A_82 = arith.constant 1 : i32
      %mul3A_83 = arith.muli %scan3A_81, %mul3A_82 : i32
      %add3A_84 = arith.constant 0 : i32
      %add3A_85 = arith.addi %add3A_84, %mul3A_83 : i32
      %mul3A_86 = arith.constant 8 : i32
      %mul3A_87 = arith.muli %add3A_85, %mul3A_86 : i32
      %add3A_88 = arith.constant 0 : i32
      %add3A_89 = arith.addi %mul3A_87, %add3A_88 : i32
      %add3A_90 = arith.constant 0 : i32
      %add3A_91 = arith.addi %add3A_89, %add3A_90 : i32
      %dma_start3A = arith.constant 0 : i32
      %dma_start3A_92 = arith.constant 0 : i32
      %dma_start3A_93 = arith.constant 0 : i32
      %dma_start3A_94 = tpu.memref_slice %arg9[%dma_start3A, %dma_start3A_92, %dma_start3A_93] : memref<8x128x32xf32, #tpu.memory_space<vmem>> -> memref<1x128x32xf32, #tpu.memory_space<vmem>>
      %dma_start3A_95 = tpu.memref_squeeze %dma_start3A_94 : memref<1x128x32xf32, #tpu.memory_space<vmem>> -> memref<128x32xf32, #tpu.memory_space<vmem>>
      %dma_start3A_96 = arith.constant 0 : i32
      %dma_start3A_97 = tpu.memref_slice %arg7[%add3A_91, %dma_start3A_96] : memref<80x128xi32, #tpu.memory_space<vmem>> -> memref<1x128xi32, #tpu.memory_space<vmem>>
      %dma_start3A_98 = tpu.memref_squeeze %dma_start3A_97 : memref<1x128xi32, #tpu.memory_space<vmem>> -> memref<128xi32, #tpu.memory_space<vmem>>
      %dma_start3A_99 = arith.constant 0 : i32
      %dma_start3A_100 = arith.constant 0 : i32
      %dma_start3A_101 = tpu.memref_slice %arg12[%dma_start3A_99, %dma_start3A_100] : memref<10240x32xf32, #tpu.memory_space<vmem_shared>> -> memref<10240x32xf32, #tpu.memory_space<vmem_shared>>
      tpu.enqueue_indirect_dma source(%dma_start3A_101 : memref<10240x32xf32, #tpu.memory_space<vmem_shared>>) target(%dma_start3A_95 : memref<128x32xf32, #tpu.memory_space<vmem>>) offsets(%dma_start3A_98 : memref<128xi32, #tpu.memory_space<vmem>>) semaphore(%arg13 : memref<!tpu.dma_semaphore, #tpu.memory_space<semaphore_mem>>)
      %add3A_102 = arith.constant 1 : i32
      %add3A_103 = arith.addi %add3A_89, %add3A_102 : i32
      %dma_start3A_104 = arith.constant 1 : i32
      %dma_start3A_105 = arith.constant 0 : i32
      %dma_start3A_106 = arith.constant 0 : i32
      %dma_start3A_107 = tpu.memref_slice %arg9[%dma_start3A_104, %dma_start3A_105, %dma_start3A_106] : memref<8x128x32xf32, #tpu.memory_space<vmem>> -> memref<1x128x32xf32, #tpu.memory_space<vmem>>
      %dma_start3A_108 = tpu.memref_squeeze %dma_start3A_107 : memref<1x128x32xf32, #tpu.memory_space<vmem>> -> memref<128x32xf32, #tpu.memory_space<vmem>>
      %dma_start3A_109 = arith.constant 0 : i32
      %dma_start3A_110 = tpu.memref_slice %arg7[%add3A_103, %dma_start3A_109] : memref<80x128xi32, #tpu.memory_space<vmem>> -> memref<1x128xi32, #tpu.memory_space<vmem>>
      %dma_start3A_111 = tpu.memref_squeeze %dma_start3A_110 : memref<1x128xi32, #tpu.memory_space<vmem>> -> memref<128xi32, #tpu.memory_space<vmem>>
      %dma_start3A_112 = arith.constant 0 : i32
      %dma_start3A_113 = arith.constant 0 : i32
      %dma_start3A_114 = tpu.memref_slice %arg12[%dma_start3A_112, %dma_start3A_113] : memref<10240x32xf32, #tpu.memory_space<vmem_shared>> -> memref<10240x32xf32, #tpu.memory_space<vmem_shared>>
      tpu.enqueue_indirect_dma source(%dma_start3A_114 : memref<10240x32xf32, #tpu.memory_space<vmem_shared>>) target(%dma_start3A_108 : memref<128x32xf32, #tpu.memory_space<vmem>>) offsets(%dma_start3A_111 : memref<128xi32, #tpu.memory_space<vmem>>) semaphore(%arg13 : memref<!tpu.dma_semaphore, #tpu.memory_space<semaphore_mem>>)
      %add3A_115 = arith.constant 2 : i32
      %add3A_116 = arith.addi %add3A_89, %add3A_115 : i32
      %dma_start3A_117 = arith.constant 2 : i32
      %dma_start3A_118 = arith.constant 0 : i32
      %dma_start3A_119 = arith.constant 0 : i32
      %dma_start3A_120 = tpu.memref_slice %arg9[%dma_start3A_117, %dma_start3A_118, %dma_start3A_119] : memref<8x128x32xf32, #tpu.memory_space<vmem>> -> memref<1x128x32xf32, #tpu.memory_space<vmem>>
      %dma_start3A_121 = tpu.memref_squeeze %dma_start3A_120 : memref<1x128x32xf32, #tpu.memory_space<vmem>> -> memref<128x32xf32, #tpu.memory_space<vmem>>
      %dma_start3A_122 = arith.constant 0 : i32
      %dma_start3A_123 = tpu.memref_slice %arg7[%add3A_116, %dma_start3A_122] : memref<80x128xi32, #tpu.memory_space<vmem>> -> memref<1x128xi32, #tpu.memory_space<vmem>>
      %dma_start3A_124 = tpu.memref_squeeze %dma_start3A_123 : memref<1x128xi32, #tpu.memory_space<vmem>> -> memref<128xi32, #tpu.memory_space<vmem>>
      %dma_start3A_125 = arith.constant 0 : i32
      %dma_start3A_126 = arith.constant 0 : i32
      %dma_start3A_127 = tpu.memref_slice %arg12[%dma_start3A_125, %dma_start3A_126] : memref<10240x32xf32, #tpu.memory_space<vmem_shared>> -> memref<10240x32xf32, #tpu.memory_space<vmem_shared>>
      tpu.enqueue_indirect_dma source(%dma_start3A_127 : memref<10240x32xf32, #tpu.memory_space<vmem_shared>>) target(%dma_start3A_121 : memref<128x32xf32, #tpu.memory_space<vmem>>) offsets(%dma_start3A_124 : memref<128xi32, #tpu.memory_space<vmem>>) semaphore(%arg13 : memref<!tpu.dma_semaphore, #tpu.memory_space<semaphore_mem>>)
      %add3A_128 = arith.constant 3 : i32
      %add3A_129 = arith.addi %add3A_89, %add3A_128 : i32
      %dma_start3A_130 = arith.constant 3 : i32
      %dma_start3A_131 = arith.constant 0 : i32
      %dma_start3A_132 = arith.constant 0 : i32
      %dma_start3A_133 = tpu.memref_slice %arg9[%dma_start3A_130, %dma_start3A_131, %dma_start3A_132] : memref<8x128x32xf32, #tpu.memory_space<vmem>> -> memref<1x128x32xf32, #tpu.memory_space<vmem>>
      %dma_start3A_134 = tpu.memref_squeeze %dma_start3A_133 : memref<1x128x32xf32, #tpu.memory_space<vmem>> -> memref<128x32xf32, #tpu.memory_space<vmem>>
      %dma_start3A_135 = arith.constant 0 : i32
      %dma_start3A_136 = tpu.memref_slice %arg7[%add3A_129, %dma_start3A_135] : memref<80x128xi32, #tpu.memory_space<vmem>> -> memref<1x128xi32, #tpu.memory_space<vmem>>
      %dma_start3A_137 = tpu.memref_squeeze %dma_start3A_136 : memref<1x128xi32, #tpu.memory_space<vmem>> -> memref<128xi32, #tpu.memory_space<vmem>>
      %dma_start3A_138 = arith.constant 0 : i32
      %dma_start3A_139 = arith.constant 0 : i32
      %dma_start3A_140 = tpu.memref_slice %arg12[%dma_start3A_138, %dma_start3A_139] : memref<10240x32xf32, #tpu.memory_space<vmem_shared>> -> memref<10240x32xf32, #tpu.memory_space<vmem_shared>>
      tpu.enqueue_indirect_dma source(%dma_start3A_140 : memref<10240x32xf32, #tpu.memory_space<vmem_shared>>) target(%dma_start3A_134 : memref<128x32xf32, #tpu.memory_space<vmem>>) offsets(%dma_start3A_137 : memref<128xi32, #tpu.memory_space<vmem>>) semaphore(%arg13 : memref<!tpu.dma_semaphore, #tpu.memory_space<semaphore_mem>>)
      %gt3A = arith.constant 0 : i32
      %gt3A_141 = arith.cmpi sgt, %add3A_85, %gt3A : i32
      %convert_element_type3A = arith.extui %gt3A_141 : i1 to i32
      %cond3A = arith.constant 0 : i32
      %cond3A_142 = arith.cmpi ne, %convert_element_type3A, %cond3A : i32
      scf.if %cond3A_142 {
        %dma_wait3A_449 = arith.constant 0 : i32
        %dma_wait3A_450 = arith.constant 0 : i32
        %dma_wait3A_451 = arith.constant 0 : i32
        %dma_wait3A_452 = tpu.memref_slice %arg9[%dma_wait3A_449, %dma_wait3A_450, %dma_wait3A_451] : memref<8x128x32xf32, #tpu.memory_space<vmem>> -> memref<1x128x32xf32, #tpu.memory_space<vmem>>
        %dma_wait3A_453 = tpu.memref_squeeze %dma_wait3A_452 : memref<1x128x32xf32, #tpu.memory_space<vmem>> -> memref<128x32xf32, #tpu.memory_space<vmem>>
        %dma_wait3A_454 = arith.constant 0 : i32
        %dma_wait3A_455 = arith.constant 0 : i32
        %dma_wait3A_456 = tpu.memref_slice %arg5[%dma_wait3A_454, %dma_wait3A_455] : memref<10240x32xf32, #tpu.memory_space<hbm>> -> memref<128x32xf32, #tpu.memory_space<hbm>>
        %dma_wait3A_457 = arith.constant 0 : i32
        %dma_wait3A_458 = arith.constant 0 : i32
        %dma_wait3A_459 = tpu.memref_slice %arg9[%dma_wait3A_449, %dma_wait3A_457, %dma_wait3A_458] : memref<8x128x32xf32, #tpu.memory_space<vmem>> -> memref<1x128x32xf32, #tpu.memory_space<vmem>>
        %dma_wait3A_460 = tpu.memref_squeeze %dma_wait3A_459 : memref<1x128x32xf32, #tpu.memory_space<vmem>> -> memref<128x32xf32, #tpu.memory_space<vmem>>
        %dma_wait3A_461 = arith.constant 0 : i32
        %dma_wait3A_462 = arith.constant 0 : i32
        %dma_wait3A_463 = tpu.memref_slice %arg5[%dma_wait3A_461, %dma_wait3A_462] : memref<10240x32xf32, #tpu.memory_space<hbm>> -> memref<128x32xf32, #tpu.memory_space<hbm>>
        tpu.wait_dma2 semaphore(%arg14 : memref<!tpu.dma_semaphore, #tpu.memory_space<semaphore_mem>>) src(%dma_wait3A_463 : memref<128x32xf32, #tpu.memory_space<hbm>>) dst(%dma_wait3A_460 : memref<128x32xf32, #tpu.memory_space<vmem>>)
        %dma_wait3A_464 = arith.constant 0 : i32
        %dma_wait3A_465 = arith.constant 0 : i32
        %dma_wait3A_466 = arith.constant 0 : i32
        %dma_wait3A_467 = tpu.memref_slice %arg9[%dma_wait3A_464, %dma_wait3A_465, %dma_wait3A_466] : memref<8x128x32xf32, #tpu.memory_space<vmem>> -> memref<1x128x32xf32, #tpu.memory_space<vmem>>
        %dma_wait3A_468 = tpu.memref_squeeze %dma_wait3A_467 : memref<1x128x32xf32, #tpu.memory_space<vmem>> -> memref<128x32xf32, #tpu.memory_space<vmem>>
        %dma_wait3A_469 = arith.constant 0 : i32
        %dma_wait3A_470 = arith.constant 0 : i32
        %dma_wait3A_471 = tpu.memref_slice %arg5[%dma_wait3A_469, %dma_wait3A_470] : memref<10240x32xf32, #tpu.memory_space<hbm>> -> memref<128x32xf32, #tpu.memory_space<hbm>>
        %dma_wait3A_472 = arith.constant 0 : i32
        %dma_wait3A_473 = arith.constant 0 : i32
        %dma_wait3A_474 = tpu.memref_slice %arg9[%dma_wait3A_464, %dma_wait3A_472, %dma_wait3A_473] : memref<8x128x32xf32, #tpu.memory_space<vmem>> -> memref<1x128x32xf32, #tpu.memory_space<vmem>>
        %dma_wait3A_475 = tpu.memref_squeeze %dma_wait3A_474 : memref<1x128x32xf32, #tpu.memory_space<vmem>> -> memref<128x32xf32, #tpu.memory_space<vmem>>
        %dma_wait3A_476 = arith.constant 0 : i32
        %dma_wait3A_477 = arith.constant 0 : i32
        %dma_wait3A_478 = tpu.memref_slice %arg5[%dma_wait3A_476, %dma_wait3A_477] : memref<10240x32xf32, #tpu.memory_space<hbm>> -> memref<128x32xf32, #tpu.memory_space<hbm>>
        tpu.wait_dma2 semaphore(%arg14 : memref<!tpu.dma_semaphore, #tpu.memory_space<semaphore_mem>>) src(%dma_wait3A_478 : memref<128x32xf32, #tpu.memory_space<hbm>>) dst(%dma_wait3A_475 : memref<128x32xf32, #tpu.memory_space<vmem>>)
        %dma_wait3A_479 = arith.constant 0 : i32
        %dma_wait3A_480 = arith.constant 0 : i32
        %dma_wait3A_481 = arith.constant 0 : i32
        %dma_wait3A_482 = tpu.memref_slice %arg9[%dma_wait3A_479, %dma_wait3A_480, %dma_wait3A_481] : memref<8x128x32xf32, #tpu.memory_space<vmem>> -> memref<1x128x32xf32, #tpu.memory_space<vmem>>
        %dma_wait3A_483 = tpu.memref_squeeze %dma_wait3A_482 : memref<1x128x32xf32, #tpu.memory_space<vmem>> -> memref<128x32xf32, #tpu.memory_space<vmem>>
        %dma_wait3A_484 = arith.constant 0 : i32
        %dma_wait3A_485 = arith.constant 0 : i32
        %dma_wait3A_486 = tpu.memref_slice %arg5[%dma_wait3A_484, %dma_wait3A_485] : memref<10240x32xf32, #tpu.memory_space<hbm>> -> memref<128x32xf32, #tpu.memory_space<hbm>>
        %dma_wait3A_487 = arith.constant 0 : i32
        %dma_wait3A_488 = arith.constant 0 : i32
        %dma_wait3A_489 = tpu.memref_slice %arg9[%dma_wait3A_479, %dma_wait3A_487, %dma_wait3A_488] : memref<8x128x32xf32, #tpu.memory_space<vmem>> -> memref<1x128x32xf32, #tpu.memory_space<vmem>>
        %dma_wait3A_490 = tpu.memref_squeeze %dma_wait3A_489 : memref<1x128x32xf32, #tpu.memory_space<vmem>> -> memref<128x32xf32, #tpu.memory_space<vmem>>
        %dma_wait3A_491 = arith.constant 0 : i32
        %dma_wait3A_492 = arith.constant 0 : i32
        %dma_wait3A_493 = tpu.memref_slice %arg5[%dma_wait3A_491, %dma_wait3A_492] : memref<10240x32xf32, #tpu.memory_space<hbm>> -> memref<128x32xf32, #tpu.memory_space<hbm>>
        tpu.wait_dma2 semaphore(%arg14 : memref<!tpu.dma_semaphore, #tpu.memory_space<semaphore_mem>>) src(%dma_wait3A_493 : memref<128x32xf32, #tpu.memory_space<hbm>>) dst(%dma_wait3A_490 : memref<128x32xf32, #tpu.memory_space<vmem>>)
        %dma_wait3A_494 = arith.constant 0 : i32
        %dma_wait3A_495 = arith.constant 0 : i32
        %dma_wait3A_496 = arith.constant 0 : i32
        %dma_wait3A_497 = tpu.memref_slice %arg9[%dma_wait3A_494, %dma_wait3A_495, %dma_wait3A_496] : memref<8x128x32xf32, #tpu.memory_space<vmem>> -> memref<1x128x32xf32, #tpu.memory_space<vmem>>
        %dma_wait3A_498 = tpu.memref_squeeze %dma_wait3A_497 : memref<1x128x32xf32, #tpu.memory_space<vmem>> -> memref<128x32xf32, #tpu.memory_space<vmem>>
        %dma_wait3A_499 = arith.constant 0 : i32
        %dma_wait3A_500 = arith.constant 0 : i32
        %dma_wait3A_501 = tpu.memref_slice %arg5[%dma_wait3A_499, %dma_wait3A_500] : memref<10240x32xf32, #tpu.memory_space<hbm>> -> memref<128x32xf32, #tpu.memory_space<hbm>>
        %dma_wait3A_502 = arith.constant 0 : i32
        %dma_wait3A_503 = arith.constant 0 : i32
        %dma_wait3A_504 = tpu.memref_slice %arg9[%dma_wait3A_494, %dma_wait3A_502, %dma_wait3A_503] : memref<8x128x32xf32, #tpu.memory_space<vmem>> -> memref<1x128x32xf32, #tpu.memory_space<vmem>>
        %dma_wait3A_505 = tpu.memref_squeeze %dma_wait3A_504 : memref<1x128x32xf32, #tpu.memory_space<vmem>> -> memref<128x32xf32, #tpu.memory_space<vmem>>
        %dma_wait3A_506 = arith.constant 0 : i32
        %dma_wait3A_507 = arith.constant 0 : i32
        %dma_wait3A_508 = tpu.memref_slice %arg5[%dma_wait3A_506, %dma_wait3A_507] : memref<10240x32xf32, #tpu.memory_space<hbm>> -> memref<128x32xf32, #tpu.memory_space<hbm>>
        tpu.wait_dma2 semaphore(%arg14 : memref<!tpu.dma_semaphore, #tpu.memory_space<semaphore_mem>>) src(%dma_wait3A_508 : memref<128x32xf32, #tpu.memory_space<hbm>>) dst(%dma_wait3A_505 : memref<128x32xf32, #tpu.memory_space<vmem>>)
      } else {
      }
      %dma_wait3A_143 = arith.constant 0 : i32
      %dma_wait3A_144 = arith.constant 0 : i32
      %dma_wait3A_145 = arith.constant 0 : i32
      %dma_wait3A_146 = tpu.memref_slice %arg9[%dma_wait3A_143, %dma_wait3A_144, %dma_wait3A_145] : memref<8x128x32xf32, #tpu.memory_space<vmem>> -> memref<1x128x32xf32, #tpu.memory_space<vmem>>
      %dma_wait3A_147 = tpu.memref_squeeze %dma_wait3A_146 : memref<1x128x32xf32, #tpu.memory_space<vmem>> -> memref<128x32xf32, #tpu.memory_space<vmem>>
      %dma_wait3A_148 = arith.constant 0 : i32
      %dma_wait3A_149 = tpu.memref_slice %arg7[%add3A_91, %dma_wait3A_148] : memref<80x128xi32, #tpu.memory_space<vmem>> -> memref<1x128xi32, #tpu.memory_space<vmem>>
      %dma_wait3A_150 = tpu.memref_squeeze %dma_wait3A_149 : memref<1x128xi32, #tpu.memory_space<vmem>> -> memref<128xi32, #tpu.memory_space<vmem>>
      %dma_wait3A_151 = arith.constant 0 : i32
      %dma_wait3A_152 = arith.constant 0 : i32
      %dma_wait3A_153 = tpu.memref_slice %arg12[%dma_wait3A_151, %dma_wait3A_152] : memref<10240x32xf32, #tpu.memory_space<vmem_shared>> -> memref<10240x32xf32, #tpu.memory_space<vmem_shared>>
      tpu.wait_indirect_dma semaphore(%arg13 : memref<!tpu.dma_semaphore, #tpu.memory_space<semaphore_mem>>) src(%dma_wait3A_153 : memref<10240x32xf32, #tpu.memory_space<vmem_shared>>) dst(%dma_wait3A_147 : memref<128x32xf32, #tpu.memory_space<vmem>>)
      %dma_wait3A_154 = arith.constant 1 : i32
      %dma_wait3A_155 = arith.constant 0 : i32
      %dma_wait3A_156 = arith.constant 0 : i32
      %dma_wait3A_157 = tpu.memref_slice %arg9[%dma_wait3A_154, %dma_wait3A_155, %dma_wait3A_156] : memref<8x128x32xf32, #tpu.memory_space<vmem>> -> memref<1x128x32xf32, #tpu.memory_space<vmem>>
      %dma_wait3A_158 = tpu.memref_squeeze %dma_wait3A_157 : memref<1x128x32xf32, #tpu.memory_space<vmem>> -> memref<128x32xf32, #tpu.memory_space<vmem>>
      %dma_wait3A_159 = arith.constant 0 : i32
      %dma_wait3A_160 = tpu.memref_slice %arg7[%add3A_103, %dma_wait3A_159] : memref<80x128xi32, #tpu.memory_space<vmem>> -> memref<1x128xi32, #tpu.memory_space<vmem>>
      %dma_wait3A_161 = tpu.memref_squeeze %dma_wait3A_160 : memref<1x128xi32, #tpu.memory_space<vmem>> -> memref<128xi32, #tpu.memory_space<vmem>>
      %dma_wait3A_162 = arith.constant 0 : i32
      %dma_wait3A_163 = arith.constant 0 : i32
      %dma_wait3A_164 = tpu.memref_slice %arg12[%dma_wait3A_162, %dma_wait3A_163] : memref<10240x32xf32, #tpu.memory_space<vmem_shared>> -> memref<10240x32xf32, #tpu.memory_space<vmem_shared>>
      tpu.wait_indirect_dma semaphore(%arg13 : memref<!tpu.dma_semaphore, #tpu.memory_space<semaphore_mem>>) src(%dma_wait3A_164 : memref<10240x32xf32, #tpu.memory_space<vmem_shared>>) dst(%dma_wait3A_158 : memref<128x32xf32, #tpu.memory_space<vmem>>)
      %dma_wait3A_165 = arith.constant 2 : i32
      %dma_wait3A_166 = arith.constant 0 : i32
      %dma_wait3A_167 = arith.constant 0 : i32
      %dma_wait3A_168 = tpu.memref_slice %arg9[%dma_wait3A_165, %dma_wait3A_166, %dma_wait3A_167] : memref<8x128x32xf32, #tpu.memory_space<vmem>> -> memref<1x128x32xf32, #tpu.memory_space<vmem>>
      %dma_wait3A_169 = tpu.memref_squeeze %dma_wait3A_168 : memref<1x128x32xf32, #tpu.memory_space<vmem>> -> memref<128x32xf32, #tpu.memory_space<vmem>>
      %dma_wait3A_170 = arith.constant 0 : i32
      %dma_wait3A_171 = tpu.memref_slice %arg7[%add3A_116, %dma_wait3A_170] : memref<80x128xi32, #tpu.memory_space<vmem>> -> memref<1x128xi32, #tpu.memory_space<vmem>>
      %dma_wait3A_172 = tpu.memref_squeeze %dma_wait3A_171 : memref<1x128xi32, #tpu.memory_space<vmem>> -> memref<128xi32, #tpu.memory_space<vmem>>
      %dma_wait3A_173 = arith.constant 0 : i32
      %dma_wait3A_174 = arith.constant 0 : i32
      %dma_wait3A_175 = tpu.memref_slice %arg12[%dma_wait3A_173, %dma_wait3A_174] : memref<10240x32xf32, #tpu.memory_space<vmem_shared>> -> memref<10240x32xf32, #tpu.memory_space<vmem_shared>>
      tpu.wait_indirect_dma semaphore(%arg13 : memref<!tpu.dma_semaphore, #tpu.memory_space<semaphore_mem>>) src(%dma_wait3A_175 : memref<10240x32xf32, #tpu.memory_space<vmem_shared>>) dst(%dma_wait3A_169 : memref<128x32xf32, #tpu.memory_space<vmem>>)
      %dma_wait3A_176 = arith.constant 3 : i32
      %dma_wait3A_177 = arith.constant 0 : i32
      %dma_wait3A_178 = arith.constant 0 : i32
      %dma_wait3A_179 = tpu.memref_slice %arg9[%dma_wait3A_176, %dma_wait3A_177, %dma_wait3A_178] : memref<8x128x32xf32, #tpu.memory_space<vmem>> -> memref<1x128x32xf32, #tpu.memory_space<vmem>>
      %dma_wait3A_180 = tpu.memref_squeeze %dma_wait3A_179 : memref<1x128x32xf32, #tpu.memory_space<vmem>> -> memref<128x32xf32, #tpu.memory_space<vmem>>
      %dma_wait3A_181 = arith.constant 0 : i32
      %dma_wait3A_182 = tpu.memref_slice %arg7[%add3A_129, %dma_wait3A_181] : memref<80x128xi32, #tpu.memory_space<vmem>> -> memref<1x128xi32, #tpu.memory_space<vmem>>
      %dma_wait3A_183 = tpu.memref_squeeze %dma_wait3A_182 : memref<1x128xi32, #tpu.memory_space<vmem>> -> memref<128xi32, #tpu.memory_space<vmem>>
      %dma_wait3A_184 = arith.constant 0 : i32
      %dma_wait3A_185 = arith.constant 0 : i32
      %dma_wait3A_186 = tpu.memref_slice %arg12[%dma_wait3A_184, %dma_wait3A_185] : memref<10240x32xf32, #tpu.memory_space<vmem_shared>> -> memref<10240x32xf32, #tpu.memory_space<vmem_shared>>
      tpu.wait_indirect_dma semaphore(%arg13 : memref<!tpu.dma_semaphore, #tpu.memory_space<semaphore_mem>>) src(%dma_wait3A_186 : memref<10240x32xf32, #tpu.memory_space<vmem_shared>>) dst(%dma_wait3A_180 : memref<128x32xf32, #tpu.memory_space<vmem>>)
      %add3A_187 = arith.constant 0 : i32
      %add3A_188 = arith.addi %add3A_89, %add3A_187 : i32
      %dma_start3A_189 = arith.constant 0 : i32
      %dma_start3A_190 = arith.constant 0 : i32
      %dma_start3A_191 = arith.constant 0 : i32
      %dma_start3A_192 = tpu.memref_slice %arg9[%dma_start3A_189, %dma_start3A_190, %dma_start3A_191] : memref<8x128x32xf32, #tpu.memory_space<vmem>> -> memref<1x128x32xf32, #tpu.memory_space<vmem>>
      %dma_start3A_193 = tpu.memref_squeeze %dma_start3A_192 : memref<1x128x32xf32, #tpu.memory_space<vmem>> -> memref<128x32xf32, #tpu.memory_space<vmem>>
      %dma_start3A_194 = arith.constant 0 : i32
      %dma_start3A_195 = tpu.memref_slice %arg8[%add3A_188, %dma_start3A_194] : memref<80x128xi32, #tpu.memory_space<vmem>> -> memref<1x128xi32, #tpu.memory_space<vmem>>
      %dma_start3A_196 = tpu.memref_squeeze %dma_start3A_195 : memref<1x128xi32, #tpu.memory_space<vmem>> -> memref<128xi32, #tpu.memory_space<vmem>>
      %dma_start3A_197 = arith.constant 0 : i32
      %dma_start3A_198 = arith.constant 0 : i32
      %dma_start3A_199 = tpu.memref_slice %arg11[%dma_start3A_197, %dma_start3A_198] : memref<10240x32xf32, #tpu.memory_space<vmem_shared>> -> memref<10240x32xf32, #tpu.memory_space<vmem_shared>>
      tpu.enqueue_indirect_dma source(%dma_start3A_193 : memref<128x32xf32, #tpu.memory_space<vmem>>) target(%dma_start3A_199 : memref<10240x32xf32, #tpu.memory_space<vmem_shared>>) offsets(%dma_start3A_196 : memref<128xi32, #tpu.memory_space<vmem>>) semaphore(%arg14 : memref<!tpu.dma_semaphore, #tpu.memory_space<semaphore_mem>>) {add = true}
      %add3A_200 = arith.constant 1 : i32
      %add3A_201 = arith.addi %add3A_89, %add3A_200 : i32
      %dma_start3A_202 = arith.constant 1 : i32
      %dma_start3A_203 = arith.constant 0 : i32
      %dma_start3A_204 = arith.constant 0 : i32
      %dma_start3A_205 = tpu.memref_slice %arg9[%dma_start3A_202, %dma_start3A_203, %dma_start3A_204] : memref<8x128x32xf32, #tpu.memory_space<vmem>> -> memref<1x128x32xf32, #tpu.memory_space<vmem>>
      %dma_start3A_206 = tpu.memref_squeeze %dma_start3A_205 : memref<1x128x32xf32, #tpu.memory_space<vmem>> -> memref<128x32xf32, #tpu.memory_space<vmem>>
      %dma_start3A_207 = arith.constant 0 : i32
      %dma_start3A_208 = tpu.memref_slice %arg8[%add3A_201, %dma_start3A_207] : memref<80x128xi32, #tpu.memory_space<vmem>> -> memref<1x128xi32, #tpu.memory_space<vmem>>
      %dma_start3A_209 = tpu.memref_squeeze %dma_start3A_208 : memref<1x128xi32, #tpu.memory_space<vmem>> -> memref<128xi32, #tpu.memory_space<vmem>>
      %dma_start3A_210 = arith.constant 0 : i32
      %dma_start3A_211 = arith.constant 0 : i32
      %dma_start3A_212 = tpu.memref_slice %arg11[%dma_start3A_210, %dma_start3A_211] : memref<10240x32xf32, #tpu.memory_space<vmem_shared>> -> memref<10240x32xf32, #tpu.memory_space<vmem_shared>>
      tpu.enqueue_indirect_dma source(%dma_start3A_206 : memref<128x32xf32, #tpu.memory_space<vmem>>) target(%dma_start3A_212 : memref<10240x32xf32, #tpu.memory_space<vmem_shared>>) offsets(%dma_start3A_209 : memref<128xi32, #tpu.memory_space<vmem>>) semaphore(%arg14 : memref<!tpu.dma_semaphore, #tpu.memory_space<semaphore_mem>>) {add = true}
      %add3A_213 = arith.constant 2 : i32
      %add3A_214 = arith.addi %add3A_89, %add3A_213 : i32
      %dma_start3A_215 = arith.constant 2 : i32
      %dma_start3A_216 = arith.constant 0 : i32
      %dma_start3A_217 = arith.constant 0 : i32
      %dma_start3A_218 = tpu.memref_slice %arg9[%dma_start3A_215, %dma_start3A_216, %dma_start3A_217] : memref<8x128x32xf32, #tpu.memory_space<vmem>> -> memref<1x128x32xf32, #tpu.memory_space<vmem>>
      %dma_start3A_219 = tpu.memref_squeeze %dma_start3A_218 : memref<1x128x32xf32, #tpu.memory_space<vmem>> -> memref<128x32xf32, #tpu.memory_space<vmem>>
      %dma_start3A_220 = arith.constant 0 : i32
      %dma_start3A_221 = tpu.memref_slice %arg8[%add3A_214, %dma_start3A_220] : memref<80x128xi32, #tpu.memory_space<vmem>> -> memref<1x128xi32, #tpu.memory_space<vmem>>
      %dma_start3A_222 = tpu.memref_squeeze %dma_start3A_221 : memref<1x128xi32, #tpu.memory_space<vmem>> -> memref<128xi32, #tpu.memory_space<vmem>>
      %dma_start3A_223 = arith.constant 0 : i32
      %dma_start3A_224 = arith.constant 0 : i32
      %dma_start3A_225 = tpu.memref_slice %arg11[%dma_start3A_223, %dma_start3A_224] : memref<10240x32xf32, #tpu.memory_space<vmem_shared>> -> memref<10240x32xf32, #tpu.memory_space<vmem_shared>>
      tpu.enqueue_indirect_dma source(%dma_start3A_219 : memref<128x32xf32, #tpu.memory_space<vmem>>) target(%dma_start3A_225 : memref<10240x32xf32, #tpu.memory_space<vmem_shared>>) offsets(%dma_start3A_222 : memref<128xi32, #tpu.memory_space<vmem>>) semaphore(%arg14 : memref<!tpu.dma_semaphore, #tpu.memory_space<semaphore_mem>>) {add = true}
      %add3A_226 = arith.constant 3 : i32
      %add3A_227 = arith.addi %add3A_89, %add3A_226 : i32
      %dma_start3A_228 = arith.constant 3 : i32
      %dma_start3A_229 = arith.constant 0 : i32
      %dma_start3A_230 = arith.constant 0 : i32
      %dma_start3A_231 = tpu.memref_slice %arg9[%dma_start3A_228, %dma_start3A_229, %dma_start3A_230] : memref<8x128x32xf32, #tpu.memory_space<vmem>> -> memref<1x128x32xf32, #tpu.memory_space<vmem>>
      %dma_start3A_232 = tpu.memref_squeeze %dma_start3A_231 : memref<1x128x32xf32, #tpu.memory_space<vmem>> -> memref<128x32xf32, #tpu.memory_space<vmem>>
      %dma_start3A_233 = arith.constant 0 : i32
      %dma_start3A_234 = tpu.memref_slice %arg8[%add3A_227, %dma_start3A_233] : memref<80x128xi32, #tpu.memory_space<vmem>> -> memref<1x128xi32, #tpu.memory_space<vmem>>
      %dma_start3A_235 = tpu.memref_squeeze %dma_start3A_234 : memref<1x128xi32, #tpu.memory_space<vmem>> -> memref<128xi32, #tpu.memory_space<vmem>>
      %dma_start3A_236 = arith.constant 0 : i32
      %dma_start3A_237 = arith.constant 0 : i32
      %dma_start3A_238 = tpu.memref_slice %arg11[%dma_start3A_236, %dma_start3A_237] : memref<10240x32xf32, #tpu.memory_space<vmem_shared>> -> memref<10240x32xf32, #tpu.memory_space<vmem_shared>>
      tpu.enqueue_indirect_dma source(%dma_start3A_232 : memref<128x32xf32, #tpu.memory_space<vmem>>) target(%dma_start3A_238 : memref<10240x32xf32, #tpu.memory_space<vmem_shared>>) offsets(%dma_start3A_235 : memref<128xi32, #tpu.memory_space<vmem>>) semaphore(%arg14 : memref<!tpu.dma_semaphore, #tpu.memory_space<semaphore_mem>>) {add = true}
      %add3A_239 = arith.constant 4 : i32
      %add3A_240 = arith.addi %mul3A_87, %add3A_239 : i32
      %add3A_241 = arith.constant 0 : i32
      %add3A_242 = arith.addi %add3A_240, %add3A_241 : i32
      %dma_start3A_243 = arith.constant 4 : i32
      %dma_start3A_244 = arith.constant 0 : i32
      %dma_start3A_245 = arith.constant 0 : i32
      %dma_start3A_246 = tpu.memref_slice %arg9[%dma_start3A_243, %dma_start3A_244, %dma_start3A_245] : memref<8x128x32xf32, #tpu.memory_space<vmem>> -> memref<1x128x32xf32, #tpu.memory_space<vmem>>
      %dma_start3A_247 = tpu.memref_squeeze %dma_start3A_246 : memref<1x128x32xf32, #tpu.memory_space<vmem>> -> memref<128x32xf32, #tpu.memory_space<vmem>>
      %dma_start3A_248 = arith.constant 0 : i32
      %dma_start3A_249 = tpu.memref_slice %arg7[%add3A_242, %dma_start3A_248] : memref<80x128xi32, #tpu.memory_space<vmem>> -> memref<1x128xi32, #tpu.memory_space<vmem>>
      %dma_start3A_250 = tpu.memref_squeeze %dma_start3A_249 : memref<1x128xi32, #tpu.memory_space<vmem>> -> memref<128xi32, #tpu.memory_space<vmem>>
      %dma_start3A_251 = arith.constant 0 : i32
      %dma_start3A_252 = arith.constant 0 : i32
      %dma_start3A_253 = tpu.memref_slice %arg12[%dma_start3A_251, %dma_start3A_252] : memref<10240x32xf32, #tpu.memory_space<vmem_shared>> -> memref<10240x32xf32, #tpu.memory_space<vmem_shared>>
      tpu.enqueue_indirect_dma source(%dma_start3A_253 : memref<10240x32xf32, #tpu.memory_space<vmem_shared>>) target(%dma_start3A_247 : memref<128x32xf32, #tpu.memory_space<vmem>>) offsets(%dma_start3A_250 : memref<128xi32, #tpu.memory_space<vmem>>) semaphore(%arg13 : memref<!tpu.dma_semaphore, #tpu.memory_space<semaphore_mem>>)
      %add3A_254 = arith.constant 1 : i32
      %add3A_255 = arith.addi %add3A_240, %add3A_254 : i32
      %dma_start3A_256 = arith.constant 5 : i32
      %dma_start3A_257 = arith.constant 0 : i32
      %dma_start3A_258 = arith.constant 0 : i32
      %dma_start3A_259 = tpu.memref_slice %arg9[%dma_start3A_256, %dma_start3A_257, %dma_start3A_258] : memref<8x128x32xf32, #tpu.memory_space<vmem>> -> memref<1x128x32xf32, #tpu.memory_space<vmem>>
      %dma_start3A_260 = tpu.memref_squeeze %dma_start3A_259 : memref<1x128x32xf32, #tpu.memory_space<vmem>> -> memref<128x32xf32, #tpu.memory_space<vmem>>
      %dma_start3A_261 = arith.constant 0 : i32
      %dma_start3A_262 = tpu.memref_slice %arg7[%add3A_255, %dma_start3A_261] : memref<80x128xi32, #tpu.memory_space<vmem>> -> memref<1x128xi32, #tpu.memory_space<vmem>>
      %dma_start3A_263 = tpu.memref_squeeze %dma_start3A_262 : memref<1x128xi32, #tpu.memory_space<vmem>> -> memref<128xi32, #tpu.memory_space<vmem>>
      %dma_start3A_264 = arith.constant 0 : i32
      %dma_start3A_265 = arith.constant 0 : i32
      %dma_start3A_266 = tpu.memref_slice %arg12[%dma_start3A_264, %dma_start3A_265] : memref<10240x32xf32, #tpu.memory_space<vmem_shared>> -> memref<10240x32xf32, #tpu.memory_space<vmem_shared>>
      tpu.enqueue_indirect_dma source(%dma_start3A_266 : memref<10240x32xf32, #tpu.memory_space<vmem_shared>>) target(%dma_start3A_260 : memref<128x32xf32, #tpu.memory_space<vmem>>) offsets(%dma_start3A_263 : memref<128xi32, #tpu.memory_space<vmem>>) semaphore(%arg13 : memref<!tpu.dma_semaphore, #tpu.memory_space<semaphore_mem>>)
      %add3A_267 = arith.constant 2 : i32
      %add3A_268 = arith.addi %add3A_240, %add3A_267 : i32
      %dma_start3A_269 = arith.constant 6 : i32
      %dma_start3A_270 = arith.constant 0 : i32
      %dma_start3A_271 = arith.constant 0 : i32
      %dma_start3A_272 = tpu.memref_slice %arg9[%dma_start3A_269, %dma_start3A_270, %dma_start3A_271] : memref<8x128x32xf32, #tpu.memory_space<vmem>> -> memref<1x128x32xf32, #tpu.memory_space<vmem>>
      %dma_start3A_273 = tpu.memref_squeeze %dma_start3A_272 : memref<1x128x32xf32, #tpu.memory_space<vmem>> -> memref<128x32xf32, #tpu.memory_space<vmem>>
      %dma_start3A_274 = arith.constant 0 : i32
      %dma_start3A_275 = tpu.memref_slice %arg7[%add3A_268, %dma_start3A_274] : memref<80x128xi32, #tpu.memory_space<vmem>> -> memref<1x128xi32, #tpu.memory_space<vmem>>
      %dma_start3A_276 = tpu.memref_squeeze %dma_start3A_275 : memref<1x128xi32, #tpu.memory_space<vmem>> -> memref<128xi32, #tpu.memory_space<vmem>>
      %dma_start3A_277 = arith.constant 0 : i32
      %dma_start3A_278 = arith.constant 0 : i32
      %dma_start3A_279 = tpu.memref_slice %arg12[%dma_start3A_277, %dma_start3A_278] : memref<10240x32xf32, #tpu.memory_space<vmem_shared>> -> memref<10240x32xf32, #tpu.memory_space<vmem_shared>>
      tpu.enqueue_indirect_dma source(%dma_start3A_279 : memref<10240x32xf32, #tpu.memory_space<vmem_shared>>) target(%dma_start3A_273 : memref<128x32xf32, #tpu.memory_space<vmem>>) offsets(%dma_start3A_276 : memref<128xi32, #tpu.memory_space<vmem>>) semaphore(%arg13 : memref<!tpu.dma_semaphore, #tpu.memory_space<semaphore_mem>>)
      %add3A_280 = arith.constant 3 : i32
      %add3A_281 = arith.addi %add3A_240, %add3A_280 : i32
      %dma_start3A_282 = arith.constant 7 : i32
      %dma_start3A_283 = arith.constant 0 : i32
      %dma_start3A_284 = arith.constant 0 : i32
      %dma_start3A_285 = tpu.memref_slice %arg9[%dma_start3A_282, %dma_start3A_283, %dma_start3A_284] : memref<8x128x32xf32, #tpu.memory_space<vmem>> -> memref<1x128x32xf32, #tpu.memory_space<vmem>>
      %dma_start3A_286 = tpu.memref_squeeze %dma_start3A_285 : memref<1x128x32xf32, #tpu.memory_space<vmem>> -> memref<128x32xf32, #tpu.memory_space<vmem>>
      %dma_start3A_287 = arith.constant 0 : i32
      %dma_start3A_288 = tpu.memref_slice %arg7[%add3A_281, %dma_start3A_287] : memref<80x128xi32, #tpu.memory_space<vmem>> -> memref<1x128xi32, #tpu.memory_space<vmem>>
      %dma_start3A_289 = tpu.memref_squeeze %dma_start3A_288 : memref<1x128xi32, #tpu.memory_space<vmem>> -> memref<128xi32, #tpu.memory_space<vmem>>
      %dma_start3A_290 = arith.constant 0 : i32
      %dma_start3A_291 = arith.constant 0 : i32
      %dma_start3A_292 = tpu.memref_slice %arg12[%dma_start3A_290, %dma_start3A_291] : memref<10240x32xf32, #tpu.memory_space<vmem_shared>> -> memref<10240x32xf32, #tpu.memory_space<vmem_shared>>
      tpu.enqueue_indirect_dma source(%dma_start3A_292 : memref<10240x32xf32, #tpu.memory_space<vmem_shared>>) target(%dma_start3A_286 : memref<128x32xf32, #tpu.memory_space<vmem>>) offsets(%dma_start3A_289 : memref<128xi32, #tpu.memory_space<vmem>>) semaphore(%arg13 : memref<!tpu.dma_semaphore, #tpu.memory_space<semaphore_mem>>)
      %dma_wait3A_293 = arith.constant 0 : i32
      %dma_wait3A_294 = arith.constant 0 : i32
      %dma_wait3A_295 = arith.constant 0 : i32
      %dma_wait3A_296 = tpu.memref_slice %arg9[%dma_wait3A_293, %dma_wait3A_294, %dma_wait3A_295] : memref<8x128x32xf32, #tpu.memory_space<vmem>> -> memref<1x128x32xf32, #tpu.memory_space<vmem>>
      %dma_wait3A_297 = tpu.memref_squeeze %dma_wait3A_296 : memref<1x128x32xf32, #tpu.memory_space<vmem>> -> memref<128x32xf32, #tpu.memory_space<vmem>>
      %dma_wait3A_298 = arith.constant 0 : i32
      %dma_wait3A_299 = arith.constant 0 : i32
      %dma_wait3A_300 = tpu.memref_slice %arg5[%dma_wait3A_298, %dma_wait3A_299] : memref<10240x32xf32, #tpu.memory_space<hbm>> -> memref<128x32xf32, #tpu.memory_space<hbm>>
      %dma_wait3A_301 = arith.constant 0 : i32
      %dma_wait3A_302 = arith.constant 0 : i32
      %dma_wait3A_303 = tpu.memref_slice %arg9[%dma_wait3A_293, %dma_wait3A_301, %dma_wait3A_302] : memref<8x128x32xf32, #tpu.memory_space<vmem>> -> memref<1x128x32xf32, #tpu.memory_space<vmem>>
      %dma_wait3A_304 = tpu.memref_squeeze %dma_wait3A_303 : memref<1x128x32xf32, #tpu.memory_space<vmem>> -> memref<128x32xf32, #tpu.memory_space<vmem>>
      %dma_wait3A_305 = arith.constant 0 : i32
      %dma_wait3A_306 = arith.constant 0 : i32
      %dma_wait3A_307 = tpu.memref_slice %arg5[%dma_wait3A_305, %dma_wait3A_306] : memref<10240x32xf32, #tpu.memory_space<hbm>> -> memref<128x32xf32, #tpu.memory_space<hbm>>
      tpu.wait_dma2 semaphore(%arg14 : memref<!tpu.dma_semaphore, #tpu.memory_space<semaphore_mem>>) src(%dma_wait3A_307 : memref<128x32xf32, #tpu.memory_space<hbm>>) dst(%dma_wait3A_304 : memref<128x32xf32, #tpu.memory_space<vmem>>)
      %dma_wait3A_308 = arith.constant 0 : i32
      %dma_wait3A_309 = arith.constant 0 : i32
      %dma_wait3A_310 = arith.constant 0 : i32
      %dma_wait3A_311 = tpu.memref_slice %arg9[%dma_wait3A_308, %dma_wait3A_309, %dma_wait3A_310] : memref<8x128x32xf32, #tpu.memory_space<vmem>> -> memref<1x128x32xf32, #tpu.memory_space<vmem>>
      %dma_wait3A_312 = tpu.memref_squeeze %dma_wait3A_311 : memref<1x128x32xf32, #tpu.memory_space<vmem>> -> memref<128x32xf32, #tpu.memory_space<vmem>>
      %dma_wait3A_313 = arith.constant 0 : i32
      %dma_wait3A_314 = arith.constant 0 : i32
      %dma_wait3A_315 = tpu.memref_slice %arg5[%dma_wait3A_313, %dma_wait3A_314] : memref<10240x32xf32, #tpu.memory_space<hbm>> -> memref<128x32xf32, #tpu.memory_space<hbm>>
      %dma_wait3A_316 = arith.constant 0 : i32
      %dma_wait3A_317 = arith.constant 0 : i32
      %dma_wait3A_318 = tpu.memref_slice %arg9[%dma_wait3A_308, %dma_wait3A_316, %dma_wait3A_317] : memref<8x128x32xf32, #tpu.memory_space<vmem>> -> memref<1x128x32xf32, #tpu.memory_space<vmem>>
      %dma_wait3A_319 = tpu.memref_squeeze %dma_wait3A_318 : memref<1x128x32xf32, #tpu.memory_space<vmem>> -> memref<128x32xf32, #tpu.memory_space<vmem>>
      %dma_wait3A_320 = arith.constant 0 : i32
      %dma_wait3A_321 = arith.constant 0 : i32
      %dma_wait3A_322 = tpu.memref_slice %arg5[%dma_wait3A_320, %dma_wait3A_321] : memref<10240x32xf32, #tpu.memory_space<hbm>> -> memref<128x32xf32, #tpu.memory_space<hbm>>
      tpu.wait_dma2 semaphore(%arg14 : memref<!tpu.dma_semaphore, #tpu.memory_space<semaphore_mem>>) src(%dma_wait3A_322 : memref<128x32xf32, #tpu.memory_space<hbm>>) dst(%dma_wait3A_319 : memref<128x32xf32, #tpu.memory_space<vmem>>)
      %dma_wait3A_323 = arith.constant 0 : i32
      %dma_wait3A_324 = arith.constant 0 : i32
      %dma_wait3A_325 = arith.constant 0 : i32
      %dma_wait3A_326 = tpu.memref_slice %arg9[%dma_wait3A_323, %dma_wait3A_324, %dma_wait3A_325] : memref<8x128x32xf32, #tpu.memory_space<vmem>> -> memref<1x128x32xf32, #tpu.memory_space<vmem>>
      %dma_wait3A_327 = tpu.memref_squeeze %dma_wait3A_326 : memref<1x128x32xf32, #tpu.memory_space<vmem>> -> memref<128x32xf32, #tpu.memory_space<vmem>>
      %dma_wait3A_328 = arith.constant 0 : i32
      %dma_wait3A_329 = arith.constant 0 : i32
      %dma_wait3A_330 = tpu.memref_slice %arg5[%dma_wait3A_328, %dma_wait3A_329] : memref<10240x32xf32, #tpu.memory_space<hbm>> -> memref<128x32xf32, #tpu.memory_space<hbm>>
      %dma_wait3A_331 = arith.constant 0 : i32
      %dma_wait3A_332 = arith.constant 0 : i32
      %dma_wait3A_333 = tpu.memref_slice %arg9[%dma_wait3A_323, %dma_wait3A_331, %dma_wait3A_332] : memref<8x128x32xf32, #tpu.memory_space<vmem>> -> memref<1x128x32xf32, #tpu.memory_space<vmem>>
      %dma_wait3A_334 = tpu.memref_squeeze %dma_wait3A_333 : memref<1x128x32xf32, #tpu.memory_space<vmem>> -> memref<128x32xf32, #tpu.memory_space<vmem>>
      %dma_wait3A_335 = arith.constant 0 : i32
      %dma_wait3A_336 = arith.constant 0 : i32
      %dma_wait3A_337 = tpu.memref_slice %arg5[%dma_wait3A_335, %dma_wait3A_336] : memref<10240x32xf32, #tpu.memory_space<hbm>> -> memref<128x32xf32, #tpu.memory_space<hbm>>
      tpu.wait_dma2 semaphore(%arg14 : memref<!tpu.dma_semaphore, #tpu.memory_space<semaphore_mem>>) src(%dma_wait3A_337 : memref<128x32xf32, #tpu.memory_space<hbm>>) dst(%dma_wait3A_334 : memref<128x32xf32, #tpu.memory_space<vmem>>)
      %dma_wait3A_338 = arith.constant 0 : i32
      %dma_wait3A_339 = arith.constant 0 : i32
      %dma_wait3A_340 = arith.constant 0 : i32
      %dma_wait3A_341 = tpu.memref_slice %arg9[%dma_wait3A_338, %dma_wait3A_339, %dma_wait3A_340] : memref<8x128x32xf32, #tpu.memory_space<vmem>> -> memref<1x128x32xf32, #tpu.memory_space<vmem>>
      %dma_wait3A_342 = tpu.memref_squeeze %dma_wait3A_341 : memref<1x128x32xf32, #tpu.memory_space<vmem>> -> memref<128x32xf32, #tpu.memory_space<vmem>>
      %dma_wait3A_343 = arith.constant 0 : i32
      %dma_wait3A_344 = arith.constant 0 : i32
      %dma_wait3A_345 = tpu.memref_slice %arg5[%dma_wait3A_343, %dma_wait3A_344] : memref<10240x32xf32, #tpu.memory_space<hbm>> -> memref<128x32xf32, #tpu.memory_space<hbm>>
      %dma_wait3A_346 = arith.constant 0 : i32
      %dma_wait3A_347 = arith.constant 0 : i32
      %dma_wait3A_348 = tpu.memref_slice %arg9[%dma_wait3A_338, %dma_wait3A_346, %dma_wait3A_347] : memref<8x128x32xf32, #tpu.memory_space<vmem>> -> memref<1x128x32xf32, #tpu.memory_space<vmem>>
      %dma_wait3A_349 = tpu.memref_squeeze %dma_wait3A_348 : memref<1x128x32xf32, #tpu.memory_space<vmem>> -> memref<128x32xf32, #tpu.memory_space<vmem>>
      %dma_wait3A_350 = arith.constant 0 : i32
      %dma_wait3A_351 = arith.constant 0 : i32
      %dma_wait3A_352 = tpu.memref_slice %arg5[%dma_wait3A_350, %dma_wait3A_351] : memref<10240x32xf32, #tpu.memory_space<hbm>> -> memref<128x32xf32, #tpu.memory_space<hbm>>
      tpu.wait_dma2 semaphore(%arg14 : memref<!tpu.dma_semaphore, #tpu.memory_space<semaphore_mem>>) src(%dma_wait3A_352 : memref<128x32xf32, #tpu.memory_space<hbm>>) dst(%dma_wait3A_349 : memref<128x32xf32, #tpu.memory_space<vmem>>)
      %dma_wait3A_353 = arith.constant 4 : i32
      %dma_wait3A_354 = arith.constant 0 : i32
      %dma_wait3A_355 = arith.constant 0 : i32
      %dma_wait3A_356 = tpu.memref_slice %arg9[%dma_wait3A_353, %dma_wait3A_354, %dma_wait3A_355] : memref<8x128x32xf32, #tpu.memory_space<vmem>> -> memref<1x128x32xf32, #tpu.memory_space<vmem>>
      %dma_wait3A_357 = tpu.memref_squeeze %dma_wait3A_356 : memref<1x128x32xf32, #tpu.memory_space<vmem>> -> memref<128x32xf32, #tpu.memory_space<vmem>>
      %dma_wait3A_358 = arith.constant 0 : i32
      %dma_wait3A_359 = tpu.memref_slice %arg7[%add3A_242, %dma_wait3A_358] : memref<80x128xi32, #tpu.memory_space<vmem>> -> memref<1x128xi32, #tpu.memory_space<vmem>>
      %dma_wait3A_360 = tpu.memref_squeeze %dma_wait3A_359 : memref<1x128xi32, #tpu.memory_space<vmem>> -> memref<128xi32, #tpu.memory_space<vmem>>
      %dma_wait3A_361 = arith.constant 0 : i32
      %dma_wait3A_362 = arith.constant 0 : i32
      %dma_wait3A_363 = tpu.memref_slice %arg12[%dma_wait3A_361, %dma_wait3A_362] : memref<10240x32xf32, #tpu.memory_space<vmem_shared>> -> memref<10240x32xf32, #tpu.memory_space<vmem_shared>>
      tpu.wait_indirect_dma semaphore(%arg13 : memref<!tpu.dma_semaphore, #tpu.memory_space<semaphore_mem>>) src(%dma_wait3A_363 : memref<10240x32xf32, #tpu.memory_space<vmem_shared>>) dst(%dma_wait3A_357 : memref<128x32xf32, #tpu.memory_space<vmem>>)
      %dma_wait3A_364 = arith.constant 5 : i32
      %dma_wait3A_365 = arith.constant 0 : i32
      %dma_wait3A_366 = arith.constant 0 : i32
      %dma_wait3A_367 = tpu.memref_slice %arg9[%dma_wait3A_364, %dma_wait3A_365, %dma_wait3A_366] : memref<8x128x32xf32, #tpu.memory_space<vmem>> -> memref<1x128x32xf32, #tpu.memory_space<vmem>>
      %dma_wait3A_368 = tpu.memref_squeeze %dma_wait3A_367 : memref<1x128x32xf32, #tpu.memory_space<vmem>> -> memref<128x32xf32, #tpu.memory_space<vmem>>
      %dma_wait3A_369 = arith.constant 0 : i32
      %dma_wait3A_370 = tpu.memref_slice %arg7[%add3A_255, %dma_wait3A_369] : memref<80x128xi32, #tpu.memory_space<vmem>> -> memref<1x128xi32, #tpu.memory_space<vmem>>
      %dma_wait3A_371 = tpu.memref_squeeze %dma_wait3A_370 : memref<1x128xi32, #tpu.memory_space<vmem>> -> memref<128xi32, #tpu.memory_space<vmem>>
      %dma_wait3A_372 = arith.constant 0 : i32
      %dma_wait3A_373 = arith.constant 0 : i32
      %dma_wait3A_374 = tpu.memref_slice %arg12[%dma_wait3A_372, %dma_wait3A_373] : memref<10240x32xf32, #tpu.memory_space<vmem_shared>> -> memref<10240x32xf32, #tpu.memory_space<vmem_shared>>
      tpu.wait_indirect_dma semaphore(%arg13 : memref<!tpu.dma_semaphore, #tpu.memory_space<semaphore_mem>>) src(%dma_wait3A_374 : memref<10240x32xf32, #tpu.memory_space<vmem_shared>>) dst(%dma_wait3A_368 : memref<128x32xf32, #tpu.memory_space<vmem>>)
      %dma_wait3A_375 = arith.constant 6 : i32
      %dma_wait3A_376 = arith.constant 0 : i32
      %dma_wait3A_377 = arith.constant 0 : i32
      %dma_wait3A_378 = tpu.memref_slice %arg9[%dma_wait3A_375, %dma_wait3A_376, %dma_wait3A_377] : memref<8x128x32xf32, #tpu.memory_space<vmem>> -> memref<1x128x32xf32, #tpu.memory_space<vmem>>
      %dma_wait3A_379 = tpu.memref_squeeze %dma_wait3A_378 : memref<1x128x32xf32, #tpu.memory_space<vmem>> -> memref<128x32xf32, #tpu.memory_space<vmem>>
      %dma_wait3A_380 = arith.constant 0 : i32
      %dma_wait3A_381 = tpu.memref_slice %arg7[%add3A_268, %dma_wait3A_380] : memref<80x128xi32, #tpu.memory_space<vmem>> -> memref<1x128xi32, #tpu.memory_space<vmem>>
      %dma_wait3A_382 = tpu.memref_squeeze %dma_wait3A_381 : memref<1x128xi32, #tpu.memory_space<vmem>> -> memref<128xi32, #tpu.memory_space<vmem>>
      %dma_wait3A_383 = arith.constant 0 : i32
      %dma_wait3A_384 = arith.constant 0 : i32
      %dma_wait3A_385 = tpu.memref_slice %arg12[%dma_wait3A_383, %dma_wait3A_384] : memref<10240x32xf32, #tpu.memory_space<vmem_shared>> -> memref<10240x32xf32, #tpu.memory_space<vmem_shared>>
      tpu.wait_indirect_dma semaphore(%arg13 : memref<!tpu.dma_semaphore, #tpu.memory_space<semaphore_mem>>) src(%dma_wait3A_385 : memref<10240x32xf32, #tpu.memory_space<vmem_shared>>) dst(%dma_wait3A_379 : memref<128x32xf32, #tpu.memory_space<vmem>>)
      %dma_wait3A_386 = arith.constant 7 : i32
      %dma_wait3A_387 = arith.constant 0 : i32
      %dma_wait3A_388 = arith.constant 0 : i32
      %dma_wait3A_389 = tpu.memref_slice %arg9[%dma_wait3A_386, %dma_wait3A_387, %dma_wait3A_388] : memref<8x128x32xf32, #tpu.memory_space<vmem>> -> memref<1x128x32xf32, #tpu.memory_space<vmem>>
      %dma_wait3A_390 = tpu.memref_squeeze %dma_wait3A_389 : memref<1x128x32xf32, #tpu.memory_space<vmem>> -> memref<128x32xf32, #tpu.memory_space<vmem>>
      %dma_wait3A_391 = arith.constant 0 : i32
      %dma_wait3A_392 = tpu.memref_slice %arg7[%add3A_281, %dma_wait3A_391] : memref<80x128xi32, #tpu.memory_space<vmem>> -> memref<1x128xi32, #tpu.memory_space<vmem>>
      %dma_wait3A_393 = tpu.memref_squeeze %dma_wait3A_392 : memref<1x128xi32, #tpu.memory_space<vmem>> -> memref<128xi32, #tpu.memory_space<vmem>>
      %dma_wait3A_394 = arith.constant 0 : i32
      %dma_wait3A_395 = arith.constant 0 : i32
      %dma_wait3A_396 = tpu.memref_slice %arg12[%dma_wait3A_394, %dma_wait3A_395] : memref<10240x32xf32, #tpu.memory_space<vmem_shared>> -> memref<10240x32xf32, #tpu.memory_space<vmem_shared>>
      tpu.wait_indirect_dma semaphore(%arg13 : memref<!tpu.dma_semaphore, #tpu.memory_space<semaphore_mem>>) src(%dma_wait3A_396 : memref<10240x32xf32, #tpu.memory_space<vmem_shared>>) dst(%dma_wait3A_390 : memref<128x32xf32, #tpu.memory_space<vmem>>)
      %add3A_397 = arith.constant 0 : i32
      %add3A_398 = arith.addi %add3A_240, %add3A_397 : i32
      %dma_start3A_399 = arith.constant 4 : i32
      %dma_start3A_400 = arith.constant 0 : i32
      %dma_start3A_401 = arith.constant 0 : i32
      %dma_start3A_402 = tpu.memref_slice %arg9[%dma_start3A_399, %dma_start3A_400, %dma_start3A_401] : memref<8x128x32xf32, #tpu.memory_space<vmem>> -> memref<1x128x32xf32, #tpu.memory_space<vmem>>
      %dma_start3A_403 = tpu.memref_squeeze %dma_start3A_402 : memref<1x128x32xf32, #tpu.memory_space<vmem>> -> memref<128x32xf32, #tpu.memory_space<vmem>>
      %dma_start3A_404 = arith.constant 0 : i32
      %dma_start3A_405 = tpu.memref_slice %arg8[%add3A_398, %dma_start3A_404] : memref<80x128xi32, #tpu.memory_space<vmem>> -> memref<1x128xi32, #tpu.memory_space<vmem>>
      %dma_start3A_406 = tpu.memref_squeeze %dma_start3A_405 : memref<1x128xi32, #tpu.memory_space<vmem>> -> memref<128xi32, #tpu.memory_space<vmem>>
      %dma_start3A_407 = arith.constant 0 : i32
      %dma_start3A_408 = arith.constant 0 : i32
      %dma_start3A_409 = tpu.memref_slice %arg11[%dma_start3A_407, %dma_start3A_408] : memref<10240x32xf32, #tpu.memory_space<vmem_shared>> -> memref<10240x32xf32, #tpu.memory_space<vmem_shared>>
      tpu.enqueue_indirect_dma source(%dma_start3A_403 : memref<128x32xf32, #tpu.memory_space<vmem>>) target(%dma_start3A_409 : memref<10240x32xf32, #tpu.memory_space<vmem_shared>>) offsets(%dma_start3A_406 : memref<128xi32, #tpu.memory_space<vmem>>) semaphore(%arg14 : memref<!tpu.dma_semaphore, #tpu.memory_space<semaphore_mem>>) {add = true}
      %add3A_410 = arith.constant 1 : i32
      %add3A_411 = arith.addi %add3A_240, %add3A_410 : i32
      %dma_start3A_412 = arith.constant 5 : i32
      %dma_start3A_413 = arith.constant 0 : i32
      %dma_start3A_414 = arith.constant 0 : i32
      %dma_start3A_415 = tpu.memref_slice %arg9[%dma_start3A_412, %dma_start3A_413, %dma_start3A_414] : memref<8x128x32xf32, #tpu.memory_space<vmem>> -> memref<1x128x32xf32, #tpu.memory_space<vmem>>
      %dma_start3A_416 = tpu.memref_squeeze %dma_start3A_415 : memref<1x128x32xf32, #tpu.memory_space<vmem>> -> memref<128x32xf32, #tpu.memory_space<vmem>>
      %dma_start3A_417 = arith.constant 0 : i32
      %dma_start3A_418 = tpu.memref_slice %arg8[%add3A_411, %dma_start3A_417] : memref<80x128xi32, #tpu.memory_space<vmem>> -> memref<1x128xi32, #tpu.memory_space<vmem>>
      %dma_start3A_419 = tpu.memref_squeeze %dma_start3A_418 : memref<1x128xi32, #tpu.memory_space<vmem>> -> memref<128xi32, #tpu.memory_space<vmem>>
      %dma_start3A_420 = arith.constant 0 : i32
      %dma_start3A_421 = arith.constant 0 : i32
      %dma_start3A_422 = tpu.memref_slice %arg11[%dma_start3A_420, %dma_start3A_421] : memref<10240x32xf32, #tpu.memory_space<vmem_shared>> -> memref<10240x32xf32, #tpu.memory_space<vmem_shared>>
      tpu.enqueue_indirect_dma source(%dma_start3A_416 : memref<128x32xf32, #tpu.memory_space<vmem>>) target(%dma_start3A_422 : memref<10240x32xf32, #tpu.memory_space<vmem_shared>>) offsets(%dma_start3A_419 : memref<128xi32, #tpu.memory_space<vmem>>) semaphore(%arg14 : memref<!tpu.dma_semaphore, #tpu.memory_space<semaphore_mem>>) {add = true}
      %add3A_423 = arith.constant 2 : i32
      %add3A_424 = arith.addi %add3A_240, %add3A_423 : i32
      %dma_start3A_425 = arith.constant 6 : i32
      %dma_start3A_426 = arith.constant 0 : i32
      %dma_start3A_427 = arith.constant 0 : i32
      %dma_start3A_428 = tpu.memref_slice %arg9[%dma_start3A_425, %dma_start3A_426, %dma_start3A_427] : memref<8x128x32xf32, #tpu.memory_space<vmem>> -> memref<1x128x32xf32, #tpu.memory_space<vmem>>
      %dma_start3A_429 = tpu.memref_squeeze %dma_start3A_428 : memref<1x128x32xf32, #tpu.memory_space<vmem>> -> memref<128x32xf32, #tpu.memory_space<vmem>>
      %dma_start3A_430 = arith.constant 0 : i32
      %dma_start3A_431 = tpu.memref_slice %arg8[%add3A_424, %dma_start3A_430] : memref<80x128xi32, #tpu.memory_space<vmem>> -> memref<1x128xi32, #tpu.memory_space<vmem>>
      %dma_start3A_432 = tpu.memref_squeeze %dma_start3A_431 : memref<1x128xi32, #tpu.memory_space<vmem>> -> memref<128xi32, #tpu.memory_space<vmem>>
      %dma_start3A_433 = arith.constant 0 : i32
      %dma_start3A_434 = arith.constant 0 : i32
      %dma_start3A_435 = tpu.memref_slice %arg11[%dma_start3A_433, %dma_start3A_434] : memref<10240x32xf32, #tpu.memory_space<vmem_shared>> -> memref<10240x32xf32, #tpu.memory_space<vmem_shared>>
      tpu.enqueue_indirect_dma source(%dma_start3A_429 : memref<128x32xf32, #tpu.memory_space<vmem>>) target(%dma_start3A_435 : memref<10240x32xf32, #tpu.memory_space<vmem_shared>>) offsets(%dma_start3A_432 : memref<128xi32, #tpu.memory_space<vmem>>) semaphore(%arg14 : memref<!tpu.dma_semaphore, #tpu.memory_space<semaphore_mem>>) {add = true}
      %add3A_436 = arith.constant 3 : i32
      %add3A_437 = arith.addi %add3A_240, %add3A_436 : i32
      %dma_start3A_438 = arith.constant 7 : i32
      %dma_start3A_439 = arith.constant 0 : i32
      %dma_start3A_440 = arith.constant 0 : i32
      %dma_start3A_441 = tpu.memref_slice %arg9[%dma_start3A_438, %dma_start3A_439, %dma_start3A_440] : memref<8x128x32xf32, #tpu.memory_space<vmem>> -> memref<1x128x32xf32, #tpu.memory_space<vmem>>
      %dma_start3A_442 = tpu.memref_squeeze %dma_start3A_441 : memref<1x128x32xf32, #tpu.memory_space<vmem>> -> memref<128x32xf32, #tpu.memory_space<vmem>>
      %dma_start3A_443 = arith.constant 0 : i32
      %dma_start3A_444 = tpu.memref_slice %arg8[%add3A_437, %dma_start3A_443] : memref<80x128xi32, #tpu.memory_space<vmem>> -> memref<1x128xi32, #tpu.memory_space<vmem>>
      %dma_start3A_445 = tpu.memref_squeeze %dma_start3A_444 : memref<1x128xi32, #tpu.memory_space<vmem>> -> memref<128xi32, #tpu.memory_space<vmem>>
      %dma_start3A_446 = arith.constant 0 : i32
      %dma_start3A_447 = arith.constant 0 : i32
      %dma_start3A_448 = tpu.memref_slice %arg11[%dma_start3A_446, %dma_start3A_447] : memref<10240x32xf32, #tpu.memory_space<vmem_shared>> -> memref<10240x32xf32, #tpu.memory_space<vmem_shared>>
      tpu.enqueue_indirect_dma source(%dma_start3A_442 : memref<128x32xf32, #tpu.memory_space<vmem>>) target(%dma_start3A_448 : memref<10240x32xf32, #tpu.memory_space<vmem_shared>>) offsets(%dma_start3A_445 : memref<128xi32, #tpu.memory_space<vmem>>) semaphore(%arg14 : memref<!tpu.dma_semaphore, #tpu.memory_space<semaphore_mem>>) {add = true}
    }
    %scan3A_16 = arith.constant 10 : i32
    %dma_wait3A = arith.constant 0 : i32
    %dma_wait3A_17 = arith.constant 0 : i32
    %dma_wait3A_18 = arith.constant 0 : i32
    %dma_wait3A_19 = tpu.memref_slice %arg9[%dma_wait3A, %dma_wait3A_17, %dma_wait3A_18] : memref<8x128x32xf32, #tpu.memory_space<vmem>> -> memref<1x128x32xf32, #tpu.memory_space<vmem>>
    %dma_wait3A_20 = tpu.memref_squeeze %dma_wait3A_19 : memref<1x128x32xf32, #tpu.memory_space<vmem>> -> memref<128x32xf32, #tpu.memory_space<vmem>>
    %dma_wait3A_21 = arith.constant 0 : i32
    %dma_wait3A_22 = arith.constant 0 : i32
    %dma_wait3A_23 = tpu.memref_slice %arg5[%dma_wait3A_21, %dma_wait3A_22] : memref<10240x32xf32, #tpu.memory_space<hbm>> -> memref<128x32xf32, #tpu.memory_space<hbm>>
    %dma_wait3A_24 = arith.constant 0 : i32
    %dma_wait3A_25 = arith.constant 0 : i32
    %dma_wait3A_26 = tpu.memref_slice %arg9[%dma_wait3A, %dma_wait3A_24, %dma_wait3A_25] : memref<8x128x32xf32, #tpu.memory_space<vmem>> -> memref<1x128x32xf32, #tpu.memory_space<vmem>>
    %dma_wait3A_27 = tpu.memref_squeeze %dma_wait3A_26 : memref<1x128x32xf32, #tpu.memory_space<vmem>> -> memref<128x32xf32, #tpu.memory_space<vmem>>
    %dma_wait3A_28 = arith.constant 0 : i32
    %dma_wait3A_29 = arith.constant 0 : i32
    %dma_wait3A_30 = tpu.memref_slice %arg5[%dma_wait3A_28, %dma_wait3A_29] : memref<10240x32xf32, #tpu.memory_space<hbm>> -> memref<128x32xf32, #tpu.memory_space<hbm>>
    tpu.wait_dma2 semaphore(%arg14 : memref<!tpu.dma_semaphore, #tpu.memory_space<semaphore_mem>>) src(%dma_wait3A_30 : memref<128x32xf32, #tpu.memory_space<hbm>>) dst(%dma_wait3A_27 : memref<128x32xf32, #tpu.memory_space<vmem>>)
    %dma_wait3A_31 = arith.constant 0 : i32
    %dma_wait3A_32 = arith.constant 0 : i32
    %dma_wait3A_33 = arith.constant 0 : i32
    %dma_wait3A_34 = tpu.memref_slice %arg9[%dma_wait3A_31, %dma_wait3A_32, %dma_wait3A_33] : memref<8x128x32xf32, #tpu.memory_space<vmem>> -> memref<1x128x32xf32, #tpu.memory_space<vmem>>
    %dma_wait3A_35 = tpu.memref_squeeze %dma_wait3A_34 : memref<1x128x32xf32, #tpu.memory_space<vmem>> -> memref<128x32xf32, #tpu.memory_space<vmem>>
    %dma_wait3A_36 = arith.constant 0 : i32
    %dma_wait3A_37 = arith.constant 0 : i32
    %dma_wait3A_38 = tpu.memref_slice %arg5[%dma_wait3A_36, %dma_wait3A_37] : memref<10240x32xf32, #tpu.memory_space<hbm>> -> memref<128x32xf32, #tpu.memory_space<hbm>>
    %dma_wait3A_39 = arith.constant 0 : i32
    %dma_wait3A_40 = arith.constant 0 : i32
    %dma_wait3A_41 = tpu.memref_slice %arg9[%dma_wait3A_31, %dma_wait3A_39, %dma_wait3A_40] : memref<8x128x32xf32, #tpu.memory_space<vmem>> -> memref<1x128x32xf32, #tpu.memory_space<vmem>>
    %dma_wait3A_42 = tpu.memref_squeeze %dma_wait3A_41 : memref<1x128x32xf32, #tpu.memory_space<vmem>> -> memref<128x32xf32, #tpu.memory_space<vmem>>
    %dma_wait3A_43 = arith.constant 0 : i32
    %dma_wait3A_44 = arith.constant 0 : i32
    %dma_wait3A_45 = tpu.memref_slice %arg5[%dma_wait3A_43, %dma_wait3A_44] : memref<10240x32xf32, #tpu.memory_space<hbm>> -> memref<128x32xf32, #tpu.memory_space<hbm>>
    tpu.wait_dma2 semaphore(%arg14 : memref<!tpu.dma_semaphore, #tpu.memory_space<semaphore_mem>>) src(%dma_wait3A_45 : memref<128x32xf32, #tpu.memory_space<hbm>>) dst(%dma_wait3A_42 : memref<128x32xf32, #tpu.memory_space<vmem>>)
    %dma_wait3A_46 = arith.constant 0 : i32
    %dma_wait3A_47 = arith.constant 0 : i32
    %dma_wait3A_48 = arith.constant 0 : i32
    %dma_wait3A_49 = tpu.memref_slice %arg9[%dma_wait3A_46, %dma_wait3A_47, %dma_wait3A_48] : memref<8x128x32xf32, #tpu.memory_space<vmem>> -> memref<1x128x32xf32, #tpu.memory_space<vmem>>
    %dma_wait3A_50 = tpu.memref_squeeze %dma_wait3A_49 : memref<1x128x32xf32, #tpu.memory_space<vmem>> -> memref<128x32xf32, #tpu.memory_space<vmem>>
    %dma_wait3A_51 = arith.constant 0 : i32
    %dma_wait3A_52 = arith.constant 0 : i32
    %dma_wait3A_53 = tpu.memref_slice %arg5[%dma_wait3A_51, %dma_wait3A_52] : memref<10240x32xf32, #tpu.memory_space<hbm>> -> memref<128x32xf32, #tpu.memory_space<hbm>>
    %dma_wait3A_54 = arith.constant 0 : i32
    %dma_wait3A_55 = arith.constant 0 : i32
    %dma_wait3A_56 = tpu.memref_slice %arg9[%dma_wait3A_46, %dma_wait3A_54, %dma_wait3A_55] : memref<8x128x32xf32, #tpu.memory_space<vmem>> -> memref<1x128x32xf32, #tpu.memory_space<vmem>>
    %dma_wait3A_57 = tpu.memref_squeeze %dma_wait3A_56 : memref<1x128x32xf32, #tpu.memory_space<vmem>> -> memref<128x32xf32, #tpu.memory_space<vmem>>
    %dma_wait3A_58 = arith.constant 0 : i32
    %dma_wait3A_59 = arith.constant 0 : i32
    %dma_wait3A_60 = tpu.memref_slice %arg5[%dma_wait3A_58, %dma_wait3A_59] : memref<10240x32xf32, #tpu.memory_space<hbm>> -> memref<128x32xf32, #tpu.memory_space<hbm>>
    tpu.wait_dma2 semaphore(%arg14 : memref<!tpu.dma_semaphore, #tpu.memory_space<semaphore_mem>>) src(%dma_wait3A_60 : memref<128x32xf32, #tpu.memory_space<hbm>>) dst(%dma_wait3A_57 : memref<128x32xf32, #tpu.memory_space<vmem>>)
    %dma_wait3A_61 = arith.constant 0 : i32
    %dma_wait3A_62 = arith.constant 0 : i32
    %dma_wait3A_63 = arith.constant 0 : i32
    %dma_wait3A_64 = tpu.memref_slice %arg9[%dma_wait3A_61, %dma_wait3A_62, %dma_wait3A_63] : memref<8x128x32xf32, #tpu.memory_space<vmem>> -> memref<1x128x32xf32, #tpu.memory_space<vmem>>
    %dma_wait3A_65 = tpu.memref_squeeze %dma_wait3A_64 : memref<1x128x32xf32, #tpu.memory_space<vmem>> -> memref<128x32xf32, #tpu.memory_space<vmem>>
    %dma_wait3A_66 = arith.constant 0 : i32
    %dma_wait3A_67 = arith.constant 0 : i32
    %dma_wait3A_68 = tpu.memref_slice %arg5[%dma_wait3A_66, %dma_wait3A_67] : memref<10240x32xf32, #tpu.memory_space<hbm>> -> memref<128x32xf32, #tpu.memory_space<hbm>>
    %dma_wait3A_69 = arith.constant 0 : i32
    %dma_wait3A_70 = arith.constant 0 : i32
    %dma_wait3A_71 = tpu.memref_slice %arg9[%dma_wait3A_61, %dma_wait3A_69, %dma_wait3A_70] : memref<8x128x32xf32, #tpu.memory_space<vmem>> -> memref<1x128x32xf32, #tpu.memory_space<vmem>>
    %dma_wait3A_72 = tpu.memref_squeeze %dma_wait3A_71 : memref<1x128x32xf32, #tpu.memory_space<vmem>> -> memref<128x32xf32, #tpu.memory_space<vmem>>
    %dma_wait3A_73 = arith.constant 0 : i32
    %dma_wait3A_74 = arith.constant 0 : i32
    %dma_wait3A_75 = tpu.memref_slice %arg5[%dma_wait3A_73, %dma_wait3A_74] : memref<10240x32xf32, #tpu.memory_space<hbm>> -> memref<128x32xf32, #tpu.memory_space<hbm>>
    tpu.wait_dma2 semaphore(%arg14 : memref<!tpu.dma_semaphore, #tpu.memory_space<semaphore_mem>>) src(%dma_wait3A_75 : memref<128x32xf32, #tpu.memory_space<hbm>>) dst(%dma_wait3A_72 : memref<128x32xf32, #tpu.memory_space<vmem>>)
    %barrier3A_76 = arith.constant 0 : index
    tpu.barrier barrier_id(%barrier3A_76)
    %mul3A_77 = arith.constant 640 : i32
    %mul3A_78 = arith.muli %arg1, %mul3A_77 : i32
    "tpu.region"() ({
      %run_scoped3A = tpu.sem_alloc : memref<!tpu.dma_semaphore, #tpu.memory_space<semaphore_mem>>
      %dma_start3A = arith.constant 0 : i32
      %dma_start3A_81 = tpu.memref_slice %arg11[%mul3A_78, %dma_start3A] : memref<10240x32xf32, #tpu.memory_space<vmem_shared>> -> memref<640x32xf32, #tpu.memory_space<vmem_shared>>
      %dma_start3A_82 = arith.constant 0 : i32
      %dma_start3A_83 = tpu.memref_slice %arg11[%mul3A_78, %dma_start3A_82] : memref<10240x32xf32, #tpu.memory_space<vmem_shared>> -> memref<640x32xf32, #tpu.memory_space<vmem_shared>>
      tpu.enqueue_dma source(%dma_start3A_83 : memref<640x32xf32, #tpu.memory_space<vmem_shared>>) target(%arg10 : memref<640x32xf32, #tpu.memory_space<vmem>>) target_semaphore(%run_scoped3A : memref<!tpu.dma_semaphore, #tpu.memory_space<semaphore_mem>>)
      %dma_wait3A_84 = arith.constant 0 : i32
      %dma_wait3A_85 = tpu.memref_slice %arg11[%mul3A_78, %dma_wait3A_84] : memref<10240x32xf32, #tpu.memory_space<vmem_shared>> -> memref<640x32xf32, #tpu.memory_space<vmem_shared>>
      %dma_wait3A_86 = arith.constant 0 : i32
      %dma_wait3A_87 = tpu.memref_slice %arg11[%mul3A_78, %dma_wait3A_86] : memref<10240x32xf32, #tpu.memory_space<vmem_shared>> -> memref<640x32xf32, #tpu.memory_space<vmem_shared>>
      tpu.wait_dma2 semaphore(%run_scoped3A : memref<!tpu.dma_semaphore, #tpu.memory_space<semaphore_mem>>) src(%dma_wait3A_87 : memref<640x32xf32, #tpu.memory_space<vmem_shared>>) dst(%arg10 : memref<640x32xf32, #tpu.memory_space<vmem>>)
      tpu.yield
    }) : () -> ()
    %mul3A_79 = arith.constant 640 : i32
    %mul3A_80 = arith.muli %arg1, %mul3A_79 : i32
    "tpu.region"() ({
      %run_scoped3A = tpu.sem_alloc : memref<!tpu.dma_semaphore, #tpu.memory_space<semaphore_mem>>
      %dma_start3A = arith.constant 0 : i32
      %dma_start3A_81 = tpu.memref_slice %arg6[%arg0, %mul3A_80, %dma_start3A] : memref<2x10240x32xf32, #tpu.memory_space<hbm>> -> memref<1x640x32xf32, #tpu.memory_space<hbm>>
      %dma_start3A_82 = tpu.memref_squeeze %dma_start3A_81 : memref<1x640x32xf32, #tpu.memory_space<hbm>> -> memref<640x32xf32, #tpu.memory_space<hbm>>
      %dma_start3A_83 = arith.constant 0 : i32
      %dma_start3A_84 = tpu.memref_slice %arg6[%arg0, %mul3A_80, %dma_start3A_83] : memref<2x10240x32xf32, #tpu.memory_space<hbm>> -> memref<1x640x32xf32, #tpu.memory_space<hbm>>
      %dma_start3A_85 = tpu.memref_squeeze %dma_start3A_84 : memref<1x640x32xf32, #tpu.memory_space<hbm>> -> memref<640x32xf32, #tpu.memory_space<hbm>>
      tpu.enqueue_dma source(%arg10 : memref<640x32xf32, #tpu.memory_space<vmem>>) target(%dma_start3A_85 : memref<640x32xf32, #tpu.memory_space<hbm>>) target_semaphore(%run_scoped3A : memref<!tpu.dma_semaphore, #tpu.memory_space<semaphore_mem>>)
      %dma_wait3A_86 = arith.constant 0 : i32
      %dma_wait3A_87 = tpu.memref_slice %arg6[%arg0, %mul3A_80, %dma_wait3A_86] : memref<2x10240x32xf32, #tpu.memory_space<hbm>> -> memref<1x640x32xf32, #tpu.memory_space<hbm>>
      %dma_wait3A_88 = tpu.memref_squeeze %dma_wait3A_87 : memref<1x640x32xf32, #tpu.memory_space<hbm>> -> memref<640x32xf32, #tpu.memory_space<hbm>>
      %dma_wait3A_89 = arith.constant 0 : i32
      %dma_wait3A_90 = tpu.memref_slice %arg6[%arg0, %mul3A_80, %dma_wait3A_89] : memref<2x10240x32xf32, #tpu.memory_space<hbm>> -> memref<1x640x32xf32, #tpu.memory_space<hbm>>
      %dma_wait3A_91 = tpu.memref_squeeze %dma_wait3A_90 : memref<1x640x32xf32, #tpu.memory_space<hbm>> -> memref<640x32xf32, #tpu.memory_space<hbm>>
      tpu.wait_dma2 semaphore(%run_scoped3A : memref<!tpu.dma_semaphore, #tpu.memory_space<semaphore_mem>>) src(%arg10 : memref<640x32xf32, #tpu.memory_space<vmem>>) dst(%dma_wait3A_91 : memref<640x32xf32, #tpu.memory_space<hbm>>)
      tpu.yield
    }) : () -> ()
    return
  }
}

module attributes {stable_mosaic.version = 14 : i64} {
  func.func @_dinv_g_body(%arg0: memref<2x2560x128xf32, #tpu.memory_space<vmem>>, %arg1: memref<2560x128xf32, #tpu.memory_space<vmem>>, %arg2: memref<2560x128xf32, #tpu.memory_space<vmem>>, %arg3: memref<2560x128xf32, #tpu.memory_space<vmem>>) attributes {dimension_semantics = [], scalar_prefetch = 0 : i64, scratch_operands = 0 : i64, tpu.core_type = #tpu.core_type<tc>} {
    %get3A = arith.constant 0 : index
    %get3A_0 = arith.constant 0 : index
    %get3A_1 = arith.constant 0 : index
    %get3A_2 = vector.load %arg0[%get3A, %get3A_0, %get3A_1] : memref<2x2560x128xf32, #tpu.memory_space<vmem>>, vector<1x2560x128xf32>
    %get3A_3 = vector.shape_cast %get3A_2 : vector<1x2560x128xf32> to vector<2560x128xf32>
    %get3A_4 = arith.constant 1 : index
    %get3A_5 = arith.constant 0 : index
    %get3A_6 = arith.constant 0 : index
    %get3A_7 = vector.load %arg0[%get3A_4, %get3A_5, %get3A_6] : memref<2x2560x128xf32, #tpu.memory_space<vmem>>, vector<1x2560x128xf32>
    %get3A_8 = vector.shape_cast %get3A_7 : vector<1x2560x128xf32> to vector<2560x128xf32>
    %add3A = arith.addf %get3A_3, %get3A_8 : vector<2560x128xf32>
    %add3A_9 = arith.constant 1.000000e+00 : f32
    %add3A_10 = vector.broadcast %add3A_9 : f32 to vector<2560x128xf32>
    %add3A_11 = arith.addf %add3A, %add3A_10 : vector<2560x128xf32>
    %rsqrt3A = math.rsqrt %add3A_11 : vector<2560x128xf32>
    %swap3A = arith.constant 0 : index
    %swap3A_12 = arith.constant 0 : index
    %swap3A_13 = vector.load %arg2[%swap3A, %swap3A_12] : memref<2560x128xf32, #tpu.memory_space<vmem>>, vector<2560x128xf32>
    tpu.vector_store %arg2[%swap3A, %swap3A_12], %rsqrt3A {strides = array<i32>} : memref<2560x128xf32, #tpu.memory_space<vmem>>, vector<2560x128xf32>,
    %get3A_14 = arith.constant 0 : index
    %get3A_15 = arith.constant 0 : index
    %get3A_16 = vector.load %arg1[%get3A_14, %get3A_15] : memref<2560x128xf32, #tpu.memory_space<vmem>>, vector<2560x128xf32>
    %mul3A = arith.mulf %get3A_16, %rsqrt3A : vector<2560x128xf32>
    %swap3A_17 = arith.constant 0 : index
    %swap3A_18 = arith.constant 0 : index
    %swap3A_19 = vector.load %arg3[%swap3A_17, %swap3A_18] : memref<2560x128xf32, #tpu.memory_space<vmem>>, vector<2560x128xf32>
    tpu.vector_store %arg3[%swap3A_17, %swap3A_18], %mul3A {strides = array<i32>} : memref<2560x128xf32, #tpu.memory_space<vmem>>, vector<2560x128xf32>,
    return
  }
}

module attributes {stable_mosaic.version = 14 : i64} {
  func.func @_mm_body(%arg0: memref<2560x512xf32, #tpu.memory_space<vmem>>, %arg1: memref<512x128xf32, #tpu.memory_space<vmem>>, %arg2: memref<2560x128xf32, #tpu.memory_space<vmem>>) attributes {dimension_semantics = [], scalar_prefetch = 0 : i64, scratch_operands = 0 : i64, tpu.core_type = #tpu.core_type<tc>} {
    %get3A = arith.constant 0 : index
    %get3A_0 = arith.constant 0 : index
    %get3A_1 = vector.load %arg0[%get3A, %get3A_0] : memref<2560x512xf32, #tpu.memory_space<vmem>>, vector<2560x512xf32>
    %get3A_2 = arith.constant 0 : index
    %get3A_3 = arith.constant 0 : index
    %get3A_4 = vector.load %arg1[%get3A_2, %get3A_3] : memref<512x128xf32, #tpu.memory_space<vmem>>, vector<512x128xf32>
    %dot_general3A = arith.constant dense<0.000000e+00> : vector<2560x128xf32>
    %dot_general3A_5 = tpu.matmul %get3A_1, %get3A_4, %dot_general3A {dimension_numbers = #tpu.dot_dimension_numbers<[1], [0], [0], [1], [0, 0, 1, 1], [], []>, transpose_lhs_hint = false} : vector<2560x512xf32>, vector<512x128xf32>, vector<2560x128xf32> -> vector<2560x128xf32>
    %swap3A = arith.constant 0 : index
    %swap3A_6 = arith.constant 0 : index
    %swap3A_7 = vector.load %arg2[%swap3A, %swap3A_6] : memref<2560x128xf32, #tpu.memory_space<vmem>>, vector<2560x128xf32>
    tpu.vector_store %arg2[%swap3A, %swap3A_6], %dot_general3A_5 {strides = array<i32>} : memref<2560x128xf32, #tpu.memory_space<vmem>>, vector<2560x128xf32>,
    return
  }
}

module attributes {stable_mosaic.version = 14 : i64} {
  func.func @_mid_body(%arg0: memref<2x2560x128xf32, #tpu.memory_space<vmem>>, %arg1: memref<2560x128xf32, #tpu.memory_space<vmem>>, %arg2: memref<2560x128xf32, #tpu.memory_space<vmem>>, %arg3: memref<1x128xf32, #tpu.memory_space<vmem>>, %arg4: memref<1x128xf32, #tpu.memory_space<vmem>>, %arg5: memref<1x128xf32, #tpu.memory_space<vmem>>, %arg6: memref<128x128xf32, #tpu.memory_space<vmem>>, %arg7: memref<128x128xf32, #tpu.memory_space<vmem>>, %arg8: memref<2560x128xf32, #tpu.memory_space<vmem>>) attributes {dimension_semantics = [], scalar_prefetch = 0 : i64, scratch_operands = 0 : i64, tpu.core_type = #tpu.core_type<tc>} {
    %get3A = arith.constant 0 : index
    %get3A_0 = arith.constant 0 : index
    %get3A_1 = vector.load %arg2[%get3A, %get3A_0] : memref<2560x128xf32, #tpu.memory_space<vmem>>, vector<2560x128xf32>
    %get3A_2 = arith.constant 0 : index
    %get3A_3 = arith.constant 0 : index
    %get3A_4 = arith.constant 0 : index
    %get3A_5 = vector.load %arg0[%get3A_2, %get3A_3, %get3A_4] : memref<2x2560x128xf32, #tpu.memory_space<vmem>>, vector<1x2560x128xf32>
    %get3A_6 = vector.shape_cast %get3A_5 : vector<1x2560x128xf32> to vector<2560x128xf32>
    %get3A_7 = arith.constant 1 : index
    %get3A_8 = arith.constant 0 : index
    %get3A_9 = arith.constant 0 : index
    %get3A_10 = vector.load %arg0[%get3A_7, %get3A_8, %get3A_9] : memref<2x2560x128xf32, #tpu.memory_space<vmem>>, vector<1x2560x128xf32>
    %get3A_11 = vector.shape_cast %get3A_10 : vector<1x2560x128xf32> to vector<2560x128xf32>
    %add3A = arith.addf %get3A_6, %get3A_11 : vector<2560x128xf32>
    %get3A_12 = arith.constant 0 : index
    %get3A_13 = arith.constant 0 : index
    %get3A_14 = vector.load %arg1[%get3A_12, %get3A_13] : memref<2560x128xf32, #tpu.memory_space<vmem>>, vector<2560x128xf32>
    %add3A_15 = arith.addf %add3A, %get3A_14 : vector<2560x128xf32>
    %mul3A = arith.mulf %get3A_1, %add3A_15 : vector<2560x128xf32>
    %get3A_16 = arith.constant 0 : index
    %get3A_17 = arith.constant 0 : index
    %get3A_18 = vector.load %arg3[%get3A_16, %get3A_17] : memref<1x128xf32, #tpu.memory_space<vmem>>, vector<1x128xf32>
    %add3A_19 = vector.broadcast %get3A_18 : vector<1x128xf32> to vector<2560x128xf32>
    %add3A_20 = arith.addf %mul3A, %add3A_19 : vector<2560x128xf32>
    %max3A = arith.constant 0.000000e+00 : f32
    %max3A_21 = vector.broadcast %max3A : f32 to vector<2560x128xf32>
    %max3A_22 = arith.maximumf %add3A_20, %max3A_21 : vector<2560x128xf32>
    %get3A_23 = arith.constant 0 : index
    %get3A_24 = arith.constant 0 : index
    %get3A_25 = vector.load %arg7[%get3A_23, %get3A_24] : memref<128x128xf32, #tpu.memory_space<vmem>>, vector<128x128xf32>
    %dot_general3A = arith.constant dense<0.000000e+00> : vector<2560x128xf32>
    %dot_general3A_26 = tpu.matmul %max3A_22, %get3A_25, %dot_general3A {dimension_numbers = #tpu.dot_dimension_numbers<[1], [0], [0], [1], [0, 0, 1, 1], [], []>, transpose_lhs_hint = false} : vector<2560x128xf32>, vector<128x128xf32>, vector<2560x128xf32> -> vector<2560x128xf32>
    %mul3A_27 = arith.mulf %max3A_22, %max3A_22 : vector<2560x128xf32>
    %dot_general3A_28 = arith.constant dense<0.000000e+00> : vector<2560x128xf32>
    %dot_general3A_29 = tpu.matmul %mul3A_27, %get3A_25, %dot_general3A_28 {dimension_numbers = #tpu.dot_dimension_numbers<[1], [0], [0], [1], [0, 0, 1, 1], [], []>, transpose_lhs_hint = false} : vector<2560x128xf32>, vector<128x128xf32>, vector<2560x128xf32> -> vector<2560x128xf32>
    %mul3A_30 = arith.mulf %dot_general3A_26, %dot_general3A_26 : vector<2560x128xf32>
    %sub3A = arith.subf %dot_general3A_29, %mul3A_30 : vector<2560x128xf32>
    %max3A_31 = arith.constant 0.000000e+00 : f32
    %max3A_32 = vector.broadcast %max3A_31 : f32 to vector<2560x128xf32>
    %max3A_33 = arith.maximumf %sub3A, %max3A_32 : vector<2560x128xf32>
    %sub3A_34 = arith.subf %max3A_22, %dot_general3A_26 : vector<2560x128xf32>
    %add3A_35 = arith.constant 9.99999974E-6 : f32
    %add3A_36 = vector.broadcast %add3A_35 : f32 to vector<2560x128xf32>
    %add3A_37 = arith.addf %max3A_33, %add3A_36 : vector<2560x128xf32>
    %rsqrt3A = math.rsqrt %add3A_37 : vector<2560x128xf32>
    %mul3A_38 = arith.mulf %sub3A_34, %rsqrt3A : vector<2560x128xf32>
    %get3A_39 = arith.constant 0 : index
    %get3A_40 = arith.constant 0 : index
    %get3A_41 = vector.load %arg4[%get3A_39, %get3A_40] : memref<1x128xf32, #tpu.memory_space<vmem>>, vector<1x128xf32>
    %mul3A_42 = vector.broadcast %get3A_41 : vector<1x128xf32> to vector<2560x128xf32>
    %mul3A_43 = arith.mulf %mul3A_38, %mul3A_42 : vector<2560x128xf32>
    %get3A_44 = arith.constant 0 : index
    %get3A_45 = arith.constant 0 : index
    %get3A_46 = vector.load %arg5[%get3A_44, %get3A_45] : memref<1x128xf32, #tpu.memory_space<vmem>>, vector<1x128xf32>
    %add3A_47 = vector.broadcast %get3A_46 : vector<1x128xf32> to vector<2560x128xf32>
    %add3A_48 = arith.addf %mul3A_43, %add3A_47 : vector<2560x128xf32>
    %get3A_49 = arith.constant 0 : index
    %get3A_50 = arith.constant 0 : index
    %get3A_51 = vector.load %arg6[%get3A_49, %get3A_50] : memref<128x128xf32, #tpu.memory_space<vmem>>, vector<128x128xf32>
    %dot_general3A_52 = arith.constant dense<0.000000e+00> : vector<2560x128xf32>
    %dot_general3A_53 = tpu.matmul %add3A_48, %get3A_51, %dot_general3A_52 {dimension_numbers = #tpu.dot_dimension_numbers<[1], [0], [0], [1], [0, 0, 1, 1], [], []>, transpose_lhs_hint = false} : vector<2560x128xf32>, vector<128x128xf32>, vector<2560x128xf32> -> vector<2560x128xf32>
    %mul3A_54 = arith.mulf %dot_general3A_53, %get3A_1 : vector<2560x128xf32>
    %swap3A = arith.constant 0 : index
    %swap3A_55 = arith.constant 0 : index
    %swap3A_56 = vector.load %arg8[%swap3A, %swap3A_55] : memref<2560x128xf32, #tpu.memory_space<vmem>>, vector<2560x128xf32>
    tpu.vector_store %arg8[%swap3A, %swap3A_55], %mul3A_54 {strides = array<i32>} : memref<2560x128xf32, #tpu.memory_space<vmem>>, vector<2560x128xf32>,
    return
  }
}

module attributes {stable_mosaic.version = 14 : i64} {
  func.func @_final_body(%arg0: memref<2x2560x128xf32, #tpu.memory_space<vmem>>, %arg1: memref<2560x128xf32, #tpu.memory_space<vmem>>, %arg2: memref<2560x128xf32, #tpu.memory_space<vmem>>, %arg3: memref<1x128xf32, #tpu.memory_space<vmem>>, %arg4: memref<128x64xf32, #tpu.memory_space<vmem>>, %arg5: memref<1x64xf32, #tpu.memory_space<vmem>>, %arg6: memref<64x160xf32, #tpu.memory_space<vmem>>, %arg7: memref<1x160xf32, #tpu.memory_space<vmem>>, %arg8: memref<2560x160xf32, #tpu.memory_space<vmem>>) attributes {dimension_semantics = [], scalar_prefetch = 0 : i64, scratch_operands = 0 : i64, tpu.core_type = #tpu.core_type<tc>} {
    %get3A = arith.constant 0 : index
    %get3A_0 = arith.constant 0 : index
    %get3A_1 = vector.load %arg2[%get3A, %get3A_0] : memref<2560x128xf32, #tpu.memory_space<vmem>>, vector<2560x128xf32>
    %get3A_2 = arith.constant 0 : index
    %get3A_3 = arith.constant 0 : index
    %get3A_4 = arith.constant 0 : index
    %get3A_5 = vector.load %arg0[%get3A_2, %get3A_3, %get3A_4] : memref<2x2560x128xf32, #tpu.memory_space<vmem>>, vector<1x2560x128xf32>
    %get3A_6 = vector.shape_cast %get3A_5 : vector<1x2560x128xf32> to vector<2560x128xf32>
    %get3A_7 = arith.constant 1 : index
    %get3A_8 = arith.constant 0 : index
    %get3A_9 = arith.constant 0 : index
    %get3A_10 = vector.load %arg0[%get3A_7, %get3A_8, %get3A_9] : memref<2x2560x128xf32, #tpu.memory_space<vmem>>, vector<1x2560x128xf32>
    %get3A_11 = vector.shape_cast %get3A_10 : vector<1x2560x128xf32> to vector<2560x128xf32>
    %add3A = arith.addf %get3A_6, %get3A_11 : vector<2560x128xf32>
    %get3A_12 = arith.constant 0 : index
    %get3A_13 = arith.constant 0 : index
    %get3A_14 = vector.load %arg1[%get3A_12, %get3A_13] : memref<2560x128xf32, #tpu.memory_space<vmem>>, vector<2560x128xf32>
    %add3A_15 = arith.addf %add3A, %get3A_14 : vector<2560x128xf32>
    %mul3A = arith.mulf %get3A_1, %add3A_15 : vector<2560x128xf32>
    %get3A_16 = arith.constant 0 : index
    %get3A_17 = arith.constant 0 : index
    %get3A_18 = vector.load %arg3[%get3A_16, %get3A_17] : memref<1x128xf32, #tpu.memory_space<vmem>>, vector<1x128xf32>
    %add3A_19 = vector.broadcast %get3A_18 : vector<1x128xf32> to vector<2560x128xf32>
    %add3A_20 = arith.addf %mul3A, %add3A_19 : vector<2560x128xf32>
    %max3A = arith.constant 0.000000e+00 : f32
    %max3A_21 = vector.broadcast %max3A : f32 to vector<2560x128xf32>
    %max3A_22 = arith.maximumf %add3A_20, %max3A_21 : vector<2560x128xf32>
    %get3A_23 = arith.constant 0 : index
    %get3A_24 = arith.constant 0 : index
    %get3A_25 = vector.load %arg4[%get3A_23, %get3A_24] : memref<128x64xf32, #tpu.memory_space<vmem>>, vector<128x64xf32>
    %dot_general3A = arith.constant dense<0.000000e+00> : vector<2560x64xf32>
    %dot_general3A_26 = tpu.matmul %max3A_22, %get3A_25, %dot_general3A {dimension_numbers = #tpu.dot_dimension_numbers<[1], [0], [0], [1], [0, 0, 1, 1], [], []>, transpose_lhs_hint = false} : vector<2560x128xf32>, vector<128x64xf32>, vector<2560x64xf32> -> vector<2560x64xf32>
    %get3A_27 = arith.constant 0 : index
    %get3A_28 = arith.constant 0 : index
    %get3A_29 = vector.load %arg5[%get3A_27, %get3A_28] : memref<1x64xf32, #tpu.memory_space<vmem>>, vector<1x64xf32>
    %add3A_30 = vector.broadcast %get3A_29 : vector<1x64xf32> to vector<2560x64xf32>
    %add3A_31 = arith.addf %dot_general3A_26, %add3A_30 : vector<2560x64xf32>
    %max3A_32 = arith.constant 0.000000e+00 : f32
    %max3A_33 = vector.broadcast %max3A_32 : f32 to vector<2560x64xf32>
    %max3A_34 = arith.maximumf %add3A_31, %max3A_33 : vector<2560x64xf32>
    %get3A_35 = arith.constant 0 : index
    %get3A_36 = arith.constant 0 : index
    %get3A_37 = vector.load %arg6[%get3A_35, %get3A_36] : memref<64x160xf32, #tpu.memory_space<vmem>>, vector<64x160xf32>
    %dot_general3A_38 = arith.constant dense<0.000000e+00> : vector<2560x160xf32>
    %dot_general3A_39 = tpu.matmul %max3A_34, %get3A_37, %dot_general3A_38 {dimension_numbers = #tpu.dot_dimension_numbers<[1], [0], [0], [1], [0, 0, 1, 1], [], []>, transpose_lhs_hint = false} : vector<2560x64xf32>, vector<64x160xf32>, vector<2560x160xf32> -> vector<2560x160xf32>
    %get3A_40 = arith.constant 0 : index
    %get3A_41 = arith.constant 0 : index
    %get3A_42 = vector.load %arg7[%get3A_40, %get3A_41] : memref<1x160xf32, #tpu.memory_space<vmem>>, vector<1x160xf32>
    %add3A_43 = vector.broadcast %get3A_42 : vector<1x160xf32> to vector<2560x160xf32>
    %add3A_44 = arith.addf %dot_general3A_39, %add3A_43 : vector<2560x160xf32>
    %slice3A = vector.extract_strided_slice %add3A_44 {offsets = [0, 0], sizes = [2560, 40], strides = [1, 1]} : vector<2560x160xf32> to vector<2560x40xf32>
    %reduce_max3A = arith.constant dense<0xFF800000> : vector<2560xf32>
    %reduce_max3A_45 = vector.multi_reduction <maximumf>, %slice3A, %reduce_max3A [1] : vector<2560x40xf32> to vector<2560xf32>
    %broadcast_in_dim3A = vector.shape_cast %reduce_max3A_45 : vector<2560xf32> to vector<2560x1xf32>
    %broadcast_in_dim3A_46 = vector.shape_cast %broadcast_in_dim3A : vector<2560x1xf32> to vector<2560x1xf32>
    %broadcast_in_dim3A_47 = vector.broadcast %broadcast_in_dim3A_46 : vector<2560x1xf32> to vector<2560x40xf32>
    %slice3A_48 = vector.extract_strided_slice %add3A_44 {offsets = [0, 40], sizes = [2560, 40], strides = [1, 1]} : vector<2560x160xf32> to vector<2560x40xf32>
    %reduce_max3A_49 = arith.constant dense<0xFF800000> : vector<2560xf32>
    %reduce_max3A_50 = vector.multi_reduction <maximumf>, %slice3A_48, %reduce_max3A_49 [1] : vector<2560x40xf32> to vector<2560xf32>
    %broadcast_in_dim3A_51 = vector.shape_cast %reduce_max3A_50 : vector<2560xf32> to vector<2560x1xf32>
    %broadcast_in_dim3A_52 = vector.shape_cast %broadcast_in_dim3A_51 : vector<2560x1xf32> to vector<2560x1xf32>
    %broadcast_in_dim3A_53 = vector.broadcast %broadcast_in_dim3A_52 : vector<2560x1xf32> to vector<2560x40xf32>
    %slice3A_54 = vector.extract_strided_slice %add3A_44 {offsets = [0, 80], sizes = [2560, 40], strides = [1, 1]} : vector<2560x160xf32> to vector<2560x40xf32>
    %reduce_max3A_55 = arith.constant dense<0xFF800000> : vector<2560xf32>
    %reduce_max3A_56 = vector.multi_reduction <maximumf>, %slice3A_54, %reduce_max3A_55 [1] : vector<2560x40xf32> to vector<2560xf32>
    %broadcast_in_dim3A_57 = vector.shape_cast %reduce_max3A_56 : vector<2560xf32> to vector<2560x1xf32>
    %broadcast_in_dim3A_58 = vector.shape_cast %broadcast_in_dim3A_57 : vector<2560x1xf32> to vector<2560x1xf32>
    %broadcast_in_dim3A_59 = vector.broadcast %broadcast_in_dim3A_58 : vector<2560x1xf32> to vector<2560x40xf32>
    %slice3A_60 = vector.extract_strided_slice %add3A_44 {offsets = [0, 120], sizes = [2560, 40], strides = [1, 1]} : vector<2560x160xf32> to vector<2560x40xf32>
    %reduce_max3A_61 = arith.constant dense<0xFF800000> : vector<2560xf32>
    %reduce_max3A_62 = vector.multi_reduction <maximumf>, %slice3A_60, %reduce_max3A_61 [1] : vector<2560x40xf32> to vector<2560xf32>
    %broadcast_in_dim3A_63 = vector.shape_cast %reduce_max3A_62 : vector<2560xf32> to vector<2560x1xf32>
    %broadcast_in_dim3A_64 = vector.shape_cast %broadcast_in_dim3A_63 : vector<2560x1xf32> to vector<2560x1xf32>
    %broadcast_in_dim3A_65 = vector.broadcast %broadcast_in_dim3A_64 : vector<2560x1xf32> to vector<2560x40xf32>
    %concatenate3A = tpu.concatenate %broadcast_in_dim3A_47, %broadcast_in_dim3A_53, %broadcast_in_dim3A_59, %broadcast_in_dim3A_65 in 1 : vector<2560x40xf32>, vector<2560x40xf32>, vector<2560x40xf32>, vector<2560x40xf32> -> vector<2560x160xf32>
    %sub3A = arith.subf %add3A_44, %concatenate3A : vector<2560x160xf32>
    %exp3A = math.exp %sub3A : vector<2560x160xf32>
    %slice3A_66 = vector.extract_strided_slice %exp3A {offsets = [0, 0], sizes = [2560, 40], strides = [1, 1]} : vector<2560x160xf32> to vector<2560x40xf32>
    %reduce_sum3A = arith.constant dense<0.000000e+00> : vector<2560xf32>
    %reduce_sum3A_67 = vector.multi_reduction <add>, %slice3A_66, %reduce_sum3A [1] : vector<2560x40xf32> to vector<2560xf32>
    %broadcast_in_dim3A_68 = vector.shape_cast %reduce_sum3A_67 : vector<2560xf32> to vector<2560x1xf32>
    %log3A = math.log %broadcast_in_dim3A_68 : vector<2560x1xf32>
    %broadcast_in_dim3A_69 = vector.shape_cast %log3A : vector<2560x1xf32> to vector<2560x1xf32>
    %broadcast_in_dim3A_70 = vector.broadcast %broadcast_in_dim3A_69 : vector<2560x1xf32> to vector<2560x40xf32>
    %slice3A_71 = vector.extract_strided_slice %exp3A {offsets = [0, 40], sizes = [2560, 40], strides = [1, 1]} : vector<2560x160xf32> to vector<2560x40xf32>
    %reduce_sum3A_72 = arith.constant dense<0.000000e+00> : vector<2560xf32>
    %reduce_sum3A_73 = vector.multi_reduction <add>, %slice3A_71, %reduce_sum3A_72 [1] : vector<2560x40xf32> to vector<2560xf32>
    %broadcast_in_dim3A_74 = vector.shape_cast %reduce_sum3A_73 : vector<2560xf32> to vector<2560x1xf32>
    %log3A_75 = math.log %broadcast_in_dim3A_74 : vector<2560x1xf32>
    %broadcast_in_dim3A_76 = vector.shape_cast %log3A_75 : vector<2560x1xf32> to vector<2560x1xf32>
    %broadcast_in_dim3A_77 = vector.broadcast %broadcast_in_dim3A_76 : vector<2560x1xf32> to vector<2560x40xf32>
    %slice3A_78 = vector.extract_strided_slice %exp3A {offsets = [0, 80], sizes = [2560, 40], strides = [1, 1]} : vector<2560x160xf32> to vector<2560x40xf32>
    %reduce_sum3A_79 = arith.constant dense<0.000000e+00> : vector<2560xf32>
    %reduce_sum3A_80 = vector.multi_reduction <add>, %slice3A_78, %reduce_sum3A_79 [1] : vector<2560x40xf32> to vector<2560xf32>
    %broadcast_in_dim3A_81 = vector.shape_cast %reduce_sum3A_80 : vector<2560xf32> to vector<2560x1xf32>
    %log3A_82 = math.log %broadcast_in_dim3A_81 : vector<2560x1xf32>
    %broadcast_in_dim3A_83 = vector.shape_cast %log3A_82 : vector<2560x1xf32> to vector<2560x1xf32>
    %broadcast_in_dim3A_84 = vector.broadcast %broadcast_in_dim3A_83 : vector<2560x1xf32> to vector<2560x40xf32>
    %slice3A_85 = vector.extract_strided_slice %exp3A {offsets = [0, 120], sizes = [2560, 40], strides = [1, 1]} : vector<2560x160xf32> to vector<2560x40xf32>
    %reduce_sum3A_86 = arith.constant dense<0.000000e+00> : vector<2560xf32>
    %reduce_sum3A_87 = vector.multi_reduction <add>, %slice3A_85, %reduce_sum3A_86 [1] : vector<2560x40xf32> to vector<2560xf32>
    %broadcast_in_dim3A_88 = vector.shape_cast %reduce_sum3A_87 : vector<2560xf32> to vector<2560x1xf32>
    %log3A_89 = math.log %broadcast_in_dim3A_88 : vector<2560x1xf32>
    %broadcast_in_dim3A_90 = vector.shape_cast %log3A_89 : vector<2560x1xf32> to vector<2560x1xf32>
    %broadcast_in_dim3A_91 = vector.broadcast %broadcast_in_dim3A_90 : vector<2560x1xf32> to vector<2560x40xf32>
    %concatenate3A_92 = tpu.concatenate %broadcast_in_dim3A_70, %broadcast_in_dim3A_77, %broadcast_in_dim3A_84, %broadcast_in_dim3A_91 in 1 : vector<2560x40xf32>, vector<2560x40xf32>, vector<2560x40xf32>, vector<2560x40xf32> -> vector<2560x160xf32>
    %sub3A_93 = arith.subf %sub3A, %concatenate3A_92 : vector<2560x160xf32>
    %swap3A = arith.constant 0 : index
    %swap3A_94 = arith.constant 0 : index
    %swap3A_95 = vector.load %arg8[%swap3A, %swap3A_94] : memref<2560x160xf32, #tpu.memory_space<vmem>>, vector<2560x160xf32>
    tpu.vector_store %arg8[%swap3A, %swap3A_94], %sub3A_93 {strides = array<i32>} : memref<2560x160xf32, #tpu.memory_space<vmem>>, vector<2560x160xf32>,
    return
  }
}

</mosaic_0001>

<sc_bundles>
// kernel: kernel.11.cloned.1.call-start
scs
__scs_entry_jumppad:
0x0: {  	(pc) =	sbr.rel $0x88, $3  }
0x1: {  	(tag) =	ssettag $0x0;
	lr =	simm.s32 $0x1  }
0x2: {  	[smem:$0x3F91] =	sst lr;
	_ =	strace $0xD0000000  }
0x3: {  	_ = 	snop  }
0x4: {  	_ = 	snop  }
0x5: {  	_ = 	snop  }
0x6: {  	_ = 	snop  }
0x7: {  	_ = 	snop  }
__scs_overlays_trampoline_lowered:
0x8: {  	[smem:$0x3FA0] =	sst s0  }
0x9: {  	[smem:$0x3FA1] =	sst s1  }
0xa: {  	[smem:$0x3FA2] =	sst s2  }
0xb: {  	[smem:$0x3FA3] =	sst s3  }
0xc: {  	[smem:$0x3FA4] =	sst s4  }
0xd: {  	[smem:$0x3FA5] =	sst s5  }
0xe: {  	[smem:$0x3FA6] =	sst s6  }
0xf: {  	[smem:$0x3FA7] =	sst s7  }
0x10: {  	[smem:$0x3FA8] =	sst s8  }
0x11: {  	[smem:$0x3FA9] =	sst s9;
	s0 =	simm.s32 @!p0 $0x0  }
0x12: {  	s1 =	sld [smem:$0x3F8F];
	s0 =	simm.s32 @p0 $0x1  }
0x13: {  	[smem:$0x3FAA] =	sst s0;
	s0 =	simm.s32 @!p1 $0x0  }
0x14: {  	s2 =	sld [smem:$0x3F8E];
	s0 =	simm.s32 @p1 $0x1  }
0x15: {  	[smem:$0x3FAB] =	sst s0;
	s0 =	simm.s32 @!p2 $0x0  }
0x16: {  	s3 =	sld [smem:$0x3FDB];
	s0 =	simm.s32 @p2 $0x1  }
0x17: {  	s4 =	simm.s32 $0x1BF5;
	[smem:$0x3FAD] =	sst s0  }
0x18: {  	s0 =	sld [smem:$0x3F90];
	_ =	swait.ge [sflag:s4], $0x0  }
0x19: {  	s7 =	sld [smem:$0x3F91]  }
0x1a: {  	s8 =	sadd.s32 $0xFFFFE003, lr  }
0x1b: {  	s9 =	sadd.s32 $0xFFFFFEF7, lr;
	s5 =	simm.s32 $0xFFFFFFFF;
	p2 =	slt.u32 s8, $0xFFFFF086  }
0x1c: {  	p1 =	slt.u32 s9, $0xF7A;
	s5 =	simm.s32 @!p2 $0x0  }
0x1d: {  	s5 =	simm.s32 @p1 $0x1;
	p0 =	seq.s32 s7, s2  }
0x1e: {  	s7 =	smul.u32 @!p0 $0xF7A, s2;
	p2 =	seq.s32 @!p0 s5, $0x0  }
0x1f: {  	s9 =	smul.u32 $0xF7A, s1;
	s8 =	simm.s32 @!p0 $0x1BF5;
	p2 =	por !p2, p0  }
0x20: {  	[sflag:s8] =	ssyncset.s32 @!p0 $0xFFFFF086;
	s6 =	sadd.s32 @!p0 s3, s7;
	s7 =	simm.s32 @!p0 $0x108  }
0x21: {  	s3 =	sadd.s32 s3, s9;
	s6 =	sadd.s32 @!p0 $0x88, s6;
	s7 =	simm.s32 @p2 $0x1082  }
0x22: {  	[simem:s7], [sflag:s8] =	dma.local @!p0 [hbm:s6], $0xF7A  }
0x23: {  	s9 =	sor.u32 $0xD0000000, s2;
	s6 =	simm.s32 $0x108;
	_ =	swait.ge @!p0 [sflag:s8], $0x0  }
0x24: {  	s3 =	sadd.s32 $0x88, s3;
	s6 =	simm.s32 @!p1 $0x1082;
	[sflag:s4] =	ssyncset.s32 $0xFFFFF086  }
0x25: {  	[simem:s6], [sflag:s4] =	dma.local [hbm:s3], $0xF7A  }
0x26: {  	[smem:$0x3F91] =	sst s1;
	(tag) =	ssettag s2;
	_ =	strace s9  }
0x27: {  	s1 =	sld [smem:$0x3FA1]  }
0x28: {  	s2 =	sld [smem:$0x3FA2]  }
0x29: {  	s4 =	sld [smem:$0x3FA4]  }
0x2a: {  	p0 =	seq.s32 s5, $0x0;
	s5 =	sld [smem:$0x3FA5]  }
0x2b: {  	s6 =	sld [smem:$0x3FA6]  }
0x2c: {  	s7 =	sld [smem:$0x3FA7]  }
0x2d: {  	s3 =	simm.s32 $0x108;
	s8 =	sld [smem:$0x3FA8]  }
0x2e: {  	s3 =	simm.s32 @!p0 $0x1082;
	s9 =	sld [smem:$0x3FA9]  }
0x2f: {  	lr =	sadd.s32 s0, s3;
	s0 =	sld [smem:$0x3FA0]  }
0x30: {  	s3 =	sld [smem:$0x3FA3]  }
0x31: {  	[smem:$0x3FAC] =	sst s10  }
0x32: {  	s10 =	sld [smem:$0x3FAA];
	_ =	sdelay $0x3  }
0x33: {  	p0 =	seq.s32 s10, $0x1;
	s10 =	sld [smem:$0x3FAC];
	_ =	sdelay $0x3  }
0x34: {  	[smem:$0x3FAC] =	sst s10  }
0x35: {  	s10 =	sld [smem:$0x3FAB];
	_ =	sdelay $0x3  }
0x36: {  	p1 =	seq.s32 s10, $0x1;
	s10 =	sld [smem:$0x3FAC];
	_ =	sdelay $0x3  }
0x37: {  	[smem:$0x3FAC] =	sst s10  }
0x38: {  	s10 =	sld [smem:$0x3FAD]  }
0x39: {  	_ = 	snop;
	(pc) =	sbr.ind lr, $3  }
0x3a: {  	_ = 	snop  }
0x3b: {  	_ = 	snop  }
0x3c: {  	p2 =	seq.s32 s10, $0x1;
	s10 =	sld [smem:$0x3FAC]  }
0x3d: {  	_ =	shalt  }
0x3e: {  	_ =	shalt  }
0x3f: {  	_ =	shalt  }
0x40: {  	_ =	shalt  }
0x41: {  	_ =	shalt  }
0x42: {  	_ =	shalt  }
0x43: {  	_ =	shalt  }
0x44: {  	_ =	shalt  }
0x45: {  	_ =	shalt  }
0x46: {  	_ =	shalt  }
0x47: {  	_ =	shalt  }
0x48: {  	_ =	shalt  }
0x49: {  	_ =	shalt  }
0x4a: {  	_ =	shalt  }
0x4b: {  	_ =	shalt  }
0x4c: {  	_ =	shalt  }
0x4d: {  	_ =	shalt  }
0x4e: {  	_ =	shalt  }
0x4f: {  	_ =	shalt  }
0x50: {  	_ =	shalt  }
0x51: {  	_ =	shalt  }
0x52: {  	_ =	shalt  }
0x53: {  	_ =	shalt  }
0x54: {  	_ =	shalt  }
0x55: {  	_ =	shalt  }
0x56: {  	_ =	shalt  }
0x57: {  	_ =	shalt  }
0x58: {  	_ =	shalt  }
0x59: {  	_ =	shalt  }
0x5a: {  	_ =	shalt  }
0x5b: {  	_ =	shalt  }
0x5c: {  	_ =	shalt  }
0x5d: {  	_ =	shalt  }
0x5e: {  	_ =	shalt  }
0x5f: {  	_ =	shalt  }
0x60: {  	_ =	shalt  }
0x61: {  	_ =	shalt  }
0x62: {  	_ =	shalt  }
0x63: {  	_ =	shalt  }
0x64: {  	_ =	shalt  }
0x65: {  	_ =	shalt  }
0x66: {  	_ =	shalt  }
0x67: {  	_ =	shalt  }
0x68: {  	_ =	shalt  }
0x69: {  	_ =	shalt  }
0x6a: {  	_ =	shalt  }
0x6b: {  	_ =	shalt  }
0x6c: {  	_ =	shalt  }
0x6d: {  	_ =	shalt  }
0x6e: {  	_ =	shalt  }
0x6f: {  	_ =	shalt  }
0x70: {  	_ =	shalt  }
0x71: {  	_ =	shalt  }
0x72: {  	_ =	shalt  }
0x73: {  	_ =	shalt  }
0x74: {  	_ =	shalt  }
0x75: {  	_ =	shalt  }
0x76: {  	_ =	shalt  }
0x77: {  	_ =	shalt  }
0x78: {  	_ =	shalt  }
0x79: {  	_ =	shalt  }
0x7a: {  	_ =	shalt  }
0x7b: {  	_ =	shalt  }
0x7c: {  	_ =	shalt  }
0x7d: {  	_ =	shalt  }
0x7e: {  	_ =	shalt  }
0x7f: {  	_ =	shalt  }
0x80: {  	_ =	shalt  }
0x81: {  	_ =	shalt  }
0x82: {  	_ =	shalt  }
0x83: {  	_ =	shalt  }
0x84: {  	_ =	shalt  }
0x85: {  	_ =	shalt  }
0x86: {  	_ =	shalt  }
0x87: {  	_ =	shalt  }
.Lfunc_end0:
.L_simem_size_0:
called_computation_lowered:
.L_overlay_start_0:
0x88: {  	s2 =	sld [smem:$0x3FD9]  }
0x89: {  	s3 =	sld [smem:$0x3FFE];
	_ =	sdelay $0x1  }
0x8a: {  	s1 =	srdreg.scid  }
0x8b: {  	s0 =	sand.u32 $0x1, s1  }
0x8c: {  	s17 =	sshll.u32 s0, $0xA;
	s2 =	sadd.s32 s3, s2  }
0x8d: {  	s2 =	sadd.s32 s2, s17  }
0x8e: {  	[smem:$0x3FB8] =	sst s2  }
0x8f: {  	_ = 	snop  }
0x90: {  	s2 =	sld [smem:$0x3FD0];
	(tm) =	ssettm $0x1  }
0x91: {  	s18 =	sld [smem:$0x3FFB];
	_ =	sdelay $0x3  }
0x92: {  	_ =	strace s18  }
0x93: {  	s3 =	sld [smem:$0x3FFC];
	_ =	sdelay $0x3  }
0x94: {  	_ =	strace s3  }
0x95: {  	s3 =	sld [smem:$0x3FFD];
	_ =	sdelay $0x3  }
0x96: {  	_ =	strace s3  }
0x97: {  	_ =	strace $0x8FFFFFFF  }
0x98: {  	s19 =	sld [smem:$0x3FDB];
	_ =	sdelay $0x1  }
0x99: {  	s4 =	simm.s32 $_scs_section_size  }
0x9a: {  	s5 =	simm.s32 $_size__tile_overlayer_lowered;
	s6 =	simm.s32 $_tile_overlayer_lowered  }
0x9b: {  	s22 =	simm.s32 $0x1BFF;
	s21 =	sshll.u32 s6, $0x1;
	s3 =	sadd.s32 s4, s19  }
0x9c: {  	s7 =	simm.s32 $0x0;
	s20 =	sshll.u32 s5, $0x1;
	s5 =	sadd.s32 s21, s3  }
0x9d: {  	[timem:s7], [sflag:s22] =	dma.local [hbm:s5], s20  }
0x9e: {  	_ =	swait.ge [sflag:s22], s20  }
0x9f: {  	s4 =	ssub.s32 $0x0, s20;
	[sflag:s22] =	ssyncset.done $0x0  }
0xa0: {  	[sflag:s22] =	ssyncadd.s32 s4;
	_ =	sdelay $0x1  }
0xa1: {  	s23 =	simm.s32 $0x1B8B  }
0xa2: {  	_ =	swait.ge [sflag:s23], $0x1  }
0xa3: {  	[sflag:s23] =	ssyncset.done $0x0  }
0xa4: {  	s25 =	simm.s32 $0x1B8E;
	s24 =	sld [smem:$0x3FFE];
	[sflag:s23] =	ssyncadd.s32 $0xFFFFFFFF  }
0xa5: {  	s26 =	simm.s32 $execute0_lowered;
	[smem:$0x3FD2] =	sst s25  }
0xa6: {  	s5 =	sshll.u32 s26, $0x1;
	_ =	strace $0x80000046;
	[dreg:$0x1] =	wrdreg $0xFFFFFFFF  }
0xa7: {  	s28 =	simm.s32 $_size_execute0_lowered;
	s3 =	sadd.s32 s3, s5;
	[dreg:$0x0] =	wrdreg $0x0  }
0xa8: {  	s5 =	sshll.u32 s28, $0x1;
	[dreg:$0x2] =	wrdreg s3  }
0xa9: {  	[dreg:$0x3] =	wrdreg s5  }
0xaa: {  	[dreg:$0x4] =	wrdreg $0xC0  }
0xab: {  	_ =	task [dreg:s7], $0x5FFFF  }
0xac: {  	[dreg:$0x1] =	wrdreg $0xFFFFFFFF  }
0xad: {  	[dreg:$0x0] =	wrdreg $0x60  }
0xae: {  	[dreg:$0x2] =	wrdreg s2  }
0xaf: {  	[dreg:$0x3] =	wrdreg s24  }
0xb0: {  	[dreg:$0x4] =	wrdreg $0x88000  }
0xb1: {  	[dreg:$0x5] =	wrdreg $0x9  }
0xb2: {  	_ =	task.clear_ibuf [dreg:s7], $0x6FFFF;
	_ =	strace $0x90000046  }
0xb3: {  	s29 =	simm.s32 $0x9;
	_ =	strace $0x80000048  }
0xb4: {  	_ =	swait.ge [sflag:s29], $0x1  }
0xb5: {  	[sflag:s29] =	ssyncadd.s32 $0xFFFFFFFF  }
0xb6: {  	_ =	strace $0x90000048  }
0xb7: {  	_ =	sfence  }
0xb8: {  	s30 =	sld [smem:$0x0];
	_ =	sdelay $0x2  }
0xb9: {  	s31 =	sshll.u32 s1, $0xD;
	s1 =	sshrl.u32 s1, $0x2  }
0xba: {  	s3 =	sand.u32 $0x4000, s31;
	s1 =	sadd.s32 s1, s30  }
0xbb: {  	s0 =	sor.u32 s3, s0;
	s1 =	sshll.u32 s1, $0x11  }
0xbc: {  	s0 =	sor.u32 s1, s0  }
0xbd: {  	s0 =	sadd.s32 $0x8F2B, s0  }
0xbe: {  	[sflag:s0] =	ssyncadd.remote.s32 $0x1  }
0xbf: {  	_ =	sfence.sel $0xFFFF  }
0xc0: {  	[dreg:$0x0] =	wrdreg $0xFFFFFFFF;
	(pc) =	sbr.abs _section_cstart, $3  }
0xc1: {  	[dreg:$0x1] =	wrdreg $0xFFFFFFFF  }
0xc2: {  	_ =	task.clear_ibuf [dreg:s7], $0x2FFFF;
	_ =	strace $0x9FFFFFFF  }
0xc3: {  	(tm) =	ssettm $0x7FFFFFFF  }
tec
execute0_lowered:
.L_overlay_start_1:
0x0: {  	(tag) =	ssettag $0x1  }
0x1: {  	s7 =	rddreg [dreg:$0x0]  }
0x2: {  	s5 =	rddreg [dreg:$0x1]  }
0x3: {  	s2 =	rddreg [dreg:$0x2]  }
0x4: {  	s0 =	rddreg [dreg:$0x3]  }
0x5: {  	s1 =	stileid.u32;
	s3 =	simm.s32 $0x0;
	s4 =	srdreg.scid  }
0x6: {  	s13 =	simm.s32 $0x80;
	s14 =	simm.s32 $0x0;
	s6 =	smul.u32 $0x5000, s1  }
0x7: {  	[smem:$0x7FF] =	sst s3;
	s8 =	sand.u32 $0x1, s4;
	s4 =	sadd.s32 $0xE400, s5  }
0x8: {  	s11 =	sshll.u32 s1, $0x1;
	_ =	strace $0x80000047;
	s10 =	smul.u32 $0x50000, s8  }
0x9: {  	s12 =	ssub.s32 $0x2, s8;
	s8 =	sor.u32 s8, s11;
	s9 =	sshrl.u32 s6, $0x3  }
0xa: {  	s31 =	sshrl.u32 s12, $0x1;
	s8 =	smul.u32 $0x500, s8;
	s9 =	sadd.s32 s9, s5  }
0xb: {  	s10 =	sadd.s32 s6, s10;
	s11 =	ssub.s32 s12, s31;
	s6 =	sadd.s32 s6, s2  }
0xc: {  	s12 =	simm.s32 $0x2800;
	s10 =	sshrl.u32 s10, $0x3;
	s7 =	sadd.s32 s7, s8  }
0xd: {  	s10 =	sadd.s32 s10, s5;
	s5 =	sadd.s32 $0x4400, s9;
	s9 =	smax.u32 s11, $0x1  }
0xe: {  	s11 =	simm.s32 $0x1;
	s8 =	sadd.s32 $0xE600, s10;
	s10 =	simm.s32 $0x3800  }
.LBB2_1:
0xf: {  	[tilespmem:s10], [sflag:$0x1] =	stream.linear.gather [hbm4b:s5+s3], $0x5000, $0x38;
	[tilespmem:$0xD800] =	vst v63  }
0x10: {  	_ =	swait.ge [sflag:s11], $0x5000  }
0x11: {  	[sflag:s11] =	ssyncset.done $0x0  }
0x12: {  	[sflag:s11] =	ssyncadd.s32 $0xFFFFB000  }
0x13: {  	[spmem:s6] =	stream.linear.scatter [tilespmem:s10], [sflag:$0x1], $0x5000, $0x38;
	[tilespmem:$0xD800] =	vst v63  }
0x14: {  	_ =	swait.ge [sflag:s11], $0x5000  }
0x15: {  	[sflag:s11] =	ssyncset.done $0x0  }
0x16: {  	[sflag:s11] =	ssyncadd.s32 $0xFFFFB000  }
0x17: {  	[tilespmem:s3], [sflag:$0x1] =	stream.linear.gather [hbm4b:s7+s3], $0x2800, $0x38;
	[tilespmem:$0xD800] =	vst v63  }
0x18: {  	_ =	swait.ge [sflag:s11], $0x2800  }
0x19: {  	[sflag:s11] =	ssyncset.done $0x0  }
0x1a: {  	[sflag:s11] =	ssyncadd.s32 $0xFFFFD800  }
0x1b: {  	[tilespmem:s12], [sflag:$0x1] =	stream.linear.gather [hbm4b:s4+s3], $0x1000, $0x38;
	[tilespmem:$0xD800] =	vst v63  }
0x1c: {  	_ =	swait.ge [sflag:s11], $0x1000  }
0x1d: {  	[sflag:s11] =	ssyncset.done $0x0  }
0x1e: {  	[sflag:s11] =	ssyncadd.s32 $0xFFFFF000  }
0x1f: {  	s15 =	simm.s32 $0x0;
	[bflag:$0x0] =	sbarrier.arrive $0xFFFF  }
0x20: {  	[spmem:s2] =	stream.indirect.scatter.add.f32 [tilespmem:s12], [sflag:$0x1], $0x20, s15, s13, $0xb8;
	[tilespmem:$0xD800] =	vst v63  }
0x21: {  	_ =	swait.ge [sflag:s11], $0x1000  }
0x22: {  	s15 =	simm.s32 $0x200;
	[sflag:s11] =	ssyncset.done $0x0  }
.LBB2_2:
0x23: {  	s16 =	sshra.s32 s15, $0x2;
	[sflag:s11] =	ssyncadd.s32 $0xFFFFF000;
	p0 =	sne.s32 s15, $0x9E00  }
0x24: {  	[spmem:s2] =	stream.indirect.scatter.add.f32 [tilespmem:s12], [sflag:$0x1], $0x20, s16, s13, $0xb8;
	[tilespmem:$0xD800] =	vst v63  }
.Ltmp0:
0x25: {  	_ = 	snop;
	(pc) =	sbr.rel @p0 .LBB2_2-.Ltmp0, $4  }
0x26: {  	_ = 	snop  }
0x27: {  	s15 =	sadd.s32 $0x200, s15  }
0x28: {  	_ =	swait.ge [sflag:s11], $0x1000  }
0x29: {  	[sflag:s11] =	ssyncset.done $0x0  }
0x2a: {  	[sflag:s11] =	ssyncadd.s32 $0xFFFFF000  }
0x2b: {  	[bflag:$0x0] =	sbarrier.arrive $0xFFFF  }
0x2c: {  	[tilespmem:s10], [sflag:$0x1] =	stream.linear.gather [spmem:s6], $0x5000, $0x38;
	[tilespmem:$0xD800] =	vst v63  }
0x2d: {  	s14 =	sadd.s32 $0x1, s14;
	_ =	swait.ge [sflag:s11], $0x5000  }
0x2e: {  	p0 =	sne.s32 s14, s9;
	[sflag:s11] =	ssyncset.done $0x0  }
.Ltmp1:
0x2f: {  	[sflag:s11] =	ssyncadd.s32 $0xFFFFB000;
	(pc) =	sbr.rel @p0 .LBB2_1-.Ltmp1, $4  }
0x30: {  	[hbm4b:s8+s3] =	stream.linear.scatter [tilespmem:s10], [sflag:$0x1], $0x5000, $0x38;
	[tilespmem:$0xD800] =	vst v63  }
0x31: {  	_ =	swait.ge [sflag:s11], $0x5000  }
0x32: {  	[sflag:s11] =	ssyncset.done $0x0  }
0x33: {  	[sflag:s11] =	ssyncadd.s32 $0xFFFFB000  }
0x34: {  	_ =	sfence.sel $0x180000  }
0x35: {  	[bflag:$0x0] =	sbarrier.arrive $0xFFFF  }
0x36: {  	p0 =	sne.s32 s1, $0x0;
	_ =	strace $0x90000047  }
0x37: {  	s0 =	sadd.s32 @!p0 $0x100000, s0;
	[bflag:$0x2] =	sbarrier.arrive $0xFFFF  }
0x38: {  	[sflag:s0] =	ssyncadd.tile.s32 @!p0 $0x1;
	_ =	shalt  }
.Lfunc_end2:
_tile_overlayer_lowered:
.L_overlay_start_2:
0x39: {  	(tag) =	ssettag $0x2  }
0x3a: {  	s0 =	rddreg [dreg:$0x0];
	s2 =	stileid.u32  }
0x3b: {  	s1 =	rddreg [dreg:$0x1];
	p0 =	sne.s32 s2, $0x0  }
0x3c: {  	s3 =	rddreg [dreg:$0x2];
	[bflag:$0x3] =	sbarrier.arrive $0xFFFF;
	s2 =	simm.s32 @!p0 $0x1C01  }
0x3d: {  	[timem:s3], [sflag:s2] =	dma.local @!p0 [hbm:s0], s1  }
0x3e: {  	s0 =	simm.s32 @!p0 $0x1  }
0x3f: {  	_ =	swait.ge @!p0 [sflag:s0], s1  }
0x40: {  	s1 =	ssub.s32 @!p0 $0x0, s1;
	[sflag:s0] =	ssyncset.done @!p0 $0x0  }
0x41: {  	[sflag:s0] =	ssyncadd.s32 @!p0 s1  }
0x42: {  	[bflag:$0x3] =	sbarrier.arrive $0xFFFF  }
0x43: {  	_ =	shalt  }

// kernel: kernel.14.cloned.1.call-start
scs
__scs_entry_jumppad:
0x0: {  	(pc) =	sbr.rel $0x88, $3  }
0x1: {  	(tag) =	ssettag $0x0;
	lr =	simm.s32 $0x1  }
0x2: {  	[smem:$0x3F91] =	sst lr;
	_ =	strace $0xD0000000  }
0x3: {  	_ = 	snop  }
0x4: {  	_ = 	snop  }
0x5: {  	_ = 	snop  }
0x6: {  	_ = 	snop  }
0x7: {  	_ = 	snop  }
__scs_overlays_trampoline_lowered:
0x8: {  	[smem:$0x3FA0] =	sst s0  }
0x9: {  	[smem:$0x3FA1] =	sst s1  }
0xa: {  	[smem:$0x3FA2] =	sst s2  }
0xb: {  	[smem:$0x3FA3] =	sst s3  }
0xc: {  	[smem:$0x3FA4] =	sst s4  }
0xd: {  	[smem:$0x3FA5] =	sst s5  }
0xe: {  	[smem:$0x3FA6] =	sst s6  }
0xf: {  	[smem:$0x3FA7] =	sst s7  }
0x10: {  	[smem:$0x3FA8] =	sst s8  }
0x11: {  	[smem:$0x3FA9] =	sst s9;
	s0 =	simm.s32 @!p0 $0x0  }
0x12: {  	s1 =	sld [smem:$0x3F8F];
	s0 =	simm.s32 @p0 $0x1  }
0x13: {  	[smem:$0x3FAA] =	sst s0;
	s0 =	simm.s32 @!p1 $0x0  }
0x14: {  	s2 =	sld [smem:$0x3F8E];
	s0 =	simm.s32 @p1 $0x1  }
0x15: {  	[smem:$0x3FAB] =	sst s0;
	s0 =	simm.s32 @!p2 $0x0  }
0x16: {  	s3 =	sld [smem:$0x3FDB];
	s0 =	simm.s32 @p2 $0x1  }
0x17: {  	s4 =	simm.s32 $0x1BF5;
	[smem:$0x3FAD] =	sst s0  }
0x18: {  	s0 =	sld [smem:$0x3F90];
	_ =	swait.ge [sflag:s4], $0x0  }
0x19: {  	s7 =	sld [smem:$0x3F91]  }
0x1a: {  	s8 =	sadd.s32 $0xFFFFE003, lr  }
0x1b: {  	s9 =	sadd.s32 $0xFFFFFEF7, lr;
	s5 =	simm.s32 $0xFFFFFFFF;
	p2 =	slt.u32 s8, $0xFFFFF086  }
0x1c: {  	p1 =	slt.u32 s9, $0xF7A;
	s5 =	simm.s32 @!p2 $0x0  }
0x1d: {  	s5 =	simm.s32 @p1 $0x1;
	p0 =	seq.s32 s7, s2  }
0x1e: {  	s7 =	smul.u32 @!p0 $0xF7A, s2;
	p2 =	seq.s32 @!p0 s5, $0x0  }
0x1f: {  	s9 =	smul.u32 $0xF7A, s1;
	s8 =	simm.s32 @!p0 $0x1BF5;
	p2 =	por !p2, p0  }
0x20: {  	[sflag:s8] =	ssyncset.s32 @!p0 $0xFFFFF086;
	s6 =	sadd.s32 @!p0 s3, s7;
	s7 =	simm.s32 @!p0 $0x108  }
0x21: {  	s3 =	sadd.s32 s3, s9;
	s6 =	sadd.s32 @!p0 $0x88, s6;
	s7 =	simm.s32 @p2 $0x1082  }
0x22: {  	[simem:s7], [sflag:s8] =	dma.local @!p0 [hbm:s6], $0xF7A  }
0x23: {  	s9 =	sor.u32 $0xD0000000, s2;
	s6 =	simm.s32 $0x108;
	_ =	swait.ge @!p0 [sflag:s8], $0x0  }
0x24: {  	s3 =	sadd.s32 $0x88, s3;
	s6 =	simm.s32 @!p1 $0x1082;
	[sflag:s4] =	ssyncset.s32 $0xFFFFF086  }
0x25: {  	[simem:s6], [sflag:s4] =	dma.local [hbm:s3], $0xF7A  }
0x26: {  	[smem:$0x3F91] =	sst s1;
	(tag) =	ssettag s2;
	_ =	strace s9  }
0x27: {  	s1 =	sld [smem:$0x3FA1]  }
0x28: {  	s2 =	sld [smem:$0x3FA2]  }
0x29: {  	s4 =	sld [smem:$0x3FA4]  }
0x2a: {  	p0 =	seq.s32 s5, $0x0;
	s5 =	sld [smem:$0x3FA5]  }
0x2b: {  	s6 =	sld [smem:$0x3FA6]  }
0x2c: {  	s7 =	sld [smem:$0x3FA7]  }
0x2d: {  	s3 =	simm.s32 $0x108;
	s8 =	sld [smem:$0x3FA8]  }
0x2e: {  	s3 =	simm.s32 @!p0 $0x1082;
	s9 =	sld [smem:$0x3FA9]  }
0x2f: {  	lr =	sadd.s32 s0, s3;
	s0 =	sld [smem:$0x3FA0]  }
0x30: {  	s3 =	sld [smem:$0x3FA3]  }
0x31: {  	[smem:$0x3FAC] =	sst s10  }
0x32: {  	s10 =	sld [smem:$0x3FAA];
	_ =	sdelay $0x3  }
0x33: {  	p0 =	seq.s32 s10, $0x1;
	s10 =	sld [smem:$0x3FAC];
	_ =	sdelay $0x3  }
0x34: {  	[smem:$0x3FAC] =	sst s10  }
0x35: {  	s10 =	sld [smem:$0x3FAB];
	_ =	sdelay $0x3  }
0x36: {  	p1 =	seq.s32 s10, $0x1;
	s10 =	sld [smem:$0x3FAC];
	_ =	sdelay $0x3  }
0x37: {  	[smem:$0x3FAC] =	sst s10  }
0x38: {  	s10 =	sld [smem:$0x3FAD]  }
0x39: {  	_ = 	snop;
	(pc) =	sbr.ind lr, $3  }
0x3a: {  	_ = 	snop  }
0x3b: {  	_ = 	snop  }
0x3c: {  	p2 =	seq.s32 s10, $0x1;
	s10 =	sld [smem:$0x3FAC]  }
0x3d: {  	_ =	shalt  }
0x3e: {  	_ =	shalt  }
0x3f: {  	_ =	shalt  }
0x40: {  	_ =	shalt  }
0x41: {  	_ =	shalt  }
0x42: {  	_ =	shalt  }
0x43: {  	_ =	shalt  }
0x44: {  	_ =	shalt  }
0x45: {  	_ =	shalt  }
0x46: {  	_ =	shalt  }
0x47: {  	_ =	shalt  }
0x48: {  	_ =	shalt  }
0x49: {  	_ =	shalt  }
0x4a: {  	_ =	shalt  }
0x4b: {  	_ =	shalt  }
0x4c: {  	_ =	shalt  }
0x4d: {  	_ =	shalt  }
0x4e: {  	_ =	shalt  }
0x4f: {  	_ =	shalt  }
0x50: {  	_ =	shalt  }
0x51: {  	_ =	shalt  }
0x52: {  	_ =	shalt  }
0x53: {  	_ =	shalt  }
0x54: {  	_ =	shalt  }
0x55: {  	_ =	shalt  }
0x56: {  	_ =	shalt  }
0x57: {  	_ =	shalt  }
0x58: {  	_ =	shalt  }
0x59: {  	_ =	shalt  }
0x5a: {  	_ =	shalt  }
0x5b: {  	_ =	shalt  }
0x5c: {  	_ =	shalt  }
0x5d: {  	_ =	shalt  }
0x5e: {  	_ =	shalt  }
0x5f: {  	_ =	shalt  }
0x60: {  	_ =	shalt  }
0x61: {  	_ =	shalt  }
0x62: {  	_ =	shalt  }
0x63: {  	_ =	shalt  }
0x64: {  	_ =	shalt  }
0x65: {  	_ =	shalt  }
0x66: {  	_ =	shalt  }
0x67: {  	_ =	shalt  }
0x68: {  	_ =	shalt  }
0x69: {  	_ =	shalt  }
0x6a: {  	_ =	shalt  }
0x6b: {  	_ =	shalt  }
0x6c: {  	_ =	shalt  }
0x6d: {  	_ =	shalt  }
0x6e: {  	_ =	shalt  }
0x6f: {  	_ =	shalt  }
0x70: {  	_ =	shalt  }
0x71: {  	_ =	shalt  }
0x72: {  	_ =	shalt  }
0x73: {  	_ =	shalt  }
0x74: {  	_ =	shalt  }
0x75: {  	_ =	shalt  }
0x76: {  	_ =	shalt  }
0x77: {  	_ =	shalt  }
0x78: {  	_ =	shalt  }
0x79: {  	_ =	shalt  }
0x7a: {  	_ =	shalt  }
0x7b: {  	_ =	shalt  }
0x7c: {  	_ =	shalt  }
0x7d: {  	_ =	shalt  }
0x7e: {  	_ =	shalt  }
0x7f: {  	_ =	shalt  }
0x80: {  	_ =	shalt  }
0x81: {  	_ =	shalt  }
0x82: {  	_ =	shalt  }
0x83: {  	_ =	shalt  }
0x84: {  	_ =	shalt  }
0x85: {  	_ =	shalt  }
0x86: {  	_ =	shalt  }
0x87: {  	_ =	shalt  }
.Lfunc_end0:
.L_simem_size_0:
called_computation.1_lowered:
.L_overlay_start_0:
0x88: {  	s2 =	sld [smem:$0x3FD9]  }
0x89: {  	s3 =	sld [smem:$0x3FFE];
	_ =	sdelay $0x1  }
0x8a: {  	s1 =	srdreg.scid  }
0x8b: {  	s0 =	sand.u32 $0x1, s1  }
0x8c: {  	s17 =	sshll.u32 s0, $0xA;
	s2 =	sadd.s32 s3, s2  }
0x8d: {  	s2 =	sadd.s32 s2, s17  }
0x8e: {  	[smem:$0x3FB8] =	sst s2  }
0x8f: {  	_ = 	snop  }
0x90: {  	s2 =	sld [smem:$0x3FD0];
	(tm) =	ssettm $0x1  }
0x91: {  	s18 =	sld [smem:$0x3FFB];
	_ =	sdelay $0x3  }
0x92: {  	_ =	strace s18  }
0x93: {  	s3 =	sld [smem:$0x3FFC];
	_ =	sdelay $0x3  }
0x94: {  	_ =	strace s3  }
0x95: {  	s3 =	sld [smem:$0x3FFD];
	_ =	sdelay $0x3  }
0x96: {  	_ =	strace s3  }
0x97: {  	_ =	strace $0x8FFFFFFF  }
0x98: {  	s19 =	sld [smem:$0x3FDB];
	_ =	sdelay $0x1  }
0x99: {  	s4 =	simm.s32 $_scs_section_size  }
0x9a: {  	s5 =	simm.s32 $_size__tile_overlayer_lowered;
	s6 =	simm.s32 $_tile_overlayer_lowered  }
0x9b: {  	s22 =	simm.s32 $0x1BFF;
	s21 =	sshll.u32 s6, $0x1;
	s3 =	sadd.s32 s4, s19  }
0x9c: {  	s7 =	simm.s32 $0x0;
	s20 =	sshll.u32 s5, $0x1;
	s5 =	sadd.s32 s21, s3  }
0x9d: {  	[timem:s7], [sflag:s22] =	dma.local [hbm:s5], s20  }
0x9e: {  	_ =	swait.ge [sflag:s22], s20  }
0x9f: {  	s4 =	ssub.s32 $0x0, s20;
	[sflag:s22] =	ssyncset.done $0x0  }
0xa0: {  	[sflag:s22] =	ssyncadd.s32 s4;
	_ =	sdelay $0x1  }
0xa1: {  	s23 =	simm.s32 $0x1B8B  }
0xa2: {  	_ =	swait.ge [sflag:s23], $0x1  }
0xa3: {  	[sflag:s23] =	ssyncset.done $0x0  }
0xa4: {  	s25 =	simm.s32 $0x1B8E;
	s24 =	sld [smem:$0x3FFE];
	[sflag:s23] =	ssyncadd.s32 $0xFFFFFFFF  }
0xa5: {  	s26 =	simm.s32 $execute0_lowered;
	[smem:$0x3FD2] =	sst s25  }
0xa6: {  	s5 =	sshll.u32 s26, $0x1;
	_ =	strace $0x80000049;
	[dreg:$0x1] =	wrdreg $0xFFFFFFFF  }
0xa7: {  	s28 =	simm.s32 $_size_execute0_lowered;
	s3 =	sadd.s32 s3, s5;
	[dreg:$0x0] =	wrdreg $0x0  }
0xa8: {  	s5 =	sshll.u32 s28, $0x1;
	[dreg:$0x2] =	wrdreg s3  }
0xa9: {  	[dreg:$0x3] =	wrdreg s5  }
0xaa: {  	[dreg:$0x4] =	wrdreg $0xC0  }
0xab: {  	_ =	task [dreg:s7], $0x5FFFF  }
0xac: {  	[dreg:$0x1] =	wrdreg $0xFFFFFFFF  }
0xad: {  	[dreg:$0x0] =	wrdreg $0x60  }
0xae: {  	[dreg:$0x2] =	wrdreg s24  }
0xaf: {  	[dreg:$0x3] =	wrdreg s2  }
0xb0: {  	[dreg:$0x4] =	wrdreg $0x120000  }
0xb1: {  	[dreg:$0x5] =	wrdreg $0x170000  }
0xb2: {  	[dreg:$0x6] =	wrdreg $0x9  }
0xb3: {  	_ =	task.clear_ibuf [dreg:s7], $0x7FFFF;
	_ =	strace $0x90000049  }
0xb4: {  	s29 =	simm.s32 $0x9;
	_ =	strace $0x8000004B  }
0xb5: {  	_ =	swait.ge [sflag:s29], $0x1  }
0xb6: {  	[sflag:s29] =	ssyncadd.s32 $0xFFFFFFFF  }
0xb7: {  	_ =	strace $0x9000004B  }
0xb8: {  	_ =	sfence  }
0xb9: {  	s30 =	sld [smem:$0x0];
	_ =	sdelay $0x2  }
0xba: {  	s31 =	sshll.u32 s1, $0xD;
	s1 =	sshrl.u32 s1, $0x2  }
0xbb: {  	s3 =	sand.u32 $0x4000, s31;
	s1 =	sadd.s32 s1, s30  }
0xbc: {  	s0 =	sor.u32 s3, s0;
	s1 =	sshll.u32 s1, $0x11  }
0xbd: {  	s0 =	sor.u32 s1, s0  }
0xbe: {  	s0 =	sadd.s32 $0x8F2B, s0  }
0xbf: {  	[sflag:s0] =	ssyncadd.remote.s32 $0x1  }
0xc0: {  	_ =	sfence.sel $0xFFFF  }
0xc1: {  	[dreg:$0x0] =	wrdreg $0xFFFFFFFF;
	(pc) =	sbr.abs _section_cstart, $3  }
0xc2: {  	[dreg:$0x1] =	wrdreg $0xFFFFFFFF  }
0xc3: {  	_ =	task.clear_ibuf [dreg:s7], $0x2FFFF;
	_ =	strace $0x9FFFFFFF  }
0xc4: {  	(tm) =	ssettm $0x7FFFFFFF  }
0xc5: {  	_ =	shalt  }
tec
execute0_lowered:
.L_overlay_start_1:
0x0: {  	(tag) =	ssettag $0x1  }
0x1: {  	s5 =	rddreg [dreg:$0x0]  }
0x2: {  	s10 =	rddreg [dreg:$0x1]  }
0x3: {  	s2 =	rddreg [dreg:$0x2]  }
0x4: {  	s3 =	rddreg [dreg:$0x3];
	s1 =	stileid.u32  }
0x5: {  	s6 =	srdreg.scid;
	s4 =	simm.s32 $0x0;
	s15 =	simm.s32 $0x2800  }
0x6: {  	s16 =	simm.s32 $0x80;
	s17 =	simm.s32 $0x5000;
	s18 =	simm.s32 $0x6000  }
0x7: {  	s19 =	simm.s32 $0x7000;
	s20 =	simm.s32 $0x8000;
	s21 =	simm.s32 $0x1  }
0x8: {  	s22 =	simm.s32 $0x9000;
	s23 =	simm.s32 $0xA000;
	s24 =	simm.s32 $0xB000  }
0x9: {  	s25 =	simm.s32 $0xC000;
	s28 =	simm.s32 $0x0;
	s8 =	smul.u32 $0x5000, s1  }
0xa: {  	s6 =	sand.u32 $0x1, s6;
	[smem:$0x7FF] =	sst s4;
	s7 =	sshll.u32 s1, $0x1  }
0xb: {  	s9 =	smul.u32 $0x50000, s6;
	_ =	strace $0x8000004A;
	s7 =	sor.u32 s6, s7  }
0xc: {  	s6 =	ssub.s32 $0x2, s6;
	s11 =	sshrl.u32 s8, $0x3;
	s12 =	smul.u32 $0x500, s7  }
0xd: {  	s31 =	sshrl.u32 s6, $0x1;
	s26 =	sadd.s32 s8, s9;
	s29 =	sadd.s32 s11, s5  }
0xe: {  	s14 =	ssub.s32 s6, s31;
	s6 =	sadd.s32 s8, s2;
	s8 =	sadd.s32 s8, s3  }
0xf: {  	s7 =	sshrl.u32 s26, $0x3;
	s30 =	sadd.s32 s12, s5;
	s10 =	sadd.s32 s10, s12  }
0x10: {  	s12 =	smax.u32 s14, $0x1;
	s14 =	simm.s32 $0x3;
	s26 =	simm.s32 $0x2  }
0x11: {  	s13 =	sadd.s32 s7, s5;
	s5 =	sadd.s32 $0x4400, s29;
	s7 =	sadd.s32 $0xE400, s29  }
0x12: {  	s9 =	sadd.s32 $0x22600, s30;
	s11 =	sadd.s32 $0x2C600, s13;
	s13 =	simm.s32 $0xD000  }
.LBB2_1:
0x13: {  	[tilespmem:s13], [sflag:$0x3] =	stream.linear.gather [hbm4b:s5+s4], $0x5000, $0x38;
	[tilespmem:$0x1C000] =	vst v63  }
0x14: {  	_ =	swait.ge [sflag:s14], $0x5000  }
0x15: {  	[sflag:s14] =	ssyncset.done $0x0  }
0x16: {  	[sflag:s14] =	ssyncadd.s32 $0xFFFFB000  }
0x17: {  	[spmem:s6] =	stream.linear.scatter [tilespmem:s13], [sflag:$0x3], $0x5000, $0x38;
	[tilespmem:$0x1C000] =	vst v63  }
0x18: {  	_ =	swait.ge [sflag:s14], $0x5000  }
0x19: {  	[sflag:s14] =	ssyncset.done $0x0  }
0x1a: {  	[sflag:s14] =	ssyncadd.s32 $0xFFFFB000  }
0x1b: {  	[tilespmem:s13], [sflag:$0x3] =	stream.linear.gather [hbm4b:s7+s4], $0x5000, $0x38;
	[tilespmem:$0x1C000] =	vst v63  }
0x1c: {  	_ =	swait.ge [sflag:s14], $0x5000  }
0x1d: {  	[sflag:s14] =	ssyncset.done $0x0  }
0x1e: {  	[sflag:s14] =	ssyncadd.s32 $0xFFFFB000  }
0x1f: {  	[spmem:s8] =	stream.linear.scatter [tilespmem:s13], [sflag:$0x3], $0x5000, $0x38;
	[tilespmem:$0x1C000] =	vst v63  }
0x20: {  	_ =	swait.ge [sflag:s14], $0x5000  }
0x21: {  	[sflag:s14] =	ssyncset.done $0x0  }
0x22: {  	[sflag:s14] =	ssyncadd.s32 $0xFFFFB000  }
0x23: {  	[tilespmem:s4], [sflag:$0x3] =	stream.linear.gather [hbm4b:s9+s4], $0x2800, $0x38;
	[tilespmem:$0x1C000] =	vst v63  }
0x24: {  	_ =	swait.ge [sflag:s14], $0x2800  }
0x25: {  	[sflag:s14] =	ssyncset.done $0x0  }
0x26: {  	[sflag:s14] =	ssyncadd.s32 $0xFFFFD800  }
0x27: {  	[tilespmem:s15], [sflag:$0x3] =	stream.linear.gather [hbm4b:s10+s4], $0x2800, $0x38;
	[tilespmem:$0x1C000] =	vst v63  }
0x28: {  	_ =	swait.ge [sflag:s14], $0x2800  }
0x29: {  	[sflag:s14] =	ssyncset.done $0x0  }
0x2a: {  	[sflag:s14] =	ssyncadd.s32 $0xFFFFD800  }
0x2b: {  	s29 =	simm.s32 $0x0;
	[bflag:$0x0] =	sbarrier.arrive $0xFFFF  }
0x2c: {  	[tilespmem:s17], [sflag:$0x1] =	stream.indirect.gather [spmem:s3], $0x20, s29, s16, $0xb8;
	[tilespmem:$0x1C000] =	vst v63  }
0x2d: {  	s29 =	simm.s32 $0x80  }
0x2e: {  	[tilespmem:s18], [sflag:$0x1] =	stream.indirect.gather [spmem:s3], $0x20, s29, s16, $0xb8;
	[tilespmem:$0x1C000] =	vst v63  }
0x2f: {  	s29 =	simm.s32 $0x100  }
0x30: {  	[tilespmem:s19], [sflag:$0x1] =	stream.indirect.gather [spmem:s3], $0x20, s29, s16, $0xb8;
	[tilespmem:$0x1C000] =	vst v63  }
0x31: {  	p0 =	por $0x1, $0x1;
	s29 =	simm.s32 $0x180  }
0x32: {  	[tilespmem:s20], [sflag:$0x1] =	stream.indirect.gather [spmem:s3], $0x20, s29, s16, $0xb8;
	[tilespmem:$0x1C000] =	vst v63  }
0x33: {  	s29 =	simm.s32 @!p0 $0x2  }
0x34: {  	_ =	swait.ge @!p0 [sflag:s29], $0x1000  }
0x35: {  	[sflag:s29] =	ssyncset.done @!p0 $0x0  }
0x36: {  	[sflag:s29] =	ssyncadd.s32 @!p0 $0xFFFFF000  }
0x37: {  	_ =	swait.ge @!p0 [sflag:s29], $0x1000  }
0x38: {  	[sflag:s29] =	ssyncset.done @!p0 $0x0  }
0x39: {  	[sflag:s29] =	ssyncadd.s32 @!p0 $0xFFFFF000  }
0x3a: {  	_ =	swait.ge @!p0 [sflag:s29], $0x1000  }
0x3b: {  	[sflag:s29] =	ssyncset.done @!p0 $0x0  }
0x3c: {  	[sflag:s29] =	ssyncadd.s32 @!p0 $0xFFFFF000  }
0x3d: {  	_ =	swait.ge @!p0 [sflag:s29], $0x1000  }
0x3e: {  	[sflag:s29] =	ssyncset.done @!p0 $0x0  }
0x3f: {  	[sflag:s29] =	ssyncadd.s32 @!p0 $0xFFFFF000  }
0x40: {  	_ =	swait.ge [sflag:s21], $0x1000  }
0x41: {  	[sflag:s21] =	ssyncset.done $0x0  }
0x42: {  	[sflag:s21] =	ssyncadd.s32 $0xFFFFF000  }
0x43: {  	_ =	swait.ge [sflag:s21], $0x1000  }
0x44: {  	[sflag:s21] =	ssyncset.done $0x0  }
0x45: {  	[sflag:s21] =	ssyncadd.s32 $0xFFFFF000  }
0x46: {  	_ =	swait.ge [sflag:s21], $0x1000  }
0x47: {  	[sflag:s21] =	ssyncset.done $0x0  }
0x48: {  	[sflag:s21] =	ssyncadd.s32 $0xFFFFF000  }
0x49: {  	_ =	swait.ge [sflag:s21], $0x1000  }
0x4a: {  	[sflag:s21] =	ssyncset.done $0x0  }
0x4b: {  	s29 =	simm.s32 $0x2800;
	[sflag:s21] =	ssyncadd.s32 $0xFFFFF000  }
0x4c: {  	[spmem:s2] =	stream.indirect.scatter.add.f32 [tilespmem:s17], [sflag:$0x2], $0x20, s29, s16, $0xb8;
	[tilespmem:$0x1C000] =	vst v63  }
0x4d: {  	s29 =	simm.s32 $0x2880  }
0x4e: {  	[spmem:s2] =	stream.indirect.scatter.add.f32 [tilespmem:s18], [sflag:$0x2], $0x20, s29, s16, $0xb8;
	[tilespmem:$0x1C000] =	vst v63  }
0x4f: {  	s29 =	simm.s32 $0x2900  }
0x50: {  	[spmem:s2] =	stream.indirect.scatter.add.f32 [tilespmem:s19], [sflag:$0x2], $0x20, s29, s16, $0xb8;
	[tilespmem:$0x1C000] =	vst v63  }
0x51: {  	s29 =	simm.s32 $0x2980  }
0x52: {  	[spmem:s2] =	stream.indirect.scatter.add.f32 [tilespmem:s20], [sflag:$0x2], $0x20, s29, s16, $0xb8;
	[tilespmem:$0x1C000] =	vst v63  }
0x53: {  	s29 =	simm.s32 $0x200  }
0x54: {  	[tilespmem:s22], [sflag:$0x1] =	stream.indirect.gather [spmem:s3], $0x20, s29, s16, $0xb8;
	[tilespmem:$0x1C000] =	vst v63  }
0x55: {  	s29 =	simm.s32 $0x280  }
0x56: {  	[tilespmem:s23], [sflag:$0x1] =	stream.indirect.gather [spmem:s3], $0x20, s29, s16, $0xb8;
	[tilespmem:$0x1C000] =	vst v63  }
0x57: {  	s29 =	simm.s32 $0x300  }
0x58: {  	[tilespmem:s24], [sflag:$0x1] =	stream.indirect.gather [spmem:s3], $0x20, s29, s16, $0xb8;
	[tilespmem:$0x1C000] =	vst v63  }
0x59: {  	s29 =	simm.s32 $0x380  }
0x5a: {  	[tilespmem:s25], [sflag:$0x1] =	stream.indirect.gather [spmem:s3], $0x20, s29, s16, $0xb8;
	[tilespmem:$0x1C000] =	vst v63  }
0x5b: {  	_ =	swait.ge [sflag:s26], $0x1000  }
0x5c: {  	[sflag:s26] =	ssyncset.done $0x0  }
0x5d: {  	[sflag:s26] =	ssyncadd.s32 $0xFFFFF000  }
0x5e: {  	_ =	swait.ge [sflag:s26], $0x1000  }
0x5f: {  	[sflag:s26] =	ssyncset.done $0x0  }
0x60: {  	[sflag:s26] =	ssyncadd.s32 $0xFFFFF000  }
0x61: {  	_ =	swait.ge [sflag:s26], $0x1000  }
0x62: {  	[sflag:s26] =	ssyncset.done $0x0  }
0x63: {  	[sflag:s26] =	ssyncadd.s32 $0xFFFFF000  }
0x64: {  	_ =	swait.ge [sflag:s26], $0x1000  }
0x65: {  	[sflag:s26] =	ssyncset.done $0x0  }
0x66: {  	[sflag:s26] =	ssyncadd.s32 $0xFFFFF000  }
0x67: {  	_ =	swait.ge [sflag:s21], $0x1000  }
0x68: {  	[sflag:s21] =	ssyncset.done $0x0  }
0x69: {  	[sflag:s21] =	ssyncadd.s32 $0xFFFFF000  }
0x6a: {  	_ =	swait.ge [sflag:s21], $0x1000  }
0x6b: {  	[sflag:s21] =	ssyncset.done $0x0  }
0x6c: {  	[sflag:s21] =	ssyncadd.s32 $0xFFFFF000  }
0x6d: {  	_ =	swait.ge [sflag:s21], $0x1000  }
0x6e: {  	[sflag:s21] =	ssyncset.done $0x0  }
0x6f: {  	[sflag:s21] =	ssyncadd.s32 $0xFFFFF000  }
0x70: {  	_ =	swait.ge [sflag:s21], $0x1000  }
0x71: {  	[sflag:s21] =	ssyncset.done $0x0  }
0x72: {  	s29 =	simm.s32 $0x2A00;
	[sflag:s21] =	ssyncadd.s32 $0xFFFFF000  }
0x73: {  	[spmem:s2] =	stream.indirect.scatter.add.f32 [tilespmem:s22], [sflag:$0x2], $0x20, s29, s16, $0xb8;
	[tilespmem:$0x1C000] =	vst v63  }
0x74: {  	s29 =	simm.s32 $0x2A80  }
0x75: {  	[spmem:s2] =	stream.indirect.scatter.add.f32 [tilespmem:s23], [sflag:$0x2], $0x20, s29, s16, $0xb8;
	[tilespmem:$0x1C000] =	vst v63  }
0x76: {  	s29 =	simm.s32 $0x2B00  }
0x77: {  	[spmem:s2] =	stream.indirect.scatter.add.f32 [tilespmem:s24], [sflag:$0x2], $0x20, s29, s16, $0xb8;
	[tilespmem:$0x1C000] =	vst v63  }
0x78: {  	s30 =	simm.s32 $0x2B80;
	s29 =	simm.s32 $0x1000  }
.LBB2_2:
0x79: {  	s31 =	smov.u32 s29;
	s29 =	sadd.s32 $0x1000, s29  }
0x7a: {  	[spmem:s2] =	stream.indirect.scatter.add.f32 [tilespmem:s25], [sflag:$0x2], $0x20, s30, s16, $0xb8;
	[tilespmem:$0x1C000] =	vst v63  }
0x7b: {  	s30 =	sshra.s32 s31, $0x2;
	p0 =	sne.s32 s29, $0xA000  }
0x7c: {  	[tilespmem:s17], [sflag:$0x1] =	stream.indirect.gather [spmem:s3], $0x20, s30, s16, $0xb8;
	[tilespmem:$0x1C000] =	vst v63  }
0x7d: {  	s0 =	sadd.s32 $0x80, s30  }
0x7e: {  	[tilespmem:s18], [sflag:$0x1] =	stream.indirect.gather [spmem:s3], $0x20, s0, s16, $0xb8;
	[tilespmem:$0x1C000] =	vst v63  }
0x7f: {  	s0 =	sadd.s32 $0x100, s30  }
0x80: {  	[tilespmem:s19], [sflag:$0x1] =	stream.indirect.gather [spmem:s3], $0x20, s0, s16, $0xb8;
	[tilespmem:$0x1C000] =	vst v63  }
0x81: {  	p1 =	seq.s32 s31, $0x0;
	s0 =	sadd.s32 $0x180, s30  }
0x82: {  	[tilespmem:s20], [sflag:$0x1] =	stream.indirect.gather [spmem:s3], $0x20, s0, s16, $0xb8;
	[tilespmem:$0x1C000] =	vst v63  }
0x83: {  	s0 =	simm.s32 @!p1 $0x2  }
0x84: {  	_ =	swait.ge @!p1 [sflag:s0], $0x1000  }
0x85: {  	[sflag:s0] =	ssyncset.done @!p1 $0x0  }
0x86: {  	[sflag:s0] =	ssyncadd.s32 @!p1 $0xFFFFF000  }
0x87: {  	_ =	swait.ge @!p1 [sflag:s0], $0x1000  }
0x88: {  	[sflag:s0] =	ssyncset.done @!p1 $0x0  }
0x89: {  	[sflag:s0] =	ssyncadd.s32 @!p1 $0xFFFFF000  }
0x8a: {  	_ =	swait.ge @!p1 [sflag:s0], $0x1000  }
0x8b: {  	[sflag:s0] =	ssyncset.done @!p1 $0x0  }
0x8c: {  	[sflag:s0] =	ssyncadd.s32 @!p1 $0xFFFFF000  }
0x8d: {  	_ =	swait.ge @!p1 [sflag:s0], $0x1000  }
0x8e: {  	[sflag:s0] =	ssyncset.done @!p1 $0x0  }
0x8f: {  	[sflag:s0] =	ssyncadd.s32 @!p1 $0xFFFFF000  }
0x90: {  	_ =	swait.ge [sflag:s21], $0x1000  }
0x91: {  	[sflag:s21] =	ssyncset.done $0x0  }
0x92: {  	[sflag:s21] =	ssyncadd.s32 $0xFFFFF000  }
0x93: {  	_ =	swait.ge [sflag:s21], $0x1000  }
0x94: {  	[sflag:s21] =	ssyncset.done $0x0  }
0x95: {  	[sflag:s21] =	ssyncadd.s32 $0xFFFFF000  }
0x96: {  	_ =	swait.ge [sflag:s21], $0x1000  }
0x97: {  	[sflag:s21] =	ssyncset.done $0x0  }
0x98: {  	[sflag:s21] =	ssyncadd.s32 $0xFFFFF000  }
0x99: {  	_ =	swait.ge [sflag:s21], $0x1000  }
0x9a: {  	s0 =	sadd.s32 $0x2800, s30;
	[sflag:s21] =	ssyncset.done $0x0  }
0x9b: {  	s31 =	sadd.s32 $0x2880, s30;
	[sflag:s21] =	ssyncadd.s32 $0xFFFFF000  }
0x9c: {  	[spmem:s2] =	stream.indirect.scatter.add.f32 [tilespmem:s17], [sflag:$0x2], $0x20, s0, s16, $0xb8;
	[tilespmem:$0x1C000] =	vst v63  }
0x9d: {  	s0 =	sadd.s32 $0x2900, s30  }
0x9e: {  	[spmem:s2] =	stream.indirect.scatter.add.f32 [tilespmem:s18], [sflag:$0x2], $0x20, s31, s16, $0xb8;
	[tilespmem:$0x1C000] =	vst v63  }
0x9f: {  	s31 =	sadd.s32 $0x2980, s30  }
0xa0: {  	[spmem:s2] =	stream.indirect.scatter.add.f32 [tilespmem:s19], [sflag:$0x2], $0x20, s0, s16, $0xb8;
	[tilespmem:$0x1C000] =	vst v63  }
0xa1: {  	s0 =	sadd.s32 $0x200, s30  }
0xa2: {  	[spmem:s2] =	stream.indirect.scatter.add.f32 [tilespmem:s20], [sflag:$0x2], $0x20, s31, s16, $0xb8;
	[tilespmem:$0x1C000] =	vst v63  }
0xa3: {  	s31 =	sadd.s32 $0x280, s30  }
0xa4: {  	[tilespmem:s22], [sflag:$0x1] =	stream.indirect.gather [spmem:s3], $0x20, s0, s16, $0xb8;
	[tilespmem:$0x1C000] =	vst v63  }
0xa5: {  	s0 =	sadd.s32 $0x300, s30  }
0xa6: {  	[tilespmem:s23], [sflag:$0x1] =	stream.indirect.gather [spmem:s3], $0x20, s31, s16, $0xb8;
	[tilespmem:$0x1C000] =	vst v63  }
0xa7: {  	s31 =	sadd.s32 $0x380, s30  }
0xa8: {  	[tilespmem:s24], [sflag:$0x1] =	stream.indirect.gather [spmem:s3], $0x20, s0, s16, $0xb8;
	[tilespmem:$0x1C000] =	vst v63  }
0xa9: {  	_ = 	snop  }
0xaa: {  	[tilespmem:s25], [sflag:$0x1] =	stream.indirect.gather [spmem:s3], $0x20, s31, s16, $0xb8;
	[tilespmem:$0x1C000] =	vst v63  }
0xab: {  	_ =	swait.ge [sflag:s26], $0x1000  }
0xac: {  	[sflag:s26] =	ssyncset.done $0x0  }
0xad: {  	[sflag:s26] =	ssyncadd.s32 $0xFFFFF000  }
0xae: {  	_ =	swait.ge [sflag:s26], $0x1000  }
0xaf: {  	[sflag:s26] =	ssyncset.done $0x0  }
0xb0: {  	[sflag:s26] =	ssyncadd.s32 $0xFFFFF000  }
0xb1: {  	_ =	swait.ge [sflag:s26], $0x1000  }
0xb2: {  	[sflag:s26] =	ssyncset.done $0x0  }
0xb3: {  	[sflag:s26] =	ssyncadd.s32 $0xFFFFF000  }
0xb4: {  	_ =	swait.ge [sflag:s26], $0x1000  }
0xb5: {  	[sflag:s26] =	ssyncset.done $0x0  }
0xb6: {  	[sflag:s26] =	ssyncadd.s32 $0xFFFFF000  }
0xb7: {  	_ =	swait.ge [sflag:s21], $0x1000  }
0xb8: {  	[sflag:s21] =	ssyncset.done $0x0  }
0xb9: {  	[sflag:s21] =	ssyncadd.s32 $0xFFFFF000  }
0xba: {  	_ =	swait.ge [sflag:s21], $0x1000  }
0xbb: {  	[sflag:s21] =	ssyncset.done $0x0  }
0xbc: {  	[sflag:s21] =	ssyncadd.s32 $0xFFFFF000  }
0xbd: {  	_ =	swait.ge [sflag:s21], $0x1000  }
0xbe: {  	[sflag:s21] =	ssyncset.done $0x0  }
0xbf: {  	[sflag:s21] =	ssyncadd.s32 $0xFFFFF000  }
0xc0: {  	_ =	swait.ge [sflag:s21], $0x1000  }
0xc1: {  	s0 =	sadd.s32 $0x2A00, s30;
	[sflag:s21] =	ssyncset.done $0x0  }
0xc2: {  	s31 =	sadd.s32 $0x2A80, s30;
	[sflag:s21] =	ssyncadd.s32 $0xFFFFF000  }
0xc3: {  	[spmem:s2] =	stream.indirect.scatter.add.f32 [tilespmem:s22], [sflag:$0x2], $0x20, s0, s16, $0xb8;
	[tilespmem:$0x1C000] =	vst v63  }
.Ltmp0:
0xc4: {  	_ = 	snop;
	(pc) =	sbr.rel @p0 .LBB2_2-.Ltmp0, $4  }
0xc5: {  	s0 =	sadd.s32 $0x2B00, s30  }
0xc6: {  	[spmem:s2] =	stream.indirect.scatter.add.f32 [tilespmem:s23], [sflag:$0x2], $0x20, s31, s16, $0xb8;
	[tilespmem:$0x1C000] =	vst v63  }
0xc7: {  	s30 =	sadd.s32 $0x2B80, s30  }
0xc8: {  	[spmem:s2] =	stream.indirect.scatter.add.f32 [tilespmem:s24], [sflag:$0x2], $0x20, s0, s16, $0xb8;
	[tilespmem:$0x1C000] =	vst v63  }
0xc9: {  	[spmem:s2] =	stream.indirect.scatter.add.f32 [tilespmem:s25], [sflag:$0x2], $0x20, s30, s16, $0xb8;
	[tilespmem:$0x1C000] =	vst v63  }
0xca: {  	_ =	swait.ge [sflag:s26], $0x1000  }
0xcb: {  	[sflag:s26] =	ssyncset.done $0x0  }
0xcc: {  	[sflag:s26] =	ssyncadd.s32 $0xFFFFF000  }
0xcd: {  	_ =	swait.ge [sflag:s26], $0x1000  }
0xce: {  	[sflag:s26] =	ssyncset.done $0x0  }
0xcf: {  	[sflag:s26] =	ssyncadd.s32 $0xFFFFF000  }
0xd0: {  	_ =	swait.ge [sflag:s26], $0x1000  }
0xd1: {  	[sflag:s26] =	ssyncset.done $0x0  }
0xd2: {  	[sflag:s26] =	ssyncadd.s32 $0xFFFFF000  }
0xd3: {  	_ =	swait.ge [sflag:s26], $0x1000  }
0xd4: {  	[sflag:s26] =	ssyncset.done $0x0  }
0xd5: {  	[sflag:s26] =	ssyncadd.s32 $0xFFFFF000  }
0xd6: {  	[bflag:$0x0] =	sbarrier.arrive $0xFFFF  }
0xd7: {  	[tilespmem:s13], [sflag:$0x3] =	stream.linear.gather [spmem:s6], $0x5000, $0x38;
	[tilespmem:$0x1C000] =	vst v63  }
0xd8: {  	s28 =	sadd.s32 $0x1, s28;
	_ =	swait.ge [sflag:s14], $0x5000  }
0xd9: {  	p0 =	sne.s32 s28, s12;
	[sflag:s14] =	ssyncset.done $0x0  }
.Ltmp1:
0xda: {  	[sflag:s14] =	ssyncadd.s32 $0xFFFFB000;
	(pc) =	sbr.rel @p0 .LBB2_1-.Ltmp1, $4  }
0xdb: {  	[hbm4b:s11+s4] =	stream.linear.scatter [tilespmem:s13], [sflag:$0x3], $0x5000, $0x38;
	[tilespmem:$0x1C000] =	vst v63  }
0xdc: {  	_ =	swait.ge [sflag:s14], $0x5000  }
0xdd: {  	[sflag:s14] =	ssyncset.done $0x0  }
0xde: {  	[sflag:s14] =	ssyncadd.s32 $0xFFFFB000  }
0xdf: {  	_ =	sfence.sel $0x180000  }
0xe0: {  	[bflag:$0x0] =	sbarrier.arrive $0xFFFF  }
0xe1: {  	_ =	strace $0x9000004A  }
0xe2: {  	[bflag:$0x2] =	sbarrier.arrive $0xFFFF  }
0xe3: {  	p0 =	sne.s32 s1, $0x0;
	s0 =	rddreg [dreg:$0x4]  }
0xe4: {  	s0 =	sadd.s32 @!p0 $0x100000, s0  }
0xe5: {  	[sflag:s0] =	ssyncadd.tile.s32 @!p0 $0x1;
	_ =	shalt  }
.Lfunc_end2:
_tile_overlayer_lowered:
.L_overlay_start_2:
0xe6: {  	(tag) =	ssettag $0x2  }
0xe7: {  	s0 =	rddreg [dreg:$0x0];
	s2 =	stileid.u32  }
0xe8: {  	s1 =	rddreg [dreg:$0x1];
	p0 =	sne.s32 s2, $0x0  }
0xe9: {  	s3 =	rddreg [dreg:$0x2];
	[bflag:$0x3] =	sbarrier.arrive $0xFFFF;
	s2 =	simm.s32 @!p0 $0x1C03  }
0xea: {  	[timem:s3], [sflag:s2] =	dma.local @!p0 [hbm:s0], s1  }
0xeb: {  	s0 =	simm.s32 @!p0 $0x3  }
0xec: {  	_ =	swait.ge @!p0 [sflag:s0], s1  }
0xed: {  	s1 =	ssub.s32 @!p0 $0x0, s1;
	[sflag:s0] =	ssyncset.done @!p0 $0x0  }
0xee: {  	[sflag:s0] =	ssyncadd.s32 @!p0 s1  }
0xef: {  	[bflag:$0x3] =	sbarrier.arrive $0xFFFF  }
0xf0: {  	_ =	shalt  }

// kernel: kernel.17.cloned.1.call-start
scs
__scs_entry_jumppad:
0x0: {  	(pc) =	sbr.rel $0x88, $3  }
0x1: {  	(tag) =	ssettag $0x0;
	lr =	simm.s32 $0x1  }
0x2: {  	[smem:$0x3F91] =	sst lr;
	_ =	strace $0xD0000000  }
0x3: {  	_ = 	snop  }
0x4: {  	_ = 	snop  }
0x5: {  	_ = 	snop  }
0x6: {  	_ = 	snop  }
0x7: {  	_ = 	snop  }
__scs_overlays_trampoline_lowered:
0x8: {  	[smem:$0x3FA0] =	sst s0  }
0x9: {  	[smem:$0x3FA1] =	sst s1  }
0xa: {  	[smem:$0x3FA2] =	sst s2  }
0xb: {  	[smem:$0x3FA3] =	sst s3  }
0xc: {  	[smem:$0x3FA4] =	sst s4  }
0xd: {  	[smem:$0x3FA5] =	sst s5  }
0xe: {  	[smem:$0x3FA6] =	sst s6  }
0xf: {  	[smem:$0x3FA7] =	sst s7  }
0x10: {  	[smem:$0x3FA8] =	sst s8  }
0x11: {  	[smem:$0x3FA9] =	sst s9;
	s0 =	simm.s32 @!p0 $0x0  }
0x12: {  	s1 =	sld [smem:$0x3F8F];
	s0 =	simm.s32 @p0 $0x1  }
0x13: {  	[smem:$0x3FAA] =	sst s0;
	s0 =	simm.s32 @!p1 $0x0  }
0x14: {  	s2 =	sld [smem:$0x3F8E];
	s0 =	simm.s32 @p1 $0x1  }
0x15: {  	[smem:$0x3FAB] =	sst s0;
	s0 =	simm.s32 @!p2 $0x0  }
0x16: {  	s3 =	sld [smem:$0x3FDB];
	s0 =	simm.s32 @p2 $0x1  }
0x17: {  	s4 =	simm.s32 $0x1BF5;
	[smem:$0x3FAD] =	sst s0  }
0x18: {  	s0 =	sld [smem:$0x3F90];
	_ =	swait.ge [sflag:s4], $0x0  }
0x19: {  	s7 =	sld [smem:$0x3F91]  }
0x1a: {  	s8 =	sadd.s32 $0xFFFFE003, lr  }
0x1b: {  	s9 =	sadd.s32 $0xFFFFFEF7, lr;
	s5 =	simm.s32 $0xFFFFFFFF;
	p2 =	slt.u32 s8, $0xFFFFF086  }
0x1c: {  	p1 =	slt.u32 s9, $0xF7A;
	s5 =	simm.s32 @!p2 $0x0  }
0x1d: {  	s5 =	simm.s32 @p1 $0x1;
	p0 =	seq.s32 s7, s2  }
0x1e: {  	s7 =	smul.u32 @!p0 $0xF7A, s2;
	p2 =	seq.s32 @!p0 s5, $0x0  }
0x1f: {  	s9 =	smul.u32 $0xF7A, s1;
	s8 =	simm.s32 @!p0 $0x1BF5;
	p2 =	por !p2, p0  }
0x20: {  	[sflag:s8] =	ssyncset.s32 @!p0 $0xFFFFF086;
	s6 =	sadd.s32 @!p0 s3, s7;
	s7 =	simm.s32 @!p0 $0x108  }
0x21: {  	s3 =	sadd.s32 s3, s9;
	s6 =	sadd.s32 @!p0 $0x88, s6;
	s7 =	simm.s32 @p2 $0x1082  }
0x22: {  	[simem:s7], [sflag:s8] =	dma.local @!p0 [hbm:s6], $0xF7A  }
0x23: {  	s9 =	sor.u32 $0xD0000000, s2;
	s6 =	simm.s32 $0x108;
	_ =	swait.ge @!p0 [sflag:s8], $0x0  }
0x24: {  	s3 =	sadd.s32 $0x88, s3;
	s6 =	simm.s32 @!p1 $0x1082;
	[sflag:s4] =	ssyncset.s32 $0xFFFFF086  }
0x25: {  	[simem:s6], [sflag:s4] =	dma.local [hbm:s3], $0xF7A  }
0x26: {  	[smem:$0x3F91] =	sst s1;
	(tag) =	ssettag s2;
	_ =	strace s9  }
0x27: {  	s1 =	sld [smem:$0x3FA1]  }
0x28: {  	s2 =	sld [smem:$0x3FA2]  }
0x29: {  	s4 =	sld [smem:$0x3FA4]  }
0x2a: {  	p0 =	seq.s32 s5, $0x0;
	s5 =	sld [smem:$0x3FA5]  }
0x2b: {  	s6 =	sld [smem:$0x3FA6]  }
0x2c: {  	s7 =	sld [smem:$0x3FA7]  }
0x2d: {  	s3 =	simm.s32 $0x108;
	s8 =	sld [smem:$0x3FA8]  }
0x2e: {  	s3 =	simm.s32 @!p0 $0x1082;
	s9 =	sld [smem:$0x3FA9]  }
0x2f: {  	lr =	sadd.s32 s0, s3;
	s0 =	sld [smem:$0x3FA0]  }
0x30: {  	s3 =	sld [smem:$0x3FA3]  }
0x31: {  	[smem:$0x3FAC] =	sst s10  }
0x32: {  	s10 =	sld [smem:$0x3FAA];
	_ =	sdelay $0x3  }
0x33: {  	p0 =	seq.s32 s10, $0x1;
	s10 =	sld [smem:$0x3FAC];
	_ =	sdelay $0x3  }
0x34: {  	[smem:$0x3FAC] =	sst s10  }
0x35: {  	s10 =	sld [smem:$0x3FAB];
	_ =	sdelay $0x3  }
0x36: {  	p1 =	seq.s32 s10, $0x1;
	s10 =	sld [smem:$0x3FAC];
	_ =	sdelay $0x3  }
0x37: {  	[smem:$0x3FAC] =	sst s10  }
0x38: {  	s10 =	sld [smem:$0x3FAD]  }
0x39: {  	_ = 	snop;
	(pc) =	sbr.ind lr, $3  }
0x3a: {  	_ = 	snop  }
0x3b: {  	_ = 	snop  }
0x3c: {  	p2 =	seq.s32 s10, $0x1;
	s10 =	sld [smem:$0x3FAC]  }
0x3d: {  	_ =	shalt  }
0x3e: {  	_ =	shalt  }
0x3f: {  	_ =	shalt  }
0x40: {  	_ =	shalt  }
0x41: {  	_ =	shalt  }
0x42: {  	_ =	shalt  }
0x43: {  	_ =	shalt  }
0x44: {  	_ =	shalt  }
0x45: {  	_ =	shalt  }
0x46: {  	_ =	shalt  }
0x47: {  	_ =	shalt  }
0x48: {  	_ =	shalt  }
0x49: {  	_ =	shalt  }
0x4a: {  	_ =	shalt  }
0x4b: {  	_ =	shalt  }
0x4c: {  	_ =	shalt  }
0x4d: {  	_ =	shalt  }
0x4e: {  	_ =	shalt  }
0x4f: {  	_ =	shalt  }
0x50: {  	_ =	shalt  }
0x51: {  	_ =	shalt  }
0x52: {  	_ =	shalt  }
0x53: {  	_ =	shalt  }
0x54: {  	_ =	shalt  }
0x55: {  	_ =	shalt  }
0x56: {  	_ =	shalt  }
0x57: {  	_ =	shalt  }
0x58: {  	_ =	shalt  }
0x59: {  	_ =	shalt  }
0x5a: {  	_ =	shalt  }
0x5b: {  	_ =	shalt  }
0x5c: {  	_ =	shalt  }
0x5d: {  	_ =	shalt  }
0x5e: {  	_ =	shalt  }
0x5f: {  	_ =	shalt  }
0x60: {  	_ =	shalt  }
0x61: {  	_ =	shalt  }
0x62: {  	_ =	shalt  }
0x63: {  	_ =	shalt  }
0x64: {  	_ =	shalt  }
0x65: {  	_ =	shalt  }
0x66: {  	_ =	shalt  }
0x67: {  	_ =	shalt  }
0x68: {  	_ =	shalt  }
0x69: {  	_ =	shalt  }
0x6a: {  	_ =	shalt  }
0x6b: {  	_ =	shalt  }
0x6c: {  	_ =	shalt  }
0x6d: {  	_ =	shalt  }
0x6e: {  	_ =	shalt  }
0x6f: {  	_ =	shalt  }
0x70: {  	_ =	shalt  }
0x71: {  	_ =	shalt  }
0x72: {  	_ =	shalt  }
0x73: {  	_ =	shalt  }
0x74: {  	_ =	shalt  }
0x75: {  	_ =	shalt  }
0x76: {  	_ =	shalt  }
0x77: {  	_ =	shalt  }
0x78: {  	_ =	shalt  }
0x79: {  	_ =	shalt  }
0x7a: {  	_ =	shalt  }
0x7b: {  	_ =	shalt  }
0x7c: {  	_ =	shalt  }
0x7d: {  	_ =	shalt  }
0x7e: {  	_ =	shalt  }
0x7f: {  	_ =	shalt  }
0x80: {  	_ =	shalt  }
0x81: {  	_ =	shalt  }
0x82: {  	_ =	shalt  }
0x83: {  	_ =	shalt  }
0x84: {  	_ =	shalt  }
0x85: {  	_ =	shalt  }
0x86: {  	_ =	shalt  }
0x87: {  	_ =	shalt  }
.Lfunc_end0:
.L_simem_size_0:
called_computation.2_lowered:
.L_overlay_start_0:
0x88: {  	s2 =	sld [smem:$0x3FD9]  }
0x89: {  	s3 =	sld [smem:$0x3FFE];
	_ =	sdelay $0x1  }
0x8a: {  	s1 =	srdreg.scid  }
0x8b: {  	s0 =	sand.u32 $0x1, s1  }
0x8c: {  	s17 =	sshll.u32 s0, $0xA;
	s2 =	sadd.s32 s3, s2  }
0x8d: {  	s2 =	sadd.s32 s2, s17  }
0x8e: {  	[smem:$0x3FB8] =	sst s2  }
0x8f: {  	_ = 	snop  }
0x90: {  	s2 =	sld [smem:$0x3FD0];
	(tm) =	ssettm $0x1  }
0x91: {  	s18 =	sld [smem:$0x3FFB];
	_ =	sdelay $0x3  }
0x92: {  	_ =	strace s18  }
0x93: {  	s3 =	sld [smem:$0x3FFC];
	_ =	sdelay $0x3  }
0x94: {  	_ =	strace s3  }
0x95: {  	s3 =	sld [smem:$0x3FFD];
	_ =	sdelay $0x3  }
0x96: {  	_ =	strace s3  }
0x97: {  	_ =	strace $0x8FFFFFFF  }
0x98: {  	s19 =	sld [smem:$0x3FDB];
	_ =	sdelay $0x1  }
0x99: {  	s4 =	simm.s32 $_scs_section_size  }
0x9a: {  	s5 =	simm.s32 $_size__tile_overlayer_lowered;
	s6 =	simm.s32 $_tile_overlayer_lowered  }
0x9b: {  	s22 =	simm.s32 $0x1BFF;
	s21 =	sshll.u32 s6, $0x1;
	s3 =	sadd.s32 s4, s19  }
0x9c: {  	s7 =	simm.s32 $0x0;
	s20 =	sshll.u32 s5, $0x1;
	s5 =	sadd.s32 s21, s3  }
0x9d: {  	[timem:s7], [sflag:s22] =	dma.local [hbm:s5], s20  }
0x9e: {  	_ =	swait.ge [sflag:s22], s20  }
0x9f: {  	s4 =	ssub.s32 $0x0, s20;
	[sflag:s22] =	ssyncset.done $0x0  }
0xa0: {  	[sflag:s22] =	ssyncadd.s32 s4;
	_ =	sdelay $0x1  }
0xa1: {  	s23 =	simm.s32 $0x1B8B  }
0xa2: {  	_ =	swait.ge [sflag:s23], $0x1  }
0xa3: {  	[sflag:s23] =	ssyncset.done $0x0  }
0xa4: {  	s25 =	simm.s32 $0x1B8E;
	s24 =	sld [smem:$0x3FFE];
	[sflag:s23] =	ssyncadd.s32 $0xFFFFFFFF  }
0xa5: {  	s26 =	simm.s32 $execute0_lowered;
	[smem:$0x3FD2] =	sst s25  }
0xa6: {  	s5 =	sshll.u32 s26, $0x1;
	_ =	strace $0x8000004C;
	[dreg:$0x1] =	wrdreg $0xFFFFFFFF  }
0xa7: {  	s28 =	simm.s32 $_size_execute0_lowered;
	s3 =	sadd.s32 s3, s5;
	[dreg:$0x0] =	wrdreg $0x0  }
0xa8: {  	s5 =	sshll.u32 s28, $0x1;
	[dreg:$0x2] =	wrdreg s3  }
0xa9: {  	[dreg:$0x3] =	wrdreg s5  }
0xaa: {  	[dreg:$0x4] =	wrdreg $0xC0  }
0xab: {  	_ =	task [dreg:s7], $0x5FFFF  }
0xac: {  	[dreg:$0x1] =	wrdreg $0xFFFFFFFF  }
0xad: {  	[dreg:$0x0] =	wrdreg $0x60  }
0xae: {  	[dreg:$0x2] =	wrdreg s24  }
0xaf: {  	[dreg:$0x3] =	wrdreg s2  }
0xb0: {  	[dreg:$0x4] =	wrdreg $0x120000  }
0xb1: {  	[dreg:$0x5] =	wrdreg $0x170000  }
0xb2: {  	[dreg:$0x6] =	wrdreg $0x9  }
0xb3: {  	_ =	task.clear_ibuf [dreg:s7], $0x7FFFF;
	_ =	strace $0x9000004C  }
0xb4: {  	s29 =	simm.s32 $0x9;
	_ =	strace $0x8000004E  }
0xb5: {  	_ =	swait.ge [sflag:s29], $0x1  }
0xb6: {  	[sflag:s29] =	ssyncadd.s32 $0xFFFFFFFF  }
0xb7: {  	_ =	strace $0x9000004E  }
0xb8: {  	_ =	sfence  }
0xb9: {  	s30 =	sld [smem:$0x0];
	_ =	sdelay $0x2  }
0xba: {  	s31 =	sshll.u32 s1, $0xD;
	s1 =	sshrl.u32 s1, $0x2  }
0xbb: {  	s3 =	sand.u32 $0x4000, s31;
	s1 =	sadd.s32 s1, s30  }
0xbc: {  	s0 =	sor.u32 s3, s0;
	s1 =	sshll.u32 s1, $0x11  }
0xbd: {  	s0 =	sor.u32 s1, s0  }
0xbe: {  	s0 =	sadd.s32 $0x8F2B, s0  }
0xbf: {  	[sflag:s0] =	ssyncadd.remote.s32 $0x1  }
0xc0: {  	_ =	sfence.sel $0xFFFF  }
0xc1: {  	[dreg:$0x0] =	wrdreg $0xFFFFFFFF;
	(pc) =	sbr.abs _section_cstart, $3  }
0xc2: {  	[dreg:$0x1] =	wrdreg $0xFFFFFFFF  }
0xc3: {  	_ =	task.clear_ibuf [dreg:s7], $0x2FFFF;
	_ =	strace $0x9FFFFFFF  }
0xc4: {  	(tm) =	ssettm $0x7FFFFFFF  }
0xc5: {  	_ =	shalt  }
tec
execute0_lowered:
.L_overlay_start_1:
0x0: {  	(tag) =	ssettag $0x1  }
0x1: {  	s5 =	rddreg [dreg:$0x0]  }
0x2: {  	s10 =	rddreg [dreg:$0x1]  }
0x3: {  	s2 =	rddreg [dreg:$0x2]  }
0x4: {  	s3 =	rddreg [dreg:$0x3];
	s1 =	stileid.u32  }
0x5: {  	s6 =	srdreg.scid;
	s4 =	simm.s32 $0x0;
	s15 =	simm.s32 $0x2800  }
0x6: {  	s16 =	simm.s32 $0x80;
	s17 =	simm.s32 $0x5000;
	s18 =	simm.s32 $0x6000  }
0x7: {  	s19 =	simm.s32 $0x7000;
	s20 =	simm.s32 $0x8000;
	s21 =	simm.s32 $0x1  }
0x8: {  	s22 =	simm.s32 $0x9000;
	s23 =	simm.s32 $0xA000;
	s24 =	simm.s32 $0xB000  }
0x9: {  	s25 =	simm.s32 $0xC000;
	s28 =	simm.s32 $0x0;
	s8 =	smul.u32 $0x5000, s1  }
0xa: {  	s6 =	sand.u32 $0x1, s6;
	[smem:$0x7FF] =	sst s4;
	s7 =	sshll.u32 s1, $0x1  }
0xb: {  	s9 =	smul.u32 $0x50000, s6;
	_ =	strace $0x8000004D;
	s7 =	sor.u32 s6, s7  }
0xc: {  	s6 =	ssub.s32 $0x2, s6;
	s11 =	sshrl.u32 s8, $0x3;
	s12 =	smul.u32 $0x500, s7  }
0xd: {  	s31 =	sshrl.u32 s6, $0x1;
	s26 =	sadd.s32 s8, s9;
	s29 =	sadd.s32 s11, s5  }
0xe: {  	s14 =	ssub.s32 s6, s31;
	s6 =	sadd.s32 s8, s2;
	s8 =	sadd.s32 s8, s3  }
0xf: {  	s7 =	sshrl.u32 s26, $0x3;
	s30 =	sadd.s32 s12, s5;
	s10 =	sadd.s32 s10, s12  }
0x10: {  	s12 =	smax.u32 s14, $0x1;
	s14 =	simm.s32 $0x3;
	s26 =	simm.s32 $0x2  }
0x11: {  	s13 =	sadd.s32 s7, s5;
	s5 =	sadd.s32 $0x4400, s29;
	s7 =	sadd.s32 $0xE400, s29  }
0x12: {  	s9 =	sadd.s32 $0x22600, s30;
	s11 =	sadd.s32 $0x2C600, s13;
	s13 =	simm.s32 $0xD000  }
.LBB2_1:
0x13: {  	[tilespmem:s13], [sflag:$0x3] =	stream.linear.gather [hbm4b:s5+s4], $0x5000, $0x38;
	[tilespmem:$0x1C000] =	vst v63  }
0x14: {  	_ =	swait.ge [sflag:s14], $0x5000  }
0x15: {  	[sflag:s14] =	ssyncset.done $0x0  }
0x16: {  	[sflag:s14] =	ssyncadd.s32 $0xFFFFB000  }
0x17: {  	[spmem:s6] =	stream.linear.scatter [tilespmem:s13], [sflag:$0x3], $0x5000, $0x38;
	[tilespmem:$0x1C000] =	vst v63  }
0x18: {  	_ =	swait.ge [sflag:s14], $0x5000  }
0x19: {  	[sflag:s14] =	ssyncset.done $0x0  }
0x1a: {  	[sflag:s14] =	ssyncadd.s32 $0xFFFFB000  }
0x1b: {  	[tilespmem:s13], [sflag:$0x3] =	stream.linear.gather [hbm4b:s7+s4], $0x5000, $0x38;
	[tilespmem:$0x1C000] =	vst v63  }
0x1c: {  	_ =	swait.ge [sflag:s14], $0x5000  }
0x1d: {  	[sflag:s14] =	ssyncset.done $0x0  }
0x1e: {  	[sflag:s14] =	ssyncadd.s32 $0xFFFFB000  }
0x1f: {  	[spmem:s8] =	stream.linear.scatter [tilespmem:s13], [sflag:$0x3], $0x5000, $0x38;
	[tilespmem:$0x1C000] =	vst v63  }
0x20: {  	_ =	swait.ge [sflag:s14], $0x5000  }
0x21: {  	[sflag:s14] =	ssyncset.done $0x0  }
0x22: {  	[sflag:s14] =	ssyncadd.s32 $0xFFFFB000  }
0x23: {  	[tilespmem:s4], [sflag:$0x3] =	stream.linear.gather [hbm4b:s9+s4], $0x2800, $0x38;
	[tilespmem:$0x1C000] =	vst v63  }
0x24: {  	_ =	swait.ge [sflag:s14], $0x2800  }
0x25: {  	[sflag:s14] =	ssyncset.done $0x0  }
0x26: {  	[sflag:s14] =	ssyncadd.s32 $0xFFFFD800  }
0x27: {  	[tilespmem:s15], [sflag:$0x3] =	stream.linear.gather [hbm4b:s10+s4], $0x2800, $0x38;
	[tilespmem:$0x1C000] =	vst v63  }
0x28: {  	_ =	swait.ge [sflag:s14], $0x2800  }
0x29: {  	[sflag:s14] =	ssyncset.done $0x0  }
0x2a: {  	[sflag:s14] =	ssyncadd.s32 $0xFFFFD800  }
0x2b: {  	s29 =	simm.s32 $0x0;
	[bflag:$0x0] =	sbarrier.arrive $0xFFFF  }
0x2c: {  	[tilespmem:s17], [sflag:$0x1] =	stream.indirect.gather [spmem:s3], $0x20, s29, s16, $0xb8;
	[tilespmem:$0x1C000] =	vst v63  }
0x2d: {  	s29 =	simm.s32 $0x80  }
0x2e: {  	[tilespmem:s18], [sflag:$0x1] =	stream.indirect.gather [spmem:s3], $0x20, s29, s16, $0xb8;
	[tilespmem:$0x1C000] =	vst v63  }
0x2f: {  	s29 =	simm.s32 $0x100  }
0x30: {  	[tilespmem:s19], [sflag:$0x1] =	stream.indirect.gather [spmem:s3], $0x20, s29, s16, $0xb8;
	[tilespmem:$0x1C000] =	vst v63  }
0x31: {  	p0 =	por $0x1, $0x1;
	s29 =	simm.s32 $0x180  }
0x32: {  	[tilespmem:s20], [sflag:$0x1] =	stream.indirect.gather [spmem:s3], $0x20, s29, s16, $0xb8;
	[tilespmem:$0x1C000] =	vst v63  }
0x33: {  	s29 =	simm.s32 @!p0 $0x2  }
0x34: {  	_ =	swait.ge @!p0 [sflag:s29], $0x1000  }
0x35: {  	[sflag:s29] =	ssyncset.done @!p0 $0x0  }
0x36: {  	[sflag:s29] =	ssyncadd.s32 @!p0 $0xFFFFF000  }
0x37: {  	_ =	swait.ge @!p0 [sflag:s29], $0x1000  }
0x38: {  	[sflag:s29] =	ssyncset.done @!p0 $0x0  }
0x39: {  	[sflag:s29] =	ssyncadd.s32 @!p0 $0xFFFFF000  }
0x3a: {  	_ =	swait.ge @!p0 [sflag:s29], $0x1000  }
0x3b: {  	[sflag:s29] =	ssyncset.done @!p0 $0x0  }
0x3c: {  	[sflag:s29] =	ssyncadd.s32 @!p0 $0xFFFFF000  }
0x3d: {  	_ =	swait.ge @!p0 [sflag:s29], $0x1000  }
0x3e: {  	[sflag:s29] =	ssyncset.done @!p0 $0x0  }
0x3f: {  	[sflag:s29] =	ssyncadd.s32 @!p0 $0xFFFFF000  }
0x40: {  	_ =	swait.ge [sflag:s21], $0x1000  }
0x41: {  	[sflag:s21] =	ssyncset.done $0x0  }
0x42: {  	[sflag:s21] =	ssyncadd.s32 $0xFFFFF000  }
0x43: {  	_ =	swait.ge [sflag:s21], $0x1000  }
0x44: {  	[sflag:s21] =	ssyncset.done $0x0  }
0x45: {  	[sflag:s21] =	ssyncadd.s32 $0xFFFFF000  }
0x46: {  	_ =	swait.ge [sflag:s21], $0x1000  }
0x47: {  	[sflag:s21] =	ssyncset.done $0x0  }
0x48: {  	[sflag:s21] =	ssyncadd.s32 $0xFFFFF000  }
0x49: {  	_ =	swait.ge [sflag:s21], $0x1000  }
0x4a: {  	[sflag:s21] =	ssyncset.done $0x0  }
0x4b: {  	s29 =	simm.s32 $0x2800;
	[sflag:s21] =	ssyncadd.s32 $0xFFFFF000  }
0x4c: {  	[spmem:s2] =	stream.indirect.scatter.add.f32 [tilespmem:s17], [sflag:$0x2], $0x20, s29, s16, $0xb8;
	[tilespmem:$0x1C000] =	vst v63  }
0x4d: {  	s29 =	simm.s32 $0x2880  }
0x4e: {  	[spmem:s2] =	stream.indirect.scatter.add.f32 [tilespmem:s18], [sflag:$0x2], $0x20, s29, s16, $0xb8;
	[tilespmem:$0x1C000] =	vst v63  }
0x4f: {  	s29 =	simm.s32 $0x2900  }
0x50: {  	[spmem:s2] =	stream.indirect.scatter.add.f32 [tilespmem:s19], [sflag:$0x2], $0x20, s29, s16, $0xb8;
	[tilespmem:$0x1C000] =	vst v63  }
0x51: {  	s29 =	simm.s32 $0x2980  }
0x52: {  	[spmem:s2] =	stream.indirect.scatter.add.f32 [tilespmem:s20], [sflag:$0x2], $0x20, s29, s16, $0xb8;
	[tilespmem:$0x1C000] =	vst v63  }
0x53: {  	s29 =	simm.s32 $0x200  }
0x54: {  	[tilespmem:s22], [sflag:$0x1] =	stream.indirect.gather [spmem:s3], $0x20, s29, s16, $0xb8;
	[tilespmem:$0x1C000] =	vst v63  }
0x55: {  	s29 =	simm.s32 $0x280  }
0x56: {  	[tilespmem:s23], [sflag:$0x1] =	stream.indirect.gather [spmem:s3], $0x20, s29, s16, $0xb8;
	[tilespmem:$0x1C000] =	vst v63  }
0x57: {  	s29 =	simm.s32 $0x300  }
0x58: {  	[tilespmem:s24], [sflag:$0x1] =	stream.indirect.gather [spmem:s3], $0x20, s29, s16, $0xb8;
	[tilespmem:$0x1C000] =	vst v63  }
0x59: {  	s29 =	simm.s32 $0x380  }
0x5a: {  	[tilespmem:s25], [sflag:$0x1] =	stream.indirect.gather [spmem:s3], $0x20, s29, s16, $0xb8;
	[tilespmem:$0x1C000] =	vst v63  }
0x5b: {  	_ =	swait.ge [sflag:s26], $0x1000  }
0x5c: {  	[sflag:s26] =	ssyncset.done $0x0  }
0x5d: {  	[sflag:s26] =	ssyncadd.s32 $0xFFFFF000  }
0x5e: {  	_ =	swait.ge [sflag:s26], $0x1000  }
0x5f: {  	[sflag:s26] =	ssyncset.done $0x0  }
0x60: {  	[sflag:s26] =	ssyncadd.s32 $0xFFFFF000  }
0x61: {  	_ =	swait.ge [sflag:s26], $0x1000  }
0x62: {  	[sflag:s26] =	ssyncset.done $0x0  }
0x63: {  	[sflag:s26] =	ssyncadd.s32 $0xFFFFF000  }
0x64: {  	_ =	swait.ge [sflag:s26], $0x1000  }
0x65: {  	[sflag:s26] =	ssyncset.done $0x0  }
0x66: {  	[sflag:s26] =	ssyncadd.s32 $0xFFFFF000  }
0x67: {  	_ =	swait.ge [sflag:s21], $0x1000  }
0x68: {  	[sflag:s21] =	ssyncset.done $0x0  }
0x69: {  	[sflag:s21] =	ssyncadd.s32 $0xFFFFF000  }
0x6a: {  	_ =	swait.ge [sflag:s21], $0x1000  }
0x6b: {  	[sflag:s21] =	ssyncset.done $0x0  }
0x6c: {  	[sflag:s21] =	ssyncadd.s32 $0xFFFFF000  }
0x6d: {  	_ =	swait.ge [sflag:s21], $0x1000  }
0x6e: {  	[sflag:s21] =	ssyncset.done $0x0  }
0x6f: {  	[sflag:s21] =	ssyncadd.s32 $0xFFFFF000  }
0x70: {  	_ =	swait.ge [sflag:s21], $0x1000  }
0x71: {  	[sflag:s21] =	ssyncset.done $0x0  }
0x72: {  	s29 =	simm.s32 $0x2A00;
	[sflag:s21] =	ssyncadd.s32 $0xFFFFF000  }
0x73: {  	[spmem:s2] =	stream.indirect.scatter.add.f32 [tilespmem:s22], [sflag:$0x2], $0x20, s29, s16, $0xb8;
	[tilespmem:$0x1C000] =	vst v63  }
0x74: {  	s29 =	simm.s32 $0x2A80  }
0x75: {  	[spmem:s2] =	stream.indirect.scatter.add.f32 [tilespmem:s23], [sflag:$0x2], $0x20, s29, s16, $0xb8;
	[tilespmem:$0x1C000] =	vst v63  }
0x76: {  	s29 =	simm.s32 $0x2B00  }
0x77: {  	[spmem:s2] =	stream.indirect.scatter.add.f32 [tilespmem:s24], [sflag:$0x2], $0x20, s29, s16, $0xb8;
	[tilespmem:$0x1C000] =	vst v63  }
0x78: {  	s30 =	simm.s32 $0x2B80;
	s29 =	simm.s32 $0x1000  }
.LBB2_2:
0x79: {  	s31 =	smov.u32 s29;
	s29 =	sadd.s32 $0x1000, s29  }
0x7a: {  	[spmem:s2] =	stream.indirect.scatter.add.f32 [tilespmem:s25], [sflag:$0x2], $0x20, s30, s16, $0xb8;
	[tilespmem:$0x1C000] =	vst v63  }
0x7b: {  	s30 =	sshra.s32 s31, $0x2;
	p0 =	sne.s32 s29, $0xA000  }
0x7c: {  	[tilespmem:s17], [sflag:$0x1] =	stream.indirect.gather [spmem:s3], $0x20, s30, s16, $0xb8;
	[tilespmem:$0x1C000] =	vst v63  }
0x7d: {  	s0 =	sadd.s32 $0x80, s30  }
0x7e: {  	[tilespmem:s18], [sflag:$0x1] =	stream.indirect.gather [spmem:s3], $0x20, s0, s16, $0xb8;
	[tilespmem:$0x1C000] =	vst v63  }
0x7f: {  	s0 =	sadd.s32 $0x100, s30  }
0x80: {  	[tilespmem:s19], [sflag:$0x1] =	stream.indirect.gather [spmem:s3], $0x20, s0, s16, $0xb8;
	[tilespmem:$0x1C000] =	vst v63  }
0x81: {  	p1 =	seq.s32 s31, $0x0;
	s0 =	sadd.s32 $0x180, s30  }
0x82: {  	[tilespmem:s20], [sflag:$0x1] =	stream.indirect.gather [spmem:s3], $0x20, s0, s16, $0xb8;
	[tilespmem:$0x1C000] =	vst v63  }
0x83: {  	s0 =	simm.s32 @!p1 $0x2  }
0x84: {  	_ =	swait.ge @!p1 [sflag:s0], $0x1000  }
0x85: {  	[sflag:s0] =	ssyncset.done @!p1 $0x0  }
0x86: {  	[sflag:s0] =	ssyncadd.s32 @!p1 $0xFFFFF000  }
0x87: {  	_ =	swait.ge @!p1 [sflag:s0], $0x1000  }
0x88: {  	[sflag:s0] =	ssyncset.done @!p1 $0x0  }
0x89: {  	[sflag:s0] =	ssyncadd.s32 @!p1 $0xFFFFF000  }
0x8a: {  	_ =	swait.ge @!p1 [sflag:s0], $0x1000  }
0x8b: {  	[sflag:s0] =	ssyncset.done @!p1 $0x0  }
0x8c: {  	[sflag:s0] =	ssyncadd.s32 @!p1 $0xFFFFF000  }
0x8d: {  	_ =	swait.ge @!p1 [sflag:s0], $0x1000  }
0x8e: {  	[sflag:s0] =	ssyncset.done @!p1 $0x0  }
0x8f: {  	[sflag:s0] =	ssyncadd.s32 @!p1 $0xFFFFF000  }
0x90: {  	_ =	swait.ge [sflag:s21], $0x1000  }
0x91: {  	[sflag:s21] =	ssyncset.done $0x0  }
0x92: {  	[sflag:s21] =	ssyncadd.s32 $0xFFFFF000  }
0x93: {  	_ =	swait.ge [sflag:s21], $0x1000  }
0x94: {  	[sflag:s21] =	ssyncset.done $0x0  }
0x95: {  	[sflag:s21] =	ssyncadd.s32 $0xFFFFF000  }
0x96: {  	_ =	swait.ge [sflag:s21], $0x1000  }
0x97: {  	[sflag:s21] =	ssyncset.done $0x0  }
0x98: {  	[sflag:s21] =	ssyncadd.s32 $0xFFFFF000  }
0x99: {  	_ =	swait.ge [sflag:s21], $0x1000  }
0x9a: {  	s0 =	sadd.s32 $0x2800, s30;
	[sflag:s21] =	ssyncset.done $0x0  }
0x9b: {  	s31 =	sadd.s32 $0x2880, s30;
	[sflag:s21] =	ssyncadd.s32 $0xFFFFF000  }
0x9c: {  	[spmem:s2] =	stream.indirect.scatter.add.f32 [tilespmem:s17], [sflag:$0x2], $0x20, s0, s16, $0xb8;
	[tilespmem:$0x1C000] =	vst v63  }
0x9d: {  	s0 =	sadd.s32 $0x2900, s30  }
0x9e: {  	[spmem:s2] =	stream.indirect.scatter.add.f32 [tilespmem:s18], [sflag:$0x2], $0x20, s31, s16, $0xb8;
	[tilespmem:$0x1C000] =	vst v63  }
0x9f: {  	s31 =	sadd.s32 $0x2980, s30  }
0xa0: {  	[spmem:s2] =	stream.indirect.scatter.add.f32 [tilespmem:s19], [sflag:$0x2], $0x20, s0, s16, $0xb8;
	[tilespmem:$0x1C000] =	vst v63  }
0xa1: {  	s0 =	sadd.s32 $0x200, s30  }
0xa2: {  	[spmem:s2] =	stream.indirect.scatter.add.f32 [tilespmem:s20], [sflag:$0x2], $0x20, s31, s16, $0xb8;
	[tilespmem:$0x1C000] =	vst v63  }
0xa3: {  	s31 =	sadd.s32 $0x280, s30  }
0xa4: {  	[tilespmem:s22], [sflag:$0x1] =	stream.indirect.gather [spmem:s3], $0x20, s0, s16, $0xb8;
	[tilespmem:$0x1C000] =	vst v63  }
0xa5: {  	s0 =	sadd.s32 $0x300, s30  }
0xa6: {  	[tilespmem:s23], [sflag:$0x1] =	stream.indirect.gather [spmem:s3], $0x20, s31, s16, $0xb8;
	[tilespmem:$0x1C000] =	vst v63  }
0xa7: {  	s31 =	sadd.s32 $0x380, s30  }
0xa8: {  	[tilespmem:s24], [sflag:$0x1] =	stream.indirect.gather [spmem:s3], $0x20, s0, s16, $0xb8;
	[tilespmem:$0x1C000] =	vst v63  }
0xa9: {  	_ = 	snop  }
0xaa: {  	[tilespmem:s25], [sflag:$0x1] =	stream.indirect.gather [spmem:s3], $0x20, s31, s16, $0xb8;
	[tilespmem:$0x1C000] =	vst v63  }
0xab: {  	_ =	swait.ge [sflag:s26], $0x1000  }
0xac: {  	[sflag:s26] =	ssyncset.done $0x0  }
0xad: {  	[sflag:s26] =	ssyncadd.s32 $0xFFFFF000  }
0xae: {  	_ =	swait.ge [sflag:s26], $0x1000  }
0xaf: {  	[sflag:s26] =	ssyncset.done $0x0  }
0xb0: {  	[sflag:s26] =	ssyncadd.s32 $0xFFFFF000  }
0xb1: {  	_ =	swait.ge [sflag:s26], $0x1000  }
0xb2: {  	[sflag:s26] =	ssyncset.done $0x0  }
0xb3: {  	[sflag:s26] =	ssyncadd.s32 $0xFFFFF000  }
0xb4: {  	_ =	swait.ge [sflag:s26], $0x1000  }
0xb5: {  	[sflag:s26] =	ssyncset.done $0x0  }
0xb6: {  	[sflag:s26] =	ssyncadd.s32 $0xFFFFF000  }
0xb7: {  	_ =	swait.ge [sflag:s21], $0x1000  }
0xb8: {  	[sflag:s21] =	ssyncset.done $0x0  }
0xb9: {  	[sflag:s21] =	ssyncadd.s32 $0xFFFFF000  }
0xba: {  	_ =	swait.ge [sflag:s21], $0x1000  }
0xbb: {  	[sflag:s21] =	ssyncset.done $0x0  }
0xbc: {  	[sflag:s21] =	ssyncadd.s32 $0xFFFFF000  }
0xbd: {  	_ =	swait.ge [sflag:s21], $0x1000  }
0xbe: {  	[sflag:s21] =	ssyncset.done $0x0  }
0xbf: {  	[sflag:s21] =	ssyncadd.s32 $0xFFFFF000  }
0xc0: {  	_ =	swait.ge [sflag:s21], $0x1000  }
0xc1: {  	s0 =	sadd.s32 $0x2A00, s30;
	[sflag:s21] =	ssyncset.done $0x0  }
0xc2: {  	s31 =	sadd.s32 $0x2A80, s30;
	[sflag:s21] =	ssyncadd.s32 $0xFFFFF000  }
0xc3: {  	[spmem:s2] =	stream.indirect.scatter.add.f32 [tilespmem:s22], [sflag:$0x2], $0x20, s0, s16, $0xb8;
	[tilespmem:$0x1C000] =	vst v63  }
.Ltmp0:
0xc4: {  	_ = 	snop;
	(pc) =	sbr.rel @p0 .LBB2_2-.Ltmp0, $4  }
0xc5: {  	s0 =	sadd.s32 $0x2B00, s30  }
0xc6: {  	[spmem:s2] =	stream.indirect.scatter.add.f32 [tilespmem:s23], [sflag:$0x2], $0x20, s31, s16, $0xb8;
	[tilespmem:$0x1C000] =	vst v63  }
0xc7: {  	s30 =	sadd.s32 $0x2B80, s30  }
0xc8: {  	[spmem:s2] =	stream.indirect.scatter.add.f32 [tilespmem:s24], [sflag:$0x2], $0x20, s0, s16, $0xb8;
	[tilespmem:$0x1C000] =	vst v63  }
0xc9: {  	[spmem:s2] =	stream.indirect.scatter.add.f32 [tilespmem:s25], [sflag:$0x2], $0x20, s30, s16, $0xb8;
	[tilespmem:$0x1C000] =	vst v63  }
0xca: {  	_ =	swait.ge [sflag:s26], $0x1000  }
0xcb: {  	[sflag:s26] =	ssyncset.done $0x0  }
0xcc: {  	[sflag:s26] =	ssyncadd.s32 $0xFFFFF000  }
0xcd: {  	_ =	swait.ge [sflag:s26], $0x1000  }
0xce: {  	[sflag:s26] =	ssyncset.done $0x0  }
0xcf: {  	[sflag:s26] =	ssyncadd.s32 $0xFFFFF000  }
0xd0: {  	_ =	swait.ge [sflag:s26], $0x1000  }
0xd1: {  	[sflag:s26] =	ssyncset.done $0x0  }
0xd2: {  	[sflag:s26] =	ssyncadd.s32 $0xFFFFF000  }
0xd3: {  	_ =	swait.ge [sflag:s26], $0x1000  }
0xd4: {  	[sflag:s26] =	ssyncset.done $0x0  }
0xd5: {  	[sflag:s26] =	ssyncadd.s32 $0xFFFFF000  }
0xd6: {  	[bflag:$0x0] =	sbarrier.arrive $0xFFFF  }
0xd7: {  	[tilespmem:s13], [sflag:$0x3] =	stream.linear.gather [spmem:s6], $0x5000, $0x38;
	[tilespmem:$0x1C000] =	vst v63  }
0xd8: {  	s28 =	sadd.s32 $0x1, s28;
	_ =	swait.ge [sflag:s14], $0x5000  }
0xd9: {  	p0 =	sne.s32 s28, s12;
	[sflag:s14] =	ssyncset.done $0x0  }
.Ltmp1:
0xda: {  	[sflag:s14] =	ssyncadd.s32 $0xFFFFB000;
	(pc) =	sbr.rel @p0 .LBB2_1-.Ltmp1, $4  }
0xdb: {  	[hbm4b:s11+s4] =	stream.linear.scatter [tilespmem:s13], [sflag:$0x3], $0x5000, $0x38;
	[tilespmem:$0x1C000] =	vst v63  }
0xdc: {  	_ =	swait.ge [sflag:s14], $0x5000  }
0xdd: {  	[sflag:s14] =	ssyncset.done $0x0  }
0xde: {  	[sflag:s14] =	ssyncadd.s32 $0xFFFFB000  }
0xdf: {  	_ =	sfence.sel $0x180000  }
0xe0: {  	[bflag:$0x0] =	sbarrier.arrive $0xFFFF  }
0xe1: {  	_ =	strace $0x9000004D  }
0xe2: {  	[bflag:$0x2] =	sbarrier.arrive $0xFFFF  }
0xe3: {  	p0 =	sne.s32 s1, $0x0;
	s0 =	rddreg [dreg:$0x4]  }
0xe4: {  	s0 =	sadd.s32 @!p0 $0x100000, s0  }
0xe5: {  	[sflag:s0] =	ssyncadd.tile.s32 @!p0 $0x1;
	_ =	shalt  }
.Lfunc_end2:
_tile_overlayer_lowered:
.L_overlay_start_2:
0xe6: {  	(tag) =	ssettag $0x2  }
0xe7: {  	s0 =	rddreg [dreg:$0x0];
	s2 =	stileid.u32  }
0xe8: {  	s1 =	rddreg [dreg:$0x1];
	p0 =	sne.s32 s2, $0x0  }
0xe9: {  	s3 =	rddreg [dreg:$0x2];
	[bflag:$0x3] =	sbarrier.arrive $0xFFFF;
	s2 =	simm.s32 @!p0 $0x1C03  }
0xea: {  	[timem:s3], [sflag:s2] =	dma.local @!p0 [hbm:s0], s1  }
0xeb: {  	s0 =	simm.s32 @!p0 $0x3  }
0xec: {  	_ =	swait.ge @!p0 [sflag:s0], s1  }
0xed: {  	s1 =	ssub.s32 @!p0 $0x0, s1;
	[sflag:s0] =	ssyncset.done @!p0 $0x0  }
0xee: {  	[sflag:s0] =	ssyncadd.s32 @!p0 s1  }
0xef: {  	[bflag:$0x3] =	sbarrier.arrive $0xFFFF  }
0xf0: {  	_ =	shalt  }

// kernel: kernel.20.cloned.1.call-start
scs
__scs_entry_jumppad:
0x0: {  	(pc) =	sbr.rel $0x88, $3  }
0x1: {  	(tag) =	ssettag $0x0;
	lr =	simm.s32 $0x1  }
0x2: {  	[smem:$0x3F91] =	sst lr;
	_ =	strace $0xD0000000  }
0x3: {  	_ = 	snop  }
0x4: {  	_ = 	snop  }
0x5: {  	_ = 	snop  }
0x6: {  	_ = 	snop  }
0x7: {  	_ = 	snop  }
__scs_overlays_trampoline_lowered:
0x8: {  	[smem:$0x3FA0] =	sst s0  }
0x9: {  	[smem:$0x3FA1] =	sst s1  }
0xa: {  	[smem:$0x3FA2] =	sst s2  }
0xb: {  	[smem:$0x3FA3] =	sst s3  }
0xc: {  	[smem:$0x3FA4] =	sst s4  }
0xd: {  	[smem:$0x3FA5] =	sst s5  }
0xe: {  	[smem:$0x3FA6] =	sst s6  }
0xf: {  	[smem:$0x3FA7] =	sst s7  }
0x10: {  	[smem:$0x3FA8] =	sst s8  }
0x11: {  	[smem:$0x3FA9] =	sst s9;
	s0 =	simm.s32 @!p0 $0x0  }
0x12: {  	s1 =	sld [smem:$0x3F8F];
	s0 =	simm.s32 @p0 $0x1  }
0x13: {  	[smem:$0x3FAA] =	sst s0;
	s0 =	simm.s32 @!p1 $0x0  }
0x14: {  	s2 =	sld [smem:$0x3F8E];
	s0 =	simm.s32 @p1 $0x1  }
0x15: {  	[smem:$0x3FAB] =	sst s0;
	s0 =	simm.s32 @!p2 $0x0  }
0x16: {  	s3 =	sld [smem:$0x3FDB];
	s0 =	simm.s32 @p2 $0x1  }
0x17: {  	s4 =	simm.s32 $0x1BF5;
	[smem:$0x3FAD] =	sst s0  }
0x18: {  	s0 =	sld [smem:$0x3F90];
	_ =	swait.ge [sflag:s4], $0x0  }
0x19: {  	s7 =	sld [smem:$0x3F91]  }
0x1a: {  	s8 =	sadd.s32 $0xFFFFE003, lr  }
0x1b: {  	s9 =	sadd.s32 $0xFFFFFEF7, lr;
	s5 =	simm.s32 $0xFFFFFFFF;
	p2 =	slt.u32 s8, $0xFFFFF086  }
0x1c: {  	p1 =	slt.u32 s9, $0xF7A;
	s5 =	simm.s32 @!p2 $0x0  }
0x1d: {  	s5 =	simm.s32 @p1 $0x1;
	p0 =	seq.s32 s7, s2  }
0x1e: {  	s7 =	smul.u32 @!p0 $0xF7A, s2;
	p2 =	seq.s32 @!p0 s5, $0x0  }
0x1f: {  	s9 =	smul.u32 $0xF7A, s1;
	s8 =	simm.s32 @!p0 $0x1BF5;
	p2 =	por !p2, p0  }
0x20: {  	[sflag:s8] =	ssyncset.s32 @!p0 $0xFFFFF086;
	s6 =	sadd.s32 @!p0 s3, s7;
	s7 =	simm.s32 @!p0 $0x108  }
0x21: {  	s3 =	sadd.s32 s3, s9;
	s6 =	sadd.s32 @!p0 $0x88, s6;
	s7 =	simm.s32 @p2 $0x1082  }
0x22: {  	[simem:s7], [sflag:s8] =	dma.local @!p0 [hbm:s6], $0xF7A  }
0x23: {  	s9 =	sor.u32 $0xD0000000, s2;
	s6 =	simm.s32 $0x108;
	_ =	swait.ge @!p0 [sflag:s8], $0x0  }
0x24: {  	s3 =	sadd.s32 $0x88, s3;
	s6 =	simm.s32 @!p1 $0x1082;
	[sflag:s4] =	ssyncset.s32 $0xFFFFF086  }
0x25: {  	[simem:s6], [sflag:s4] =	dma.local [hbm:s3], $0xF7A  }
0x26: {  	[smem:$0x3F91] =	sst s1;
	(tag) =	ssettag s2;
	_ =	strace s9  }
0x27: {  	s1 =	sld [smem:$0x3FA1]  }
0x28: {  	s2 =	sld [smem:$0x3FA2]  }
0x29: {  	s4 =	sld [smem:$0x3FA4]  }
0x2a: {  	p0 =	seq.s32 s5, $0x0;
	s5 =	sld [smem:$0x3FA5]  }
0x2b: {  	s6 =	sld [smem:$0x3FA6]  }
0x2c: {  	s7 =	sld [smem:$0x3FA7]  }
0x2d: {  	s3 =	simm.s32 $0x108;
	s8 =	sld [smem:$0x3FA8]  }
0x2e: {  	s3 =	simm.s32 @!p0 $0x1082;
	s9 =	sld [smem:$0x3FA9]  }
0x2f: {  	lr =	sadd.s32 s0, s3;
	s0 =	sld [smem:$0x3FA0]  }
0x30: {  	s3 =	sld [smem:$0x3FA3]  }
0x31: {  	[smem:$0x3FAC] =	sst s10  }
0x32: {  	s10 =	sld [smem:$0x3FAA];
	_ =	sdelay $0x3  }
0x33: {  	p0 =	seq.s32 s10, $0x1;
	s10 =	sld [smem:$0x3FAC];
	_ =	sdelay $0x3  }
0x34: {  	[smem:$0x3FAC] =	sst s10  }
0x35: {  	s10 =	sld [smem:$0x3FAB];
	_ =	sdelay $0x3  }
0x36: {  	p1 =	seq.s32 s10, $0x1;
	s10 =	sld [smem:$0x3FAC];
	_ =	sdelay $0x3  }
0x37: {  	[smem:$0x3FAC] =	sst s10  }
0x38: {  	s10 =	sld [smem:$0x3FAD]  }
0x39: {  	_ = 	snop;
	(pc) =	sbr.ind lr, $3  }
0x3a: {  	_ = 	snop  }
0x3b: {  	_ = 	snop  }
0x3c: {  	p2 =	seq.s32 s10, $0x1;
	s10 =	sld [smem:$0x3FAC]  }
0x3d: {  	_ =	shalt  }
0x3e: {  	_ =	shalt  }
0x3f: {  	_ =	shalt  }
0x40: {  	_ =	shalt  }
0x41: {  	_ =	shalt  }
0x42: {  	_ =	shalt  }
0x43: {  	_ =	shalt  }
0x44: {  	_ =	shalt  }
0x45: {  	_ =	shalt  }
0x46: {  	_ =	shalt  }
0x47: {  	_ =	shalt  }
0x48: {  	_ =	shalt  }
0x49: {  	_ =	shalt  }
0x4a: {  	_ =	shalt  }
0x4b: {  	_ =	shalt  }
0x4c: {  	_ =	shalt  }
0x4d: {  	_ =	shalt  }
0x4e: {  	_ =	shalt  }
0x4f: {  	_ =	shalt  }
0x50: {  	_ =	shalt  }
0x51: {  	_ =	shalt  }
0x52: {  	_ =	shalt  }
0x53: {  	_ =	shalt  }
0x54: {  	_ =	shalt  }
0x55: {  	_ =	shalt  }
0x56: {  	_ =	shalt  }
0x57: {  	_ =	shalt  }
0x58: {  	_ =	shalt  }
0x59: {  	_ =	shalt  }
0x5a: {  	_ =	shalt  }
0x5b: {  	_ =	shalt  }
0x5c: {  	_ =	shalt  }
0x5d: {  	_ =	shalt  }
0x5e: {  	_ =	shalt  }
0x5f: {  	_ =	shalt  }
0x60: {  	_ =	shalt  }
0x61: {  	_ =	shalt  }
0x62: {  	_ =	shalt  }
0x63: {  	_ =	shalt  }
0x64: {  	_ =	shalt  }
0x65: {  	_ =	shalt  }
0x66: {  	_ =	shalt  }
0x67: {  	_ =	shalt  }
0x68: {  	_ =	shalt  }
0x69: {  	_ =	shalt  }
0x6a: {  	_ =	shalt  }
0x6b: {  	_ =	shalt  }
0x6c: {  	_ =	shalt  }
0x6d: {  	_ =	shalt  }
0x6e: {  	_ =	shalt  }
0x6f: {  	_ =	shalt  }
0x70: {  	_ =	shalt  }
0x71: {  	_ =	shalt  }
0x72: {  	_ =	shalt  }
0x73: {  	_ =	shalt  }
0x74: {  	_ =	shalt  }
0x75: {  	_ =	shalt  }
0x76: {  	_ =	shalt  }
0x77: {  	_ =	shalt  }
0x78: {  	_ =	shalt  }
0x79: {  	_ =	shalt  }
0x7a: {  	_ =	shalt  }
0x7b: {  	_ =	shalt  }
0x7c: {  	_ =	shalt  }
0x7d: {  	_ =	shalt  }
0x7e: {  	_ =	shalt  }
0x7f: {  	_ =	shalt  }
0x80: {  	_ =	shalt  }
0x81: {  	_ =	shalt  }
0x82: {  	_ =	shalt  }
0x83: {  	_ =	shalt  }
0x84: {  	_ =	shalt  }
0x85: {  	_ =	shalt  }
0x86: {  	_ =	shalt  }
0x87: {  	_ =	shalt  }
.Lfunc_end0:
.L_simem_size_0:
called_computation.3_lowered:
.L_overlay_start_0:
0x88: {  	s2 =	sld [smem:$0x3FD9]  }
0x89: {  	s3 =	sld [smem:$0x3FFE];
	_ =	sdelay $0x1  }
0x8a: {  	s1 =	srdreg.scid  }
0x8b: {  	s0 =	sand.u32 $0x1, s1  }
0x8c: {  	s17 =	sshll.u32 s0, $0xA;
	s2 =	sadd.s32 s3, s2  }
0x8d: {  	s2 =	sadd.s32 s2, s17  }
0x8e: {  	[smem:$0x3FB8] =	sst s2  }
0x8f: {  	_ = 	snop  }
0x90: {  	s2 =	sld [smem:$0x3FD0];
	(tm) =	ssettm $0x1  }
0x91: {  	s18 =	sld [smem:$0x3FFB];
	_ =	sdelay $0x3  }
0x92: {  	_ =	strace s18  }
0x93: {  	s3 =	sld [smem:$0x3FFC];
	_ =	sdelay $0x3  }
0x94: {  	_ =	strace s3  }
0x95: {  	s3 =	sld [smem:$0x3FFD];
	_ =	sdelay $0x3  }
0x96: {  	_ =	strace s3  }
0x97: {  	_ =	strace $0x8FFFFFFF  }
0x98: {  	s19 =	sld [smem:$0x3FDB];
	_ =	sdelay $0x1  }
0x99: {  	s4 =	simm.s32 $_scs_section_size  }
0x9a: {  	s5 =	simm.s32 $_size__tile_overlayer_lowered;
	s6 =	simm.s32 $_tile_overlayer_lowered  }
0x9b: {  	s22 =	simm.s32 $0x1BFF;
	s21 =	sshll.u32 s6, $0x1;
	s3 =	sadd.s32 s4, s19  }
0x9c: {  	s7 =	simm.s32 $0x0;
	s20 =	sshll.u32 s5, $0x1;
	s5 =	sadd.s32 s21, s3  }
0x9d: {  	[timem:s7], [sflag:s22] =	dma.local [hbm:s5], s20  }
0x9e: {  	_ =	swait.ge [sflag:s22], s20  }
0x9f: {  	s4 =	ssub.s32 $0x0, s20;
	[sflag:s22] =	ssyncset.done $0x0  }
0xa0: {  	[sflag:s22] =	ssyncadd.s32 s4;
	_ =	sdelay $0x1  }
0xa1: {  	s23 =	simm.s32 $0x1B8B  }
0xa2: {  	_ =	swait.ge [sflag:s23], $0x1  }
0xa3: {  	[sflag:s23] =	ssyncset.done $0x0  }
0xa4: {  	s25 =	simm.s32 $0x1B8E;
	s24 =	sld [smem:$0x3FFE];
	[sflag:s23] =	ssyncadd.s32 $0xFFFFFFFF  }
0xa5: {  	s26 =	simm.s32 $execute0_lowered;
	[smem:$0x3FD2] =	sst s25  }
0xa6: {  	s5 =	sshll.u32 s26, $0x1;
	_ =	strace $0x8000004F;
	[dreg:$0x1] =	wrdreg $0xFFFFFFFF  }
0xa7: {  	s28 =	simm.s32 $_size_execute0_lowered;
	s3 =	sadd.s32 s3, s5;
	[dreg:$0x0] =	wrdreg $0x0  }
0xa8: {  	s5 =	sshll.u32 s28, $0x1;
	[dreg:$0x2] =	wrdreg s3  }
0xa9: {  	[dreg:$0x3] =	wrdreg s5  }
0xaa: {  	[dreg:$0x4] =	wrdreg $0xC0  }
0xab: {  	_ =	task [dreg:s7], $0x5FFFF  }
0xac: {  	[dreg:$0x1] =	wrdreg $0xFFFFFFFF  }
0xad: {  	[dreg:$0x0] =	wrdreg $0x60  }
0xae: {  	[dreg:$0x2] =	wrdreg s24  }
0xaf: {  	[dreg:$0x3] =	wrdreg s2  }
0xb0: {  	[dreg:$0x4] =	wrdreg $0x120000  }
0xb1: {  	[dreg:$0x5] =	wrdreg $0x170000  }
0xb2: {  	[dreg:$0x6] =	wrdreg $0x9  }
0xb3: {  	_ =	task.clear_ibuf [dreg:s7], $0x7FFFF;
	_ =	strace $0x9000004F  }
0xb4: {  	s29 =	simm.s32 $0x9;
	_ =	strace $0x80000051  }
0xb5: {  	_ =	swait.ge [sflag:s29], $0x1  }
0xb6: {  	[sflag:s29] =	ssyncadd.s32 $0xFFFFFFFF  }
0xb7: {  	_ =	strace $0x90000051  }
0xb8: {  	_ =	sfence  }
0xb9: {  	s30 =	sld [smem:$0x0];
	_ =	sdelay $0x2  }
0xba: {  	s31 =	sshll.u32 s1, $0xD;
	s1 =	sshrl.u32 s1, $0x2  }
0xbb: {  	s3 =	sand.u32 $0x4000, s31;
	s1 =	sadd.s32 s1, s30  }
0xbc: {  	s0 =	sor.u32 s3, s0;
	s1 =	sshll.u32 s1, $0x11  }
0xbd: {  	s0 =	sor.u32 s1, s0  }
0xbe: {  	s0 =	sadd.s32 $0x8F2B, s0  }
0xbf: {  	[sflag:s0] =	ssyncadd.remote.s32 $0x1  }
0xc0: {  	_ =	sfence.sel $0xFFFF  }
0xc1: {  	[dreg:$0x0] =	wrdreg $0xFFFFFFFF;
	(pc) =	sbr.abs _section_cstart, $3  }
0xc2: {  	[dreg:$0x1] =	wrdreg $0xFFFFFFFF  }
0xc3: {  	_ =	task.clear_ibuf [dreg:s7], $0x2FFFF;
	_ =	strace $0x9FFFFFFF  }
0xc4: {  	(tm) =	ssettm $0x7FFFFFFF  }
0xc5: {  	_ =	shalt  }
tec
execute0_lowered:
.L_overlay_start_1:
0x0: {  	(tag) =	ssettag $0x1  }
0x1: {  	s5 =	rddreg [dreg:$0x0]  }
0x2: {  	s10 =	rddreg [dreg:$0x1]  }
0x3: {  	s2 =	rddreg [dreg:$0x2]  }
0x4: {  	s3 =	rddreg [dreg:$0x3];
	s1 =	stileid.u32  }
0x5: {  	s6 =	srdreg.scid;
	s4 =	simm.s32 $0x0;
	s15 =	simm.s32 $0x2800  }
0x6: {  	s16 =	simm.s32 $0x80;
	s17 =	simm.s32 $0x5000;
	s18 =	simm.s32 $0x6000  }
0x7: {  	s19 =	simm.s32 $0x7000;
	s20 =	simm.s32 $0x8000;
	s21 =	simm.s32 $0x1  }
0x8: {  	s22 =	simm.s32 $0x9000;
	s23 =	simm.s32 $0xA000;
	s24 =	simm.s32 $0xB000  }
0x9: {  	s25 =	simm.s32 $0xC000;
	s28 =	simm.s32 $0x0;
	s8 =	smul.u32 $0x5000, s1  }
0xa: {  	s6 =	sand.u32 $0x1, s6;
	[smem:$0x7FF] =	sst s4;
	s7 =	sshll.u32 s1, $0x1  }
0xb: {  	s9 =	smul.u32 $0x50000, s6;
	_ =	strace $0x80000050;
	s7 =	sor.u32 s6, s7  }
0xc: {  	s6 =	ssub.s32 $0x2, s6;
	s11 =	sshrl.u32 s8, $0x3;
	s12 =	smul.u32 $0x500, s7  }
0xd: {  	s31 =	sshrl.u32 s6, $0x1;
	s26 =	sadd.s32 s8, s9;
	s29 =	sadd.s32 s11, s5  }
0xe: {  	s14 =	ssub.s32 s6, s31;
	s6 =	sadd.s32 s8, s2;
	s8 =	sadd.s32 s8, s3  }
0xf: {  	s7 =	sshrl.u32 s26, $0x3;
	s30 =	sadd.s32 s12, s5;
	s10 =	sadd.s32 s10, s12  }
0x10: {  	s12 =	smax.u32 s14, $0x1;
	s14 =	simm.s32 $0x3;
	s26 =	simm.s32 $0x2  }
0x11: {  	s13 =	sadd.s32 s7, s5;
	s5 =	sadd.s32 $0x4400, s29;
	s7 =	sadd.s32 $0xE400, s29  }
0x12: {  	s9 =	sadd.s32 $0x22600, s30;
	s11 =	sadd.s32 $0x2C600, s13;
	s13 =	simm.s32 $0xD000  }
.LBB2_1:
0x13: {  	[tilespmem:s13], [sflag:$0x3] =	stream.linear.gather [hbm4b:s5+s4], $0x5000, $0x38;
	[tilespmem:$0x1C000] =	vst v63  }
0x14: {  	_ =	swait.ge [sflag:s14], $0x5000  }
0x15: {  	[sflag:s14] =	ssyncset.done $0x0  }
0x16: {  	[sflag:s14] =	ssyncadd.s32 $0xFFFFB000  }
0x17: {  	[spmem:s6] =	stream.linear.scatter [tilespmem:s13], [sflag:$0x3], $0x5000, $0x38;
	[tilespmem:$0x1C000] =	vst v63  }
0x18: {  	_ =	swait.ge [sflag:s14], $0x5000  }
0x19: {  	[sflag:s14] =	ssyncset.done $0x0  }
0x1a: {  	[sflag:s14] =	ssyncadd.s32 $0xFFFFB000  }
0x1b: {  	[tilespmem:s13], [sflag:$0x3] =	stream.linear.gather [hbm4b:s7+s4], $0x5000, $0x38;
	[tilespmem:$0x1C000] =	vst v63  }
0x1c: {  	_ =	swait.ge [sflag:s14], $0x5000  }
0x1d: {  	[sflag:s14] =	ssyncset.done $0x0  }
0x1e: {  	[sflag:s14] =	ssyncadd.s32 $0xFFFFB000  }
0x1f: {  	[spmem:s8] =	stream.linear.scatter [tilespmem:s13], [sflag:$0x3], $0x5000, $0x38;
	[tilespmem:$0x1C000] =	vst v63  }
0x20: {  	_ =	swait.ge [sflag:s14], $0x5000  }
0x21: {  	[sflag:s14] =	ssyncset.done $0x0  }
0x22: {  	[sflag:s14] =	ssyncadd.s32 $0xFFFFB000  }
0x23: {  	[tilespmem:s4], [sflag:$0x3] =	stream.linear.gather [hbm4b:s9+s4], $0x2800, $0x38;
	[tilespmem:$0x1C000] =	vst v63  }
0x24: {  	_ =	swait.ge [sflag:s14], $0x2800  }
0x25: {  	[sflag:s14] =	ssyncset.done $0x0  }
0x26: {  	[sflag:s14] =	ssyncadd.s32 $0xFFFFD800  }
0x27: {  	[tilespmem:s15], [sflag:$0x3] =	stream.linear.gather [hbm4b:s10+s4], $0x2800, $0x38;
	[tilespmem:$0x1C000] =	vst v63  }
0x28: {  	_ =	swait.ge [sflag:s14], $0x2800  }
0x29: {  	[sflag:s14] =	ssyncset.done $0x0  }
0x2a: {  	[sflag:s14] =	ssyncadd.s32 $0xFFFFD800  }
0x2b: {  	s29 =	simm.s32 $0x0;
	[bflag:$0x0] =	sbarrier.arrive $0xFFFF  }
0x2c: {  	[tilespmem:s17], [sflag:$0x1] =	stream.indirect.gather [spmem:s3], $0x20, s29, s16, $0xb8;
	[tilespmem:$0x1C000] =	vst v63  }
0x2d: {  	s29 =	simm.s32 $0x80  }
0x2e: {  	[tilespmem:s18], [sflag:$0x1] =	stream.indirect.gather [spmem:s3], $0x20, s29, s16, $0xb8;
	[tilespmem:$0x1C000] =	vst v63  }
0x2f: {  	s29 =	simm.s32 $0x100  }
0x30: {  	[tilespmem:s19], [sflag:$0x1] =	stream.indirect.gather [spmem:s3], $0x20, s29, s16, $0xb8;
	[tilespmem:$0x1C000] =	vst v63  }
0x31: {  	p0 =	por $0x1, $0x1;
	s29 =	simm.s32 $0x180  }
0x32: {  	[tilespmem:s20], [sflag:$0x1] =	stream.indirect.gather [spmem:s3], $0x20, s29, s16, $0xb8;
	[tilespmem:$0x1C000] =	vst v63  }
0x33: {  	s29 =	simm.s32 @!p0 $0x2  }
0x34: {  	_ =	swait.ge @!p0 [sflag:s29], $0x1000  }
0x35: {  	[sflag:s29] =	ssyncset.done @!p0 $0x0  }
0x36: {  	[sflag:s29] =	ssyncadd.s32 @!p0 $0xFFFFF000  }
0x37: {  	_ =	swait.ge @!p0 [sflag:s29], $0x1000  }
0x38: {  	[sflag:s29] =	ssyncset.done @!p0 $0x0  }
0x39: {  	[sflag:s29] =	ssyncadd.s32 @!p0 $0xFFFFF000  }
0x3a: {  	_ =	swait.ge @!p0 [sflag:s29], $0x1000  }
0x3b: {  	[sflag:s29] =	ssyncset.done @!p0 $0x0  }
0x3c: {  	[sflag:s29] =	ssyncadd.s32 @!p0 $0xFFFFF000  }
0x3d: {  	_ =	swait.ge @!p0 [sflag:s29], $0x1000  }
0x3e: {  	[sflag:s29] =	ssyncset.done @!p0 $0x0  }
0x3f: {  	[sflag:s29] =	ssyncadd.s32 @!p0 $0xFFFFF000  }
0x40: {  	_ =	swait.ge [sflag:s21], $0x1000  }
0x41: {  	[sflag:s21] =	ssyncset.done $0x0  }
0x42: {  	[sflag:s21] =	ssyncadd.s32 $0xFFFFF000  }
0x43: {  	_ =	swait.ge [sflag:s21], $0x1000  }
0x44: {  	[sflag:s21] =	ssyncset.done $0x0  }
0x45: {  	[sflag:s21] =	ssyncadd.s32 $0xFFFFF000  }
0x46: {  	_ =	swait.ge [sflag:s21], $0x1000  }
0x47: {  	[sflag:s21] =	ssyncset.done $0x0  }
0x48: {  	[sflag:s21] =	ssyncadd.s32 $0xFFFFF000  }
0x49: {  	_ =	swait.ge [sflag:s21], $0x1000  }
0x4a: {  	[sflag:s21] =	ssyncset.done $0x0  }
0x4b: {  	s29 =	simm.s32 $0x2800;
	[sflag:s21] =	ssyncadd.s32 $0xFFFFF000  }
0x4c: {  	[spmem:s2] =	stream.indirect.scatter.add.f32 [tilespmem:s17], [sflag:$0x2], $0x20, s29, s16, $0xb8;
	[tilespmem:$0x1C000] =	vst v63  }
0x4d: {  	s29 =	simm.s32 $0x2880  }
0x4e: {  	[spmem:s2] =	stream.indirect.scatter.add.f32 [tilespmem:s18], [sflag:$0x2], $0x20, s29, s16, $0xb8;
	[tilespmem:$0x1C000] =	vst v63  }
0x4f: {  	s29 =	simm.s32 $0x2900  }
0x50: {  	[spmem:s2] =	stream.indirect.scatter.add.f32 [tilespmem:s19], [sflag:$0x2], $0x20, s29, s16, $0xb8;
	[tilespmem:$0x1C000] =	vst v63  }
0x51: {  	s29 =	simm.s32 $0x2980  }
0x52: {  	[spmem:s2] =	stream.indirect.scatter.add.f32 [tilespmem:s20], [sflag:$0x2], $0x20, s29, s16, $0xb8;
	[tilespmem:$0x1C000] =	vst v63  }
0x53: {  	s29 =	simm.s32 $0x200  }
0x54: {  	[tilespmem:s22], [sflag:$0x1] =	stream.indirect.gather [spmem:s3], $0x20, s29, s16, $0xb8;
	[tilespmem:$0x1C000] =	vst v63  }
0x55: {  	s29 =	simm.s32 $0x280  }
0x56: {  	[tilespmem:s23], [sflag:$0x1] =	stream.indirect.gather [spmem:s3], $0x20, s29, s16, $0xb8;
	[tilespmem:$0x1C000] =	vst v63  }
0x57: {  	s29 =	simm.s32 $0x300  }
0x58: {  	[tilespmem:s24], [sflag:$0x1] =	stream.indirect.gather [spmem:s3], $0x20, s29, s16, $0xb8;
	[tilespmem:$0x1C000] =	vst v63  }
0x59: {  	s29 =	simm.s32 $0x380  }
0x5a: {  	[tilespmem:s25], [sflag:$0x1] =	stream.indirect.gather [spmem:s3], $0x20, s29, s16, $0xb8;
	[tilespmem:$0x1C000] =	vst v63  }
0x5b: {  	_ =	swait.ge [sflag:s26], $0x1000  }
0x5c: {  	[sflag:s26] =	ssyncset.done $0x0  }
0x5d: {  	[sflag:s26] =	ssyncadd.s32 $0xFFFFF000  }
0x5e: {  	_ =	swait.ge [sflag:s26], $0x1000  }
0x5f: {  	[sflag:s26] =	ssyncset.done $0x0  }
0x60: {  	[sflag:s26] =	ssyncadd.s32 $0xFFFFF000  }
0x61: {  	_ =	swait.ge [sflag:s26], $0x1000  }
0x62: {  	[sflag:s26] =	ssyncset.done $0x0  }
0x63: {  	[sflag:s26] =	ssyncadd.s32 $0xFFFFF000  }
0x64: {  	_ =	swait.ge [sflag:s26], $0x1000  }
0x65: {  	[sflag:s26] =	ssyncset.done $0x0  }
0x66: {  	[sflag:s26] =	ssyncadd.s32 $0xFFFFF000  }
0x67: {  	_ =	swait.ge [sflag:s21], $0x1000  }
0x68: {  	[sflag:s21] =	ssyncset.done $0x0  }
0x69: {  	[sflag:s21] =	ssyncadd.s32 $0xFFFFF000  }
0x6a: {  	_ =	swait.ge [sflag:s21], $0x1000  }
0x6b: {  	[sflag:s21] =	ssyncset.done $0x0  }
0x6c: {  	[sflag:s21] =	ssyncadd.s32 $0xFFFFF000  }
0x6d: {  	_ =	swait.ge [sflag:s21], $0x1000  }
0x6e: {  	[sflag:s21] =	ssyncset.done $0x0  }
0x6f: {  	[sflag:s21] =	ssyncadd.s32 $0xFFFFF000  }
0x70: {  	_ =	swait.ge [sflag:s21], $0x1000  }
0x71: {  	[sflag:s21] =	ssyncset.done $0x0  }
0x72: {  	s29 =	simm.s32 $0x2A00;
	[sflag:s21] =	ssyncadd.s32 $0xFFFFF000  }
0x73: {  	[spmem:s2] =	stream.indirect.scatter.add.f32 [tilespmem:s22], [sflag:$0x2], $0x20, s29, s16, $0xb8;
	[tilespmem:$0x1C000] =	vst v63  }
0x74: {  	s29 =	simm.s32 $0x2A80  }
0x75: {  	[spmem:s2] =	stream.indirect.scatter.add.f32 [tilespmem:s23], [sflag:$0x2], $0x20, s29, s16, $0xb8;
	[tilespmem:$0x1C000] =	vst v63  }
0x76: {  	s29 =	simm.s32 $0x2B00  }
0x77: {  	[spmem:s2] =	stream.indirect.scatter.add.f32 [tilespmem:s24], [sflag:$0x2], $0x20, s29, s16, $0xb8;
	[tilespmem:$0x1C000] =	vst v63  }
0x78: {  	s30 =	simm.s32 $0x2B80;
	s29 =	simm.s32 $0x1000  }
.LBB2_2:
0x79: {  	s31 =	smov.u32 s29;
	s29 =	sadd.s32 $0x1000, s29  }
0x7a: {  	[spmem:s2] =	stream.indirect.scatter.add.f32 [tilespmem:s25], [sflag:$0x2], $0x20, s30, s16, $0xb8;
	[tilespmem:$0x1C000] =	vst v63  }
0x7b: {  	s30 =	sshra.s32 s31, $0x2;
	p0 =	sne.s32 s29, $0xA000  }
0x7c: {  	[tilespmem:s17], [sflag:$0x1] =	stream.indirect.gather [spmem:s3], $0x20, s30, s16, $0xb8;
	[tilespmem:$0x1C000] =	vst v63  }
0x7d: {  	s0 =	sadd.s32 $0x80, s30  }
0x7e: {  	[tilespmem:s18], [sflag:$0x1] =	stream.indirect.gather [spmem:s3], $0x20, s0, s16, $0xb8;
	[tilespmem:$0x1C000] =	vst v63  }
0x7f: {  	s0 =	sadd.s32 $0x100, s30  }
0x80: {  	[tilespmem:s19], [sflag:$0x1] =	stream.indirect.gather [spmem:s3], $0x20, s0, s16, $0xb8;
	[tilespmem:$0x1C000] =	vst v63  }
0x81: {  	p1 =	seq.s32 s31, $0x0;
	s0 =	sadd.s32 $0x180, s30  }
0x82: {  	[tilespmem:s20], [sflag:$0x1] =	stream.indirect.gather [spmem:s3], $0x20, s0, s16, $0xb8;
	[tilespmem:$0x1C000] =	vst v63  }
0x83: {  	s0 =	simm.s32 @!p1 $0x2  }
0x84: {  	_ =	swait.ge @!p1 [sflag:s0], $0x1000  }
0x85: {  	[sflag:s0] =	ssyncset.done @!p1 $0x0  }
0x86: {  	[sflag:s0] =	ssyncadd.s32 @!p1 $0xFFFFF000  }
0x87: {  	_ =	swait.ge @!p1 [sflag:s0], $0x1000  }
0x88: {  	[sflag:s0] =	ssyncset.done @!p1 $0x0  }
0x89: {  	[sflag:s0] =	ssyncadd.s32 @!p1 $0xFFFFF000  }
0x8a: {  	_ =	swait.ge @!p1 [sflag:s0], $0x1000  }
0x8b: {  	[sflag:s0] =	ssyncset.done @!p1 $0x0  }
0x8c: {  	[sflag:s0] =	ssyncadd.s32 @!p1 $0xFFFFF000  }
0x8d: {  	_ =	swait.ge @!p1 [sflag:s0], $0x1000  }
0x8e: {  	[sflag:s0] =	ssyncset.done @!p1 $0x0  }
0x8f: {  	[sflag:s0] =	ssyncadd.s32 @!p1 $0xFFFFF000  }
0x90: {  	_ =	swait.ge [sflag:s21], $0x1000  }
0x91: {  	[sflag:s21] =	ssyncset.done $0x0  }
0x92: {  	[sflag:s21] =	ssyncadd.s32 $0xFFFFF000  }
0x93: {  	_ =	swait.ge [sflag:s21], $0x1000  }
0x94: {  	[sflag:s21] =	ssyncset.done $0x0  }
0x95: {  	[sflag:s21] =	ssyncadd.s32 $0xFFFFF000  }
0x96: {  	_ =	swait.ge [sflag:s21], $0x1000  }
0x97: {  	[sflag:s21] =	ssyncset.done $0x0  }
0x98: {  	[sflag:s21] =	ssyncadd.s32 $0xFFFFF000  }
0x99: {  	_ =	swait.ge [sflag:s21], $0x1000  }
0x9a: {  	s0 =	sadd.s32 $0x2800, s30;
	[sflag:s21] =	ssyncset.done $0x0  }
0x9b: {  	s31 =	sadd.s32 $0x2880, s30;
	[sflag:s21] =	ssyncadd.s32 $0xFFFFF000  }
0x9c: {  	[spmem:s2] =	stream.indirect.scatter.add.f32 [tilespmem:s17], [sflag:$0x2], $0x20, s0, s16, $0xb8;
	[tilespmem:$0x1C000] =	vst v63  }
0x9d: {  	s0 =	sadd.s32 $0x2900, s30  }
0x9e: {  	[spmem:s2] =	stream.indirect.scatter.add.f32 [tilespmem:s18], [sflag:$0x2], $0x20, s31, s16, $0xb8;
	[tilespmem:$0x1C000] =	vst v63  }
0x9f: {  	s31 =	sadd.s32 $0x2980, s30  }
0xa0: {  	[spmem:s2] =	stream.indirect.scatter.add.f32 [tilespmem:s19], [sflag:$0x2], $0x20, s0, s16, $0xb8;
	[tilespmem:$0x1C000] =	vst v63  }
0xa1: {  	s0 =	sadd.s32 $0x200, s30  }
0xa2: {  	[spmem:s2] =	stream.indirect.scatter.add.f32 [tilespmem:s20], [sflag:$0x2], $0x20, s31, s16, $0xb8;
	[tilespmem:$0x1C000] =	vst v63  }
0xa3: {  	s31 =	sadd.s32 $0x280, s30  }
0xa4: {  	[tilespmem:s22], [sflag:$0x1] =	stream.indirect.gather [spmem:s3], $0x20, s0, s16, $0xb8;
	[tilespmem:$0x1C000] =	vst v63  }
0xa5: {  	s0 =	sadd.s32 $0x300, s30  }
0xa6: {  	[tilespmem:s23], [sflag:$0x1] =	stream.indirect.gather [spmem:s3], $0x20, s31, s16, $0xb8;
	[tilespmem:$0x1C000] =	vst v63  }
0xa7: {  	s31 =	sadd.s32 $0x380, s30  }
0xa8: {  	[tilespmem:s24], [sflag:$0x1] =	stream.indirect.gather [spmem:s3], $0x20, s0, s16, $0xb8;
	[tilespmem:$0x1C000] =	vst v63  }
0xa9: {  	_ = 	snop  }
0xaa: {  	[tilespmem:s25], [sflag:$0x1] =	stream.indirect.gather [spmem:s3], $0x20, s31, s16, $0xb8;
	[tilespmem:$0x1C000] =	vst v63  }
0xab: {  	_ =	swait.ge [sflag:s26], $0x1000  }
0xac: {  	[sflag:s26] =	ssyncset.done $0x0  }
0xad: {  	[sflag:s26] =	ssyncadd.s32 $0xFFFFF000  }
0xae: {  	_ =	swait.ge [sflag:s26], $0x1000  }
0xaf: {  	[sflag:s26] =	ssyncset.done $0x0  }
0xb0: {  	[sflag:s26] =	ssyncadd.s32 $0xFFFFF000  }
0xb1: {  	_ =	swait.ge [sflag:s26], $0x1000  }
0xb2: {  	[sflag:s26] =	ssyncset.done $0x0  }
0xb3: {  	[sflag:s26] =	ssyncadd.s32 $0xFFFFF000  }
0xb4: {  	_ =	swait.ge [sflag:s26], $0x1000  }
0xb5: {  	[sflag:s26] =	ssyncset.done $0x0  }
0xb6: {  	[sflag:s26] =	ssyncadd.s32 $0xFFFFF000  }
0xb7: {  	_ =	swait.ge [sflag:s21], $0x1000  }
0xb8: {  	[sflag:s21] =	ssyncset.done $0x0  }
0xb9: {  	[sflag:s21] =	ssyncadd.s32 $0xFFFFF000  }
0xba: {  	_ =	swait.ge [sflag:s21], $0x1000  }
0xbb: {  	[sflag:s21] =	ssyncset.done $0x0  }
0xbc: {  	[sflag:s21] =	ssyncadd.s32 $0xFFFFF000  }
0xbd: {  	_ =	swait.ge [sflag:s21], $0x1000  }
0xbe: {  	[sflag:s21] =	ssyncset.done $0x0  }
0xbf: {  	[sflag:s21] =	ssyncadd.s32 $0xFFFFF000  }
0xc0: {  	_ =	swait.ge [sflag:s21], $0x1000  }
0xc1: {  	s0 =	sadd.s32 $0x2A00, s30;
	[sflag:s21] =	ssyncset.done $0x0  }
0xc2: {  	s31 =	sadd.s32 $0x2A80, s30;
	[sflag:s21] =	ssyncadd.s32 $0xFFFFF000  }
0xc3: {  	[spmem:s2] =	stream.indirect.scatter.add.f32 [tilespmem:s22], [sflag:$0x2], $0x20, s0, s16, $0xb8;
	[tilespmem:$0x1C000] =	vst v63  }
.Ltmp0:
0xc4: {  	_ = 	snop;
	(pc) =	sbr.rel @p0 .LBB2_2-.Ltmp0, $4  }
0xc5: {  	s0 =	sadd.s32 $0x2B00, s30  }
0xc6: {  	[spmem:s2] =	stream.indirect.scatter.add.f32 [tilespmem:s23], [sflag:$0x2], $0x20, s31, s16, $0xb8;
	[tilespmem:$0x1C000] =	vst v63  }
0xc7: {  	s30 =	sadd.s32 $0x2B80, s30  }
0xc8: {  	[spmem:s2] =	stream.indirect.scatter.add.f32 [tilespmem:s24], [sflag:$0x2], $0x20, s0, s16, $0xb8;
	[tilespmem:$0x1C000] =	vst v63  }
0xc9: {  	[spmem:s2] =	stream.indirect.scatter.add.f32 [tilespmem:s25], [sflag:$0x2], $0x20, s30, s16, $0xb8;
	[tilespmem:$0x1C000] =	vst v63  }
0xca: {  	_ =	swait.ge [sflag:s26], $0x1000  }
0xcb: {  	[sflag:s26] =	ssyncset.done $0x0  }
0xcc: {  	[sflag:s26] =	ssyncadd.s32 $0xFFFFF000  }
0xcd: {  	_ =	swait.ge [sflag:s26], $0x1000  }
0xce: {  	[sflag:s26] =	ssyncset.done $0x0  }
0xcf: {  	[sflag:s26] =	ssyncadd.s32 $0xFFFFF000  }
0xd0: {  	_ =	swait.ge [sflag:s26], $0x1000  }
0xd1: {  	[sflag:s26] =	ssyncset.done $0x0  }
0xd2: {  	[sflag:s26] =	ssyncadd.s32 $0xFFFFF000  }
0xd3: {  	_ =	swait.ge [sflag:s26], $0x1000  }
0xd4: {  	[sflag:s26] =	ssyncset.done $0x0  }
0xd5: {  	[sflag:s26] =	ssyncadd.s32 $0xFFFFF000  }
0xd6: {  	[bflag:$0x0] =	sbarrier.arrive $0xFFFF  }
0xd7: {  	[tilespmem:s13], [sflag:$0x3] =	stream.linear.gather [spmem:s6], $0x5000, $0x38;
	[tilespmem:$0x1C000] =	vst v63  }
0xd8: {  	s28 =	sadd.s32 $0x1, s28;
	_ =	swait.ge [sflag:s14], $0x5000  }
0xd9: {  	p0 =	sne.s32 s28, s12;
	[sflag:s14] =	ssyncset.done $0x0  }
.Ltmp1:
0xda: {  	[sflag:s14] =	ssyncadd.s32 $0xFFFFB000;
	(pc) =	sbr.rel @p0 .LBB2_1-.Ltmp1, $4  }
0xdb: {  	[hbm4b:s11+s4] =	stream.linear.scatter [tilespmem:s13], [sflag:$0x3], $0x5000, $0x38;
	[tilespmem:$0x1C000] =	vst v63  }
0xdc: {  	_ =	swait.ge [sflag:s14], $0x5000  }
0xdd: {  	[sflag:s14] =	ssyncset.done $0x0  }
0xde: {  	[sflag:s14] =	ssyncadd.s32 $0xFFFFB000  }
0xdf: {  	_ =	sfence.sel $0x180000  }
0xe0: {  	[bflag:$0x0] =	sbarrier.arrive $0xFFFF  }
0xe1: {  	_ =	strace $0x90000050  }
0xe2: {  	[bflag:$0x2] =	sbarrier.arrive $0xFFFF  }
0xe3: {  	p0 =	sne.s32 s1, $0x0;
	s0 =	rddreg [dreg:$0x4]  }
0xe4: {  	s0 =	sadd.s32 @!p0 $0x100000, s0  }
0xe5: {  	[sflag:s0] =	ssyncadd.tile.s32 @!p0 $0x1;
	_ =	shalt  }
.Lfunc_end2:
_tile_overlayer_lowered:
.L_overlay_start_2:
0xe6: {  	(tag) =	ssettag $0x2  }
0xe7: {  	s0 =	rddreg [dreg:$0x0];
	s2 =	stileid.u32  }
0xe8: {  	s1 =	rddreg [dreg:$0x1];
	p0 =	sne.s32 s2, $0x0  }
0xe9: {  	s3 =	rddreg [dreg:$0x2];
	[bflag:$0x3] =	sbarrier.arrive $0xFFFF;
	s2 =	simm.s32 @!p0 $0x1C03  }
0xea: {  	[timem:s3], [sflag:s2] =	dma.local @!p0 [hbm:s0], s1  }
0xeb: {  	s0 =	simm.s32 @!p0 $0x3  }
0xec: {  	_ =	swait.ge @!p0 [sflag:s0], s1  }
0xed: {  	s1 =	ssub.s32 @!p0 $0x0, s1;
	[sflag:s0] =	ssyncset.done @!p0 $0x0  }
0xee: {  	[sflag:s0] =	ssyncadd.s32 @!p0 s1  }
0xef: {  	[bflag:$0x3] =	sbarrier.arrive $0xFFFF  }
0xf0: {  	_ =	shalt  }

</sc_bundles>
